<compile_context>
chip_gen: v7x
topology: tpu7x:2x2x1
jax: 0.10.2.dev20260603
libtpu: 0.0.44.dev20260713+nightly
codegen_flags: <defaults>
</compile_context>

<pallas_src>
import functools

import jax
import jax.numpy as jnp
import numpy as np
from jax import lax
from jax.experimental import pallas as pl
from jax.experimental.pallas import tpu as pltpu
from jax.experimental.pallas import tpu_sc as plsc

TEMP = 0.1
B, N, D = 16, 4096, 64
TOT = B * N
G = 1024
NC, NS = 2, 16
NW = NC * NS
CH = TOT // NW
NVEC = CH // 16
NBATCH = CH // 128

_I32 = jnp.int32
_F32 = jnp.float32

def _wid():
    return lax.axis_index("s") * NC + lax.axis_index("c")


def _k1_body(groups_hbm, posw_hbm, prevw_hbm, cnt_hbm, lo_hbm,
             g_buf, posw_buf, prevw_buf, cnt_tbl, lo_tbl):
    wid = _wid()
    cbase = wid * CH
    pltpu.sync_copy(groups_hbm.at[pl.ds(cbase, CH)], g_buf)
    iota = lax.iota(_I32, 16)
    zeros16 = iota * 0
    false16 = iota < 0

    def init(i, _):
        cnt_tbl[pl.ds(i * 16, 16)] = zeros16
        lo_tbl[pl.ds(i * 16, 16)] = zeros16 - 1
        return 0

    lax.fori_loop(0, G // 16, init, 0)

    def step(v, _):
        off = v * 16
        g = g_buf[pl.ds(off, 16)]
        jvec = cbase + off + iota
        prior = zeros16
        prevj = zeros16
        found = false16
        anyf = false16
        for s in range(1, 16):
            gb = plsc.load_gather(g_buf, [off + jnp.maximum(iota - s, 0)])
            eqb = (gb == g) & (iota >= s)
            prevj = jnp.where(eqb & (~found), jvec - s, prevj)
            found = found | eqb
            prior = prior + eqb.astype(_I32)
            gf = plsc.load_gather(g_buf, [off + jnp.minimum(iota + s, 15)])
            anyf = anyf | ((gf == g) & (iota < 16 - s))
        cnt_cur = plsc.load_gather(cnt_tbl, [g])
        lo_cur = plsc.load_gather(lo_tbl, [g])
        posw = cnt_cur + prior
        prevv = jnp.where(found, prevj, lo_cur)
        islast = jnp.logical_not(anyf)
        plsc.store_scatter(cnt_tbl, [g], posw + 1, mask=islast)
        plsc.store_scatter(lo_tbl, [g], jvec, mask=islast)
        posw_buf[pl.ds(off, 16)] = posw
        prevw_buf[pl.ds(off, 16)] = prevv
        return 0

    lax.fori_loop(0, NVEC, step, 0)
    pltpu.sync_copy(posw_buf, posw_hbm.at[pl.ds(cbase, CH)])
    pltpu.sync_copy(prevw_buf, prevw_hbm.at[pl.ds(cbase, CH)])
    pltpu.sync_copy(cnt_tbl, cnt_hbm.at[wid])
    pltpu.sync_copy(lo_tbl, lo_hbm.at[wid])


_k1 = functools.partial(
    pl.kernel,
    out_type=(
        jax.ShapeDtypeStruct((TOT,), _I32),
        jax.ShapeDtypeStruct((TOT,), _I32),
        jax.ShapeDtypeStruct((NW, G), _I32),
        jax.ShapeDtypeStruct((NW, G), _I32),
    ),
    mesh=plsc.VectorSubcoreMesh(core_axis_name="c", subcore_axis_name="s"),
    compiler_params=pltpu.CompilerParams(needs_layout_passes=False),
    scratch_types=(
        pltpu.VMEM((CH,), _I32),
        pltpu.VMEM((CH,), _I32),
        pltpu.VMEM((CH,), _I32),
        pltpu.VMEM((G,), _I32),
        pltpu.VMEM((G,), _I32),
    ),
)(_k1_body)


def _k2_body(cnt_ref, lo_ref, base_ref, il_ref, hist_ref):
    cntf = cnt_ref[...].astype(_F32)
    lo = lo_ref[...]
    ri = lax.broadcasted_iota(_I32, (NW, NW), 0)
    ci = lax.broadcasted_iota(_I32, (NW, NW), 1)
    tril = (ci < ri).astype(_F32)
    pre = lax.dot(tril, cntf, preferred_element_type=_F32)
    hist = jnp.sum(cntf, axis=0, keepdims=True)
    gi = lax.broadcasted_iota(_I32, (G, G), 0)
    gj = lax.broadcasted_iota(_I32, (G, G), 1)
    sl = (gi < gj).astype(_F32)
    off = lax.dot(hist, sl, preferred_element_type=_F32)
    base_ref[...] = (off + pre).astype(_I32)
    m = lo
    for step in (1, 2, 4, 8, 16):
        shifted = jnp.concatenate(
            [jnp.full((step, G), -1, _I32), m[:-step]], axis=0)
        m = jnp.maximum(m, shifted)
    excl = jnp.concatenate([jnp.full((1, G), -1, _I32), m[:-1]], axis=0)
    gmax = m[-1:]
    il_ref[...] = jnp.where(excl >= 0, excl, gmax)
    hist_ref[...] = jnp.broadcast_to(hist.astype(_I32), (8, G))


def _k2(cnt, lo):
    return pl.pallas_call(
        _k2_body,
        out_shape=(
            jax.ShapeDtypeStruct((NW, G), _I32),
            jax.ShapeDtypeStruct((NW, G), _I32),
            jax.ShapeDtypeStruct((8, G), _I32),
        ),
    )(cnt, lo)


def _k3_body(emb_hbm, groups_hbm, neg_hbm, posw_hbm, prevw_hbm,
             base_hbm, il_hbm, hist_hbm,
             prow_hbm, nrow_hbm, w_hbm,
             g_buf, posw_b, prevw_b, base_t, il_t, hist_t,
             rank2d, part2d, negid2d, negg2d, w_buf,
             pos_v0, neg_v0, pos_v1, neg_v1, sem_g, sem_w):
    wid = _wid()
    cbase = wid * CH
    pltpu.sync_copy(groups_hbm.at[pl.ds(cbase, CH)], g_buf)
    pltpu.sync_copy(posw_hbm.at[pl.ds(cbase, CH)], posw_b)
    pltpu.sync_copy(prevw_hbm.at[pl.ds(cbase, CH)], prevw_b)
    pltpu.sync_copy(base_hbm.at[wid], base_t)
    pltpu.sync_copy(il_hbm.at[wid], il_t)
    pltpu.sync_copy(hist_hbm.at[0], hist_t)
    iota = lax.iota(_I32, 16)

    def phase_a(v, _):
        off = v * 16
        r = v // 8
        col = (v % 8) * 16
        g = g_buf[pl.ds(off, 16)]
        pw = posw_b[pl.ds(off, 16)]
        pv = prevw_b[pl.ds(off, 16)]
        rank = plsc.load_gather(base_t, [g]) + pw
        part = jnp.where(pv >= 0, pv, plsc.load_gather(il_t, [g]))
        rank2d[r, pl.ds(col, 16)] = rank
        part2d[r, pl.ds(col, 16)] = part
        return 0

    lax.fori_loop(0, NVEC, phase_a, 0)

    handles = [pltpu.async_copy(neg_hbm.at[rank2d.at[r]], negid2d.at[r], sem_g)
               for r in range(NBATCH)]
    for h in handles:
        h.wait()
    handles = [pltpu.async_copy(groups_hbm.at[negid2d.at[r]], negg2d.at[r],
                                sem_g)
               for r in range(NBATCH)]
    for h in handles:
        h.wait()

    def phase_w(v, _):
        off = v * 16
        g = g_buf[pl.ds(off, 16)]
        negg = negg2d[v // 8, pl.ds((v % 8) * 16, 16)]
        size = plsc.load_gather(hist_t, [g])
        w_buf[pl.ds(off, 16)] = ((size >= 2) & (negg != g)).astype(_F32)
        return 0

    lax.fori_loop(0, NVEC, phase_w, 0)
    pltpu.sync_copy(w_buf, w_hbm.at[pl.ds(cbase, CH)])

    bufs = ((pos_v0, neg_v0), (pos_v1, neg_v1))

    def gathers(r):
        pv, nv = bufs[r % 2]
        return (pltpu.async_copy(emb_hbm.at[part2d.at[r]], pv, sem_g),
                pltpu.async_copy(emb_hbm.at[negid2d.at[r]], nv, sem_g))

    gh = gathers(0)
    wh = None
    for r in range(NBATCH):
        gh[0].wait()
        gh[1].wait()
        if wh is not None:
            wh[0].wait()
            wh[1].wait()
        if r + 1 < NBATCH:
            gh = gathers(r + 1)
        pv, nv = bufs[r % 2]
        dst = pl.ds(cbase + r * 128, 128)
        wh = (pltpu.async_copy(pv, prow_hbm.at[dst], sem_w),
              pltpu.async_copy(nv, nrow_hbm.at[dst], sem_w))
    wh[0].wait()
    wh[1].wait()


_k3 = functools.partial(
    pl.kernel,
    out_type=(
        jax.ShapeDtypeStruct((TOT, 128), _F32),
        jax.ShapeDtypeStruct((TOT, 128), _F32),
        jax.ShapeDtypeStruct((TOT,), _F32),
    ),
    mesh=plsc.VectorSubcoreMesh(core_axis_name="c", subcore_axis_name="s"),
    compiler_params=pltpu.CompilerParams(needs_layout_passes=False),
    scratch_types=(
        pltpu.VMEM((CH,), _I32),
        pltpu.VMEM((CH,), _I32),
        pltpu.VMEM((CH,), _I32),
        pltpu.VMEM((G,), _I32),
        pltpu.VMEM((G,), _I32),
        pltpu.VMEM((G,), _I32),
        pltpu.VMEM((NBATCH, 128), _I32),
        pltpu.VMEM((NBATCH, 128), _I32),
        pltpu.VMEM((NBATCH, 128), _I32),
        pltpu.VMEM((NBATCH, 128), _I32),
        pltpu.VMEM((CH,), _F32),
        pltpu.VMEM((128, 128), _F32),
        pltpu.VMEM((128, 128), _F32),
        pltpu.VMEM((128, 128), _F32),
        pltpu.VMEM((128, 128), _F32),
        pltpu.SemaphoreType.DMA,
        pltpu.SemaphoreType.DMA,
    ),
)(_k3_body)


_K4_STEPS = 64
_K4_ROWS = TOT // _K4_STEPS


def _k4_body(emb_ref, pos_ref, neg_ref, w_ref, out_ref, num_acc, den_acc):
    i = pl.program_id(0)

    @pl.when(i == 0)
    def _():
        num_acc[...] = jnp.zeros((8, 128), _F32)
        den_acc[...] = jnp.zeros((8, 128), _F32)

    a = emb_ref[...]
    p = pos_ref[...][:, :64]
    q = neg_ref[...][:, :64]
    w = w_ref[...]
    x = (q - p) * a
    ones8 = jnp.ones((8, 64), _F32)
    sd = lax.dot_general(ones8, x, (((1,), (1,)), ((), ())),
                         preferred_element_type=_F32)
    sc = sd[0:1, :] / TEMP
    sp = jnp.maximum(sc, 0.0) + jnp.log(1.0 + jnp.exp(-jnp.abs(sc)))
    sp8 = jnp.concatenate(
        [sp[:, t * 128:(t + 1) * 128] for t in range(8)], axis=0)
    num_acc[...] = num_acc[...] + sp8 * w
    den_acc[...] = den_acc[...] + w

    @pl.when(i == _K4_STEPS - 1)
    def _():
        num = jnp.sum(num_acc[...])
        den = jnp.sum(den_acc[...])
        out_ref[...] = jnp.full((8, 128), num / jnp.maximum(den, 1.0), _F32)


def _k4(emb, prow, nrow, w2):
    return pl.pallas_call(
        _k4_body,
        grid=(_K4_STEPS,),
        in_specs=[
            pl.BlockSpec((_K4_ROWS, 64), lambda i: (i, 0)),
            pl.BlockSpec((_K4_ROWS, 128), lambda i: (i, 0)),
            pl.BlockSpec((_K4_ROWS, 128), lambda i: (i, 0)),
            pl.BlockSpec((8, 128), lambda i: (i, 0)),
        ],
        out_specs=pl.BlockSpec((8, 128), lambda i: (0, 0)),
        out_shape=jax.ShapeDtypeStruct((8, 128), _F32),
        scratch_shapes=[pltpu.VMEM((8, 128), _F32),
                        pltpu.VMEM((8, 128), _F32)],
    )(emb, prow, nrow, w2)


def kernel(embeddings, groups):
    emb_flat = embeddings.reshape(TOT, D)
    emb_pad = jnp.pad(emb_flat, ((0, 0), (0, 128 - D)))
    g_flat = groups.reshape(TOT).astype(_I32)
    neg_const = jax.random.randint(jax.random.key(123), (TOT,), 0, TOT,
                                   dtype=_I32)
    posw, prevw, cnt, lo = _k1(g_flat)
    base, il, hist = _k2(cnt, lo)
    prow, nrow, w = _k3(emb_pad, g_flat, neg_const, posw, prevw, base, il,
                        hist)
    nd = _k4(emb_flat, prow, nrow, w.reshape(TOT // 128, 128))
    return nd[0, 0]

# --- scband reference (transcript-rebuilt; emitter-appended) ---
"""Pipeline reference for scband-info-nceloss3-34110630265479 (READ-ONLY COPY).

The authoritative reference and input builder live on the scoring server;
editing this copy changes nothing except your own understanding.
"""

import jax, jax.numpy as jnp
import numpy as np

TEMPERATURE = 0.1

def setup_inputs(seed: int = 0) -> dict:
    key = jax.random.key(seed)
    k1, k2 = jax.random.split(key)
    embeddings = jax.random.normal(k1, (16, 4096, 64), dtype=jnp.float32)
    groups = jax.random.randint(k2, (16, 4096), 0, 1024)
    return {"embeddings": embeddings, "groups": groups}

def _forward(embeddings, groups):
    B, N, d = embeddings.shape
    total = B * N
    flat_emb = embeddings.reshape(total, d)
    flat_groups = groups.reshape(total)
    # group nodes by group id via a stable sort (deterministic stand-in for per-group randperm)
    order = jnp.argsort(flat_groups)
    sorted_groups = flat_groups[order]
    idx = jnp.arange(total)
    seg_start = jnp.searchsorted(sorted_groups, sorted_groups, side='left')
    seg_end = jnp.searchsorted(sorted_groups, sorted_groups, side='right')
    seg_size = seg_end - seg_start
    # positive partner: previous element within the group, cyclically (torch.roll shift=1)
    pos_in_seg = idx - seg_start
    pos_partner = seg_start + jnp.mod(pos_in_seg - 1, jnp.maximum(seg_size, 1))
    anchor_idx = order
    pos_idx = order[pos_partner]
    # negatives: uniform random over all nodes (fixed key); same-group draws masked out
    kneg = jax.random.key(123)
    neg_idx = jax.random.randint(kneg, (total,), 0, total)
    valid = (seg_size >= 2) & (flat_groups[neg_idx] != sorted_groups)
    anchor_emb = flat_emb[anchor_idx]
    pos_emb = flat_emb[pos_idx]
    neg_emb = flat_emb[neg_idx]
    pos_score = jnp.sum(anchor_emb * pos_emb, axis=1) / TEMPERATURE
    neg_score = jnp.sum(anchor_emb * neg_emb, axis=1) / TEMPERATURE
    logits = jnp.stack([pos_score, neg_score], axis=1)
    logp0 = jax.nn.log_softmax(logits, axis=1)[:, 0]
    w = valid.astype(jnp.float32)
    loss = -jnp.sum(logp0 * w) / jnp.maximum(jnp.sum(w), 1.0)
    return loss

def reference(embeddings, groups):
    return _forward(embeddings, groups)

if __name__ == "__main__":
    import jax
    _d = setup_inputs()
    print(jax.jit(kernel)(*tuple(_d.values())))

</pallas_src>

<mosaic_0001>
#map = affine_map<(d0, d1) -> (0)>
#map1 = affine_map<(d0, d1) -> (0, 0)>
module attributes {stable_mosaic.version = 14 : i64} {
  func.func @_k1_body(%arg0: i32, %arg1: i32, %arg2: memref<65536xi32, #tpu.memory_space<hbm>>, %arg3: memref<65536xi32, #tpu.memory_space<hbm>>, %arg4: memref<65536xi32, #tpu.memory_space<hbm>>, %arg5: memref<32x1024xi32, #tpu.memory_space<hbm>>, %arg6: memref<32x1024xi32, #tpu.memory_space<hbm>>, %arg7: memref<2048xi32, #tpu.memory_space<vmem>>, %arg8: memref<2048xi32, #tpu.memory_space<vmem>>, %arg9: memref<2048xi32, #tpu.memory_space<vmem>>, %arg10: memref<1024xi32, #tpu.memory_space<vmem>>, %arg11: memref<1024xi32, #tpu.memory_space<vmem>>) attributes {dimension_semantics = [#tpu.dimension_semantics<core_parallel>, #tpu.dimension_semantics<subcore_parallel>], iteration_bounds = array<i64: 2, 16>, scalar_prefetch = 0 : i64, scratch_operands = 5 : i64, tpu.core_type = #tpu.core_type<sc_vector_subcore>, window_params = [{transform_indices = #map}, {transform_indices = #map}, {transform_indices = #map}, {transform_indices = #map1}, {transform_indices = #map1}]} {
    %mul3A = arith.constant 2 : i32
    %mul3A_0 = arith.muli %arg1, %mul3A : i32
    %add3A = arith.addi %mul3A_0, %arg0 : i32
    %mul3A_1 = arith.constant 2048 : i32
    %mul3A_2 = arith.muli %add3A, %mul3A_1 : i32
    "tpu.region"() ({
      %run_scoped3A = tpu.sem_alloc : memref<!tpu.dma_semaphore, #tpu.memory_space<semaphore_mem>>
      %dma_start3A = tpu.memref_slice %arg2[%mul3A_2] : memref<65536xi32, #tpu.memory_space<hbm>> -> memref<2048xi32, #tpu.memory_space<hbm>>
      %dma_start3A_21 = tpu.memref_slice %arg2[%mul3A_2] : memref<65536xi32, #tpu.memory_space<hbm>> -> memref<2048xi32, #tpu.memory_space<hbm>>
      tpu.enqueue_dma source(%dma_start3A_21 : memref<2048xi32, #tpu.memory_space<hbm>>) target(%arg7 : memref<2048xi32, #tpu.memory_space<vmem>>) target_semaphore(%run_scoped3A : memref<!tpu.dma_semaphore, #tpu.memory_space<semaphore_mem>>)
      %dma_wait3A = tpu.memref_slice %arg2[%mul3A_2] : memref<65536xi32, #tpu.memory_space<hbm>> -> memref<2048xi32, #tpu.memory_space<hbm>>
      %dma_wait3A_22 = tpu.memref_slice %arg2[%mul3A_2] : memref<65536xi32, #tpu.memory_space<hbm>> -> memref<2048xi32, #tpu.memory_space<hbm>>
      tpu.wait_dma2 semaphore(%run_scoped3A : memref<!tpu.dma_semaphore, #tpu.memory_space<semaphore_mem>>) src(%dma_wait3A_22 : memref<2048xi32, #tpu.memory_space<hbm>>) dst(%arg7 : memref<2048xi32, #tpu.memory_space<vmem>>)
      tpu.yield
    }) : () -> ()
    %iota3A = tpu.iota {dimensions = array<i32: 0>} : vector<16xi32>
    %mul3A_3 = arith.constant 0 : i32
    %mul3A_4 = vector.broadcast %mul3A_3 : i32 to vector<16xi32>
    %mul3A_5 = arith.muli %iota3A, %mul3A_4 : vector<16xi32>
    %lt3A = arith.constant 0 : i32
    %lt3A_6 = vector.broadcast %lt3A : i32 to vector<16xi32>
    %lt3A_7 = arith.cmpi slt, %iota3A, %lt3A_6 : vector<16xi32>
    %scan3A = arith.constant 0 : i32
    %scan3A_8 = arith.constant 0 : i32
    %scan3A_9 = arith.constant 64 : i32
    %scan3A_10 = arith.addi %scan3A_8, %scan3A_9 : i32
    %scan3A_11 = arith.constant 1 : i32
    %scan3A_12 = scf.for %scan3A_21 = %scan3A_8 to %scan3A_10 step %scan3A_11 iter_args(%scan3A_22 = %scan3A) -> (i32)  : i32 {
      %mul3A_23 = arith.constant 16 : i32
      %mul3A_24 = arith.muli %scan3A_21, %mul3A_23 : i32
      %swap3A = arith.index_cast %mul3A_24 : i32 to index
      %swap3A_25 = tpu.vector_load %arg10[%swap3A] {strides = array<i32>} : memref<1024xi32, #tpu.memory_space<vmem>>, vector<16xi32>,
      tpu.vector_store %arg10[%swap3A], %mul3A_5 {strides = array<i32>} : memref<1024xi32, #tpu.memory_space<vmem>>, vector<16xi32>,
      %sub3A = arith.constant 1 : i32
      %sub3A_26 = vector.broadcast %sub3A : i32 to vector<16xi32>
      %sub3A_27 = arith.subi %mul3A_5, %sub3A_26 : vector<16xi32>
      %mul3A_28 = arith.constant 16 : i32
      %mul3A_29 = arith.muli %scan3A_21, %mul3A_28 : i32
      %swap3A_30 = arith.index_cast %mul3A_29 : i32 to index
      %swap3A_31 = tpu.vector_load %arg11[%swap3A_30] {strides = array<i32>} : memref<1024xi32, #tpu.memory_space<vmem>>, vector<16xi32>,
      tpu.vector_store %arg11[%swap3A_30], %sub3A_27 {strides = array<i32>} : memref<1024xi32, #tpu.memory_space<vmem>>, vector<16xi32>,
      %scan3A_32 = arith.constant 0 : i32
      scf.yield %scan3A_32 : i32
    }
    %scan3A_13 = arith.constant 64 : i32
    %scan3A_14 = arith.constant 0 : i32
    %scan3A_15 = arith.constant 0 : i32
    %scan3A_16 = arith.constant 128 : i32
    %scan3A_17 = arith.addi %scan3A_15, %scan3A_16 : i32
    %scan3A_18 = arith.constant 1 : i32
    %scan3A_19 = scf.for %scan3A_21 = %scan3A_15 to %scan3A_17 step %scan3A_18 iter_args(%scan3A_22 = %scan3A_14) -> (i32)  : i32 {
      %mul3A_23 = arith.constant 16 : i32
      %mul3A_24 = arith.muli %scan3A_21, %mul3A_23 : i32
      %get3A = arith.index_cast %mul3A_24 : i32 to index
      %get3A_25 = tpu.vector_load %arg7[%get3A] {strides = array<i32>} : memref<2048xi32, #tpu.memory_space<vmem>>, vector<16xi32>,
      %add3A_26 = arith.addi %mul3A_2, %mul3A_24 : i32
      %add3A_27 = vector.broadcast %add3A_26 : i32 to vector<16xi32>
      %add3A_28 = arith.addi %add3A_27, %iota3A : vector<16xi32>
      %sub3A = arith.constant 1 : i32
      %sub3A_29 = vector.broadcast %sub3A : i32 to vector<16xi32>
      %sub3A_30 = arith.subi %iota3A, %sub3A_29 : vector<16xi32>
      %max3A = arith.constant 0 : i32
      %max3A_31 = vector.broadcast %max3A : i32 to vector<16xi32>
      %max3A_32 = arith.maxsi %sub3A_30, %max3A_31 : vector<16xi32>
      %add3A_33 = vector.broadcast %mul3A_24 : i32 to vector<16xi32>
      %add3A_34 = arith.addi %add3A_33, %max3A_32 : vector<16xi32>
      %gather3A = tpu.vector_load_idx %arg7[%add3A_34] : memref<2048xi32, #tpu.memory_space<vmem>>[vector<16xi32>], vector<16xi32>,
      %eq3A = arith.cmpi eq, %gather3A, %get3A_25 : vector<16xi32>
      %ge3A = arith.constant 1 : i32
      %ge3A_35 = vector.broadcast %ge3A : i32 to vector<16xi32>
      %ge3A_36 = arith.cmpi sge, %iota3A, %ge3A_35 : vector<16xi32>
      %and3A = arith.andi %eq3A, %ge3A_36 : vector<16xi1>
      %not3A = arith.constant dense<true> : vector<16xi1>
      %not3A_37 = arith.xori %lt3A_7, %not3A : vector<16xi1>
      %and3A_38 = arith.andi %and3A, %not3A_37 : vector<16xi1>
      %sub3A_39 = arith.constant 1 : i32
      %sub3A_40 = vector.broadcast %sub3A_39 : i32 to vector<16xi32>
      %sub3A_41 = arith.subi %add3A_28, %sub3A_40 : vector<16xi32>
      %select_n3A = arith.select %and3A_38, %sub3A_41, %mul3A_5 : vector<16xi1>, vector<16xi32>
      %or3A = arith.ori %lt3A_7, %and3A : vector<16xi1>
      %convert_element_type3A = arith.extui %and3A : vector<16xi1> to vector<16xi32>
      %add3A_42 = arith.addi %mul3A_5, %convert_element_type3A : vector<16xi32>
      %add3A_43 = arith.constant 1 : i32
      %add3A_44 = vector.broadcast %add3A_43 : i32 to vector<16xi32>
      %add3A_45 = arith.addi %iota3A, %add3A_44 : vector<16xi32>
      %min3A = arith.constant 15 : i32
      %min3A_46 = vector.broadcast %min3A : i32 to vector<16xi32>
      %min3A_47 = arith.minsi %add3A_45, %min3A_46 : vector<16xi32>
      %add3A_48 = vector.broadcast %mul3A_24 : i32 to vector<16xi32>
      %add3A_49 = arith.addi %add3A_48, %min3A_47 : vector<16xi32>
      %gather3A_50 = tpu.vector_load_idx %arg7[%add3A_49] : memref<2048xi32, #tpu.memory_space<vmem>>[vector<16xi32>], vector<16xi32>,
      %eq3A_51 = arith.cmpi eq, %gather3A_50, %get3A_25 : vector<16xi32>
      %lt3A_52 = arith.constant 15 : i32
      %lt3A_53 = vector.broadcast %lt3A_52 : i32 to vector<16xi32>
      %lt3A_54 = arith.cmpi slt, %iota3A, %lt3A_53 : vector<16xi32>
      %and3A_55 = arith.andi %eq3A_51, %lt3A_54 : vector<16xi1>
      %or3A_56 = arith.ori %lt3A_7, %and3A_55 : vector<16xi1>
      %sub3A_57 = arith.constant 2 : i32
      %sub3A_58 = vector.broadcast %sub3A_57 : i32 to vector<16xi32>
      %sub3A_59 = arith.subi %iota3A, %sub3A_58 : vector<16xi32>
      %max3A_60 = arith.constant 0 : i32
      %max3A_61 = vector.broadcast %max3A_60 : i32 to vector<16xi32>
      %max3A_62 = arith.maxsi %sub3A_59, %max3A_61 : vector<16xi32>
      %add3A_63 = vector.broadcast %mul3A_24 : i32 to vector<16xi32>
      %add3A_64 = arith.addi %add3A_63, %max3A_62 : vector<16xi32>
      %gather3A_65 = tpu.vector_load_idx %arg7[%add3A_64] : memref<2048xi32, #tpu.memory_space<vmem>>[vector<16xi32>], vector<16xi32>,
      %eq3A_66 = arith.cmpi eq, %gather3A_65, %get3A_25 : vector<16xi32>
      %ge3A_67 = arith.constant 2 : i32
      %ge3A_68 = vector.broadcast %ge3A_67 : i32 to vector<16xi32>
      %ge3A_69 = arith.cmpi sge, %iota3A, %ge3A_68 : vector<16xi32>
      %and3A_70 = arith.andi %eq3A_66, %ge3A_69 : vector<16xi1>
      %not3A_71 = arith.constant dense<true> : vector<16xi1>
      %not3A_72 = arith.xori %or3A, %not3A_71 : vector<16xi1>
      %and3A_73 = arith.andi %and3A_70, %not3A_72 : vector<16xi1>
      %sub3A_74 = arith.constant 2 : i32
      %sub3A_75 = vector.broadcast %sub3A_74 : i32 to vector<16xi32>
      %sub3A_76 = arith.subi %add3A_28, %sub3A_75 : vector<16xi32>
      %select_n3A_77 = arith.select %and3A_73, %sub3A_76, %select_n3A : vector<16xi1>, vector<16xi32>
      %or3A_78 = arith.ori %or3A, %and3A_70 : vector<16xi1>
      %convert_element_type3A_79 = arith.extui %and3A_70 : vector<16xi1> to vector<16xi32>
      %add3A_80 = arith.addi %add3A_42, %convert_element_type3A_79 : vector<16xi32>
      %add3A_81 = arith.constant 2 : i32
      %add3A_82 = vector.broadcast %add3A_81 : i32 to vector<16xi32>
      %add3A_83 = arith.addi %iota3A, %add3A_82 : vector<16xi32>
      %min3A_84 = arith.constant 15 : i32
      %min3A_85 = vector.broadcast %min3A_84 : i32 to vector<16xi32>
      %min3A_86 = arith.minsi %add3A_83, %min3A_85 : vector<16xi32>
      %add3A_87 = vector.broadcast %mul3A_24 : i32 to vector<16xi32>
      %add3A_88 = arith.addi %add3A_87, %min3A_86 : vector<16xi32>
      %gather3A_89 = tpu.vector_load_idx %arg7[%add3A_88] : memref<2048xi32, #tpu.memory_space<vmem>>[vector<16xi32>], vector<16xi32>,
      %eq3A_90 = arith.cmpi eq, %gather3A_89, %get3A_25 : vector<16xi32>
      %lt3A_91 = arith.constant 14 : i32
      %lt3A_92 = vector.broadcast %lt3A_91 : i32 to vector<16xi32>
      %lt3A_93 = arith.cmpi slt, %iota3A, %lt3A_92 : vector<16xi32>
      %and3A_94 = arith.andi %eq3A_90, %lt3A_93 : vector<16xi1>
      %or3A_95 = arith.ori %or3A_56, %and3A_94 : vector<16xi1>
      %sub3A_96 = arith.constant 3 : i32
      %sub3A_97 = vector.broadcast %sub3A_96 : i32 to vector<16xi32>
      %sub3A_98 = arith.subi %iota3A, %sub3A_97 : vector<16xi32>
      %max3A_99 = arith.constant 0 : i32
      %max3A_100 = vector.broadcast %max3A_99 : i32 to vector<16xi32>
      %max3A_101 = arith.maxsi %sub3A_98, %max3A_100 : vector<16xi32>
      %add3A_102 = vector.broadcast %mul3A_24 : i32 to vector<16xi32>
      %add3A_103 = arith.addi %add3A_102, %max3A_101 : vector<16xi32>
      %gather3A_104 = tpu.vector_load_idx %arg7[%add3A_103] : memref<2048xi32, #tpu.memory_space<vmem>>[vector<16xi32>], vector<16xi32>,
      %eq3A_105 = arith.cmpi eq, %gather3A_104, %get3A_25 : vector<16xi32>
      %ge3A_106 = arith.constant 3 : i32
      %ge3A_107 = vector.broadcast %ge3A_106 : i32 to vector<16xi32>
      %ge3A_108 = arith.cmpi sge, %iota3A, %ge3A_107 : vector<16xi32>
      %and3A_109 = arith.andi %eq3A_105, %ge3A_108 : vector<16xi1>
      %not3A_110 = arith.constant dense<true> : vector<16xi1>
      %not3A_111 = arith.xori %or3A_78, %not3A_110 : vector<16xi1>
      %and3A_112 = arith.andi %and3A_109, %not3A_111 : vector<16xi1>
      %sub3A_113 = arith.constant 3 : i32
      %sub3A_114 = vector.broadcast %sub3A_113 : i32 to vector<16xi32>
      %sub3A_115 = arith.subi %add3A_28, %sub3A_114 : vector<16xi32>
      %select_n3A_116 = arith.select %and3A_112, %sub3A_115, %select_n3A_77 : vector<16xi1>, vector<16xi32>
      %or3A_117 = arith.ori %or3A_78, %and3A_109 : vector<16xi1>
      %convert_element_type3A_118 = arith.extui %and3A_109 : vector<16xi1> to vector<16xi32>
      %add3A_119 = arith.addi %add3A_80, %convert_element_type3A_118 : vector<16xi32>
      %add3A_120 = arith.constant 3 : i32
      %add3A_121 = vector.broadcast %add3A_120 : i32 to vector<16xi32>
      %add3A_122 = arith.addi %iota3A, %add3A_121 : vector<16xi32>
      %min3A_123 = arith.constant 15 : i32
      %min3A_124 = vector.broadcast %min3A_123 : i32 to vector<16xi32>
      %min3A_125 = arith.minsi %add3A_122, %min3A_124 : vector<16xi32>
      %add3A_126 = vector.broadcast %mul3A_24 : i32 to vector<16xi32>
      %add3A_127 = arith.addi %add3A_126, %min3A_125 : vector<16xi32>
      %gather3A_128 = tpu.vector_load_idx %arg7[%add3A_127] : memref<2048xi32, #tpu.memory_space<vmem>>[vector<16xi32>], vector<16xi32>,
      %eq3A_129 = arith.cmpi eq, %gather3A_128, %get3A_25 : vector<16xi32>
      %lt3A_130 = arith.constant 13 : i32
      %lt3A_131 = vector.broadcast %lt3A_130 : i32 to vector<16xi32>
      %lt3A_132 = arith.cmpi slt, %iota3A, %lt3A_131 : vector<16xi32>
      %and3A_133 = arith.andi %eq3A_129, %lt3A_132 : vector<16xi1>
      %or3A_134 = arith.ori %or3A_95, %and3A_133 : vector<16xi1>
      %sub3A_135 = arith.constant 4 : i32
      %sub3A_136 = vector.broadcast %sub3A_135 : i32 to vector<16xi32>
      %sub3A_137 = arith.subi %iota3A, %sub3A_136 : vector<16xi32>
      %max3A_138 = arith.constant 0 : i32
      %max3A_139 = vector.broadcast %max3A_138 : i32 to vector<16xi32>
      %max3A_140 = arith.maxsi %sub3A_137, %max3A_139 : vector<16xi32>
      %add3A_141 = vector.broadcast %mul3A_24 : i32 to vector<16xi32>
      %add3A_142 = arith.addi %add3A_141, %max3A_140 : vector<16xi32>
      %gather3A_143 = tpu.vector_load_idx %arg7[%add3A_142] : memref<2048xi32, #tpu.memory_space<vmem>>[vector<16xi32>], vector<16xi32>,
      %eq3A_144 = arith.cmpi eq, %gather3A_143, %get3A_25 : vector<16xi32>
      %ge3A_145 = arith.constant 4 : i32
      %ge3A_146 = vector.broadcast %ge3A_145 : i32 to vector<16xi32>
      %ge3A_147 = arith.cmpi sge, %iota3A, %ge3A_146 : vector<16xi32>
      %and3A_148 = arith.andi %eq3A_144, %ge3A_147 : vector<16xi1>
      %not3A_149 = arith.constant dense<true> : vector<16xi1>
      %not3A_150 = arith.xori %or3A_117, %not3A_149 : vector<16xi1>
      %and3A_151 = arith.andi %and3A_148, %not3A_150 : vector<16xi1>
      %sub3A_152 = arith.constant 4 : i32
      %sub3A_153 = vector.broadcast %sub3A_152 : i32 to vector<16xi32>
      %sub3A_154 = arith.subi %add3A_28, %sub3A_153 : vector<16xi32>
      %select_n3A_155 = arith.select %and3A_151, %sub3A_154, %select_n3A_116 : vector<16xi1>, vector<16xi32>
      %or3A_156 = arith.ori %or3A_117, %and3A_148 : vector<16xi1>
      %convert_element_type3A_157 = arith.extui %and3A_148 : vector<16xi1> to vector<16xi32>
      %add3A_158 = arith.addi %add3A_119, %convert_element_type3A_157 : vector<16xi32>
      %add3A_159 = arith.constant 4 : i32
      %add3A_160 = vector.broadcast %add3A_159 : i32 to vector<16xi32>
      %add3A_161 = arith.addi %iota3A, %add3A_160 : vector<16xi32>
      %min3A_162 = arith.constant 15 : i32
      %min3A_163 = vector.broadcast %min3A_162 : i32 to vector<16xi32>
      %min3A_164 = arith.minsi %add3A_161, %min3A_163 : vector<16xi32>
      %add3A_165 = vector.broadcast %mul3A_24 : i32 to vector<16xi32>
      %add3A_166 = arith.addi %add3A_165, %min3A_164 : vector<16xi32>
      %gather3A_167 = tpu.vector_load_idx %arg7[%add3A_166] : memref<2048xi32, #tpu.memory_space<vmem>>[vector<16xi32>], vector<16xi32>,
      %eq3A_168 = arith.cmpi eq, %gather3A_167, %get3A_25 : vector<16xi32>
      %lt3A_169 = arith.constant 12 : i32
      %lt3A_170 = vector.broadcast %lt3A_169 : i32 to vector<16xi32>
      %lt3A_171 = arith.cmpi slt, %iota3A, %lt3A_170 : vector<16xi32>
      %and3A_172 = arith.andi %eq3A_168, %lt3A_171 : vector<16xi1>
      %or3A_173 = arith.ori %or3A_134, %and3A_172 : vector<16xi1>
      %sub3A_174 = arith.constant 5 : i32
      %sub3A_175 = vector.broadcast %sub3A_174 : i32 to vector<16xi32>
      %sub3A_176 = arith.subi %iota3A, %sub3A_175 : vector<16xi32>
      %max3A_177 = arith.constant 0 : i32
      %max3A_178 = vector.broadcast %max3A_177 : i32 to vector<16xi32>
      %max3A_179 = arith.maxsi %sub3A_176, %max3A_178 : vector<16xi32>
      %add3A_180 = vector.broadcast %mul3A_24 : i32 to vector<16xi32>
      %add3A_181 = arith.addi %add3A_180, %max3A_179 : vector<16xi32>
      %gather3A_182 = tpu.vector_load_idx %arg7[%add3A_181] : memref<2048xi32, #tpu.memory_space<vmem>>[vector<16xi32>], vector<16xi32>,
      %eq3A_183 = arith.cmpi eq, %gather3A_182, %get3A_25 : vector<16xi32>
      %ge3A_184 = arith.constant 5 : i32
      %ge3A_185 = vector.broadcast %ge3A_184 : i32 to vector<16xi32>
      %ge3A_186 = arith.cmpi sge, %iota3A, %ge3A_185 : vector<16xi32>
      %and3A_187 = arith.andi %eq3A_183, %ge3A_186 : vector<16xi1>
      %not3A_188 = arith.constant dense<true> : vector<16xi1>
      %not3A_189 = arith.xori %or3A_156, %not3A_188 : vector<16xi1>
      %and3A_190 = arith.andi %and3A_187, %not3A_189 : vector<16xi1>
      %sub3A_191 = arith.constant 5 : i32
      %sub3A_192 = vector.broadcast %sub3A_191 : i32 to vector<16xi32>
      %sub3A_193 = arith.subi %add3A_28, %sub3A_192 : vector<16xi32>
      %select_n3A_194 = arith.select %and3A_190, %sub3A_193, %select_n3A_155 : vector<16xi1>, vector<16xi32>
      %or3A_195 = arith.ori %or3A_156, %and3A_187 : vector<16xi1>
      %convert_element_type3A_196 = arith.extui %and3A_187 : vector<16xi1> to vector<16xi32>
      %add3A_197 = arith.addi %add3A_158, %convert_element_type3A_196 : vector<16xi32>
      %add3A_198 = arith.constant 5 : i32
      %add3A_199 = vector.broadcast %add3A_198 : i32 to vector<16xi32>
      %add3A_200 = arith.addi %iota3A, %add3A_199 : vector<16xi32>
      %min3A_201 = arith.constant 15 : i32
      %min3A_202 = vector.broadcast %min3A_201 : i32 to vector<16xi32>
      %min3A_203 = arith.minsi %add3A_200, %min3A_202 : vector<16xi32>
      %add3A_204 = vector.broadcast %mul3A_24 : i32 to vector<16xi32>
      %add3A_205 = arith.addi %add3A_204, %min3A_203 : vector<16xi32>
      %gather3A_206 = tpu.vector_load_idx %arg7[%add3A_205] : memref<2048xi32, #tpu.memory_space<vmem>>[vector<16xi32>], vector<16xi32>,
      %eq3A_207 = arith.cmpi eq, %gather3A_206, %get3A_25 : vector<16xi32>
      %lt3A_208 = arith.constant 11 : i32
      %lt3A_209 = vector.broadcast %lt3A_208 : i32 to vector<16xi32>
      %lt3A_210 = arith.cmpi slt, %iota3A, %lt3A_209 : vector<16xi32>
      %and3A_211 = arith.andi %eq3A_207, %lt3A_210 : vector<16xi1>
      %or3A_212 = arith.ori %or3A_173, %and3A_211 : vector<16xi1>
      %sub3A_213 = arith.constant 6 : i32
      %sub3A_214 = vector.broadcast %sub3A_213 : i32 to vector<16xi32>
      %sub3A_215 = arith.subi %iota3A, %sub3A_214 : vector<16xi32>
      %max3A_216 = arith.constant 0 : i32
      %max3A_217 = vector.broadcast %max3A_216 : i32 to vector<16xi32>
      %max3A_218 = arith.maxsi %sub3A_215, %max3A_217 : vector<16xi32>
      %add3A_219 = vector.broadcast %mul3A_24 : i32 to vector<16xi32>
      %add3A_220 = arith.addi %add3A_219, %max3A_218 : vector<16xi32>
      %gather3A_221 = tpu.vector_load_idx %arg7[%add3A_220] : memref<2048xi32, #tpu.memory_space<vmem>>[vector<16xi32>], vector<16xi32>,
      %eq3A_222 = arith.cmpi eq, %gather3A_221, %get3A_25 : vector<16xi32>
      %ge3A_223 = arith.constant 6 : i32
      %ge3A_224 = vector.broadcast %ge3A_223 : i32 to vector<16xi32>
      %ge3A_225 = arith.cmpi sge, %iota3A, %ge3A_224 : vector<16xi32>
      %and3A_226 = arith.andi %eq3A_222, %ge3A_225 : vector<16xi1>
      %not3A_227 = arith.constant dense<true> : vector<16xi1>
      %not3A_228 = arith.xori %or3A_195, %not3A_227 : vector<16xi1>
      %and3A_229 = arith.andi %and3A_226, %not3A_228 : vector<16xi1>
      %sub3A_230 = arith.constant 6 : i32
      %sub3A_231 = vector.broadcast %sub3A_230 : i32 to vector<16xi32>
      %sub3A_232 = arith.subi %add3A_28, %sub3A_231 : vector<16xi32>
      %select_n3A_233 = arith.select %and3A_229, %sub3A_232, %select_n3A_194 : vector<16xi1>, vector<16xi32>
      %or3A_234 = arith.ori %or3A_195, %and3A_226 : vector<16xi1>
      %convert_element_type3A_235 = arith.extui %and3A_226 : vector<16xi1> to vector<16xi32>
      %add3A_236 = arith.addi %add3A_197, %convert_element_type3A_235 : vector<16xi32>
      %add3A_237 = arith.constant 6 : i32
      %add3A_238 = vector.broadcast %add3A_237 : i32 to vector<16xi32>
      %add3A_239 = arith.addi %iota3A, %add3A_238 : vector<16xi32>
      %min3A_240 = arith.constant 15 : i32
      %min3A_241 = vector.broadcast %min3A_240 : i32 to vector<16xi32>
      %min3A_242 = arith.minsi %add3A_239, %min3A_241 : vector<16xi32>
      %add3A_243 = vector.broadcast %mul3A_24 : i32 to vector<16xi32>
      %add3A_244 = arith.addi %add3A_243, %min3A_242 : vector<16xi32>
      %gather3A_245 = tpu.vector_load_idx %arg7[%add3A_244] : memref<2048xi32, #tpu.memory_space<vmem>>[vector<16xi32>], vector<16xi32>,
      %eq3A_246 = arith.cmpi eq, %gather3A_245, %get3A_25 : vector<16xi32>
      %lt3A_247 = arith.constant 10 : i32
      %lt3A_248 = vector.broadcast %lt3A_247 : i32 to vector<16xi32>
      %lt3A_249 = arith.cmpi slt, %iota3A, %lt3A_248 : vector<16xi32>
      %and3A_250 = arith.andi %eq3A_246, %lt3A_249 : vector<16xi1>
      %or3A_251 = arith.ori %or3A_212, %and3A_250 : vector<16xi1>
      %sub3A_252 = arith.constant 7 : i32
      %sub3A_253 = vector.broadcast %sub3A_252 : i32 to vector<16xi32>
      %sub3A_254 = arith.subi %iota3A, %sub3A_253 : vector<16xi32>
      %max3A_255 = arith.constant 0 : i32
      %max3A_256 = vector.broadcast %max3A_255 : i32 to vector<16xi32>
      %max3A_257 = arith.maxsi %sub3A_254, %max3A_256 : vector<16xi32>
      %add3A_258 = vector.broadcast %mul3A_24 : i32 to vector<16xi32>
      %add3A_259 = arith.addi %add3A_258, %max3A_257 : vector<16xi32>
      %gather3A_260 = tpu.vector_load_idx %arg7[%add3A_259] : memref<2048xi32, #tpu.memory_space<vmem>>[vector<16xi32>], vector<16xi32>,
      %eq3A_261 = arith.cmpi eq, %gather3A_260, %get3A_25 : vector<16xi32>
      %ge3A_262 = arith.constant 7 : i32
      %ge3A_263 = vector.broadcast %ge3A_262 : i32 to vector<16xi32>
      %ge3A_264 = arith.cmpi sge, %iota3A, %ge3A_263 : vector<16xi32>
      %and3A_265 = arith.andi %eq3A_261, %ge3A_264 : vector<16xi1>
      %not3A_266 = arith.constant dense<true> : vector<16xi1>
      %not3A_267 = arith.xori %or3A_234, %not3A_266 : vector<16xi1>
      %and3A_268 = arith.andi %and3A_265, %not3A_267 : vector<16xi1>
      %sub3A_269 = arith.constant 7 : i32
      %sub3A_270 = vector.broadcast %sub3A_269 : i32 to vector<16xi32>
      %sub3A_271 = arith.subi %add3A_28, %sub3A_270 : vector<16xi32>
      %select_n3A_272 = arith.select %and3A_268, %sub3A_271, %select_n3A_233 : vector<16xi1>, vector<16xi32>
      %or3A_273 = arith.ori %or3A_234, %and3A_265 : vector<16xi1>
      %convert_element_type3A_274 = arith.extui %and3A_265 : vector<16xi1> to vector<16xi32>
      %add3A_275 = arith.addi %add3A_236, %convert_element_type3A_274 : vector<16xi32>
      %add3A_276 = arith.constant 7 : i32
      %add3A_277 = vector.broadcast %add3A_276 : i32 to vector<16xi32>
      %add3A_278 = arith.addi %iota3A, %add3A_277 : vector<16xi32>
      %min3A_279 = arith.constant 15 : i32
      %min3A_280 = vector.broadcast %min3A_279 : i32 to vector<16xi32>
      %min3A_281 = arith.minsi %add3A_278, %min3A_280 : vector<16xi32>
      %add3A_282 = vector.broadcast %mul3A_24 : i32 to vector<16xi32>
      %add3A_283 = arith.addi %add3A_282, %min3A_281 : vector<16xi32>
      %gather3A_284 = tpu.vector_load_idx %arg7[%add3A_283] : memref<2048xi32, #tpu.memory_space<vmem>>[vector<16xi32>], vector<16xi32>,
      %eq3A_285 = arith.cmpi eq, %gather3A_284, %get3A_25 : vector<16xi32>
      %lt3A_286 = arith.constant 9 : i32
      %lt3A_287 = vector.broadcast %lt3A_286 : i32 to vector<16xi32>
      %lt3A_288 = arith.cmpi slt, %iota3A, %lt3A_287 : vector<16xi32>
      %and3A_289 = arith.andi %eq3A_285, %lt3A_288 : vector<16xi1>
      %or3A_290 = arith.ori %or3A_251, %and3A_289 : vector<16xi1>
      %sub3A_291 = arith.constant 8 : i32
      %sub3A_292 = vector.broadcast %sub3A_291 : i32 to vector<16xi32>
      %sub3A_293 = arith.subi %iota3A, %sub3A_292 : vector<16xi32>
      %max3A_294 = arith.constant 0 : i32
      %max3A_295 = vector.broadcast %max3A_294 : i32 to vector<16xi32>
      %max3A_296 = arith.maxsi %sub3A_293, %max3A_295 : vector<16xi32>
      %add3A_297 = vector.broadcast %mul3A_24 : i32 to vector<16xi32>
      %add3A_298 = arith.addi %add3A_297, %max3A_296 : vector<16xi32>
      %gather3A_299 = tpu.vector_load_idx %arg7[%add3A_298] : memref<2048xi32, #tpu.memory_space<vmem>>[vector<16xi32>], vector<16xi32>,
      %eq3A_300 = arith.cmpi eq, %gather3A_299, %get3A_25 : vector<16xi32>
      %ge3A_301 = arith.constant 8 : i32
      %ge3A_302 = vector.broadcast %ge3A_301 : i32 to vector<16xi32>
      %ge3A_303 = arith.cmpi sge, %iota3A, %ge3A_302 : vector<16xi32>
      %and3A_304 = arith.andi %eq3A_300, %ge3A_303 : vector<16xi1>
      %not3A_305 = arith.constant dense<true> : vector<16xi1>
      %not3A_306 = arith.xori %or3A_273, %not3A_305 : vector<16xi1>
      %and3A_307 = arith.andi %and3A_304, %not3A_306 : vector<16xi1>
      %sub3A_308 = arith.constant 8 : i32
      %sub3A_309 = vector.broadcast %sub3A_308 : i32 to vector<16xi32>
      %sub3A_310 = arith.subi %add3A_28, %sub3A_309 : vector<16xi32>
      %select_n3A_311 = arith.select %and3A_307, %sub3A_310, %select_n3A_272 : vector<16xi1>, vector<16xi32>
      %or3A_312 = arith.ori %or3A_273, %and3A_304 : vector<16xi1>
      %convert_element_type3A_313 = arith.extui %and3A_304 : vector<16xi1> to vector<16xi32>
      %add3A_314 = arith.addi %add3A_275, %convert_element_type3A_313 : vector<16xi32>
      %add3A_315 = arith.constant 8 : i32
      %add3A_316 = vector.broadcast %add3A_315 : i32 to vector<16xi32>
      %add3A_317 = arith.addi %iota3A, %add3A_316 : vector<16xi32>
      %min3A_318 = arith.constant 15 : i32
      %min3A_319 = vector.broadcast %min3A_318 : i32 to vector<16xi32>
      %min3A_320 = arith.minsi %add3A_317, %min3A_319 : vector<16xi32>
      %add3A_321 = vector.broadcast %mul3A_24 : i32 to vector<16xi32>
      %add3A_322 = arith.addi %add3A_321, %min3A_320 : vector<16xi32>
      %gather3A_323 = tpu.vector_load_idx %arg7[%add3A_322] : memref<2048xi32, #tpu.memory_space<vmem>>[vector<16xi32>], vector<16xi32>,
      %eq3A_324 = arith.cmpi eq, %gather3A_323, %get3A_25 : vector<16xi32>
      %lt3A_325 = arith.constant 8 : i32
      %lt3A_326 = vector.broadcast %lt3A_325 : i32 to vector<16xi32>
      %lt3A_327 = arith.cmpi slt, %iota3A, %lt3A_326 : vector<16xi32>
      %and3A_328 = arith.andi %eq3A_324, %lt3A_327 : vector<16xi1>
      %or3A_329 = arith.ori %or3A_290, %and3A_328 : vector<16xi1>
      %sub3A_330 = arith.constant 9 : i32
      %sub3A_331 = vector.broadcast %sub3A_330 : i32 to vector<16xi32>
      %sub3A_332 = arith.subi %iota3A, %sub3A_331 : vector<16xi32>
      %max3A_333 = arith.constant 0 : i32
      %max3A_334 = vector.broadcast %max3A_333 : i32 to vector<16xi32>
      %max3A_335 = arith.maxsi %sub3A_332, %max3A_334 : vector<16xi32>
      %add3A_336 = vector.broadcast %mul3A_24 : i32 to vector<16xi32>
      %add3A_337 = arith.addi %add3A_336, %max3A_335 : vector<16xi32>
      %gather3A_338 = tpu.vector_load_idx %arg7[%add3A_337] : memref<2048xi32, #tpu.memory_space<vmem>>[vector<16xi32>], vector<16xi32>,
      %eq3A_339 = arith.cmpi eq, %gather3A_338, %get3A_25 : vector<16xi32>
      %ge3A_340 = arith.constant 9 : i32
      %ge3A_341 = vector.broadcast %ge3A_340 : i32 to vector<16xi32>
      %ge3A_342 = arith.cmpi sge, %iota3A, %ge3A_341 : vector<16xi32>
      %and3A_343 = arith.andi %eq3A_339, %ge3A_342 : vector<16xi1>
      %not3A_344 = arith.constant dense<true> : vector<16xi1>
      %not3A_345 = arith.xori %or3A_312, %not3A_344 : vector<16xi1>
      %and3A_346 = arith.andi %and3A_343, %not3A_345 : vector<16xi1>
      %sub3A_347 = arith.constant 9 : i32
      %sub3A_348 = vector.broadcast %sub3A_347 : i32 to vector<16xi32>
      %sub3A_349 = arith.subi %add3A_28, %sub3A_348 : vector<16xi32>
      %select_n3A_350 = arith.select %and3A_346, %sub3A_349, %select_n3A_311 : vector<16xi1>, vector<16xi32>
      %or3A_351 = arith.ori %or3A_312, %and3A_343 : vector<16xi1>
      %convert_element_type3A_352 = arith.extui %and3A_343 : vector<16xi1> to vector<16xi32>
      %add3A_353 = arith.addi %add3A_314, %convert_element_type3A_352 : vector<16xi32>
      %add3A_354 = arith.constant 9 : i32
      %add3A_355 = vector.broadcast %add3A_354 : i32 to vector<16xi32>
      %add3A_356 = arith.addi %iota3A, %add3A_355 : vector<16xi32>
      %min3A_357 = arith.constant 15 : i32
      %min3A_358 = vector.broadcast %min3A_357 : i32 to vector<16xi32>
      %min3A_359 = arith.minsi %add3A_356, %min3A_358 : vector<16xi32>
      %add3A_360 = vector.broadcast %mul3A_24 : i32 to vector<16xi32>
      %add3A_361 = arith.addi %add3A_360, %min3A_359 : vector<16xi32>
      %gather3A_362 = tpu.vector_load_idx %arg7[%add3A_361] : memref<2048xi32, #tpu.memory_space<vmem>>[vector<16xi32>], vector<16xi32>,
      %eq3A_363 = arith.cmpi eq, %gather3A_362, %get3A_25 : vector<16xi32>
      %lt3A_364 = arith.constant 7 : i32
      %lt3A_365 = vector.broadcast %lt3A_364 : i32 to vector<16xi32>
      %lt3A_366 = arith.cmpi slt, %iota3A, %lt3A_365 : vector<16xi32>
      %and3A_367 = arith.andi %eq3A_363, %lt3A_366 : vector<16xi1>
      %or3A_368 = arith.ori %or3A_329, %and3A_367 : vector<16xi1>
      %sub3A_369 = arith.constant 10 : i32
      %sub3A_370 = vector.broadcast %sub3A_369 : i32 to vector<16xi32>
      %sub3A_371 = arith.subi %iota3A, %sub3A_370 : vector<16xi32>
      %max3A_372 = arith.constant 0 : i32
      %max3A_373 = vector.broadcast %max3A_372 : i32 to vector<16xi32>
      %max3A_374 = arith.maxsi %sub3A_371, %max3A_373 : vector<16xi32>
      %add3A_375 = vector.broadcast %mul3A_24 : i32 to vector<16xi32>
      %add3A_376 = arith.addi %add3A_375, %max3A_374 : vector<16xi32>
      %gather3A_377 = tpu.vector_load_idx %arg7[%add3A_376] : memref<2048xi32, #tpu.memory_space<vmem>>[vector<16xi32>], vector<16xi32>,
      %eq3A_378 = arith.cmpi eq, %gather3A_377, %get3A_25 : vector<16xi32>
      %ge3A_379 = arith.constant 10 : i32
      %ge3A_380 = vector.broadcast %ge3A_379 : i32 to vector<16xi32>
      %ge3A_381 = arith.cmpi sge, %iota3A, %ge3A_380 : vector<16xi32>
      %and3A_382 = arith.andi %eq3A_378, %ge3A_381 : vector<16xi1>
      %not3A_383 = arith.constant dense<true> : vector<16xi1>
      %not3A_384 = arith.xori %or3A_351, %not3A_383 : vector<16xi1>
      %and3A_385 = arith.andi %and3A_382, %not3A_384 : vector<16xi1>
      %sub3A_386 = arith.constant 10 : i32
      %sub3A_387 = vector.broadcast %sub3A_386 : i32 to vector<16xi32>
      %sub3A_388 = arith.subi %add3A_28, %sub3A_387 : vector<16xi32>
      %select_n3A_389 = arith.select %and3A_385, %sub3A_388, %select_n3A_350 : vector<16xi1>, vector<16xi32>
      %or3A_390 = arith.ori %or3A_351, %and3A_382 : vector<16xi1>
      %convert_element_type3A_391 = arith.extui %and3A_382 : vector<16xi1> to vector<16xi32>
      %add3A_392 = arith.addi %add3A_353, %convert_element_type3A_391 : vector<16xi32>
      %add3A_393 = arith.constant 10 : i32
      %add3A_394 = vector.broadcast %add3A_393 : i32 to vector<16xi32>
      %add3A_395 = arith.addi %iota3A, %add3A_394 : vector<16xi32>
      %min3A_396 = arith.constant 15 : i32
      %min3A_397 = vector.broadcast %min3A_396 : i32 to vector<16xi32>
      %min3A_398 = arith.minsi %add3A_395, %min3A_397 : vector<16xi32>
      %add3A_399 = vector.broadcast %mul3A_24 : i32 to vector<16xi32>
      %add3A_400 = arith.addi %add3A_399, %min3A_398 : vector<16xi32>
      %gather3A_401 = tpu.vector_load_idx %arg7[%add3A_400] : memref<2048xi32, #tpu.memory_space<vmem>>[vector<16xi32>], vector<16xi32>,
      %eq3A_402 = arith.cmpi eq, %gather3A_401, %get3A_25 : vector<16xi32>
      %lt3A_403 = arith.constant 6 : i32
      %lt3A_404 = vector.broadcast %lt3A_403 : i32 to vector<16xi32>
      %lt3A_405 = arith.cmpi slt, %iota3A, %lt3A_404 : vector<16xi32>
      %and3A_406 = arith.andi %eq3A_402, %lt3A_405 : vector<16xi1>
      %or3A_407 = arith.ori %or3A_368, %and3A_406 : vector<16xi1>
      %sub3A_408 = arith.constant 11 : i32
      %sub3A_409 = vector.broadcast %sub3A_408 : i32 to vector<16xi32>
      %sub3A_410 = arith.subi %iota3A, %sub3A_409 : vector<16xi32>
      %max3A_411 = arith.constant 0 : i32
      %max3A_412 = vector.broadcast %max3A_411 : i32 to vector<16xi32>
      %max3A_413 = arith.maxsi %sub3A_410, %max3A_412 : vector<16xi32>
      %add3A_414 = vector.broadcast %mul3A_24 : i32 to vector<16xi32>
      %add3A_415 = arith.addi %add3A_414, %max3A_413 : vector<16xi32>
      %gather3A_416 = tpu.vector_load_idx %arg7[%add3A_415] : memref<2048xi32, #tpu.memory_space<vmem>>[vector<16xi32>], vector<16xi32>,
      %eq3A_417 = arith.cmpi eq, %gather3A_416, %get3A_25 : vector<16xi32>
      %ge3A_418 = arith.constant 11 : i32
      %ge3A_419 = vector.broadcast %ge3A_418 : i32 to vector<16xi32>
      %ge3A_420 = arith.cmpi sge, %iota3A, %ge3A_419 : vector<16xi32>
      %and3A_421 = arith.andi %eq3A_417, %ge3A_420 : vector<16xi1>
      %not3A_422 = arith.constant dense<true> : vector<16xi1>
      %not3A_423 = arith.xori %or3A_390, %not3A_422 : vector<16xi1>
      %and3A_424 = arith.andi %and3A_421, %not3A_423 : vector<16xi1>
      %sub3A_425 = arith.constant 11 : i32
      %sub3A_426 = vector.broadcast %sub3A_425 : i32 to vector<16xi32>
      %sub3A_427 = arith.subi %add3A_28, %sub3A_426 : vector<16xi32>
      %select_n3A_428 = arith.select %and3A_424, %sub3A_427, %select_n3A_389 : vector<16xi1>, vector<16xi32>
      %or3A_429 = arith.ori %or3A_390, %and3A_421 : vector<16xi1>
      %convert_element_type3A_430 = arith.extui %and3A_421 : vector<16xi1> to vector<16xi32>
      %add3A_431 = arith.addi %add3A_392, %convert_element_type3A_430 : vector<16xi32>
      %add3A_432 = arith.constant 11 : i32
      %add3A_433 = vector.broadcast %add3A_432 : i32 to vector<16xi32>
      %add3A_434 = arith.addi %iota3A, %add3A_433 : vector<16xi32>
      %min3A_435 = arith.constant 15 : i32
      %min3A_436 = vector.broadcast %min3A_435 : i32 to vector<16xi32>
      %min3A_437 = arith.minsi %add3A_434, %min3A_436 : vector<16xi32>
      %add3A_438 = vector.broadcast %mul3A_24 : i32 to vector<16xi32>
      %add3A_439 = arith.addi %add3A_438, %min3A_437 : vector<16xi32>
      %gather3A_440 = tpu.vector_load_idx %arg7[%add3A_439] : memref<2048xi32, #tpu.memory_space<vmem>>[vector<16xi32>], vector<16xi32>,
      %eq3A_441 = arith.cmpi eq, %gather3A_440, %get3A_25 : vector<16xi32>
      %lt3A_442 = arith.constant 5 : i32
      %lt3A_443 = vector.broadcast %lt3A_442 : i32 to vector<16xi32>
      %lt3A_444 = arith.cmpi slt, %iota3A, %lt3A_443 : vector<16xi32>
      %and3A_445 = arith.andi %eq3A_441, %lt3A_444 : vector<16xi1>
      %or3A_446 = arith.ori %or3A_407, %and3A_445 : vector<16xi1>
      %sub3A_447 = arith.constant 12 : i32
      %sub3A_448 = vector.broadcast %sub3A_447 : i32 to vector<16xi32>
      %sub3A_449 = arith.subi %iota3A, %sub3A_448 : vector<16xi32>
      %max3A_450 = arith.constant 0 : i32
      %max3A_451 = vector.broadcast %max3A_450 : i32 to vector<16xi32>
      %max3A_452 = arith.maxsi %sub3A_449, %max3A_451 : vector<16xi32>
      %add3A_453 = vector.broadcast %mul3A_24 : i32 to vector<16xi32>
      %add3A_454 = arith.addi %add3A_453, %max3A_452 : vector<16xi32>
      %gather3A_455 = tpu.vector_load_idx %arg7[%add3A_454] : memref<2048xi32, #tpu.memory_space<vmem>>[vector<16xi32>], vector<16xi32>,
      %eq3A_456 = arith.cmpi eq, %gather3A_455, %get3A_25 : vector<16xi32>
      %ge3A_457 = arith.constant 12 : i32
      %ge3A_458 = vector.broadcast %ge3A_457 : i32 to vector<16xi32>
      %ge3A_459 = arith.cmpi sge, %iota3A, %ge3A_458 : vector<16xi32>
      %and3A_460 = arith.andi %eq3A_456, %ge3A_459 : vector<16xi1>
      %not3A_461 = arith.constant dense<true> : vector<16xi1>
      %not3A_462 = arith.xori %or3A_429, %not3A_461 : vector<16xi1>
      %and3A_463 = arith.andi %and3A_460, %not3A_462 : vector<16xi1>
      %sub3A_464 = arith.constant 12 : i32
      %sub3A_465 = vector.broadcast %sub3A_464 : i32 to vector<16xi32>
      %sub3A_466 = arith.subi %add3A_28, %sub3A_465 : vector<16xi32>
      %select_n3A_467 = arith.select %and3A_463, %sub3A_466, %select_n3A_428 : vector<16xi1>, vector<16xi32>
      %or3A_468 = arith.ori %or3A_429, %and3A_460 : vector<16xi1>
      %convert_element_type3A_469 = arith.extui %and3A_460 : vector<16xi1> to vector<16xi32>
      %add3A_470 = arith.addi %add3A_431, %convert_element_type3A_469 : vector<16xi32>
      %add3A_471 = arith.constant 12 : i32
      %add3A_472 = vector.broadcast %add3A_471 : i32 to vector<16xi32>
      %add3A_473 = arith.addi %iota3A, %add3A_472 : vector<16xi32>
      %min3A_474 = arith.constant 15 : i32
      %min3A_475 = vector.broadcast %min3A_474 : i32 to vector<16xi32>
      %min3A_476 = arith.minsi %add3A_473, %min3A_475 : vector<16xi32>
      %add3A_477 = vector.broadcast %mul3A_24 : i32 to vector<16xi32>
      %add3A_478 = arith.addi %add3A_477, %min3A_476 : vector<16xi32>
      %gather3A_479 = tpu.vector_load_idx %arg7[%add3A_478] : memref<2048xi32, #tpu.memory_space<vmem>>[vector<16xi32>], vector<16xi32>,
      %eq3A_480 = arith.cmpi eq, %gather3A_479, %get3A_25 : vector<16xi32>
      %lt3A_481 = arith.constant 4 : i32
      %lt3A_482 = vector.broadcast %lt3A_481 : i32 to vector<16xi32>
      %lt3A_483 = arith.cmpi slt, %iota3A, %lt3A_482 : vector<16xi32>
      %and3A_484 = arith.andi %eq3A_480, %lt3A_483 : vector<16xi1>
      %or3A_485 = arith.ori %or3A_446, %and3A_484 : vector<16xi1>
      %sub3A_486 = arith.constant 13 : i32
      %sub3A_487 = vector.broadcast %sub3A_486 : i32 to vector<16xi32>
      %sub3A_488 = arith.subi %iota3A, %sub3A_487 : vector<16xi32>
      %max3A_489 = arith.constant 0 : i32
      %max3A_490 = vector.broadcast %max3A_489 : i32 to vector<16xi32>
      %max3A_491 = arith.maxsi %sub3A_488, %max3A_490 : vector<16xi32>
      %add3A_492 = vector.broadcast %mul3A_24 : i32 to vector<16xi32>
      %add3A_493 = arith.addi %add3A_492, %max3A_491 : vector<16xi32>
      %gather3A_494 = tpu.vector_load_idx %arg7[%add3A_493] : memref<2048xi32, #tpu.memory_space<vmem>>[vector<16xi32>], vector<16xi32>,
      %eq3A_495 = arith.cmpi eq, %gather3A_494, %get3A_25 : vector<16xi32>
      %ge3A_496 = arith.constant 13 : i32
      %ge3A_497 = vector.broadcast %ge3A_496 : i32 to vector<16xi32>
      %ge3A_498 = arith.cmpi sge, %iota3A, %ge3A_497 : vector<16xi32>
      %and3A_499 = arith.andi %eq3A_495, %ge3A_498 : vector<16xi1>
      %not3A_500 = arith.constant dense<true> : vector<16xi1>
      %not3A_501 = arith.xori %or3A_468, %not3A_500 : vector<16xi1>
      %and3A_502 = arith.andi %and3A_499, %not3A_501 : vector<16xi1>
      %sub3A_503 = arith.constant 13 : i32
      %sub3A_504 = vector.broadcast %sub3A_503 : i32 to vector<16xi32>
      %sub3A_505 = arith.subi %add3A_28, %sub3A_504 : vector<16xi32>
      %select_n3A_506 = arith.select %and3A_502, %sub3A_505, %select_n3A_467 : vector<16xi1>, vector<16xi32>
      %or3A_507 = arith.ori %or3A_468, %and3A_499 : vector<16xi1>
      %convert_element_type3A_508 = arith.extui %and3A_499 : vector<16xi1> to vector<16xi32>
      %add3A_509 = arith.addi %add3A_470, %convert_element_type3A_508 : vector<16xi32>
      %add3A_510 = arith.constant 13 : i32
      %add3A_511 = vector.broadcast %add3A_510 : i32 to vector<16xi32>
      %add3A_512 = arith.addi %iota3A, %add3A_511 : vector<16xi32>
      %min3A_513 = arith.constant 15 : i32
      %min3A_514 = vector.broadcast %min3A_513 : i32 to vector<16xi32>
      %min3A_515 = arith.minsi %add3A_512, %min3A_514 : vector<16xi32>
      %add3A_516 = vector.broadcast %mul3A_24 : i32 to vector<16xi32>
      %add3A_517 = arith.addi %add3A_516, %min3A_515 : vector<16xi32>
      %gather3A_518 = tpu.vector_load_idx %arg7[%add3A_517] : memref<2048xi32, #tpu.memory_space<vmem>>[vector<16xi32>], vector<16xi32>,
      %eq3A_519 = arith.cmpi eq, %gather3A_518, %get3A_25 : vector<16xi32>
      %lt3A_520 = arith.constant 3 : i32
      %lt3A_521 = vector.broadcast %lt3A_520 : i32 to vector<16xi32>
      %lt3A_522 = arith.cmpi slt, %iota3A, %lt3A_521 : vector<16xi32>
      %and3A_523 = arith.andi %eq3A_519, %lt3A_522 : vector<16xi1>
      %or3A_524 = arith.ori %or3A_485, %and3A_523 : vector<16xi1>
      %sub3A_525 = arith.constant 14 : i32
      %sub3A_526 = vector.broadcast %sub3A_525 : i32 to vector<16xi32>
      %sub3A_527 = arith.subi %iota3A, %sub3A_526 : vector<16xi32>
      %max3A_528 = arith.constant 0 : i32
      %max3A_529 = vector.broadcast %max3A_528 : i32 to vector<16xi32>
      %max3A_530 = arith.maxsi %sub3A_527, %max3A_529 : vector<16xi32>
      %add3A_531 = vector.broadcast %mul3A_24 : i32 to vector<16xi32>
      %add3A_532 = arith.addi %add3A_531, %max3A_530 : vector<16xi32>
      %gather3A_533 = tpu.vector_load_idx %arg7[%add3A_532] : memref<2048xi32, #tpu.memory_space<vmem>>[vector<16xi32>], vector<16xi32>,
      %eq3A_534 = arith.cmpi eq, %gather3A_533, %get3A_25 : vector<16xi32>
      %ge3A_535 = arith.constant 14 : i32
      %ge3A_536 = vector.broadcast %ge3A_535 : i32 to vector<16xi32>
      %ge3A_537 = arith.cmpi sge, %iota3A, %ge3A_536 : vector<16xi32>
      %and3A_538 = arith.andi %eq3A_534, %ge3A_537 : vector<16xi1>
      %not3A_539 = arith.constant dense<true> : vector<16xi1>
      %not3A_540 = arith.xori %or3A_507, %not3A_539 : vector<16xi1>
      %and3A_541 = arith.andi %and3A_538, %not3A_540 : vector<16xi1>
      %sub3A_542 = arith.constant 14 : i32
      %sub3A_543 = vector.broadcast %sub3A_542 : i32 to vector<16xi32>
      %sub3A_544 = arith.subi %add3A_28, %sub3A_543 : vector<16xi32>
      %select_n3A_545 = arith.select %and3A_541, %sub3A_544, %select_n3A_506 : vector<16xi1>, vector<16xi32>
      %or3A_546 = arith.ori %or3A_507, %and3A_538 : vector<16xi1>
      %convert_element_type3A_547 = arith.extui %and3A_538 : vector<16xi1> to vector<16xi32>
      %add3A_548 = arith.addi %add3A_509, %convert_element_type3A_547 : vector<16xi32>
      %add3A_549 = arith.constant 14 : i32
      %add3A_550 = vector.broadcast %add3A_549 : i32 to vector<16xi32>
      %add3A_551 = arith.addi %iota3A, %add3A_550 : vector<16xi32>
      %min3A_552 = arith.constant 15 : i32
      %min3A_553 = vector.broadcast %min3A_552 : i32 to vector<16xi32>
      %min3A_554 = arith.minsi %add3A_551, %min3A_553 : vector<16xi32>
      %add3A_555 = vector.broadcast %mul3A_24 : i32 to vector<16xi32>
      %add3A_556 = arith.addi %add3A_555, %min3A_554 : vector<16xi32>
      %gather3A_557 = tpu.vector_load_idx %arg7[%add3A_556] : memref<2048xi32, #tpu.memory_space<vmem>>[vector<16xi32>], vector<16xi32>,
      %eq3A_558 = arith.cmpi eq, %gather3A_557, %get3A_25 : vector<16xi32>
      %lt3A_559 = arith.constant 2 : i32
      %lt3A_560 = vector.broadcast %lt3A_559 : i32 to vector<16xi32>
      %lt3A_561 = arith.cmpi slt, %iota3A, %lt3A_560 : vector<16xi32>
      %and3A_562 = arith.andi %eq3A_558, %lt3A_561 : vector<16xi1>
      %or3A_563 = arith.ori %or3A_524, %and3A_562 : vector<16xi1>
      %sub3A_564 = arith.constant 15 : i32
      %sub3A_565 = vector.broadcast %sub3A_564 : i32 to vector<16xi32>
      %sub3A_566 = arith.subi %iota3A, %sub3A_565 : vector<16xi32>
      %max3A_567 = arith.constant 0 : i32
      %max3A_568 = vector.broadcast %max3A_567 : i32 to vector<16xi32>
      %max3A_569 = arith.maxsi %sub3A_566, %max3A_568 : vector<16xi32>
      %add3A_570 = vector.broadcast %mul3A_24 : i32 to vector<16xi32>
      %add3A_571 = arith.addi %add3A_570, %max3A_569 : vector<16xi32>
      %gather3A_572 = tpu.vector_load_idx %arg7[%add3A_571] : memref<2048xi32, #tpu.memory_space<vmem>>[vector<16xi32>], vector<16xi32>,
      %eq3A_573 = arith.cmpi eq, %gather3A_572, %get3A_25 : vector<16xi32>
      %ge3A_574 = arith.constant 15 : i32
      %ge3A_575 = vector.broadcast %ge3A_574 : i32 to vector<16xi32>
      %ge3A_576 = arith.cmpi sge, %iota3A, %ge3A_575 : vector<16xi32>
      %and3A_577 = arith.andi %eq3A_573, %ge3A_576 : vector<16xi1>
      %not3A_578 = arith.constant dense<true> : vector<16xi1>
      %not3A_579 = arith.xori %or3A_546, %not3A_578 : vector<16xi1>
      %and3A_580 = arith.andi %and3A_577, %not3A_579 : vector<16xi1>
      %sub3A_581 = arith.constant 15 : i32
      %sub3A_582 = vector.broadcast %sub3A_581 : i32 to vector<16xi32>
      %sub3A_583 = arith.subi %add3A_28, %sub3A_582 : vector<16xi32>
      %select_n3A_584 = arith.select %and3A_580, %sub3A_583, %select_n3A_545 : vector<16xi1>, vector<16xi32>
      %or3A_585 = arith.ori %or3A_546, %and3A_577 : vector<16xi1>
      %convert_element_type3A_586 = arith.extui %and3A_577 : vector<16xi1> to vector<16xi32>
      %add3A_587 = arith.addi %add3A_548, %convert_element_type3A_586 : vector<16xi32>
      %add3A_588 = arith.constant 15 : i32
      %add3A_589 = vector.broadcast %add3A_588 : i32 to vector<16xi32>
      %add3A_590 = arith.addi %iota3A, %add3A_589 : vector<16xi32>
      %min3A_591 = arith.constant 15 : i32
      %min3A_592 = vector.broadcast %min3A_591 : i32 to vector<16xi32>
      %min3A_593 = arith.minsi %add3A_590, %min3A_592 : vector<16xi32>
      %add3A_594 = vector.broadcast %mul3A_24 : i32 to vector<16xi32>
      %add3A_595 = arith.addi %add3A_594, %min3A_593 : vector<16xi32>
      %gather3A_596 = tpu.vector_load_idx %arg7[%add3A_595] : memref<2048xi32, #tpu.memory_space<vmem>>[vector<16xi32>], vector<16xi32>,
      %eq3A_597 = arith.cmpi eq, %gather3A_596, %get3A_25 : vector<16xi32>
      %lt3A_598 = arith.constant 1 : i32
      %lt3A_599 = vector.broadcast %lt3A_598 : i32 to vector<16xi32>
      %lt3A_600 = arith.cmpi slt, %iota3A, %lt3A_599 : vector<16xi32>
      %and3A_601 = arith.andi %eq3A_597, %lt3A_600 : vector<16xi1>
      %or3A_602 = arith.ori %or3A_563, %and3A_601 : vector<16xi1>
      %gather3A_603 = tpu.vector_load_idx %arg10[%get3A_25] : memref<1024xi32, #tpu.memory_space<vmem>>[vector<16xi32>], vector<16xi32>,
      %gather3A_604 = tpu.vector_load_idx %arg11[%get3A_25] : memref<1024xi32, #tpu.memory_space<vmem>>[vector<16xi32>], vector<16xi32>,
      %add3A_605 = arith.addi %gather3A_603, %add3A_587 : vector<16xi32>
      %select_n3A_606 = arith.select %or3A_585, %select_n3A_584, %gather3A_604 : vector<16xi1>, vector<16xi32>
      %not3A_607 = arith.constant dense<true> : vector<16xi1>
      %not3A_608 = arith.xori %or3A_602, %not3A_607 : vector<16xi1>
      %add3A_609 = arith.constant 1 : i32
      %add3A_610 = vector.broadcast %add3A_609 : i32 to vector<16xi32>
      %add3A_611 = arith.addi %add3A_605, %add3A_610 : vector<16xi32>
      tpu.vector_store_idx %arg10[%get3A_25], %add3A_611 masked %not3A_608 : memref<1024xi32, #tpu.memory_space<vmem>>[vector<16xi32>], vector<16xi32>, vector<16xi1>
      tpu.vector_store_idx %arg11[%get3A_25], %add3A_28 masked %not3A_608 : memref<1024xi32, #tpu.memory_space<vmem>>[vector<16xi32>], vector<16xi32>, vector<16xi1>
      %swap3A = arith.index_cast %mul3A_24 : i32 to index
      %swap3A_612 = tpu.vector_load %arg8[%swap3A] {strides = array<i32>} : memref<2048xi32, #tpu.memory_space<vmem>>, vector<16xi32>,
      tpu.vector_store %arg8[%swap3A], %add3A_605 {strides = array<i32>} : memref<2048xi32, #tpu.memory_space<vmem>>, vector<16xi32>,
      %swap3A_613 = arith.index_cast %mul3A_24 : i32 to index
      %swap3A_614 = tpu.vector_load %arg9[%swap3A_613] {strides = array<i32>} : memref<2048xi32, #tpu.memory_space<vmem>>, vector<16xi32>,
      tpu.vector_store %arg9[%swap3A_613], %select_n3A_606 {strides = array<i32>} : memref<2048xi32, #tpu.memory_space<vmem>>, vector<16xi32>,
      %scan3A_615 = arith.constant 0 : i32
      scf.yield %scan3A_615 : i32
    }
    %scan3A_20 = arith.constant 128 : i32
    "tpu.region"() ({
      %run_scoped3A = tpu.sem_alloc : memref<!tpu.dma_semaphore, #tpu.memory_space<semaphore_mem>>
      %dma_start3A = tpu.memref_slice %arg3[%mul3A_2] : memref<65536xi32, #tpu.memory_space<hbm>> -> memref<2048xi32, #tpu.memory_space<hbm>>
      %dma_start3A_21 = tpu.memref_slice %arg3[%mul3A_2] : memref<65536xi32, #tpu.memory_space<hbm>> -> memref<2048xi32, #tpu.memory_space<hbm>>
      tpu.enqueue_dma source(%arg8 : memref<2048xi32, #tpu.memory_space<vmem>>) target(%dma_start3A_21 : memref<2048xi32, #tpu.memory_space<hbm>>) target_semaphore(%run_scoped3A : memref<!tpu.dma_semaphore, #tpu.memory_space<semaphore_mem>>)
      %dma_wait3A = tpu.memref_slice %arg3[%mul3A_2] : memref<65536xi32, #tpu.memory_space<hbm>> -> memref<2048xi32, #tpu.memory_space<hbm>>
      %dma_wait3A_22 = tpu.memref_slice %arg3[%mul3A_2] : memref<65536xi32, #tpu.memory_space<hbm>> -> memref<2048xi32, #tpu.memory_space<hbm>>
      tpu.wait_dma2 semaphore(%run_scoped3A : memref<!tpu.dma_semaphore, #tpu.memory_space<semaphore_mem>>) src(%arg8 : memref<2048xi32, #tpu.memory_space<vmem>>) dst(%dma_wait3A_22 : memref<2048xi32, #tpu.memory_space<hbm>>)
      tpu.yield
    }) : () -> ()
    "tpu.region"() ({
      %run_scoped3A = tpu.sem_alloc : memref<!tpu.dma_semaphore, #tpu.memory_space<semaphore_mem>>
      %dma_start3A = tpu.memref_slice %arg4[%mul3A_2] : memref<65536xi32, #tpu.memory_space<hbm>> -> memref<2048xi32, #tpu.memory_space<hbm>>
      %dma_start3A_21 = tpu.memref_slice %arg4[%mul3A_2] : memref<65536xi32, #tpu.memory_space<hbm>> -> memref<2048xi32, #tpu.memory_space<hbm>>
      tpu.enqueue_dma source(%arg9 : memref<2048xi32, #tpu.memory_space<vmem>>) target(%dma_start3A_21 : memref<2048xi32, #tpu.memory_space<hbm>>) target_semaphore(%run_scoped3A : memref<!tpu.dma_semaphore, #tpu.memory_space<semaphore_mem>>)
      %dma_wait3A = tpu.memref_slice %arg4[%mul3A_2] : memref<65536xi32, #tpu.memory_space<hbm>> -> memref<2048xi32, #tpu.memory_space<hbm>>
      %dma_wait3A_22 = tpu.memref_slice %arg4[%mul3A_2] : memref<65536xi32, #tpu.memory_space<hbm>> -> memref<2048xi32, #tpu.memory_space<hbm>>
      tpu.wait_dma2 semaphore(%run_scoped3A : memref<!tpu.dma_semaphore, #tpu.memory_space<semaphore_mem>>) src(%arg9 : memref<2048xi32, #tpu.memory_space<vmem>>) dst(%dma_wait3A_22 : memref<2048xi32, #tpu.memory_space<hbm>>)
      tpu.yield
    }) : () -> ()
    "tpu.region"() ({
      %run_scoped3A = tpu.sem_alloc : memref<!tpu.dma_semaphore, #tpu.memory_space<semaphore_mem>>
      %dma_start3A = arith.constant 0 : i32
      %dma_start3A_21 = tpu.memref_slice %arg5[%add3A, %dma_start3A] : memref<32x1024xi32, #tpu.memory_space<hbm>> -> memref<1x1024xi32, #tpu.memory_space<hbm>>
      %dma_start3A_22 = tpu.memref_squeeze %dma_start3A_21 : memref<1x1024xi32, #tpu.memory_space<hbm>> -> memref<1024xi32, #tpu.memory_space<hbm>>
      %dma_start3A_23 = arith.constant 0 : i32
      %dma_start3A_24 = tpu.memref_slice %arg5[%add3A, %dma_start3A_23] : memref<32x1024xi32, #tpu.memory_space<hbm>> -> memref<1x1024xi32, #tpu.memory_space<hbm>>
      %dma_start3A_25 = tpu.memref_squeeze %dma_start3A_24 : memref<1x1024xi32, #tpu.memory_space<hbm>> -> memref<1024xi32, #tpu.memory_space<hbm>>
      tpu.enqueue_dma source(%arg10 : memref<1024xi32, #tpu.memory_space<vmem>>) target(%dma_start3A_25 : memref<1024xi32, #tpu.memory_space<hbm>>) target_semaphore(%run_scoped3A : memref<!tpu.dma_semaphore, #tpu.memory_space<semaphore_mem>>)
      %dma_wait3A = arith.constant 0 : i32
      %dma_wait3A_26 = tpu.memref_slice %arg5[%add3A, %dma_wait3A] : memref<32x1024xi32, #tpu.memory_space<hbm>> -> memref<1x1024xi32, #tpu.memory_space<hbm>>
      %dma_wait3A_27 = tpu.memref_squeeze %dma_wait3A_26 : memref<1x1024xi32, #tpu.memory_space<hbm>> -> memref<1024xi32, #tpu.memory_space<hbm>>
      %dma_wait3A_28 = arith.constant 0 : i32
      %dma_wait3A_29 = tpu.memref_slice %arg5[%add3A, %dma_wait3A_28] : memref<32x1024xi32, #tpu.memory_space<hbm>> -> memref<1x1024xi32, #tpu.memory_space<hbm>>
      %dma_wait3A_30 = tpu.memref_squeeze %dma_wait3A_29 : memref<1x1024xi32, #tpu.memory_space<hbm>> -> memref<1024xi32, #tpu.memory_space<hbm>>
      tpu.wait_dma2 semaphore(%run_scoped3A : memref<!tpu.dma_semaphore, #tpu.memory_space<semaphore_mem>>) src(%arg10 : memref<1024xi32, #tpu.memory_space<vmem>>) dst(%dma_wait3A_30 : memref<1024xi32, #tpu.memory_space<hbm>>)
      tpu.yield
    }) : () -> ()
    "tpu.region"() ({
      %run_scoped3A = tpu.sem_alloc : memref<!tpu.dma_semaphore, #tpu.memory_space<semaphore_mem>>
      %dma_start3A = arith.constant 0 : i32
      %dma_start3A_21 = tpu.memref_slice %arg6[%add3A, %dma_start3A] : memref<32x1024xi32, #tpu.memory_space<hbm>> -> memref<1x1024xi32, #tpu.memory_space<hbm>>
      %dma_start3A_22 = tpu.memref_squeeze %dma_start3A_21 : memref<1x1024xi32, #tpu.memory_space<hbm>> -> memref<1024xi32, #tpu.memory_space<hbm>>
      %dma_start3A_23 = arith.constant 0 : i32
      %dma_start3A_24 = tpu.memref_slice %arg6[%add3A, %dma_start3A_23] : memref<32x1024xi32, #tpu.memory_space<hbm>> -> memref<1x1024xi32, #tpu.memory_space<hbm>>
      %dma_start3A_25 = tpu.memref_squeeze %dma_start3A_24 : memref<1x1024xi32, #tpu.memory_space<hbm>> -> memref<1024xi32, #tpu.memory_space<hbm>>
      tpu.enqueue_dma source(%arg11 : memref<1024xi32, #tpu.memory_space<vmem>>) target(%dma_start3A_25 : memref<1024xi32, #tpu.memory_space<hbm>>) target_semaphore(%run_scoped3A : memref<!tpu.dma_semaphore, #tpu.memory_space<semaphore_mem>>)
      %dma_wait3A = arith.constant 0 : i32
      %dma_wait3A_26 = tpu.memref_slice %arg6[%add3A, %dma_wait3A] : memref<32x1024xi32, #tpu.memory_space<hbm>> -> memref<1x1024xi32, #tpu.memory_space<hbm>>
      %dma_wait3A_27 = tpu.memref_squeeze %dma_wait3A_26 : memref<1x1024xi32, #tpu.memory_space<hbm>> -> memref<1024xi32, #tpu.memory_space<hbm>>
      %dma_wait3A_28 = arith.constant 0 : i32
      %dma_wait3A_29 = tpu.memref_slice %arg6[%add3A, %dma_wait3A_28] : memref<32x1024xi32, #tpu.memory_space<hbm>> -> memref<1x1024xi32, #tpu.memory_space<hbm>>
      %dma_wait3A_30 = tpu.memref_squeeze %dma_wait3A_29 : memref<1x1024xi32, #tpu.memory_space<hbm>> -> memref<1024xi32, #tpu.memory_space<hbm>>
      tpu.wait_dma2 semaphore(%run_scoped3A : memref<!tpu.dma_semaphore, #tpu.memory_space<semaphore_mem>>) src(%arg11 : memref<1024xi32, #tpu.memory_space<vmem>>) dst(%dma_wait3A_30 : memref<1024xi32, #tpu.memory_space<hbm>>)
      tpu.yield
    }) : () -> ()
    return
  }
}

#map = affine_map<(d0, d1) -> (0, 0)>
#map1 = affine_map<(d0, d1) -> (0)>
module attributes {stable_mosaic.version = 14 : i64} {
  func.func @_k3_body(%arg0: i32, %arg1: i32, %arg2: memref<65536x128xf32, #tpu.memory_space<hbm>>, %arg3: memref<65536xi32, #tpu.memory_space<hbm>>, %arg4: memref<65536xi32, #tpu.memory_space<hbm>>, %arg5: memref<65536xi32, #tpu.memory_space<hbm>>, %arg6: memref<65536xi32, #tpu.memory_space<hbm>>, %arg7: memref<32x1024xi32, #tpu.memory_space<hbm>>, %arg8: memref<32x1024xi32, #tpu.memory_space<hbm>>, %arg9: memref<8x1024xi32, #tpu.memory_space<hbm>>, %arg10: memref<65536x128xf32, #tpu.memory_space<hbm>>, %arg11: memref<65536x128xf32, #tpu.memory_space<hbm>>, %arg12: memref<65536xf32, #tpu.memory_space<hbm>>, %arg13: memref<2048xi32, #tpu.memory_space<vmem>>, %arg14: memref<2048xi32, #tpu.memory_space<vmem>>, %arg15: memref<2048xi32, #tpu.memory_space<vmem>>, %arg16: memref<1024xi32, #tpu.memory_space<vmem>>, %arg17: memref<1024xi32, #tpu.memory_space<vmem>>, %arg18: memref<1024xi32, #tpu.memory_space<vmem>>, %arg19: memref<16x128xi32, #tpu.memory_space<vmem>>, %arg20: memref<16x128xi32, #tpu.memory_space<vmem>>, %arg21: memref<16x128xi32, #tpu.memory_space<vmem>>, %arg22: memref<16x128xi32, #tpu.memory_space<vmem>>, %arg23: memref<2048xf32, #tpu.memory_space<vmem>>, %arg24: memref<128x128xf32, #tpu.memory_space<vmem>>, %arg25: memref<128x128xf32, #tpu.memory_space<vmem>>, %arg26: memref<128x128xf32, #tpu.memory_space<vmem>>, %arg27: memref<128x128xf32, #tpu.memory_space<vmem>>, %arg28: memref<!tpu.dma_semaphore, #tpu.memory_space<semaphore_mem>>, %arg29: memref<!tpu.dma_semaphore, #tpu.memory_space<semaphore_mem>>) attributes {dimension_semantics = [#tpu.dimension_semantics<core_parallel>, #tpu.dimension_semantics<subcore_parallel>], iteration_bounds = array<i64: 2, 16>, scalar_prefetch = 0 : i64, scratch_operands = 17 : i64, tpu.core_type = #tpu.core_type<sc_vector_subcore>, window_params = [{transform_indices = #map}, {transform_indices = #map1}, {transform_indices = #map1}, {transform_indices = #map1}, {transform_indices = #map1}, {transform_indices = #map}, {transform_indices = #map}, {transform_indices = #map}, {transform_indices = #map}, {transform_indices = #map}, {transform_indices = #map1}]} {
    %mul3A = arith.constant 2 : i32
    %mul3A_0 = arith.muli %arg1, %mul3A : i32
    %add3A = arith.addi %mul3A_0, %arg0 : i32
    %mul3A_1 = arith.constant 2048 : i32
    %mul3A_2 = arith.muli %add3A, %mul3A_1 : i32
    "tpu.region"() ({
      %run_scoped3A_1390 = tpu.sem_alloc : memref<!tpu.dma_semaphore, #tpu.memory_space<semaphore_mem>>
      %dma_start3A_1391 = tpu.memref_slice %arg3[%mul3A_2] : memref<65536xi32, #tpu.memory_space<hbm>> -> memref<2048xi32, #tpu.memory_space<hbm>>
      %dma_start3A_1392 = tpu.memref_slice %arg3[%mul3A_2] : memref<65536xi32, #tpu.memory_space<hbm>> -> memref<2048xi32, #tpu.memory_space<hbm>>
      tpu.enqueue_dma source(%dma_start3A_1392 : memref<2048xi32, #tpu.memory_space<hbm>>) target(%arg13 : memref<2048xi32, #tpu.memory_space<vmem>>) target_semaphore(%run_scoped3A_1390 : memref<!tpu.dma_semaphore, #tpu.memory_space<semaphore_mem>>)
      %dma_wait3A_1393 = tpu.memref_slice %arg3[%mul3A_2] : memref<65536xi32, #tpu.memory_space<hbm>> -> memref<2048xi32, #tpu.memory_space<hbm>>
      %dma_wait3A_1394 = tpu.memref_slice %arg3[%mul3A_2] : memref<65536xi32, #tpu.memory_space<hbm>> -> memref<2048xi32, #tpu.memory_space<hbm>>
      tpu.wait_dma2 semaphore(%run_scoped3A_1390 : memref<!tpu.dma_semaphore, #tpu.memory_space<semaphore_mem>>) src(%dma_wait3A_1394 : memref<2048xi32, #tpu.memory_space<hbm>>) dst(%arg13 : memref<2048xi32, #tpu.memory_space<vmem>>)
      tpu.yield
    }) : () -> ()
    "tpu.region"() ({
      %run_scoped3A_1390 = tpu.sem_alloc : memref<!tpu.dma_semaphore, #tpu.memory_space<semaphore_mem>>
      %dma_start3A_1391 = tpu.memref_slice %arg5[%mul3A_2] : memref<65536xi32, #tpu.memory_space<hbm>> -> memref<2048xi32, #tpu.memory_space<hbm>>
      %dma_start3A_1392 = tpu.memref_slice %arg5[%mul3A_2] : memref<65536xi32, #tpu.memory_space<hbm>> -> memref<2048xi32, #tpu.memory_space<hbm>>
      tpu.enqueue_dma source(%dma_start3A_1392 : memref<2048xi32, #tpu.memory_space<hbm>>) target(%arg14 : memref<2048xi32, #tpu.memory_space<vmem>>) target_semaphore(%run_scoped3A_1390 : memref<!tpu.dma_semaphore, #tpu.memory_space<semaphore_mem>>)
      %dma_wait3A_1393 = tpu.memref_slice %arg5[%mul3A_2] : memref<65536xi32, #tpu.memory_space<hbm>> -> memref<2048xi32, #tpu.memory_space<hbm>>
      %dma_wait3A_1394 = tpu.memref_slice %arg5[%mul3A_2] : memref<65536xi32, #tpu.memory_space<hbm>> -> memref<2048xi32, #tpu.memory_space<hbm>>
      tpu.wait_dma2 semaphore(%run_scoped3A_1390 : memref<!tpu.dma_semaphore, #tpu.memory_space<semaphore_mem>>) src(%dma_wait3A_1394 : memref<2048xi32, #tpu.memory_space<hbm>>) dst(%arg14 : memref<2048xi32, #tpu.memory_space<vmem>>)
      tpu.yield
    }) : () -> ()
    "tpu.region"() ({
      %run_scoped3A_1390 = tpu.sem_alloc : memref<!tpu.dma_semaphore, #tpu.memory_space<semaphore_mem>>
      %dma_start3A_1391 = tpu.memref_slice %arg6[%mul3A_2] : memref<65536xi32, #tpu.memory_space<hbm>> -> memref<2048xi32, #tpu.memory_space<hbm>>
      %dma_start3A_1392 = tpu.memref_slice %arg6[%mul3A_2] : memref<65536xi32, #tpu.memory_space<hbm>> -> memref<2048xi32, #tpu.memory_space<hbm>>
      tpu.enqueue_dma source(%dma_start3A_1392 : memref<2048xi32, #tpu.memory_space<hbm>>) target(%arg15 : memref<2048xi32, #tpu.memory_space<vmem>>) target_semaphore(%run_scoped3A_1390 : memref<!tpu.dma_semaphore, #tpu.memory_space<semaphore_mem>>)
      %dma_wait3A_1393 = tpu.memref_slice %arg6[%mul3A_2] : memref<65536xi32, #tpu.memory_space<hbm>> -> memref<2048xi32, #tpu.memory_space<hbm>>
      %dma_wait3A_1394 = tpu.memref_slice %arg6[%mul3A_2] : memref<65536xi32, #tpu.memory_space<hbm>> -> memref<2048xi32, #tpu.memory_space<hbm>>
      tpu.wait_dma2 semaphore(%run_scoped3A_1390 : memref<!tpu.dma_semaphore, #tpu.memory_space<semaphore_mem>>) src(%dma_wait3A_1394 : memref<2048xi32, #tpu.memory_space<hbm>>) dst(%arg15 : memref<2048xi32, #tpu.memory_space<vmem>>)
      tpu.yield
    }) : () -> ()
    "tpu.region"() ({
      %run_scoped3A_1390 = tpu.sem_alloc : memref<!tpu.dma_semaphore, #tpu.memory_space<semaphore_mem>>
      %dma_start3A_1391 = arith.constant 0 : i32
      %dma_start3A_1392 = tpu.memref_slice %arg7[%add3A, %dma_start3A_1391] : memref<32x1024xi32, #tpu.memory_space<hbm>> -> memref<1x1024xi32, #tpu.memory_space<hbm>>
      %dma_start3A_1393 = tpu.memref_squeeze %dma_start3A_1392 : memref<1x1024xi32, #tpu.memory_space<hbm>> -> memref<1024xi32, #tpu.memory_space<hbm>>
      %dma_start3A_1394 = arith.constant 0 : i32
      %dma_start3A_1395 = tpu.memref_slice %arg7[%add3A, %dma_start3A_1394] : memref<32x1024xi32, #tpu.memory_space<hbm>> -> memref<1x1024xi32, #tpu.memory_space<hbm>>
      %dma_start3A_1396 = tpu.memref_squeeze %dma_start3A_1395 : memref<1x1024xi32, #tpu.memory_space<hbm>> -> memref<1024xi32, #tpu.memory_space<hbm>>
      tpu.enqueue_dma source(%dma_start3A_1396 : memref<1024xi32, #tpu.memory_space<hbm>>) target(%arg16 : memref<1024xi32, #tpu.memory_space<vmem>>) target_semaphore(%run_scoped3A_1390 : memref<!tpu.dma_semaphore, #tpu.memory_space<semaphore_mem>>)
      %dma_wait3A_1397 = arith.constant 0 : i32
      %dma_wait3A_1398 = tpu.memref_slice %arg7[%add3A, %dma_wait3A_1397] : memref<32x1024xi32, #tpu.memory_space<hbm>> -> memref<1x1024xi32, #tpu.memory_space<hbm>>
      %dma_wait3A_1399 = tpu.memref_squeeze %dma_wait3A_1398 : memref<1x1024xi32, #tpu.memory_space<hbm>> -> memref<1024xi32, #tpu.memory_space<hbm>>
      %dma_wait3A_1400 = arith.constant 0 : i32
      %dma_wait3A_1401 = tpu.memref_slice %arg7[%add3A, %dma_wait3A_1400] : memref<32x1024xi32, #tpu.memory_space<hbm>> -> memref<1x1024xi32, #tpu.memory_space<hbm>>
      %dma_wait3A_1402 = tpu.memref_squeeze %dma_wait3A_1401 : memref<1x1024xi32, #tpu.memory_space<hbm>> -> memref<1024xi32, #tpu.memory_space<hbm>>
      tpu.wait_dma2 semaphore(%run_scoped3A_1390 : memref<!tpu.dma_semaphore, #tpu.memory_space<semaphore_mem>>) src(%dma_wait3A_1402 : memref<1024xi32, #tpu.memory_space<hbm>>) dst(%arg16 : memref<1024xi32, #tpu.memory_space<vmem>>)
      tpu.yield
    }) : () -> ()
    "tpu.region"() ({
      %run_scoped3A_1390 = tpu.sem_alloc : memref<!tpu.dma_semaphore, #tpu.memory_space<semaphore_mem>>
      %dma_start3A_1391 = arith.constant 0 : i32
      %dma_start3A_1392 = tpu.memref_slice %arg8[%add3A, %dma_start3A_1391] : memref<32x1024xi32, #tpu.memory_space<hbm>> -> memref<1x1024xi32, #tpu.memory_space<hbm>>
      %dma_start3A_1393 = tpu.memref_squeeze %dma_start3A_1392 : memref<1x1024xi32, #tpu.memory_space<hbm>> -> memref<1024xi32, #tpu.memory_space<hbm>>
      %dma_start3A_1394 = arith.constant 0 : i32
      %dma_start3A_1395 = tpu.memref_slice %arg8[%add3A, %dma_start3A_1394] : memref<32x1024xi32, #tpu.memory_space<hbm>> -> memref<1x1024xi32, #tpu.memory_space<hbm>>
      %dma_start3A_1396 = tpu.memref_squeeze %dma_start3A_1395 : memref<1x1024xi32, #tpu.memory_space<hbm>> -> memref<1024xi32, #tpu.memory_space<hbm>>
      tpu.enqueue_dma source(%dma_start3A_1396 : memref<1024xi32, #tpu.memory_space<hbm>>) target(%arg17 : memref<1024xi32, #tpu.memory_space<vmem>>) target_semaphore(%run_scoped3A_1390 : memref<!tpu.dma_semaphore, #tpu.memory_space<semaphore_mem>>)
      %dma_wait3A_1397 = arith.constant 0 : i32
      %dma_wait3A_1398 = tpu.memref_slice %arg8[%add3A, %dma_wait3A_1397] : memref<32x1024xi32, #tpu.memory_space<hbm>> -> memref<1x1024xi32, #tpu.memory_space<hbm>>
      %dma_wait3A_1399 = tpu.memref_squeeze %dma_wait3A_1398 : memref<1x1024xi32, #tpu.memory_space<hbm>> -> memref<1024xi32, #tpu.memory_space<hbm>>
      %dma_wait3A_1400 = arith.constant 0 : i32
      %dma_wait3A_1401 = tpu.memref_slice %arg8[%add3A, %dma_wait3A_1400] : memref<32x1024xi32, #tpu.memory_space<hbm>> -> memref<1x1024xi32, #tpu.memory_space<hbm>>
      %dma_wait3A_1402 = tpu.memref_squeeze %dma_wait3A_1401 : memref<1x1024xi32, #tpu.memory_space<hbm>> -> memref<1024xi32, #tpu.memory_space<hbm>>
      tpu.wait_dma2 semaphore(%run_scoped3A_1390 : memref<!tpu.dma_semaphore, #tpu.memory_space<semaphore_mem>>) src(%dma_wait3A_1402 : memref<1024xi32, #tpu.memory_space<hbm>>) dst(%arg17 : memref<1024xi32, #tpu.memory_space<vmem>>)
      tpu.yield
    }) : () -> ()
    %run_scoped3A = arith.constant 0 : i32
    "tpu.region"() ({
      %run_scoped3A_1390 = tpu.sem_alloc : memref<!tpu.dma_semaphore, #tpu.memory_space<semaphore_mem>>
      %dma_start3A_1391 = arith.constant 0 : i32
      %dma_start3A_1392 = tpu.memref_slice %arg9[%run_scoped3A, %dma_start3A_1391] : memref<8x1024xi32, #tpu.memory_space<hbm>> -> memref<1x1024xi32, #tpu.memory_space<hbm>>
      %dma_start3A_1393 = tpu.memref_squeeze %dma_start3A_1392 : memref<1x1024xi32, #tpu.memory_space<hbm>> -> memref<1024xi32, #tpu.memory_space<hbm>>
      %dma_start3A_1394 = arith.constant 0 : i32
      %dma_start3A_1395 = tpu.memref_slice %arg9[%run_scoped3A, %dma_start3A_1394] : memref<8x1024xi32, #tpu.memory_space<hbm>> -> memref<1x1024xi32, #tpu.memory_space<hbm>>
      %dma_start3A_1396 = tpu.memref_squeeze %dma_start3A_1395 : memref<1x1024xi32, #tpu.memory_space<hbm>> -> memref<1024xi32, #tpu.memory_space<hbm>>
      tpu.enqueue_dma source(%dma_start3A_1396 : memref<1024xi32, #tpu.memory_space<hbm>>) target(%arg18 : memref<1024xi32, #tpu.memory_space<vmem>>) target_semaphore(%run_scoped3A_1390 : memref<!tpu.dma_semaphore, #tpu.memory_space<semaphore_mem>>)
      %dma_wait3A_1397 = arith.constant 0 : i32
      %dma_wait3A_1398 = tpu.memref_slice %arg9[%run_scoped3A, %dma_wait3A_1397] : memref<8x1024xi32, #tpu.memory_space<hbm>> -> memref<1x1024xi32, #tpu.memory_space<hbm>>
      %dma_wait3A_1399 = tpu.memref_squeeze %dma_wait3A_1398 : memref<1x1024xi32, #tpu.memory_space<hbm>> -> memref<1024xi32, #tpu.memory_space<hbm>>
      %dma_wait3A_1400 = arith.constant 0 : i32
      %dma_wait3A_1401 = tpu.memref_slice %arg9[%run_scoped3A, %dma_wait3A_1400] : memref<8x1024xi32, #tpu.memory_space<hbm>> -> memref<1x1024xi32, #tpu.memory_space<hbm>>
      %dma_wait3A_1402 = tpu.memref_squeeze %dma_wait3A_1401 : memref<1x1024xi32, #tpu.memory_space<hbm>> -> memref<1024xi32, #tpu.memory_space<hbm>>
      tpu.wait_dma2 semaphore(%run_scoped3A_1390 : memref<!tpu.dma_semaphore, #tpu.memory_space<semaphore_mem>>) src(%dma_wait3A_1402 : memref<1024xi32, #tpu.memory_space<hbm>>) dst(%arg18 : memref<1024xi32, #tpu.memory_space<vmem>>)
      tpu.yield
    }) : () -> ()
    %iota3A = tpu.iota {dimensions = array<i32: 0>} : vector<16xi32>
    %scan3A = arith.constant 0 : i32
    %scan3A_3 = arith.constant 0 : i32
    %scan3A_4 = arith.constant 128 : i32
    %scan3A_5 = arith.addi %scan3A_3, %scan3A_4 : i32
    %scan3A_6 = arith.constant 1 : i32
    %scan3A_7 = scf.for %scan3A_1390 = %scan3A_3 to %scan3A_5 step %scan3A_6 iter_args(%scan3A_1391 = %scan3A) -> (i32)  : i32 {
      %mul3A_1392 = arith.constant 16 : i32
      %mul3A_1393 = arith.muli %scan3A_1390, %mul3A_1392 : i32
      %jit3A = arith.constant 8 : i32
      %div3A = arith.divsi %scan3A_1390, %jit3A : i32
      %sign3A = arith.constant 0 : i32
      %sign3A_1394 = arith.cmpi sgt, %scan3A_1390, %sign3A : i32
      %sign3A_1395 = arith.extui %sign3A_1394 : i1 to i32
      %sign3A_1396 = arith.constant 0 : i32
      %sign3A_1397 = arith.cmpi slt, %scan3A_1390, %sign3A_1396 : i32
      %sign3A_1398 = arith.extui %sign3A_1397 : i1 to i32
      %sign3A_1399 = arith.subi %sign3A_1395, %sign3A_1398 : i32
      %sign3A_1400 = arith.constant 0 : i32
      %sign3A_1401 = arith.cmpi sgt, %jit3A, %sign3A_1400 : i32
      %sign3A_1402 = arith.extui %sign3A_1401 : i1 to i32
      %sign3A_1403 = arith.constant 0 : i32
      %sign3A_1404 = arith.cmpi slt, %jit3A, %sign3A_1403 : i32
      %sign3A_1405 = arith.extui %sign3A_1404 : i1 to i32
      %sign3A_1406 = arith.subi %sign3A_1402, %sign3A_1405 : i32
      %ne3A = arith.cmpi ne, %sign3A_1399, %sign3A_1406 : i32
      %rem3A = arith.remsi %scan3A_1390, %jit3A : i32
      %ne3A_1407 = arith.constant 0 : i32
      %ne3A_1408 = arith.cmpi ne, %rem3A, %ne3A_1407 : i32
      %and3A = arith.andi %ne3A, %ne3A_1408 : i1
      %sub3A = arith.constant 1 : i32
      %sub3A_1409 = arith.subi %div3A, %sub3A : i32
      %select_n3A = arith.select %and3A, %sub3A_1409, %div3A : i32
      %jit3A_1410 = arith.constant 8 : i32
      %eq3A = arith.constant 0 : i32
      %eq3A_1411 = arith.cmpi eq, %jit3A_1410, %eq3A : i32
      %jit3A_1412 = arith.constant 1 : i32
      %select_n3A_1413 = arith.select %eq3A_1411, %jit3A_1412, %jit3A_1410 : i32
      %rem3A_1414 = arith.remsi %scan3A_1390, %select_n3A_1413 : i32
      %ne3A_1415 = arith.constant 0 : i32
      %ne3A_1416 = arith.cmpi ne, %rem3A_1414, %ne3A_1415 : i32
      %lt3A = arith.constant 0 : i32
      %lt3A_1417 = arith.cmpi slt, %rem3A_1414, %lt3A : i32
      %lt3A_1418 = arith.constant 0 : i32
      %lt3A_1419 = arith.cmpi slt, %select_n3A_1413, %lt3A_1418 : i32
      %ne3A_1420 = arith.xori %lt3A_1417, %lt3A_1419 : i1
      %and3A_1421 = arith.andi %ne3A_1420, %ne3A_1416 : i1
      %add3A_1422 = arith.addi %rem3A_1414, %select_n3A_1413 : i32
      %select_n3A_1423 = arith.select %and3A_1421, %add3A_1422, %rem3A_1414 : i32
      %mul3A_1424 = arith.constant 16 : i32
      %mul3A_1425 = arith.muli %select_n3A_1423, %mul3A_1424 : i32
      %get3A = arith.index_cast %mul3A_1393 : i32 to index
      %get3A_1426 = tpu.vector_load %arg13[%get3A] {strides = array<i32>} : memref<2048xi32, #tpu.memory_space<vmem>>, vector<16xi32>,
      %get3A_1427 = arith.index_cast %mul3A_1393 : i32 to index
      %get3A_1428 = tpu.vector_load %arg14[%get3A_1427] {strides = array<i32>} : memref<2048xi32, #tpu.memory_space<vmem>>, vector<16xi32>,
      %get3A_1429 = arith.index_cast %mul3A_1393 : i32 to index
      %get3A_1430 = tpu.vector_load %arg15[%get3A_1429] {strides = array<i32>} : memref<2048xi32, #tpu.memory_space<vmem>>, vector<16xi32>,
      %gather3A = tpu.vector_load_idx %arg16[%get3A_1426] : memref<1024xi32, #tpu.memory_space<vmem>>[vector<16xi32>], vector<16xi32>,
      %add3A_1431 = arith.addi %gather3A, %get3A_1428 : vector<16xi32>
      %ge3A = arith.constant 0 : i32
      %ge3A_1432 = vector.broadcast %ge3A : i32 to vector<16xi32>
      %ge3A_1433 = arith.cmpi sge, %get3A_1430, %ge3A_1432 : vector<16xi32>
      %gather3A_1434 = tpu.vector_load_idx %arg17[%get3A_1426] : memref<1024xi32, #tpu.memory_space<vmem>>[vector<16xi32>], vector<16xi32>,
      %select_n3A_1435 = arith.select %ge3A_1433, %get3A_1430, %gather3A_1434 : vector<16xi1>, vector<16xi32>
      %swap3A = arith.index_cast %select_n3A : i32 to index
      %swap3A_1436 = arith.index_cast %mul3A_1425 : i32 to index
      %swap3A_1437 = tpu.vector_load %arg19[%swap3A, %swap3A_1436] {strides = array<i32>} : memref<16x128xi32, #tpu.memory_space<vmem>>, vector<16xi32>,
      tpu.vector_store %arg19[%swap3A, %swap3A_1436], %add3A_1431 {strides = array<i32>} : memref<16x128xi32, #tpu.memory_space<vmem>>, vector<16xi32>,
      %swap3A_1438 = arith.index_cast %select_n3A : i32 to index
      %swap3A_1439 = arith.index_cast %mul3A_1425 : i32 to index
      %swap3A_1440 = tpu.vector_load %arg20[%swap3A_1438, %swap3A_1439] {strides = array<i32>} : memref<16x128xi32, #tpu.memory_space<vmem>>, vector<16xi32>,
      tpu.vector_store %arg20[%swap3A_1438, %swap3A_1439], %select_n3A_1435 {strides = array<i32>} : memref<16x128xi32, #tpu.memory_space<vmem>>, vector<16xi32>,
      %scan3A_1441 = arith.constant 0 : i32
      scf.yield %scan3A_1441 : i32
    }
    %scan3A_8 = arith.constant 128 : i32
    %dma_start3A = arith.constant 0 : i32
    %dma_start3A_9 = arith.constant 0 : i32
    %dma_start3A_10 = arith.constant 0 : i32
    %dma_start3A_11 = tpu.memref_slice %arg21[%dma_start3A_9, %dma_start3A_10] : memref<16x128xi32, #tpu.memory_space<vmem>> -> memref<1x128xi32, #tpu.memory_space<vmem>>
    %dma_start3A_12 = tpu.memref_squeeze %dma_start3A_11 : memref<1x128xi32, #tpu.memory_space<vmem>> -> memref<128xi32, #tpu.memory_space<vmem>>
    %dma_start3A_13 = arith.constant 0 : i32
    %dma_start3A_14 = tpu.memref_slice %arg19[%dma_start3A, %dma_start3A_13] : memref<16x128xi32, #tpu.memory_space<vmem>> -> memref<1x128xi32, #tpu.memory_space<vmem>>
    %dma_start3A_15 = tpu.memref_squeeze %dma_start3A_14 : memref<1x128xi32, #tpu.memory_space<vmem>> -> memref<128xi32, #tpu.memory_space<vmem>>
    %dma_start3A_16 = arith.constant 0 : i32
    %dma_start3A_17 = tpu.memref_slice %arg4[%dma_start3A_16] : memref<65536xi32, #tpu.memory_space<hbm>> -> memref<65536xi32, #tpu.memory_space<hbm>>
    tpu.enqueue_indirect_dma source(%dma_start3A_17 : memref<65536xi32, #tpu.memory_space<hbm>>) target(%dma_start3A_12 : memref<128xi32, #tpu.memory_space<vmem>>) offsets(%dma_start3A_15 : memref<128xi32, #tpu.memory_space<vmem>>) semaphore(%arg28 : memref<!tpu.dma_semaphore, #tpu.memory_space<semaphore_mem>>)
    %dma_start3A_18 = arith.constant 1 : i32
    %dma_start3A_19 = arith.constant 1 : i32
    %dma_start3A_20 = arith.constant 0 : i32
    %dma_start3A_21 = tpu.memref_slice %arg21[%dma_start3A_19, %dma_start3A_20] : memref<16x128xi32, #tpu.memory_space<vmem>> -> memref<1x128xi32, #tpu.memory_space<vmem>>
    %dma_start3A_22 = tpu.memref_squeeze %dma_start3A_21 : memref<1x128xi32, #tpu.memory_space<vmem>> -> memref<128xi32, #tpu.memory_space<vmem>>
    %dma_start3A_23 = arith.constant 0 : i32
    %dma_start3A_24 = tpu.memref_slice %arg19[%dma_start3A_18, %dma_start3A_23] : memref<16x128xi32, #tpu.memory_space<vmem>> -> memref<1x128xi32, #tpu.memory_space<vmem>>
    %dma_start3A_25 = tpu.memref_squeeze %dma_start3A_24 : memref<1x128xi32, #tpu.memory_space<vmem>> -> memref<128xi32, #tpu.memory_space<vmem>>
    %dma_start3A_26 = arith.constant 0 : i32
    %dma_start3A_27 = tpu.memref_slice %arg4[%dma_start3A_26] : memref<65536xi32, #tpu.memory_space<hbm>> -> memref<65536xi32, #tpu.memory_space<hbm>>
    tpu.enqueue_indirect_dma source(%dma_start3A_27 : memref<65536xi32, #tpu.memory_space<hbm>>) target(%dma_start3A_22 : memref<128xi32, #tpu.memory_space<vmem>>) offsets(%dma_start3A_25 : memref<128xi32, #tpu.memory_space<vmem>>) semaphore(%arg28 : memref<!tpu.dma_semaphore, #tpu.memory_space<semaphore_mem>>)
    %dma_start3A_28 = arith.constant 2 : i32
    %dma_start3A_29 = arith.constant 2 : i32
    %dma_start3A_30 = arith.constant 0 : i32
    %dma_start3A_31 = tpu.memref_slice %arg21[%dma_start3A_29, %dma_start3A_30] : memref<16x128xi32, #tpu.memory_space<vmem>> -> memref<1x128xi32, #tpu.memory_space<vmem>>
    %dma_start3A_32 = tpu.memref_squeeze %dma_start3A_31 : memref<1x128xi32, #tpu.memory_space<vmem>> -> memref<128xi32, #tpu.memory_space<vmem>>
    %dma_start3A_33 = arith.constant 0 : i32
    %dma_start3A_34 = tpu.memref_slice %arg19[%dma_start3A_28, %dma_start3A_33] : memref<16x128xi32, #tpu.memory_space<vmem>> -> memref<1x128xi32, #tpu.memory_space<vmem>>
    %dma_start3A_35 = tpu.memref_squeeze %dma_start3A_34 : memref<1x128xi32, #tpu.memory_space<vmem>> -> memref<128xi32, #tpu.memory_space<vmem>>
    %dma_start3A_36 = arith.constant 0 : i32
    %dma_start3A_37 = tpu.memref_slice %arg4[%dma_start3A_36] : memref<65536xi32, #tpu.memory_space<hbm>> -> memref<65536xi32, #tpu.memory_space<hbm>>
    tpu.enqueue_indirect_dma source(%dma_start3A_37 : memref<65536xi32, #tpu.memory_space<hbm>>) target(%dma_start3A_32 : memref<128xi32, #tpu.memory_space<vmem>>) offsets(%dma_start3A_35 : memref<128xi32, #tpu.memory_space<vmem>>) semaphore(%arg28 : memref<!tpu.dma_semaphore, #tpu.memory_space<semaphore_mem>>)
    %dma_start3A_38 = arith.constant 3 : i32
    %dma_start3A_39 = arith.constant 3 : i32
    %dma_start3A_40 = arith.constant 0 : i32
    %dma_start3A_41 = tpu.memref_slice %arg21[%dma_start3A_39, %dma_start3A_40] : memref<16x128xi32, #tpu.memory_space<vmem>> -> memref<1x128xi32, #tpu.memory_space<vmem>>
    %dma_start3A_42 = tpu.memref_squeeze %dma_start3A_41 : memref<1x128xi32, #tpu.memory_space<vmem>> -> memref<128xi32, #tpu.memory_space<vmem>>
    %dma_start3A_43 = arith.constant 0 : i32
    %dma_start3A_44 = tpu.memref_slice %arg19[%dma_start3A_38, %dma_start3A_43] : memref<16x128xi32, #tpu.memory_space<vmem>> -> memref<1x128xi32, #tpu.memory_space<vmem>>
    %dma_start3A_45 = tpu.memref_squeeze %dma_start3A_44 : memref<1x128xi32, #tpu.memory_space<vmem>> -> memref<128xi32, #tpu.memory_space<vmem>>
    %dma_start3A_46 = arith.constant 0 : i32
    %dma_start3A_47 = tpu.memref_slice %arg4[%dma_start3A_46] : memref<65536xi32, #tpu.memory_space<hbm>> -> memref<65536xi32, #tpu.memory_space<hbm>>
    tpu.enqueue_indirect_dma source(%dma_start3A_47 : memref<65536xi32, #tpu.memory_space<hbm>>) target(%dma_start3A_42 : memref<128xi32, #tpu.memory_space<vmem>>) offsets(%dma_start3A_45 : memref<128xi32, #tpu.memory_space<vmem>>) semaphore(%arg28 : memref<!tpu.dma_semaphore, #tpu.memory_space<semaphore_mem>>)
    %dma_start3A_48 = arith.constant 4 : i32
    %dma_start3A_49 = arith.constant 4 : i32
    %dma_start3A_50 = arith.constant 0 : i32
    %dma_start3A_51 = tpu.memref_slice %arg21[%dma_start3A_49, %dma_start3A_50] : memref<16x128xi32, #tpu.memory_space<vmem>> -> memref<1x128xi32, #tpu.memory_space<vmem>>
    %dma_start3A_52 = tpu.memref_squeeze %dma_start3A_51 : memref<1x128xi32, #tpu.memory_space<vmem>> -> memref<128xi32, #tpu.memory_space<vmem>>
    %dma_start3A_53 = arith.constant 0 : i32
    %dma_start3A_54 = tpu.memref_slice %arg19[%dma_start3A_48, %dma_start3A_53] : memref<16x128xi32, #tpu.memory_space<vmem>> -> memref<1x128xi32, #tpu.memory_space<vmem>>
    %dma_start3A_55 = tpu.memref_squeeze %dma_start3A_54 : memref<1x128xi32, #tpu.memory_space<vmem>> -> memref<128xi32, #tpu.memory_space<vmem>>
    %dma_start3A_56 = arith.constant 0 : i32
    %dma_start3A_57 = tpu.memref_slice %arg4[%dma_start3A_56] : memref<65536xi32, #tpu.memory_space<hbm>> -> memref<65536xi32, #tpu.memory_space<hbm>>
    tpu.enqueue_indirect_dma source(%dma_start3A_57 : memref<65536xi32, #tpu.memory_space<hbm>>) target(%dma_start3A_52 : memref<128xi32, #tpu.memory_space<vmem>>) offsets(%dma_start3A_55 : memref<128xi32, #tpu.memory_space<vmem>>) semaphore(%arg28 : memref<!tpu.dma_semaphore, #tpu.memory_space<semaphore_mem>>)
    %dma_start3A_58 = arith.constant 5 : i32
    %dma_start3A_59 = arith.constant 5 : i32
    %dma_start3A_60 = arith.constant 0 : i32
    %dma_start3A_61 = tpu.memref_slice %arg21[%dma_start3A_59, %dma_start3A_60] : memref<16x128xi32, #tpu.memory_space<vmem>> -> memref<1x128xi32, #tpu.memory_space<vmem>>
    %dma_start3A_62 = tpu.memref_squeeze %dma_start3A_61 : memref<1x128xi32, #tpu.memory_space<vmem>> -> memref<128xi32, #tpu.memory_space<vmem>>
    %dma_start3A_63 = arith.constant 0 : i32
    %dma_start3A_64 = tpu.memref_slice %arg19[%dma_start3A_58, %dma_start3A_63] : memref<16x128xi32, #tpu.memory_space<vmem>> -> memref<1x128xi32, #tpu.memory_space<vmem>>
    %dma_start3A_65 = tpu.memref_squeeze %dma_start3A_64 : memref<1x128xi32, #tpu.memory_space<vmem>> -> memref<128xi32, #tpu.memory_space<vmem>>
    %dma_start3A_66 = arith.constant 0 : i32
    %dma_start3A_67 = tpu.memref_slice %arg4[%dma_start3A_66] : memref<65536xi32, #tpu.memory_space<hbm>> -> memref<65536xi32, #tpu.memory_space<hbm>>
    tpu.enqueue_indirect_dma source(%dma_start3A_67 : memref<65536xi32, #tpu.memory_space<hbm>>) target(%dma_start3A_62 : memref<128xi32, #tpu.memory_space<vmem>>) offsets(%dma_start3A_65 : memref<128xi32, #tpu.memory_space<vmem>>) semaphore(%arg28 : memref<!tpu.dma_semaphore, #tpu.memory_space<semaphore_mem>>)
    %dma_start3A_68 = arith.constant 6 : i32
    %dma_start3A_69 = arith.constant 6 : i32
    %dma_start3A_70 = arith.constant 0 : i32
    %dma_start3A_71 = tpu.memref_slice %arg21[%dma_start3A_69, %dma_start3A_70] : memref<16x128xi32, #tpu.memory_space<vmem>> -> memref<1x128xi32, #tpu.memory_space<vmem>>
    %dma_start3A_72 = tpu.memref_squeeze %dma_start3A_71 : memref<1x128xi32, #tpu.memory_space<vmem>> -> memref<128xi32, #tpu.memory_space<vmem>>
    %dma_start3A_73 = arith.constant 0 : i32
    %dma_start3A_74 = tpu.memref_slice %arg19[%dma_start3A_68, %dma_start3A_73] : memref<16x128xi32, #tpu.memory_space<vmem>> -> memref<1x128xi32, #tpu.memory_space<vmem>>
    %dma_start3A_75 = tpu.memref_squeeze %dma_start3A_74 : memref<1x128xi32, #tpu.memory_space<vmem>> -> memref<128xi32, #tpu.memory_space<vmem>>
    %dma_start3A_76 = arith.constant 0 : i32
    %dma_start3A_77 = tpu.memref_slice %arg4[%dma_start3A_76] : memref<65536xi32, #tpu.memory_space<hbm>> -> memref<65536xi32, #tpu.memory_space<hbm>>
    tpu.enqueue_indirect_dma source(%dma_start3A_77 : memref<65536xi32, #tpu.memory_space<hbm>>) target(%dma_start3A_72 : memref<128xi32, #tpu.memory_space<vmem>>) offsets(%dma_start3A_75 : memref<128xi32, #tpu.memory_space<vmem>>) semaphore(%arg28 : memref<!tpu.dma_semaphore, #tpu.memory_space<semaphore_mem>>)
    %dma_start3A_78 = arith.constant 7 : i32
    %dma_start3A_79 = arith.constant 7 : i32
    %dma_start3A_80 = arith.constant 0 : i32
    %dma_start3A_81 = tpu.memref_slice %arg21[%dma_start3A_79, %dma_start3A_80] : memref<16x128xi32, #tpu.memory_space<vmem>> -> memref<1x128xi32, #tpu.memory_space<vmem>>
    %dma_start3A_82 = tpu.memref_squeeze %dma_start3A_81 : memref<1x128xi32, #tpu.memory_space<vmem>> -> memref<128xi32, #tpu.memory_space<vmem>>
    %dma_start3A_83 = arith.constant 0 : i32
    %dma_start3A_84 = tpu.memref_slice %arg19[%dma_start3A_78, %dma_start3A_83] : memref<16x128xi32, #tpu.memory_space<vmem>> -> memref<1x128xi32, #tpu.memory_space<vmem>>
    %dma_start3A_85 = tpu.memref_squeeze %dma_start3A_84 : memref<1x128xi32, #tpu.memory_space<vmem>> -> memref<128xi32, #tpu.memory_space<vmem>>
    %dma_start3A_86 = arith.constant 0 : i32
    %dma_start3A_87 = tpu.memref_slice %arg4[%dma_start3A_86] : memref<65536xi32, #tpu.memory_space<hbm>> -> memref<65536xi32, #tpu.memory_space<hbm>>
    tpu.enqueue_indirect_dma source(%dma_start3A_87 : memref<65536xi32, #tpu.memory_space<hbm>>) target(%dma_start3A_82 : memref<128xi32, #tpu.memory_space<vmem>>) offsets(%dma_start3A_85 : memref<128xi32, #tpu.memory_space<vmem>>) semaphore(%arg28 : memref<!tpu.dma_semaphore, #tpu.memory_space<semaphore_mem>>)
    %dma_start3A_88 = arith.constant 8 : i32
    %dma_start3A_89 = arith.constant 8 : i32
    %dma_start3A_90 = arith.constant 0 : i32
    %dma_start3A_91 = tpu.memref_slice %arg21[%dma_start3A_89, %dma_start3A_90] : memref<16x128xi32, #tpu.memory_space<vmem>> -> memref<1x128xi32, #tpu.memory_space<vmem>>
    %dma_start3A_92 = tpu.memref_squeeze %dma_start3A_91 : memref<1x128xi32, #tpu.memory_space<vmem>> -> memref<128xi32, #tpu.memory_space<vmem>>
    %dma_start3A_93 = arith.constant 0 : i32
    %dma_start3A_94 = tpu.memref_slice %arg19[%dma_start3A_88, %dma_start3A_93] : memref<16x128xi32, #tpu.memory_space<vmem>> -> memref<1x128xi32, #tpu.memory_space<vmem>>
    %dma_start3A_95 = tpu.memref_squeeze %dma_start3A_94 : memref<1x128xi32, #tpu.memory_space<vmem>> -> memref<128xi32, #tpu.memory_space<vmem>>
    %dma_start3A_96 = arith.constant 0 : i32
    %dma_start3A_97 = tpu.memref_slice %arg4[%dma_start3A_96] : memref<65536xi32, #tpu.memory_space<hbm>> -> memref<65536xi32, #tpu.memory_space<hbm>>
    tpu.enqueue_indirect_dma source(%dma_start3A_97 : memref<65536xi32, #tpu.memory_space<hbm>>) target(%dma_start3A_92 : memref<128xi32, #tpu.memory_space<vmem>>) offsets(%dma_start3A_95 : memref<128xi32, #tpu.memory_space<vmem>>) semaphore(%arg28 : memref<!tpu.dma_semaphore, #tpu.memory_space<semaphore_mem>>)
    %dma_start3A_98 = arith.constant 9 : i32
    %dma_start3A_99 = arith.constant 9 : i32
    %dma_start3A_100 = arith.constant 0 : i32
    %dma_start3A_101 = tpu.memref_slice %arg21[%dma_start3A_99, %dma_start3A_100] : memref<16x128xi32, #tpu.memory_space<vmem>> -> memref<1x128xi32, #tpu.memory_space<vmem>>
    %dma_start3A_102 = tpu.memref_squeeze %dma_start3A_101 : memref<1x128xi32, #tpu.memory_space<vmem>> -> memref<128xi32, #tpu.memory_space<vmem>>
    %dma_start3A_103 = arith.constant 0 : i32
    %dma_start3A_104 = tpu.memref_slice %arg19[%dma_start3A_98, %dma_start3A_103] : memref<16x128xi32, #tpu.memory_space<vmem>> -> memref<1x128xi32, #tpu.memory_space<vmem>>
    %dma_start3A_105 = tpu.memref_squeeze %dma_start3A_104 : memref<1x128xi32, #tpu.memory_space<vmem>> -> memref<128xi32, #tpu.memory_space<vmem>>
    %dma_start3A_106 = arith.constant 0 : i32
    %dma_start3A_107 = tpu.memref_slice %arg4[%dma_start3A_106] : memref<65536xi32, #tpu.memory_space<hbm>> -> memref<65536xi32, #tpu.memory_space<hbm>>
    tpu.enqueue_indirect_dma source(%dma_start3A_107 : memref<65536xi32, #tpu.memory_space<hbm>>) target(%dma_start3A_102 : memref<128xi32, #tpu.memory_space<vmem>>) offsets(%dma_start3A_105 : memref<128xi32, #tpu.memory_space<vmem>>) semaphore(%arg28 : memref<!tpu.dma_semaphore, #tpu.memory_space<semaphore_mem>>)
    %dma_start3A_108 = arith.constant 10 : i32
    %dma_start3A_109 = arith.constant 10 : i32
    %dma_start3A_110 = arith.constant 0 : i32
    %dma_start3A_111 = tpu.memref_slice %arg21[%dma_start3A_109, %dma_start3A_110] : memref<16x128xi32, #tpu.memory_space<vmem>> -> memref<1x128xi32, #tpu.memory_space<vmem>>
    %dma_start3A_112 = tpu.memref_squeeze %dma_start3A_111 : memref<1x128xi32, #tpu.memory_space<vmem>> -> memref<128xi32, #tpu.memory_space<vmem>>
    %dma_start3A_113 = arith.constant 0 : i32
    %dma_start3A_114 = tpu.memref_slice %arg19[%dma_start3A_108, %dma_start3A_113] : memref<16x128xi32, #tpu.memory_space<vmem>> -> memref<1x128xi32, #tpu.memory_space<vmem>>
    %dma_start3A_115 = tpu.memref_squeeze %dma_start3A_114 : memref<1x128xi32, #tpu.memory_space<vmem>> -> memref<128xi32, #tpu.memory_space<vmem>>
    %dma_start3A_116 = arith.constant 0 : i32
    %dma_start3A_117 = tpu.memref_slice %arg4[%dma_start3A_116] : memref<65536xi32, #tpu.memory_space<hbm>> -> memref<65536xi32, #tpu.memory_space<hbm>>
    tpu.enqueue_indirect_dma source(%dma_start3A_117 : memref<65536xi32, #tpu.memory_space<hbm>>) target(%dma_start3A_112 : memref<128xi32, #tpu.memory_space<vmem>>) offsets(%dma_start3A_115 : memref<128xi32, #tpu.memory_space<vmem>>) semaphore(%arg28 : memref<!tpu.dma_semaphore, #tpu.memory_space<semaphore_mem>>)
    %dma_start3A_118 = arith.constant 11 : i32
    %dma_start3A_119 = arith.constant 11 : i32
    %dma_start3A_120 = arith.constant 0 : i32
    %dma_start3A_121 = tpu.memref_slice %arg21[%dma_start3A_119, %dma_start3A_120] : memref<16x128xi32, #tpu.memory_space<vmem>> -> memref<1x128xi32, #tpu.memory_space<vmem>>
    %dma_start3A_122 = tpu.memref_squeeze %dma_start3A_121 : memref<1x128xi32, #tpu.memory_space<vmem>> -> memref<128xi32, #tpu.memory_space<vmem>>
    %dma_start3A_123 = arith.constant 0 : i32
    %dma_start3A_124 = tpu.memref_slice %arg19[%dma_start3A_118, %dma_start3A_123] : memref<16x128xi32, #tpu.memory_space<vmem>> -> memref<1x128xi32, #tpu.memory_space<vmem>>
    %dma_start3A_125 = tpu.memref_squeeze %dma_start3A_124 : memref<1x128xi32, #tpu.memory_space<vmem>> -> memref<128xi32, #tpu.memory_space<vmem>>
    %dma_start3A_126 = arith.constant 0 : i32
    %dma_start3A_127 = tpu.memref_slice %arg4[%dma_start3A_126] : memref<65536xi32, #tpu.memory_space<hbm>> -> memref<65536xi32, #tpu.memory_space<hbm>>
    tpu.enqueue_indirect_dma source(%dma_start3A_127 : memref<65536xi32, #tpu.memory_space<hbm>>) target(%dma_start3A_122 : memref<128xi32, #tpu.memory_space<vmem>>) offsets(%dma_start3A_125 : memref<128xi32, #tpu.memory_space<vmem>>) semaphore(%arg28 : memref<!tpu.dma_semaphore, #tpu.memory_space<semaphore_mem>>)
    %dma_start3A_128 = arith.constant 12 : i32
    %dma_start3A_129 = arith.constant 12 : i32
    %dma_start3A_130 = arith.constant 0 : i32
    %dma_start3A_131 = tpu.memref_slice %arg21[%dma_start3A_129, %dma_start3A_130] : memref<16x128xi32, #tpu.memory_space<vmem>> -> memref<1x128xi32, #tpu.memory_space<vmem>>
    %dma_start3A_132 = tpu.memref_squeeze %dma_start3A_131 : memref<1x128xi32, #tpu.memory_space<vmem>> -> memref<128xi32, #tpu.memory_space<vmem>>
    %dma_start3A_133 = arith.constant 0 : i32
    %dma_start3A_134 = tpu.memref_slice %arg19[%dma_start3A_128, %dma_start3A_133] : memref<16x128xi32, #tpu.memory_space<vmem>> -> memref<1x128xi32, #tpu.memory_space<vmem>>
    %dma_start3A_135 = tpu.memref_squeeze %dma_start3A_134 : memref<1x128xi32, #tpu.memory_space<vmem>> -> memref<128xi32, #tpu.memory_space<vmem>>
    %dma_start3A_136 = arith.constant 0 : i32
    %dma_start3A_137 = tpu.memref_slice %arg4[%dma_start3A_136] : memref<65536xi32, #tpu.memory_space<hbm>> -> memref<65536xi32, #tpu.memory_space<hbm>>
    tpu.enqueue_indirect_dma source(%dma_start3A_137 : memref<65536xi32, #tpu.memory_space<hbm>>) target(%dma_start3A_132 : memref<128xi32, #tpu.memory_space<vmem>>) offsets(%dma_start3A_135 : memref<128xi32, #tpu.memory_space<vmem>>) semaphore(%arg28 : memref<!tpu.dma_semaphore, #tpu.memory_space<semaphore_mem>>)
    %dma_start3A_138 = arith.constant 13 : i32
    %dma_start3A_139 = arith.constant 13 : i32
    %dma_start3A_140 = arith.constant 0 : i32
    %dma_start3A_141 = tpu.memref_slice %arg21[%dma_start3A_139, %dma_start3A_140] : memref<16x128xi32, #tpu.memory_space<vmem>> -> memref<1x128xi32, #tpu.memory_space<vmem>>
    %dma_start3A_142 = tpu.memref_squeeze %dma_start3A_141 : memref<1x128xi32, #tpu.memory_space<vmem>> -> memref<128xi32, #tpu.memory_space<vmem>>
    %dma_start3A_143 = arith.constant 0 : i32
    %dma_start3A_144 = tpu.memref_slice %arg19[%dma_start3A_138, %dma_start3A_143] : memref<16x128xi32, #tpu.memory_space<vmem>> -> memref<1x128xi32, #tpu.memory_space<vmem>>
    %dma_start3A_145 = tpu.memref_squeeze %dma_start3A_144 : memref<1x128xi32, #tpu.memory_space<vmem>> -> memref<128xi32, #tpu.memory_space<vmem>>
    %dma_start3A_146 = arith.constant 0 : i32
    %dma_start3A_147 = tpu.memref_slice %arg4[%dma_start3A_146] : memref<65536xi32, #tpu.memory_space<hbm>> -> memref<65536xi32, #tpu.memory_space<hbm>>
    tpu.enqueue_indirect_dma source(%dma_start3A_147 : memref<65536xi32, #tpu.memory_space<hbm>>) target(%dma_start3A_142 : memref<128xi32, #tpu.memory_space<vmem>>) offsets(%dma_start3A_145 : memref<128xi32, #tpu.memory_space<vmem>>) semaphore(%arg28 : memref<!tpu.dma_semaphore, #tpu.memory_space<semaphore_mem>>)
    %dma_start3A_148 = arith.constant 14 : i32
    %dma_start3A_149 = arith.constant 14 : i32
    %dma_start3A_150 = arith.constant 0 : i32
    %dma_start3A_151 = tpu.memref_slice %arg21[%dma_start3A_149, %dma_start3A_150] : memref<16x128xi32, #tpu.memory_space<vmem>> -> memref<1x128xi32, #tpu.memory_space<vmem>>
    %dma_start3A_152 = tpu.memref_squeeze %dma_start3A_151 : memref<1x128xi32, #tpu.memory_space<vmem>> -> memref<128xi32, #tpu.memory_space<vmem>>
    %dma_start3A_153 = arith.constant 0 : i32
    %dma_start3A_154 = tpu.memref_slice %arg19[%dma_start3A_148, %dma_start3A_153] : memref<16x128xi32, #tpu.memory_space<vmem>> -> memref<1x128xi32, #tpu.memory_space<vmem>>
    %dma_start3A_155 = tpu.memref_squeeze %dma_start3A_154 : memref<1x128xi32, #tpu.memory_space<vmem>> -> memref<128xi32, #tpu.memory_space<vmem>>
    %dma_start3A_156 = arith.constant 0 : i32
    %dma_start3A_157 = tpu.memref_slice %arg4[%dma_start3A_156] : memref<65536xi32, #tpu.memory_space<hbm>> -> memref<65536xi32, #tpu.memory_space<hbm>>
    tpu.enqueue_indirect_dma source(%dma_start3A_157 : memref<65536xi32, #tpu.memory_space<hbm>>) target(%dma_start3A_152 : memref<128xi32, #tpu.memory_space<vmem>>) offsets(%dma_start3A_155 : memref<128xi32, #tpu.memory_space<vmem>>) semaphore(%arg28 : memref<!tpu.dma_semaphore, #tpu.memory_space<semaphore_mem>>)
    %dma_start3A_158 = arith.constant 15 : i32
    %dma_start3A_159 = arith.constant 15 : i32
    %dma_start3A_160 = arith.constant 0 : i32
    %dma_start3A_161 = tpu.memref_slice %arg21[%dma_start3A_159, %dma_start3A_160] : memref<16x128xi32, #tpu.memory_space<vmem>> -> memref<1x128xi32, #tpu.memory_space<vmem>>
    %dma_start3A_162 = tpu.memref_squeeze %dma_start3A_161 : memref<1x128xi32, #tpu.memory_space<vmem>> -> memref<128xi32, #tpu.memory_space<vmem>>
    %dma_start3A_163 = arith.constant 0 : i32
    %dma_start3A_164 = tpu.memref_slice %arg19[%dma_start3A_158, %dma_start3A_163] : memref<16x128xi32, #tpu.memory_space<vmem>> -> memref<1x128xi32, #tpu.memory_space<vmem>>
    %dma_start3A_165 = tpu.memref_squeeze %dma_start3A_164 : memref<1x128xi32, #tpu.memory_space<vmem>> -> memref<128xi32, #tpu.memory_space<vmem>>
    %dma_start3A_166 = arith.constant 0 : i32
    %dma_start3A_167 = tpu.memref_slice %arg4[%dma_start3A_166] : memref<65536xi32, #tpu.memory_space<hbm>> -> memref<65536xi32, #tpu.memory_space<hbm>>
    tpu.enqueue_indirect_dma source(%dma_start3A_167 : memref<65536xi32, #tpu.memory_space<hbm>>) target(%dma_start3A_162 : memref<128xi32, #tpu.memory_space<vmem>>) offsets(%dma_start3A_165 : memref<128xi32, #tpu.memory_space<vmem>>) semaphore(%arg28 : memref<!tpu.dma_semaphore, #tpu.memory_space<semaphore_mem>>)
    %dma_wait3A = arith.constant 0 : i32
    %dma_wait3A_168 = arith.constant 0 : i32
    %dma_wait3A_169 = arith.constant 0 : i32
    %dma_wait3A_170 = tpu.memref_slice %arg21[%dma_wait3A_168, %dma_wait3A_169] : memref<16x128xi32, #tpu.memory_space<vmem>> -> memref<1x128xi32, #tpu.memory_space<vmem>>
    %dma_wait3A_171 = tpu.memref_squeeze %dma_wait3A_170 : memref<1x128xi32, #tpu.memory_space<vmem>> -> memref<128xi32, #tpu.memory_space<vmem>>
    %dma_wait3A_172 = arith.constant 0 : i32
    %dma_wait3A_173 = tpu.memref_slice %arg19[%dma_wait3A, %dma_wait3A_172] : memref<16x128xi32, #tpu.memory_space<vmem>> -> memref<1x128xi32, #tpu.memory_space<vmem>>
    %dma_wait3A_174 = tpu.memref_squeeze %dma_wait3A_173 : memref<1x128xi32, #tpu.memory_space<vmem>> -> memref<128xi32, #tpu.memory_space<vmem>>
    %dma_wait3A_175 = arith.constant 0 : i32
    %dma_wait3A_176 = tpu.memref_slice %arg4[%dma_wait3A_175] : memref<65536xi32, #tpu.memory_space<hbm>> -> memref<65536xi32, #tpu.memory_space<hbm>>
    tpu.wait_indirect_dma semaphore(%arg28 : memref<!tpu.dma_semaphore, #tpu.memory_space<semaphore_mem>>) src(%dma_wait3A_176 : memref<65536xi32, #tpu.memory_space<hbm>>) dst(%dma_wait3A_171 : memref<128xi32, #tpu.memory_space<vmem>>)
    %dma_wait3A_177 = arith.constant 1 : i32
    %dma_wait3A_178 = arith.constant 1 : i32
    %dma_wait3A_179 = arith.constant 0 : i32
    %dma_wait3A_180 = tpu.memref_slice %arg21[%dma_wait3A_178, %dma_wait3A_179] : memref<16x128xi32, #tpu.memory_space<vmem>> -> memref<1x128xi32, #tpu.memory_space<vmem>>
    %dma_wait3A_181 = tpu.memref_squeeze %dma_wait3A_180 : memref<1x128xi32, #tpu.memory_space<vmem>> -> memref<128xi32, #tpu.memory_space<vmem>>
    %dma_wait3A_182 = arith.constant 0 : i32
    %dma_wait3A_183 = tpu.memref_slice %arg19[%dma_wait3A_177, %dma_wait3A_182] : memref<16x128xi32, #tpu.memory_space<vmem>> -> memref<1x128xi32, #tpu.memory_space<vmem>>
    %dma_wait3A_184 = tpu.memref_squeeze %dma_wait3A_183 : memref<1x128xi32, #tpu.memory_space<vmem>> -> memref<128xi32, #tpu.memory_space<vmem>>
    %dma_wait3A_185 = arith.constant 0 : i32
    %dma_wait3A_186 = tpu.memref_slice %arg4[%dma_wait3A_185] : memref<65536xi32, #tpu.memory_space<hbm>> -> memref<65536xi32, #tpu.memory_space<hbm>>
    tpu.wait_indirect_dma semaphore(%arg28 : memref<!tpu.dma_semaphore, #tpu.memory_space<semaphore_mem>>) src(%dma_wait3A_186 : memref<65536xi32, #tpu.memory_space<hbm>>) dst(%dma_wait3A_181 : memref<128xi32, #tpu.memory_space<vmem>>)
    %dma_wait3A_187 = arith.constant 2 : i32
    %dma_wait3A_188 = arith.constant 2 : i32
    %dma_wait3A_189 = arith.constant 0 : i32
    %dma_wait3A_190 = tpu.memref_slice %arg21[%dma_wait3A_188, %dma_wait3A_189] : memref<16x128xi32, #tpu.memory_space<vmem>> -> memref<1x128xi32, #tpu.memory_space<vmem>>
    %dma_wait3A_191 = tpu.memref_squeeze %dma_wait3A_190 : memref<1x128xi32, #tpu.memory_space<vmem>> -> memref<128xi32, #tpu.memory_space<vmem>>
    %dma_wait3A_192 = arith.constant 0 : i32
    %dma_wait3A_193 = tpu.memref_slice %arg19[%dma_wait3A_187, %dma_wait3A_192] : memref<16x128xi32, #tpu.memory_space<vmem>> -> memref<1x128xi32, #tpu.memory_space<vmem>>
    %dma_wait3A_194 = tpu.memref_squeeze %dma_wait3A_193 : memref<1x128xi32, #tpu.memory_space<vmem>> -> memref<128xi32, #tpu.memory_space<vmem>>
    %dma_wait3A_195 = arith.constant 0 : i32
    %dma_wait3A_196 = tpu.memref_slice %arg4[%dma_wait3A_195] : memref<65536xi32, #tpu.memory_space<hbm>> -> memref<65536xi32, #tpu.memory_space<hbm>>
    tpu.wait_indirect_dma semaphore(%arg28 : memref<!tpu.dma_semaphore, #tpu.memory_space<semaphore_mem>>) src(%dma_wait3A_196 : memref<65536xi32, #tpu.memory_space<hbm>>) dst(%dma_wait3A_191 : memref<128xi32, #tpu.memory_space<vmem>>)
    %dma_wait3A_197 = arith.constant 3 : i32
    %dma_wait3A_198 = arith.constant 3 : i32
    %dma_wait3A_199 = arith.constant 0 : i32
    %dma_wait3A_200 = tpu.memref_slice %arg21[%dma_wait3A_198, %dma_wait3A_199] : memref<16x128xi32, #tpu.memory_space<vmem>> -> memref<1x128xi32, #tpu.memory_space<vmem>>
    %dma_wait3A_201 = tpu.memref_squeeze %dma_wait3A_200 : memref<1x128xi32, #tpu.memory_space<vmem>> -> memref<128xi32, #tpu.memory_space<vmem>>
    %dma_wait3A_202 = arith.constant 0 : i32
    %dma_wait3A_203 = tpu.memref_slice %arg19[%dma_wait3A_197, %dma_wait3A_202] : memref<16x128xi32, #tpu.memory_space<vmem>> -> memref<1x128xi32, #tpu.memory_space<vmem>>
    %dma_wait3A_204 = tpu.memref_squeeze %dma_wait3A_203 : memref<1x128xi32, #tpu.memory_space<vmem>> -> memref<128xi32, #tpu.memory_space<vmem>>
    %dma_wait3A_205 = arith.constant 0 : i32
    %dma_wait3A_206 = tpu.memref_slice %arg4[%dma_wait3A_205] : memref<65536xi32, #tpu.memory_space<hbm>> -> memref<65536xi32, #tpu.memory_space<hbm>>
    tpu.wait_indirect_dma semaphore(%arg28 : memref<!tpu.dma_semaphore, #tpu.memory_space<semaphore_mem>>) src(%dma_wait3A_206 : memref<65536xi32, #tpu.memory_space<hbm>>) dst(%dma_wait3A_201 : memref<128xi32, #tpu.memory_space<vmem>>)
    %dma_wait3A_207 = arith.constant 4 : i32
    %dma_wait3A_208 = arith.constant 4 : i32
    %dma_wait3A_209 = arith.constant 0 : i32
    %dma_wait3A_210 = tpu.memref_slice %arg21[%dma_wait3A_208, %dma_wait3A_209] : memref<16x128xi32, #tpu.memory_space<vmem>> -> memref<1x128xi32, #tpu.memory_space<vmem>>
    %dma_wait3A_211 = tpu.memref_squeeze %dma_wait3A_210 : memref<1x128xi32, #tpu.memory_space<vmem>> -> memref<128xi32, #tpu.memory_space<vmem>>
    %dma_wait3A_212 = arith.constant 0 : i32
    %dma_wait3A_213 = tpu.memref_slice %arg19[%dma_wait3A_207, %dma_wait3A_212] : memref<16x128xi32, #tpu.memory_space<vmem>> -> memref<1x128xi32, #tpu.memory_space<vmem>>
    %dma_wait3A_214 = tpu.memref_squeeze %dma_wait3A_213 : memref<1x128xi32, #tpu.memory_space<vmem>> -> memref<128xi32, #tpu.memory_space<vmem>>
    %dma_wait3A_215 = arith.constant 0 : i32
    %dma_wait3A_216 = tpu.memref_slice %arg4[%dma_wait3A_215] : memref<65536xi32, #tpu.memory_space<hbm>> -> memref<65536xi32, #tpu.memory_space<hbm>>
    tpu.wait_indirect_dma semaphore(%arg28 : memref<!tpu.dma_semaphore, #tpu.memory_space<semaphore_mem>>) src(%dma_wait3A_216 : memref<65536xi32, #tpu.memory_space<hbm>>) dst(%dma_wait3A_211 : memref<128xi32, #tpu.memory_space<vmem>>)
    %dma_wait3A_217 = arith.constant 5 : i32
    %dma_wait3A_218 = arith.constant 5 : i32
    %dma_wait3A_219 = arith.constant 0 : i32
    %dma_wait3A_220 = tpu.memref_slice %arg21[%dma_wait3A_218, %dma_wait3A_219] : memref<16x128xi32, #tpu.memory_space<vmem>> -> memref<1x128xi32, #tpu.memory_space<vmem>>
    %dma_wait3A_221 = tpu.memref_squeeze %dma_wait3A_220 : memref<1x128xi32, #tpu.memory_space<vmem>> -> memref<128xi32, #tpu.memory_space<vmem>>
    %dma_wait3A_222 = arith.constant 0 : i32
    %dma_wait3A_223 = tpu.memref_slice %arg19[%dma_wait3A_217, %dma_wait3A_222] : memref<16x128xi32, #tpu.memory_space<vmem>> -> memref<1x128xi32, #tpu.memory_space<vmem>>
    %dma_wait3A_224 = tpu.memref_squeeze %dma_wait3A_223 : memref<1x128xi32, #tpu.memory_space<vmem>> -> memref<128xi32, #tpu.memory_space<vmem>>
    %dma_wait3A_225 = arith.constant 0 : i32
    %dma_wait3A_226 = tpu.memref_slice %arg4[%dma_wait3A_225] : memref<65536xi32, #tpu.memory_space<hbm>> -> memref<65536xi32, #tpu.memory_space<hbm>>
    tpu.wait_indirect_dma semaphore(%arg28 : memref<!tpu.dma_semaphore, #tpu.memory_space<semaphore_mem>>) src(%dma_wait3A_226 : memref<65536xi32, #tpu.memory_space<hbm>>) dst(%dma_wait3A_221 : memref<128xi32, #tpu.memory_space<vmem>>)
    %dma_wait3A_227 = arith.constant 6 : i32
    %dma_wait3A_228 = arith.constant 6 : i32
    %dma_wait3A_229 = arith.constant 0 : i32
    %dma_wait3A_230 = tpu.memref_slice %arg21[%dma_wait3A_228, %dma_wait3A_229] : memref<16x128xi32, #tpu.memory_space<vmem>> -> memref<1x128xi32, #tpu.memory_space<vmem>>
    %dma_wait3A_231 = tpu.memref_squeeze %dma_wait3A_230 : memref<1x128xi32, #tpu.memory_space<vmem>> -> memref<128xi32, #tpu.memory_space<vmem>>
    %dma_wait3A_232 = arith.constant 0 : i32
    %dma_wait3A_233 = tpu.memref_slice %arg19[%dma_wait3A_227, %dma_wait3A_232] : memref<16x128xi32, #tpu.memory_space<vmem>> -> memref<1x128xi32, #tpu.memory_space<vmem>>
    %dma_wait3A_234 = tpu.memref_squeeze %dma_wait3A_233 : memref<1x128xi32, #tpu.memory_space<vmem>> -> memref<128xi32, #tpu.memory_space<vmem>>
    %dma_wait3A_235 = arith.constant 0 : i32
    %dma_wait3A_236 = tpu.memref_slice %arg4[%dma_wait3A_235] : memref<65536xi32, #tpu.memory_space<hbm>> -> memref<65536xi32, #tpu.memory_space<hbm>>
    tpu.wait_indirect_dma semaphore(%arg28 : memref<!tpu.dma_semaphore, #tpu.memory_space<semaphore_mem>>) src(%dma_wait3A_236 : memref<65536xi32, #tpu.memory_space<hbm>>) dst(%dma_wait3A_231 : memref<128xi32, #tpu.memory_space<vmem>>)
    %dma_wait3A_237 = arith.constant 7 : i32
    %dma_wait3A_238 = arith.constant 7 : i32
    %dma_wait3A_239 = arith.constant 0 : i32
    %dma_wait3A_240 = tpu.memref_slice %arg21[%dma_wait3A_238, %dma_wait3A_239] : memref<16x128xi32, #tpu.memory_space<vmem>> -> memref<1x128xi32, #tpu.memory_space<vmem>>
    %dma_wait3A_241 = tpu.memref_squeeze %dma_wait3A_240 : memref<1x128xi32, #tpu.memory_space<vmem>> -> memref<128xi32, #tpu.memory_space<vmem>>
    %dma_wait3A_242 = arith.constant 0 : i32
    %dma_wait3A_243 = tpu.memref_slice %arg19[%dma_wait3A_237, %dma_wait3A_242] : memref<16x128xi32, #tpu.memory_space<vmem>> -> memref<1x128xi32, #tpu.memory_space<vmem>>
    %dma_wait3A_244 = tpu.memref_squeeze %dma_wait3A_243 : memref<1x128xi32, #tpu.memory_space<vmem>> -> memref<128xi32, #tpu.memory_space<vmem>>
    %dma_wait3A_245 = arith.constant 0 : i32
    %dma_wait3A_246 = tpu.memref_slice %arg4[%dma_wait3A_245] : memref<65536xi32, #tpu.memory_space<hbm>> -> memref<65536xi32, #tpu.memory_space<hbm>>
    tpu.wait_indirect_dma semaphore(%arg28 : memref<!tpu.dma_semaphore, #tpu.memory_space<semaphore_mem>>) src(%dma_wait3A_246 : memref<65536xi32, #tpu.memory_space<hbm>>) dst(%dma_wait3A_241 : memref<128xi32, #tpu.memory_space<vmem>>)
    %dma_wait3A_247 = arith.constant 8 : i32
    %dma_wait3A_248 = arith.constant 8 : i32
    %dma_wait3A_249 = arith.constant 0 : i32
    %dma_wait3A_250 = tpu.memref_slice %arg21[%dma_wait3A_248, %dma_wait3A_249] : memref<16x128xi32, #tpu.memory_space<vmem>> -> memref<1x128xi32, #tpu.memory_space<vmem>>
    %dma_wait3A_251 = tpu.memref_squeeze %dma_wait3A_250 : memref<1x128xi32, #tpu.memory_space<vmem>> -> memref<128xi32, #tpu.memory_space<vmem>>
    %dma_wait3A_252 = arith.constant 0 : i32
    %dma_wait3A_253 = tpu.memref_slice %arg19[%dma_wait3A_247, %dma_wait3A_252] : memref<16x128xi32, #tpu.memory_space<vmem>> -> memref<1x128xi32, #tpu.memory_space<vmem>>
    %dma_wait3A_254 = tpu.memref_squeeze %dma_wait3A_253 : memref<1x128xi32, #tpu.memory_space<vmem>> -> memref<128xi32, #tpu.memory_space<vmem>>
    %dma_wait3A_255 = arith.constant 0 : i32
    %dma_wait3A_256 = tpu.memref_slice %arg4[%dma_wait3A_255] : memref<65536xi32, #tpu.memory_space<hbm>> -> memref<65536xi32, #tpu.memory_space<hbm>>
    tpu.wait_indirect_dma semaphore(%arg28 : memref<!tpu.dma_semaphore, #tpu.memory_space<semaphore_mem>>) src(%dma_wait3A_256 : memref<65536xi32, #tpu.memory_space<hbm>>) dst(%dma_wait3A_251 : memref<128xi32, #tpu.memory_space<vmem>>)
    %dma_wait3A_257 = arith.constant 9 : i32
    %dma_wait3A_258 = arith.constant 9 : i32
    %dma_wait3A_259 = arith.constant 0 : i32
    %dma_wait3A_260 = tpu.memref_slice %arg21[%dma_wait3A_258, %dma_wait3A_259] : memref<16x128xi32, #tpu.memory_space<vmem>> -> memref<1x128xi32, #tpu.memory_space<vmem>>
    %dma_wait3A_261 = tpu.memref_squeeze %dma_wait3A_260 : memref<1x128xi32, #tpu.memory_space<vmem>> -> memref<128xi32, #tpu.memory_space<vmem>>
    %dma_wait3A_262 = arith.constant 0 : i32
    %dma_wait3A_263 = tpu.memref_slice %arg19[%dma_wait3A_257, %dma_wait3A_262] : memref<16x128xi32, #tpu.memory_space<vmem>> -> memref<1x128xi32, #tpu.memory_space<vmem>>
    %dma_wait3A_264 = tpu.memref_squeeze %dma_wait3A_263 : memref<1x128xi32, #tpu.memory_space<vmem>> -> memref<128xi32, #tpu.memory_space<vmem>>
    %dma_wait3A_265 = arith.constant 0 : i32
    %dma_wait3A_266 = tpu.memref_slice %arg4[%dma_wait3A_265] : memref<65536xi32, #tpu.memory_space<hbm>> -> memref<65536xi32, #tpu.memory_space<hbm>>
    tpu.wait_indirect_dma semaphore(%arg28 : memref<!tpu.dma_semaphore, #tpu.memory_space<semaphore_mem>>) src(%dma_wait3A_266 : memref<65536xi32, #tpu.memory_space<hbm>>) dst(%dma_wait3A_261 : memref<128xi32, #tpu.memory_space<vmem>>)
    %dma_wait3A_267 = arith.constant 10 : i32
    %dma_wait3A_268 = arith.constant 10 : i32
    %dma_wait3A_269 = arith.constant 0 : i32
    %dma_wait3A_270 = tpu.memref_slice %arg21[%dma_wait3A_268, %dma_wait3A_269] : memref<16x128xi32, #tpu.memory_space<vmem>> -> memref<1x128xi32, #tpu.memory_space<vmem>>
    %dma_wait3A_271 = tpu.memref_squeeze %dma_wait3A_270 : memref<1x128xi32, #tpu.memory_space<vmem>> -> memref<128xi32, #tpu.memory_space<vmem>>
    %dma_wait3A_272 = arith.constant 0 : i32
    %dma_wait3A_273 = tpu.memref_slice %arg19[%dma_wait3A_267, %dma_wait3A_272] : memref<16x128xi32, #tpu.memory_space<vmem>> -> memref<1x128xi32, #tpu.memory_space<vmem>>
    %dma_wait3A_274 = tpu.memref_squeeze %dma_wait3A_273 : memref<1x128xi32, #tpu.memory_space<vmem>> -> memref<128xi32, #tpu.memory_space<vmem>>
    %dma_wait3A_275 = arith.constant 0 : i32
    %dma_wait3A_276 = tpu.memref_slice %arg4[%dma_wait3A_275] : memref<65536xi32, #tpu.memory_space<hbm>> -> memref<65536xi32, #tpu.memory_space<hbm>>
    tpu.wait_indirect_dma semaphore(%arg28 : memref<!tpu.dma_semaphore, #tpu.memory_space<semaphore_mem>>) src(%dma_wait3A_276 : memref<65536xi32, #tpu.memory_space<hbm>>) dst(%dma_wait3A_271 : memref<128xi32, #tpu.memory_space<vmem>>)
    %dma_wait3A_277 = arith.constant 11 : i32
    %dma_wait3A_278 = arith.constant 11 : i32
    %dma_wait3A_279 = arith.constant 0 : i32
    %dma_wait3A_280 = tpu.memref_slice %arg21[%dma_wait3A_278, %dma_wait3A_279] : memref<16x128xi32, #tpu.memory_space<vmem>> -> memref<1x128xi32, #tpu.memory_space<vmem>>
    %dma_wait3A_281 = tpu.memref_squeeze %dma_wait3A_280 : memref<1x128xi32, #tpu.memory_space<vmem>> -> memref<128xi32, #tpu.memory_space<vmem>>
    %dma_wait3A_282 = arith.constant 0 : i32
    %dma_wait3A_283 = tpu.memref_slice %arg19[%dma_wait3A_277, %dma_wait3A_282] : memref<16x128xi32, #tpu.memory_space<vmem>> -> memref<1x128xi32, #tpu.memory_space<vmem>>
    %dma_wait3A_284 = tpu.memref_squeeze %dma_wait3A_283 : memref<1x128xi32, #tpu.memory_space<vmem>> -> memref<128xi32, #tpu.memory_space<vmem>>
    %dma_wait3A_285 = arith.constant 0 : i32
    %dma_wait3A_286 = tpu.memref_slice %arg4[%dma_wait3A_285] : memref<65536xi32, #tpu.memory_space<hbm>> -> memref<65536xi32, #tpu.memory_space<hbm>>
    tpu.wait_indirect_dma semaphore(%arg28 : memref<!tpu.dma_semaphore, #tpu.memory_space<semaphore_mem>>) src(%dma_wait3A_286 : memref<65536xi32, #tpu.memory_space<hbm>>) dst(%dma_wait3A_281 : memref<128xi32, #tpu.memory_space<vmem>>)
    %dma_wait3A_287 = arith.constant 12 : i32
    %dma_wait3A_288 = arith.constant 12 : i32
    %dma_wait3A_289 = arith.constant 0 : i32
    %dma_wait3A_290 = tpu.memref_slice %arg21[%dma_wait3A_288, %dma_wait3A_289] : memref<16x128xi32, #tpu.memory_space<vmem>> -> memref<1x128xi32, #tpu.memory_space<vmem>>
    %dma_wait3A_291 = tpu.memref_squeeze %dma_wait3A_290 : memref<1x128xi32, #tpu.memory_space<vmem>> -> memref<128xi32, #tpu.memory_space<vmem>>
    %dma_wait3A_292 = arith.constant 0 : i32
    %dma_wait3A_293 = tpu.memref_slice %arg19[%dma_wait3A_287, %dma_wait3A_292] : memref<16x128xi32, #tpu.memory_space<vmem>> -> memref<1x128xi32, #tpu.memory_space<vmem>>
    %dma_wait3A_294 = tpu.memref_squeeze %dma_wait3A_293 : memref<1x128xi32, #tpu.memory_space<vmem>> -> memref<128xi32, #tpu.memory_space<vmem>>
    %dma_wait3A_295 = arith.constant 0 : i32
    %dma_wait3A_296 = tpu.memref_slice %arg4[%dma_wait3A_295] : memref<65536xi32, #tpu.memory_space<hbm>> -> memref<65536xi32, #tpu.memory_space<hbm>>
    tpu.wait_indirect_dma semaphore(%arg28 : memref<!tpu.dma_semaphore, #tpu.memory_space<semaphore_mem>>) src(%dma_wait3A_296 : memref<65536xi32, #tpu.memory_space<hbm>>) dst(%dma_wait3A_291 : memref<128xi32, #tpu.memory_space<vmem>>)
    %dma_wait3A_297 = arith.constant 13 : i32
    %dma_wait3A_298 = arith.constant 13 : i32
    %dma_wait3A_299 = arith.constant 0 : i32
    %dma_wait3A_300 = tpu.memref_slice %arg21[%dma_wait3A_298, %dma_wait3A_299] : memref<16x128xi32, #tpu.memory_space<vmem>> -> memref<1x128xi32, #tpu.memory_space<vmem>>
    %dma_wait3A_301 = tpu.memref_squeeze %dma_wait3A_300 : memref<1x128xi32, #tpu.memory_space<vmem>> -> memref<128xi32, #tpu.memory_space<vmem>>
    %dma_wait3A_302 = arith.constant 0 : i32
    %dma_wait3A_303 = tpu.memref_slice %arg19[%dma_wait3A_297, %dma_wait3A_302] : memref<16x128xi32, #tpu.memory_space<vmem>> -> memref<1x128xi32, #tpu.memory_space<vmem>>
    %dma_wait3A_304 = tpu.memref_squeeze %dma_wait3A_303 : memref<1x128xi32, #tpu.memory_space<vmem>> -> memref<128xi32, #tpu.memory_space<vmem>>
    %dma_wait3A_305 = arith.constant 0 : i32
    %dma_wait3A_306 = tpu.memref_slice %arg4[%dma_wait3A_305] : memref<65536xi32, #tpu.memory_space<hbm>> -> memref<65536xi32, #tpu.memory_space<hbm>>
    tpu.wait_indirect_dma semaphore(%arg28 : memref<!tpu.dma_semaphore, #tpu.memory_space<semaphore_mem>>) src(%dma_wait3A_306 : memref<65536xi32, #tpu.memory_space<hbm>>) dst(%dma_wait3A_301 : memref<128xi32, #tpu.memory_space<vmem>>)
    %dma_wait3A_307 = arith.constant 14 : i32
    %dma_wait3A_308 = arith.constant 14 : i32
    %dma_wait3A_309 = arith.constant 0 : i32
    %dma_wait3A_310 = tpu.memref_slice %arg21[%dma_wait3A_308, %dma_wait3A_309] : memref<16x128xi32, #tpu.memory_space<vmem>> -> memref<1x128xi32, #tpu.memory_space<vmem>>
    %dma_wait3A_311 = tpu.memref_squeeze %dma_wait3A_310 : memref<1x128xi32, #tpu.memory_space<vmem>> -> memref<128xi32, #tpu.memory_space<vmem>>
    %dma_wait3A_312 = arith.constant 0 : i32
    %dma_wait3A_313 = tpu.memref_slice %arg19[%dma_wait3A_307, %dma_wait3A_312] : memref<16x128xi32, #tpu.memory_space<vmem>> -> memref<1x128xi32, #tpu.memory_space<vmem>>
    %dma_wait3A_314 = tpu.memref_squeeze %dma_wait3A_313 : memref<1x128xi32, #tpu.memory_space<vmem>> -> memref<128xi32, #tpu.memory_space<vmem>>
    %dma_wait3A_315 = arith.constant 0 : i32
    %dma_wait3A_316 = tpu.memref_slice %arg4[%dma_wait3A_315] : memref<65536xi32, #tpu.memory_space<hbm>> -> memref<65536xi32, #tpu.memory_space<hbm>>
    tpu.wait_indirect_dma semaphore(%arg28 : memref<!tpu.dma_semaphore, #tpu.memory_space<semaphore_mem>>) src(%dma_wait3A_316 : memref<65536xi32, #tpu.memory_space<hbm>>) dst(%dma_wait3A_311 : memref<128xi32, #tpu.memory_space<vmem>>)
    %dma_wait3A_317 = arith.constant 15 : i32
    %dma_wait3A_318 = arith.constant 15 : i32
    %dma_wait3A_319 = arith.constant 0 : i32
    %dma_wait3A_320 = tpu.memref_slice %arg21[%dma_wait3A_318, %dma_wait3A_319] : memref<16x128xi32, #tpu.memory_space<vmem>> -> memref<1x128xi32, #tpu.memory_space<vmem>>
    %dma_wait3A_321 = tpu.memref_squeeze %dma_wait3A_320 : memref<1x128xi32, #tpu.memory_space<vmem>> -> memref<128xi32, #tpu.memory_space<vmem>>
    %dma_wait3A_322 = arith.constant 0 : i32
    %dma_wait3A_323 = tpu.memref_slice %arg19[%dma_wait3A_317, %dma_wait3A_322] : memref<16x128xi32, #tpu.memory_space<vmem>> -> memref<1x128xi32, #tpu.memory_space<vmem>>
    %dma_wait3A_324 = tpu.memref_squeeze %dma_wait3A_323 : memref<1x128xi32, #tpu.memory_space<vmem>> -> memref<128xi32, #tpu.memory_space<vmem>>
    %dma_wait3A_325 = arith.constant 0 : i32
    %dma_wait3A_326 = tpu.memref_slice %arg4[%dma_wait3A_325] : memref<65536xi32, #tpu.memory_space<hbm>> -> memref<65536xi32, #tpu.memory_space<hbm>>
    tpu.wait_indirect_dma semaphore(%arg28 : memref<!tpu.dma_semaphore, #tpu.memory_space<semaphore_mem>>) src(%dma_wait3A_326 : memref<65536xi32, #tpu.memory_space<hbm>>) dst(%dma_wait3A_321 : memref<128xi32, #tpu.memory_space<vmem>>)
    %dma_start3A_327 = arith.constant 0 : i32
    %dma_start3A_328 = arith.constant 0 : i32
    %dma_start3A_329 = arith.constant 0 : i32
    %dma_start3A_330 = tpu.memref_slice %arg22[%dma_start3A_328, %dma_start3A_329] : memref<16x128xi32, #tpu.memory_space<vmem>> -> memref<1x128xi32, #tpu.memory_space<vmem>>
    %dma_start3A_331 = tpu.memref_squeeze %dma_start3A_330 : memref<1x128xi32, #tpu.memory_space<vmem>> -> memref<128xi32, #tpu.memory_space<vmem>>
    %dma_start3A_332 = arith.constant 0 : i32
    %dma_start3A_333 = tpu.memref_slice %arg21[%dma_start3A_327, %dma_start3A_332] : memref<16x128xi32, #tpu.memory_space<vmem>> -> memref<1x128xi32, #tpu.memory_space<vmem>>
    %dma_start3A_334 = tpu.memref_squeeze %dma_start3A_333 : memref<1x128xi32, #tpu.memory_space<vmem>> -> memref<128xi32, #tpu.memory_space<vmem>>
    %dma_start3A_335 = arith.constant 0 : i32
    %dma_start3A_336 = tpu.memref_slice %arg3[%dma_start3A_335] : memref<65536xi32, #tpu.memory_space<hbm>> -> memref<65536xi32, #tpu.memory_space<hbm>>
    tpu.enqueue_indirect_dma source(%dma_start3A_336 : memref<65536xi32, #tpu.memory_space<hbm>>) target(%dma_start3A_331 : memref<128xi32, #tpu.memory_space<vmem>>) offsets(%dma_start3A_334 : memref<128xi32, #tpu.memory_space<vmem>>) semaphore(%arg28 : memref<!tpu.dma_semaphore, #tpu.memory_space<semaphore_mem>>)
    %dma_start3A_337 = arith.constant 1 : i32
    %dma_start3A_338 = arith.constant 1 : i32
    %dma_start3A_339 = arith.constant 0 : i32
    %dma_start3A_340 = tpu.memref_slice %arg22[%dma_start3A_338, %dma_start3A_339] : memref<16x128xi32, #tpu.memory_space<vmem>> -> memref<1x128xi32, #tpu.memory_space<vmem>>
    %dma_start3A_341 = tpu.memref_squeeze %dma_start3A_340 : memref<1x128xi32, #tpu.memory_space<vmem>> -> memref<128xi32, #tpu.memory_space<vmem>>
    %dma_start3A_342 = arith.constant 0 : i32
    %dma_start3A_343 = tpu.memref_slice %arg21[%dma_start3A_337, %dma_start3A_342] : memref<16x128xi32, #tpu.memory_space<vmem>> -> memref<1x128xi32, #tpu.memory_space<vmem>>
    %dma_start3A_344 = tpu.memref_squeeze %dma_start3A_343 : memref<1x128xi32, #tpu.memory_space<vmem>> -> memref<128xi32, #tpu.memory_space<vmem>>
    %dma_start3A_345 = arith.constant 0 : i32
    %dma_start3A_346 = tpu.memref_slice %arg3[%dma_start3A_345] : memref<65536xi32, #tpu.memory_space<hbm>> -> memref<65536xi32, #tpu.memory_space<hbm>>
    tpu.enqueue_indirect_dma source(%dma_start3A_346 : memref<65536xi32, #tpu.memory_space<hbm>>) target(%dma_start3A_341 : memref<128xi32, #tpu.memory_space<vmem>>) offsets(%dma_start3A_344 : memref<128xi32, #tpu.memory_space<vmem>>) semaphore(%arg28 : memref<!tpu.dma_semaphore, #tpu.memory_space<semaphore_mem>>)
    %dma_start3A_347 = arith.constant 2 : i32
    %dma_start3A_348 = arith.constant 2 : i32
    %dma_start3A_349 = arith.constant 0 : i32
    %dma_start3A_350 = tpu.memref_slice %arg22[%dma_start3A_348, %dma_start3A_349] : memref<16x128xi32, #tpu.memory_space<vmem>> -> memref<1x128xi32, #tpu.memory_space<vmem>>
    %dma_start3A_351 = tpu.memref_squeeze %dma_start3A_350 : memref<1x128xi32, #tpu.memory_space<vmem>> -> memref<128xi32, #tpu.memory_space<vmem>>
    %dma_start3A_352 = arith.constant 0 : i32
    %dma_start3A_353 = tpu.memref_slice %arg21[%dma_start3A_347, %dma_start3A_352] : memref<16x128xi32, #tpu.memory_space<vmem>> -> memref<1x128xi32, #tpu.memory_space<vmem>>
    %dma_start3A_354 = tpu.memref_squeeze %dma_start3A_353 : memref<1x128xi32, #tpu.memory_space<vmem>> -> memref<128xi32, #tpu.memory_space<vmem>>
    %dma_start3A_355 = arith.constant 0 : i32
    %dma_start3A_356 = tpu.memref_slice %arg3[%dma_start3A_355] : memref<65536xi32, #tpu.memory_space<hbm>> -> memref<65536xi32, #tpu.memory_space<hbm>>
    tpu.enqueue_indirect_dma source(%dma_start3A_356 : memref<65536xi32, #tpu.memory_space<hbm>>) target(%dma_start3A_351 : memref<128xi32, #tpu.memory_space<vmem>>) offsets(%dma_start3A_354 : memref<128xi32, #tpu.memory_space<vmem>>) semaphore(%arg28 : memref<!tpu.dma_semaphore, #tpu.memory_space<semaphore_mem>>)
    %dma_start3A_357 = arith.constant 3 : i32
    %dma_start3A_358 = arith.constant 3 : i32
    %dma_start3A_359 = arith.constant 0 : i32
    %dma_start3A_360 = tpu.memref_slice %arg22[%dma_start3A_358, %dma_start3A_359] : memref<16x128xi32, #tpu.memory_space<vmem>> -> memref<1x128xi32, #tpu.memory_space<vmem>>
    %dma_start3A_361 = tpu.memref_squeeze %dma_start3A_360 : memref<1x128xi32, #tpu.memory_space<vmem>> -> memref<128xi32, #tpu.memory_space<vmem>>
    %dma_start3A_362 = arith.constant 0 : i32
    %dma_start3A_363 = tpu.memref_slice %arg21[%dma_start3A_357, %dma_start3A_362] : memref<16x128xi32, #tpu.memory_space<vmem>> -> memref<1x128xi32, #tpu.memory_space<vmem>>
    %dma_start3A_364 = tpu.memref_squeeze %dma_start3A_363 : memref<1x128xi32, #tpu.memory_space<vmem>> -> memref<128xi32, #tpu.memory_space<vmem>>
    %dma_start3A_365 = arith.constant 0 : i32
    %dma_start3A_366 = tpu.memref_slice %arg3[%dma_start3A_365] : memref<65536xi32, #tpu.memory_space<hbm>> -> memref<65536xi32, #tpu.memory_space<hbm>>
    tpu.enqueue_indirect_dma source(%dma_start3A_366 : memref<65536xi32, #tpu.memory_space<hbm>>) target(%dma_start3A_361 : memref<128xi32, #tpu.memory_space<vmem>>) offsets(%dma_start3A_364 : memref<128xi32, #tpu.memory_space<vmem>>) semaphore(%arg28 : memref<!tpu.dma_semaphore, #tpu.memory_space<semaphore_mem>>)
    %dma_start3A_367 = arith.constant 4 : i32
    %dma_start3A_368 = arith.constant 4 : i32
    %dma_start3A_369 = arith.constant 0 : i32
    %dma_start3A_370 = tpu.memref_slice %arg22[%dma_start3A_368, %dma_start3A_369] : memref<16x128xi32, #tpu.memory_space<vmem>> -> memref<1x128xi32, #tpu.memory_space<vmem>>
    %dma_start3A_371 = tpu.memref_squeeze %dma_start3A_370 : memref<1x128xi32, #tpu.memory_space<vmem>> -> memref<128xi32, #tpu.memory_space<vmem>>
    %dma_start3A_372 = arith.constant 0 : i32
    %dma_start3A_373 = tpu.memref_slice %arg21[%dma_start3A_367, %dma_start3A_372] : memref<16x128xi32, #tpu.memory_space<vmem>> -> memref<1x128xi32, #tpu.memory_space<vmem>>
    %dma_start3A_374 = tpu.memref_squeeze %dma_start3A_373 : memref<1x128xi32, #tpu.memory_space<vmem>> -> memref<128xi32, #tpu.memory_space<vmem>>
    %dma_start3A_375 = arith.constant 0 : i32
    %dma_start3A_376 = tpu.memref_slice %arg3[%dma_start3A_375] : memref<65536xi32, #tpu.memory_space<hbm>> -> memref<65536xi32, #tpu.memory_space<hbm>>
    tpu.enqueue_indirect_dma source(%dma_start3A_376 : memref<65536xi32, #tpu.memory_space<hbm>>) target(%dma_start3A_371 : memref<128xi32, #tpu.memory_space<vmem>>) offsets(%dma_start3A_374 : memref<128xi32, #tpu.memory_space<vmem>>) semaphore(%arg28 : memref<!tpu.dma_semaphore, #tpu.memory_space<semaphore_mem>>)
    %dma_start3A_377 = arith.constant 5 : i32
    %dma_start3A_378 = arith.constant 5 : i32
    %dma_start3A_379 = arith.constant 0 : i32
    %dma_start3A_380 = tpu.memref_slice %arg22[%dma_start3A_378, %dma_start3A_379] : memref<16x128xi32, #tpu.memory_space<vmem>> -> memref<1x128xi32, #tpu.memory_space<vmem>>
    %dma_start3A_381 = tpu.memref_squeeze %dma_start3A_380 : memref<1x128xi32, #tpu.memory_space<vmem>> -> memref<128xi32, #tpu.memory_space<vmem>>
    %dma_start3A_382 = arith.constant 0 : i32
    %dma_start3A_383 = tpu.memref_slice %arg21[%dma_start3A_377, %dma_start3A_382] : memref<16x128xi32, #tpu.memory_space<vmem>> -> memref<1x128xi32, #tpu.memory_space<vmem>>
    %dma_start3A_384 = tpu.memref_squeeze %dma_start3A_383 : memref<1x128xi32, #tpu.memory_space<vmem>> -> memref<128xi32, #tpu.memory_space<vmem>>
    %dma_start3A_385 = arith.constant 0 : i32
    %dma_start3A_386 = tpu.memref_slice %arg3[%dma_start3A_385] : memref<65536xi32, #tpu.memory_space<hbm>> -> memref<65536xi32, #tpu.memory_space<hbm>>
    tpu.enqueue_indirect_dma source(%dma_start3A_386 : memref<65536xi32, #tpu.memory_space<hbm>>) target(%dma_start3A_381 : memref<128xi32, #tpu.memory_space<vmem>>) offsets(%dma_start3A_384 : memref<128xi32, #tpu.memory_space<vmem>>) semaphore(%arg28 : memref<!tpu.dma_semaphore, #tpu.memory_space<semaphore_mem>>)
    %dma_start3A_387 = arith.constant 6 : i32
    %dma_start3A_388 = arith.constant 6 : i32
    %dma_start3A_389 = arith.constant 0 : i32
    %dma_start3A_390 = tpu.memref_slice %arg22[%dma_start3A_388, %dma_start3A_389] : memref<16x128xi32, #tpu.memory_space<vmem>> -> memref<1x128xi32, #tpu.memory_space<vmem>>
    %dma_start3A_391 = tpu.memref_squeeze %dma_start3A_390 : memref<1x128xi32, #tpu.memory_space<vmem>> -> memref<128xi32, #tpu.memory_space<vmem>>
    %dma_start3A_392 = arith.constant 0 : i32
    %dma_start3A_393 = tpu.memref_slice %arg21[%dma_start3A_387, %dma_start3A_392] : memref<16x128xi32, #tpu.memory_space<vmem>> -> memref<1x128xi32, #tpu.memory_space<vmem>>
    %dma_start3A_394 = tpu.memref_squeeze %dma_start3A_393 : memref<1x128xi32, #tpu.memory_space<vmem>> -> memref<128xi32, #tpu.memory_space<vmem>>
    %dma_start3A_395 = arith.constant 0 : i32
    %dma_start3A_396 = tpu.memref_slice %arg3[%dma_start3A_395] : memref<65536xi32, #tpu.memory_space<hbm>> -> memref<65536xi32, #tpu.memory_space<hbm>>
    tpu.enqueue_indirect_dma source(%dma_start3A_396 : memref<65536xi32, #tpu.memory_space<hbm>>) target(%dma_start3A_391 : memref<128xi32, #tpu.memory_space<vmem>>) offsets(%dma_start3A_394 : memref<128xi32, #tpu.memory_space<vmem>>) semaphore(%arg28 : memref<!tpu.dma_semaphore, #tpu.memory_space<semaphore_mem>>)
    %dma_start3A_397 = arith.constant 7 : i32
    %dma_start3A_398 = arith.constant 7 : i32
    %dma_start3A_399 = arith.constant 0 : i32
    %dma_start3A_400 = tpu.memref_slice %arg22[%dma_start3A_398, %dma_start3A_399] : memref<16x128xi32, #tpu.memory_space<vmem>> -> memref<1x128xi32, #tpu.memory_space<vmem>>
    %dma_start3A_401 = tpu.memref_squeeze %dma_start3A_400 : memref<1x128xi32, #tpu.memory_space<vmem>> -> memref<128xi32, #tpu.memory_space<vmem>>
    %dma_start3A_402 = arith.constant 0 : i32
    %dma_start3A_403 = tpu.memref_slice %arg21[%dma_start3A_397, %dma_start3A_402] : memref<16x128xi32, #tpu.memory_space<vmem>> -> memref<1x128xi32, #tpu.memory_space<vmem>>
    %dma_start3A_404 = tpu.memref_squeeze %dma_start3A_403 : memref<1x128xi32, #tpu.memory_space<vmem>> -> memref<128xi32, #tpu.memory_space<vmem>>
    %dma_start3A_405 = arith.constant 0 : i32
    %dma_start3A_406 = tpu.memref_slice %arg3[%dma_start3A_405] : memref<65536xi32, #tpu.memory_space<hbm>> -> memref<65536xi32, #tpu.memory_space<hbm>>
    tpu.enqueue_indirect_dma source(%dma_start3A_406 : memref<65536xi32, #tpu.memory_space<hbm>>) target(%dma_start3A_401 : memref<128xi32, #tpu.memory_space<vmem>>) offsets(%dma_start3A_404 : memref<128xi32, #tpu.memory_space<vmem>>) semaphore(%arg28 : memref<!tpu.dma_semaphore, #tpu.memory_space<semaphore_mem>>)
    %dma_start3A_407 = arith.constant 8 : i32
    %dma_start3A_408 = arith.constant 8 : i32
    %dma_start3A_409 = arith.constant 0 : i32
    %dma_start3A_410 = tpu.memref_slice %arg22[%dma_start3A_408, %dma_start3A_409] : memref<16x128xi32, #tpu.memory_space<vmem>> -> memref<1x128xi32, #tpu.memory_space<vmem>>
    %dma_start3A_411 = tpu.memref_squeeze %dma_start3A_410 : memref<1x128xi32, #tpu.memory_space<vmem>> -> memref<128xi32, #tpu.memory_space<vmem>>
    %dma_start3A_412 = arith.constant 0 : i32
    %dma_start3A_413 = tpu.memref_slice %arg21[%dma_start3A_407, %dma_start3A_412] : memref<16x128xi32, #tpu.memory_space<vmem>> -> memref<1x128xi32, #tpu.memory_space<vmem>>
    %dma_start3A_414 = tpu.memref_squeeze %dma_start3A_413 : memref<1x128xi32, #tpu.memory_space<vmem>> -> memref<128xi32, #tpu.memory_space<vmem>>
    %dma_start3A_415 = arith.constant 0 : i32
    %dma_start3A_416 = tpu.memref_slice %arg3[%dma_start3A_415] : memref<65536xi32, #tpu.memory_space<hbm>> -> memref<65536xi32, #tpu.memory_space<hbm>>
    tpu.enqueue_indirect_dma source(%dma_start3A_416 : memref<65536xi32, #tpu.memory_space<hbm>>) target(%dma_start3A_411 : memref<128xi32, #tpu.memory_space<vmem>>) offsets(%dma_start3A_414 : memref<128xi32, #tpu.memory_space<vmem>>) semaphore(%arg28 : memref<!tpu.dma_semaphore, #tpu.memory_space<semaphore_mem>>)
    %dma_start3A_417 = arith.constant 9 : i32
    %dma_start3A_418 = arith.constant 9 : i32
    %dma_start3A_419 = arith.constant 0 : i32
    %dma_start3A_420 = tpu.memref_slice %arg22[%dma_start3A_418, %dma_start3A_419] : memref<16x128xi32, #tpu.memory_space<vmem>> -> memref<1x128xi32, #tpu.memory_space<vmem>>
    %dma_start3A_421 = tpu.memref_squeeze %dma_start3A_420 : memref<1x128xi32, #tpu.memory_space<vmem>> -> memref<128xi32, #tpu.memory_space<vmem>>
    %dma_start3A_422 = arith.constant 0 : i32
    %dma_start3A_423 = tpu.memref_slice %arg21[%dma_start3A_417, %dma_start3A_422] : memref<16x128xi32, #tpu.memory_space<vmem>> -> memref<1x128xi32, #tpu.memory_space<vmem>>
    %dma_start3A_424 = tpu.memref_squeeze %dma_start3A_423 : memref<1x128xi32, #tpu.memory_space<vmem>> -> memref<128xi32, #tpu.memory_space<vmem>>
    %dma_start3A_425 = arith.constant 0 : i32
    %dma_start3A_426 = tpu.memref_slice %arg3[%dma_start3A_425] : memref<65536xi32, #tpu.memory_space<hbm>> -> memref<65536xi32, #tpu.memory_space<hbm>>
    tpu.enqueue_indirect_dma source(%dma_start3A_426 : memref<65536xi32, #tpu.memory_space<hbm>>) target(%dma_start3A_421 : memref<128xi32, #tpu.memory_space<vmem>>) offsets(%dma_start3A_424 : memref<128xi32, #tpu.memory_space<vmem>>) semaphore(%arg28 : memref<!tpu.dma_semaphore, #tpu.memory_space<semaphore_mem>>)
    %dma_start3A_427 = arith.constant 10 : i32
    %dma_start3A_428 = arith.constant 10 : i32
    %dma_start3A_429 = arith.constant 0 : i32
    %dma_start3A_430 = tpu.memref_slice %arg22[%dma_start3A_428, %dma_start3A_429] : memref<16x128xi32, #tpu.memory_space<vmem>> -> memref<1x128xi32, #tpu.memory_space<vmem>>
    %dma_start3A_431 = tpu.memref_squeeze %dma_start3A_430 : memref<1x128xi32, #tpu.memory_space<vmem>> -> memref<128xi32, #tpu.memory_space<vmem>>
    %dma_start3A_432 = arith.constant 0 : i32
    %dma_start3A_433 = tpu.memref_slice %arg21[%dma_start3A_427, %dma_start3A_432] : memref<16x128xi32, #tpu.memory_space<vmem>> -> memref<1x128xi32, #tpu.memory_space<vmem>>
    %dma_start3A_434 = tpu.memref_squeeze %dma_start3A_433 : memref<1x128xi32, #tpu.memory_space<vmem>> -> memref<128xi32, #tpu.memory_space<vmem>>
    %dma_start3A_435 = arith.constant 0 : i32
    %dma_start3A_436 = tpu.memref_slice %arg3[%dma_start3A_435] : memref<65536xi32, #tpu.memory_space<hbm>> -> memref<65536xi32, #tpu.memory_space<hbm>>
    tpu.enqueue_indirect_dma source(%dma_start3A_436 : memref<65536xi32, #tpu.memory_space<hbm>>) target(%dma_start3A_431 : memref<128xi32, #tpu.memory_space<vmem>>) offsets(%dma_start3A_434 : memref<128xi32, #tpu.memory_space<vmem>>) semaphore(%arg28 : memref<!tpu.dma_semaphore, #tpu.memory_space<semaphore_mem>>)
    %dma_start3A_437 = arith.constant 11 : i32
    %dma_start3A_438 = arith.constant 11 : i32
    %dma_start3A_439 = arith.constant 0 : i32
    %dma_start3A_440 = tpu.memref_slice %arg22[%dma_start3A_438, %dma_start3A_439] : memref<16x128xi32, #tpu.memory_space<vmem>> -> memref<1x128xi32, #tpu.memory_space<vmem>>
    %dma_start3A_441 = tpu.memref_squeeze %dma_start3A_440 : memref<1x128xi32, #tpu.memory_space<vmem>> -> memref<128xi32, #tpu.memory_space<vmem>>
    %dma_start3A_442 = arith.constant 0 : i32
    %dma_start3A_443 = tpu.memref_slice %arg21[%dma_start3A_437, %dma_start3A_442] : memref<16x128xi32, #tpu.memory_space<vmem>> -> memref<1x128xi32, #tpu.memory_space<vmem>>
    %dma_start3A_444 = tpu.memref_squeeze %dma_start3A_443 : memref<1x128xi32, #tpu.memory_space<vmem>> -> memref<128xi32, #tpu.memory_space<vmem>>
    %dma_start3A_445 = arith.constant 0 : i32
    %dma_start3A_446 = tpu.memref_slice %arg3[%dma_start3A_445] : memref<65536xi32, #tpu.memory_space<hbm>> -> memref<65536xi32, #tpu.memory_space<hbm>>
    tpu.enqueue_indirect_dma source(%dma_start3A_446 : memref<65536xi32, #tpu.memory_space<hbm>>) target(%dma_start3A_441 : memref<128xi32, #tpu.memory_space<vmem>>) offsets(%dma_start3A_444 : memref<128xi32, #tpu.memory_space<vmem>>) semaphore(%arg28 : memref<!tpu.dma_semaphore, #tpu.memory_space<semaphore_mem>>)
    %dma_start3A_447 = arith.constant 12 : i32
    %dma_start3A_448 = arith.constant 12 : i32
    %dma_start3A_449 = arith.constant 0 : i32
    %dma_start3A_450 = tpu.memref_slice %arg22[%dma_start3A_448, %dma_start3A_449] : memref<16x128xi32, #tpu.memory_space<vmem>> -> memref<1x128xi32, #tpu.memory_space<vmem>>
    %dma_start3A_451 = tpu.memref_squeeze %dma_start3A_450 : memref<1x128xi32, #tpu.memory_space<vmem>> -> memref<128xi32, #tpu.memory_space<vmem>>
    %dma_start3A_452 = arith.constant 0 : i32
    %dma_start3A_453 = tpu.memref_slice %arg21[%dma_start3A_447, %dma_start3A_452] : memref<16x128xi32, #tpu.memory_space<vmem>> -> memref<1x128xi32, #tpu.memory_space<vmem>>
    %dma_start3A_454 = tpu.memref_squeeze %dma_start3A_453 : memref<1x128xi32, #tpu.memory_space<vmem>> -> memref<128xi32, #tpu.memory_space<vmem>>
    %dma_start3A_455 = arith.constant 0 : i32
    %dma_start3A_456 = tpu.memref_slice %arg3[%dma_start3A_455] : memref<65536xi32, #tpu.memory_space<hbm>> -> memref<65536xi32, #tpu.memory_space<hbm>>
    tpu.enqueue_indirect_dma source(%dma_start3A_456 : memref<65536xi32, #tpu.memory_space<hbm>>) target(%dma_start3A_451 : memref<128xi32, #tpu.memory_space<vmem>>) offsets(%dma_start3A_454 : memref<128xi32, #tpu.memory_space<vmem>>) semaphore(%arg28 : memref<!tpu.dma_semaphore, #tpu.memory_space<semaphore_mem>>)
    %dma_start3A_457 = arith.constant 13 : i32
    %dma_start3A_458 = arith.constant 13 : i32
    %dma_start3A_459 = arith.constant 0 : i32
    %dma_start3A_460 = tpu.memref_slice %arg22[%dma_start3A_458, %dma_start3A_459] : memref<16x128xi32, #tpu.memory_space<vmem>> -> memref<1x128xi32, #tpu.memory_space<vmem>>
    %dma_start3A_461 = tpu.memref_squeeze %dma_start3A_460 : memref<1x128xi32, #tpu.memory_space<vmem>> -> memref<128xi32, #tpu.memory_space<vmem>>
    %dma_start3A_462 = arith.constant 0 : i32
    %dma_start3A_463 = tpu.memref_slice %arg21[%dma_start3A_457, %dma_start3A_462] : memref<16x128xi32, #tpu.memory_space<vmem>> -> memref<1x128xi32, #tpu.memory_space<vmem>>
    %dma_start3A_464 = tpu.memref_squeeze %dma_start3A_463 : memref<1x128xi32, #tpu.memory_space<vmem>> -> memref<128xi32, #tpu.memory_space<vmem>>
    %dma_start3A_465 = arith.constant 0 : i32
    %dma_start3A_466 = tpu.memref_slice %arg3[%dma_start3A_465] : memref<65536xi32, #tpu.memory_space<hbm>> -> memref<65536xi32, #tpu.memory_space<hbm>>
    tpu.enqueue_indirect_dma source(%dma_start3A_466 : memref<65536xi32, #tpu.memory_space<hbm>>) target(%dma_start3A_461 : memref<128xi32, #tpu.memory_space<vmem>>) offsets(%dma_start3A_464 : memref<128xi32, #tpu.memory_space<vmem>>) semaphore(%arg28 : memref<!tpu.dma_semaphore, #tpu.memory_space<semaphore_mem>>)
    %dma_start3A_467 = arith.constant 14 : i32
    %dma_start3A_468 = arith.constant 14 : i32
    %dma_start3A_469 = arith.constant 0 : i32
    %dma_start3A_470 = tpu.memref_slice %arg22[%dma_start3A_468, %dma_start3A_469] : memref<16x128xi32, #tpu.memory_space<vmem>> -> memref<1x128xi32, #tpu.memory_space<vmem>>
    %dma_start3A_471 = tpu.memref_squeeze %dma_start3A_470 : memref<1x128xi32, #tpu.memory_space<vmem>> -> memref<128xi32, #tpu.memory_space<vmem>>
    %dma_start3A_472 = arith.constant 0 : i32
    %dma_start3A_473 = tpu.memref_slice %arg21[%dma_start3A_467, %dma_start3A_472] : memref<16x128xi32, #tpu.memory_space<vmem>> -> memref<1x128xi32, #tpu.memory_space<vmem>>
    %dma_start3A_474 = tpu.memref_squeeze %dma_start3A_473 : memref<1x128xi32, #tpu.memory_space<vmem>> -> memref<128xi32, #tpu.memory_space<vmem>>
    %dma_start3A_475 = arith.constant 0 : i32
    %dma_start3A_476 = tpu.memref_slice %arg3[%dma_start3A_475] : memref<65536xi32, #tpu.memory_space<hbm>> -> memref<65536xi32, #tpu.memory_space<hbm>>
    tpu.enqueue_indirect_dma source(%dma_start3A_476 : memref<65536xi32, #tpu.memory_space<hbm>>) target(%dma_start3A_471 : memref<128xi32, #tpu.memory_space<vmem>>) offsets(%dma_start3A_474 : memref<128xi32, #tpu.memory_space<vmem>>) semaphore(%arg28 : memref<!tpu.dma_semaphore, #tpu.memory_space<semaphore_mem>>)
    %dma_start3A_477 = arith.constant 15 : i32
    %dma_start3A_478 = arith.constant 15 : i32
    %dma_start3A_479 = arith.constant 0 : i32
    %dma_start3A_480 = tpu.memref_slice %arg22[%dma_start3A_478, %dma_start3A_479] : memref<16x128xi32, #tpu.memory_space<vmem>> -> memref<1x128xi32, #tpu.memory_space<vmem>>
    %dma_start3A_481 = tpu.memref_squeeze %dma_start3A_480 : memref<1x128xi32, #tpu.memory_space<vmem>> -> memref<128xi32, #tpu.memory_space<vmem>>
    %dma_start3A_482 = arith.constant 0 : i32
    %dma_start3A_483 = tpu.memref_slice %arg21[%dma_start3A_477, %dma_start3A_482] : memref<16x128xi32, #tpu.memory_space<vmem>> -> memref<1x128xi32, #tpu.memory_space<vmem>>
    %dma_start3A_484 = tpu.memref_squeeze %dma_start3A_483 : memref<1x128xi32, #tpu.memory_space<vmem>> -> memref<128xi32, #tpu.memory_space<vmem>>
    %dma_start3A_485 = arith.constant 0 : i32
    %dma_start3A_486 = tpu.memref_slice %arg3[%dma_start3A_485] : memref<65536xi32, #tpu.memory_space<hbm>> -> memref<65536xi32, #tpu.memory_space<hbm>>
    tpu.enqueue_indirect_dma source(%dma_start3A_486 : memref<65536xi32, #tpu.memory_space<hbm>>) target(%dma_start3A_481 : memref<128xi32, #tpu.memory_space<vmem>>) offsets(%dma_start3A_484 : memref<128xi32, #tpu.memory_space<vmem>>) semaphore(%arg28 : memref<!tpu.dma_semaphore, #tpu.memory_space<semaphore_mem>>)
    %dma_wait3A_487 = arith.constant 0 : i32
    %dma_wait3A_488 = arith.constant 0 : i32
    %dma_wait3A_489 = arith.constant 0 : i32
    %dma_wait3A_490 = tpu.memref_slice %arg22[%dma_wait3A_488, %dma_wait3A_489] : memref<16x128xi32, #tpu.memory_space<vmem>> -> memref<1x128xi32, #tpu.memory_space<vmem>>
    %dma_wait3A_491 = tpu.memref_squeeze %dma_wait3A_490 : memref<1x128xi32, #tpu.memory_space<vmem>> -> memref<128xi32, #tpu.memory_space<vmem>>
    %dma_wait3A_492 = arith.constant 0 : i32
    %dma_wait3A_493 = tpu.memref_slice %arg21[%dma_wait3A_487, %dma_wait3A_492] : memref<16x128xi32, #tpu.memory_space<vmem>> -> memref<1x128xi32, #tpu.memory_space<vmem>>
    %dma_wait3A_494 = tpu.memref_squeeze %dma_wait3A_493 : memref<1x128xi32, #tpu.memory_space<vmem>> -> memref<128xi32, #tpu.memory_space<vmem>>
    %dma_wait3A_495 = arith.constant 0 : i32
    %dma_wait3A_496 = tpu.memref_slice %arg3[%dma_wait3A_495] : memref<65536xi32, #tpu.memory_space<hbm>> -> memref<65536xi32, #tpu.memory_space<hbm>>
    tpu.wait_indirect_dma semaphore(%arg28 : memref<!tpu.dma_semaphore, #tpu.memory_space<semaphore_mem>>) src(%dma_wait3A_496 : memref<65536xi32, #tpu.memory_space<hbm>>) dst(%dma_wait3A_491 : memref<128xi32, #tpu.memory_space<vmem>>)
    %dma_wait3A_497 = arith.constant 1 : i32
    %dma_wait3A_498 = arith.constant 1 : i32
    %dma_wait3A_499 = arith.constant 0 : i32
    %dma_wait3A_500 = tpu.memref_slice %arg22[%dma_wait3A_498, %dma_wait3A_499] : memref<16x128xi32, #tpu.memory_space<vmem>> -> memref<1x128xi32, #tpu.memory_space<vmem>>
    %dma_wait3A_501 = tpu.memref_squeeze %dma_wait3A_500 : memref<1x128xi32, #tpu.memory_space<vmem>> -> memref<128xi32, #tpu.memory_space<vmem>>
    %dma_wait3A_502 = arith.constant 0 : i32
    %dma_wait3A_503 = tpu.memref_slice %arg21[%dma_wait3A_497, %dma_wait3A_502] : memref<16x128xi32, #tpu.memory_space<vmem>> -> memref<1x128xi32, #tpu.memory_space<vmem>>
    %dma_wait3A_504 = tpu.memref_squeeze %dma_wait3A_503 : memref<1x128xi32, #tpu.memory_space<vmem>> -> memref<128xi32, #tpu.memory_space<vmem>>
    %dma_wait3A_505 = arith.constant 0 : i32
    %dma_wait3A_506 = tpu.memref_slice %arg3[%dma_wait3A_505] : memref<65536xi32, #tpu.memory_space<hbm>> -> memref<65536xi32, #tpu.memory_space<hbm>>
    tpu.wait_indirect_dma semaphore(%arg28 : memref<!tpu.dma_semaphore, #tpu.memory_space<semaphore_mem>>) src(%dma_wait3A_506 : memref<65536xi32, #tpu.memory_space<hbm>>) dst(%dma_wait3A_501 : memref<128xi32, #tpu.memory_space<vmem>>)
    %dma_wait3A_507 = arith.constant 2 : i32
    %dma_wait3A_508 = arith.constant 2 : i32
    %dma_wait3A_509 = arith.constant 0 : i32
    %dma_wait3A_510 = tpu.memref_slice %arg22[%dma_wait3A_508, %dma_wait3A_509] : memref<16x128xi32, #tpu.memory_space<vmem>> -> memref<1x128xi32, #tpu.memory_space<vmem>>
    %dma_wait3A_511 = tpu.memref_squeeze %dma_wait3A_510 : memref<1x128xi32, #tpu.memory_space<vmem>> -> memref<128xi32, #tpu.memory_space<vmem>>
    %dma_wait3A_512 = arith.constant 0 : i32
    %dma_wait3A_513 = tpu.memref_slice %arg21[%dma_wait3A_507, %dma_wait3A_512] : memref<16x128xi32, #tpu.memory_space<vmem>> -> memref<1x128xi32, #tpu.memory_space<vmem>>
    %dma_wait3A_514 = tpu.memref_squeeze %dma_wait3A_513 : memref<1x128xi32, #tpu.memory_space<vmem>> -> memref<128xi32, #tpu.memory_space<vmem>>
    %dma_wait3A_515 = arith.constant 0 : i32
    %dma_wait3A_516 = tpu.memref_slice %arg3[%dma_wait3A_515] : memref<65536xi32, #tpu.memory_space<hbm>> -> memref<65536xi32, #tpu.memory_space<hbm>>
    tpu.wait_indirect_dma semaphore(%arg28 : memref<!tpu.dma_semaphore, #tpu.memory_space<semaphore_mem>>) src(%dma_wait3A_516 : memref<65536xi32, #tpu.memory_space<hbm>>) dst(%dma_wait3A_511 : memref<128xi32, #tpu.memory_space<vmem>>)
    %dma_wait3A_517 = arith.constant 3 : i32
    %dma_wait3A_518 = arith.constant 3 : i32
    %dma_wait3A_519 = arith.constant 0 : i32
    %dma_wait3A_520 = tpu.memref_slice %arg22[%dma_wait3A_518, %dma_wait3A_519] : memref<16x128xi32, #tpu.memory_space<vmem>> -> memref<1x128xi32, #tpu.memory_space<vmem>>
    %dma_wait3A_521 = tpu.memref_squeeze %dma_wait3A_520 : memref<1x128xi32, #tpu.memory_space<vmem>> -> memref<128xi32, #tpu.memory_space<vmem>>
    %dma_wait3A_522 = arith.constant 0 : i32
    %dma_wait3A_523 = tpu.memref_slice %arg21[%dma_wait3A_517, %dma_wait3A_522] : memref<16x128xi32, #tpu.memory_space<vmem>> -> memref<1x128xi32, #tpu.memory_space<vmem>>
    %dma_wait3A_524 = tpu.memref_squeeze %dma_wait3A_523 : memref<1x128xi32, #tpu.memory_space<vmem>> -> memref<128xi32, #tpu.memory_space<vmem>>
    %dma_wait3A_525 = arith.constant 0 : i32
    %dma_wait3A_526 = tpu.memref_slice %arg3[%dma_wait3A_525] : memref<65536xi32, #tpu.memory_space<hbm>> -> memref<65536xi32, #tpu.memory_space<hbm>>
    tpu.wait_indirect_dma semaphore(%arg28 : memref<!tpu.dma_semaphore, #tpu.memory_space<semaphore_mem>>) src(%dma_wait3A_526 : memref<65536xi32, #tpu.memory_space<hbm>>) dst(%dma_wait3A_521 : memref<128xi32, #tpu.memory_space<vmem>>)
    %dma_wait3A_527 = arith.constant 4 : i32
    %dma_wait3A_528 = arith.constant 4 : i32
    %dma_wait3A_529 = arith.constant 0 : i32
    %dma_wait3A_530 = tpu.memref_slice %arg22[%dma_wait3A_528, %dma_wait3A_529] : memref<16x128xi32, #tpu.memory_space<vmem>> -> memref<1x128xi32, #tpu.memory_space<vmem>>
    %dma_wait3A_531 = tpu.memref_squeeze %dma_wait3A_530 : memref<1x128xi32, #tpu.memory_space<vmem>> -> memref<128xi32, #tpu.memory_space<vmem>>
    %dma_wait3A_532 = arith.constant 0 : i32
    %dma_wait3A_533 = tpu.memref_slice %arg21[%dma_wait3A_527, %dma_wait3A_532] : memref<16x128xi32, #tpu.memory_space<vmem>> -> memref<1x128xi32, #tpu.memory_space<vmem>>
    %dma_wait3A_534 = tpu.memref_squeeze %dma_wait3A_533 : memref<1x128xi32, #tpu.memory_space<vmem>> -> memref<128xi32, #tpu.memory_space<vmem>>
    %dma_wait3A_535 = arith.constant 0 : i32
    %dma_wait3A_536 = tpu.memref_slice %arg3[%dma_wait3A_535] : memref<65536xi32, #tpu.memory_space<hbm>> -> memref<65536xi32, #tpu.memory_space<hbm>>
    tpu.wait_indirect_dma semaphore(%arg28 : memref<!tpu.dma_semaphore, #tpu.memory_space<semaphore_mem>>) src(%dma_wait3A_536 : memref<65536xi32, #tpu.memory_space<hbm>>) dst(%dma_wait3A_531 : memref<128xi32, #tpu.memory_space<vmem>>)
    %dma_wait3A_537 = arith.constant 5 : i32
    %dma_wait3A_538 = arith.constant 5 : i32
    %dma_wait3A_539 = arith.constant 0 : i32
    %dma_wait3A_540 = tpu.memref_slice %arg22[%dma_wait3A_538, %dma_wait3A_539] : memref<16x128xi32, #tpu.memory_space<vmem>> -> memref<1x128xi32, #tpu.memory_space<vmem>>
    %dma_wait3A_541 = tpu.memref_squeeze %dma_wait3A_540 : memref<1x128xi32, #tpu.memory_space<vmem>> -> memref<128xi32, #tpu.memory_space<vmem>>
    %dma_wait3A_542 = arith.constant 0 : i32
    %dma_wait3A_543 = tpu.memref_slice %arg21[%dma_wait3A_537, %dma_wait3A_542] : memref<16x128xi32, #tpu.memory_space<vmem>> -> memref<1x128xi32, #tpu.memory_space<vmem>>
    %dma_wait3A_544 = tpu.memref_squeeze %dma_wait3A_543 : memref<1x128xi32, #tpu.memory_space<vmem>> -> memref<128xi32, #tpu.memory_space<vmem>>
    %dma_wait3A_545 = arith.constant 0 : i32
    %dma_wait3A_546 = tpu.memref_slice %arg3[%dma_wait3A_545] : memref<65536xi32, #tpu.memory_space<hbm>> -> memref<65536xi32, #tpu.memory_space<hbm>>
    tpu.wait_indirect_dma semaphore(%arg28 : memref<!tpu.dma_semaphore, #tpu.memory_space<semaphore_mem>>) src(%dma_wait3A_546 : memref<65536xi32, #tpu.memory_space<hbm>>) dst(%dma_wait3A_541 : memref<128xi32, #tpu.memory_space<vmem>>)
    %dma_wait3A_547 = arith.constant 6 : i32
    %dma_wait3A_548 = arith.constant 6 : i32
    %dma_wait3A_549 = arith.constant 0 : i32
    %dma_wait3A_550 = tpu.memref_slice %arg22[%dma_wait3A_548, %dma_wait3A_549] : memref<16x128xi32, #tpu.memory_space<vmem>> -> memref<1x128xi32, #tpu.memory_space<vmem>>
    %dma_wait3A_551 = tpu.memref_squeeze %dma_wait3A_550 : memref<1x128xi32, #tpu.memory_space<vmem>> -> memref<128xi32, #tpu.memory_space<vmem>>
    %dma_wait3A_552 = arith.constant 0 : i32
    %dma_wait3A_553 = tpu.memref_slice %arg21[%dma_wait3A_547, %dma_wait3A_552] : memref<16x128xi32, #tpu.memory_space<vmem>> -> memref<1x128xi32, #tpu.memory_space<vmem>>
    %dma_wait3A_554 = tpu.memref_squeeze %dma_wait3A_553 : memref<1x128xi32, #tpu.memory_space<vmem>> -> memref<128xi32, #tpu.memory_space<vmem>>
    %dma_wait3A_555 = arith.constant 0 : i32
    %dma_wait3A_556 = tpu.memref_slice %arg3[%dma_wait3A_555] : memref<65536xi32, #tpu.memory_space<hbm>> -> memref<65536xi32, #tpu.memory_space<hbm>>
    tpu.wait_indirect_dma semaphore(%arg28 : memref<!tpu.dma_semaphore, #tpu.memory_space<semaphore_mem>>) src(%dma_wait3A_556 : memref<65536xi32, #tpu.memory_space<hbm>>) dst(%dma_wait3A_551 : memref<128xi32, #tpu.memory_space<vmem>>)
    %dma_wait3A_557 = arith.constant 7 : i32
    %dma_wait3A_558 = arith.constant 7 : i32
    %dma_wait3A_559 = arith.constant 0 : i32
    %dma_wait3A_560 = tpu.memref_slice %arg22[%dma_wait3A_558, %dma_wait3A_559] : memref<16x128xi32, #tpu.memory_space<vmem>> -> memref<1x128xi32, #tpu.memory_space<vmem>>
    %dma_wait3A_561 = tpu.memref_squeeze %dma_wait3A_560 : memref<1x128xi32, #tpu.memory_space<vmem>> -> memref<128xi32, #tpu.memory_space<vmem>>
    %dma_wait3A_562 = arith.constant 0 : i32
    %dma_wait3A_563 = tpu.memref_slice %arg21[%dma_wait3A_557, %dma_wait3A_562] : memref<16x128xi32, #tpu.memory_space<vmem>> -> memref<1x128xi32, #tpu.memory_space<vmem>>
    %dma_wait3A_564 = tpu.memref_squeeze %dma_wait3A_563 : memref<1x128xi32, #tpu.memory_space<vmem>> -> memref<128xi32, #tpu.memory_space<vmem>>
    %dma_wait3A_565 = arith.constant 0 : i32
    %dma_wait3A_566 = tpu.memref_slice %arg3[%dma_wait3A_565] : memref<65536xi32, #tpu.memory_space<hbm>> -> memref<65536xi32, #tpu.memory_space<hbm>>
    tpu.wait_indirect_dma semaphore(%arg28 : memref<!tpu.dma_semaphore, #tpu.memory_space<semaphore_mem>>) src(%dma_wait3A_566 : memref<65536xi32, #tpu.memory_space<hbm>>) dst(%dma_wait3A_561 : memref<128xi32, #tpu.memory_space<vmem>>)
    %dma_wait3A_567 = arith.constant 8 : i32
    %dma_wait3A_568 = arith.constant 8 : i32
    %dma_wait3A_569 = arith.constant 0 : i32
    %dma_wait3A_570 = tpu.memref_slice %arg22[%dma_wait3A_568, %dma_wait3A_569] : memref<16x128xi32, #tpu.memory_space<vmem>> -> memref<1x128xi32, #tpu.memory_space<vmem>>
    %dma_wait3A_571 = tpu.memref_squeeze %dma_wait3A_570 : memref<1x128xi32, #tpu.memory_space<vmem>> -> memref<128xi32, #tpu.memory_space<vmem>>
    %dma_wait3A_572 = arith.constant 0 : i32
    %dma_wait3A_573 = tpu.memref_slice %arg21[%dma_wait3A_567, %dma_wait3A_572] : memref<16x128xi32, #tpu.memory_space<vmem>> -> memref<1x128xi32, #tpu.memory_space<vmem>>
    %dma_wait3A_574 = tpu.memref_squeeze %dma_wait3A_573 : memref<1x128xi32, #tpu.memory_space<vmem>> -> memref<128xi32, #tpu.memory_space<vmem>>
    %dma_wait3A_575 = arith.constant 0 : i32
    %dma_wait3A_576 = tpu.memref_slice %arg3[%dma_wait3A_575] : memref<65536xi32, #tpu.memory_space<hbm>> -> memref<65536xi32, #tpu.memory_space<hbm>>
    tpu.wait_indirect_dma semaphore(%arg28 : memref<!tpu.dma_semaphore, #tpu.memory_space<semaphore_mem>>) src(%dma_wait3A_576 : memref<65536xi32, #tpu.memory_space<hbm>>) dst(%dma_wait3A_571 : memref<128xi32, #tpu.memory_space<vmem>>)
    %dma_wait3A_577 = arith.constant 9 : i32
    %dma_wait3A_578 = arith.constant 9 : i32
    %dma_wait3A_579 = arith.constant 0 : i32
    %dma_wait3A_580 = tpu.memref_slice %arg22[%dma_wait3A_578, %dma_wait3A_579] : memref<16x128xi32, #tpu.memory_space<vmem>> -> memref<1x128xi32, #tpu.memory_space<vmem>>
    %dma_wait3A_581 = tpu.memref_squeeze %dma_wait3A_580 : memref<1x128xi32, #tpu.memory_space<vmem>> -> memref<128xi32, #tpu.memory_space<vmem>>
    %dma_wait3A_582 = arith.constant 0 : i32
    %dma_wait3A_583 = tpu.memref_slice %arg21[%dma_wait3A_577, %dma_wait3A_582] : memref<16x128xi32, #tpu.memory_space<vmem>> -> memref<1x128xi32, #tpu.memory_space<vmem>>
    %dma_wait3A_584 = tpu.memref_squeeze %dma_wait3A_583 : memref<1x128xi32, #tpu.memory_space<vmem>> -> memref<128xi32, #tpu.memory_space<vmem>>
    %dma_wait3A_585 = arith.constant 0 : i32
    %dma_wait3A_586 = tpu.memref_slice %arg3[%dma_wait3A_585] : memref<65536xi32, #tpu.memory_space<hbm>> -> memref<65536xi32, #tpu.memory_space<hbm>>
    tpu.wait_indirect_dma semaphore(%arg28 : memref<!tpu.dma_semaphore, #tpu.memory_space<semaphore_mem>>) src(%dma_wait3A_586 : memref<65536xi32, #tpu.memory_space<hbm>>) dst(%dma_wait3A_581 : memref<128xi32, #tpu.memory_space<vmem>>)
    %dma_wait3A_587 = arith.constant 10 : i32
    %dma_wait3A_588 = arith.constant 10 : i32
    %dma_wait3A_589 = arith.constant 0 : i32
    %dma_wait3A_590 = tpu.memref_slice %arg22[%dma_wait3A_588, %dma_wait3A_589] : memref<16x128xi32, #tpu.memory_space<vmem>> -> memref<1x128xi32, #tpu.memory_space<vmem>>
    %dma_wait3A_591 = tpu.memref_squeeze %dma_wait3A_590 : memref<1x128xi32, #tpu.memory_space<vmem>> -> memref<128xi32, #tpu.memory_space<vmem>>
    %dma_wait3A_592 = arith.constant 0 : i32
    %dma_wait3A_593 = tpu.memref_slice %arg21[%dma_wait3A_587, %dma_wait3A_592] : memref<16x128xi32, #tpu.memory_space<vmem>> -> memref<1x128xi32, #tpu.memory_space<vmem>>
    %dma_wait3A_594 = tpu.memref_squeeze %dma_wait3A_593 : memref<1x128xi32, #tpu.memory_space<vmem>> -> memref<128xi32, #tpu.memory_space<vmem>>
    %dma_wait3A_595 = arith.constant 0 : i32
    %dma_wait3A_596 = tpu.memref_slice %arg3[%dma_wait3A_595] : memref<65536xi32, #tpu.memory_space<hbm>> -> memref<65536xi32, #tpu.memory_space<hbm>>
    tpu.wait_indirect_dma semaphore(%arg28 : memref<!tpu.dma_semaphore, #tpu.memory_space<semaphore_mem>>) src(%dma_wait3A_596 : memref<65536xi32, #tpu.memory_space<hbm>>) dst(%dma_wait3A_591 : memref<128xi32, #tpu.memory_space<vmem>>)
    %dma_wait3A_597 = arith.constant 11 : i32
    %dma_wait3A_598 = arith.constant 11 : i32
    %dma_wait3A_599 = arith.constant 0 : i32
    %dma_wait3A_600 = tpu.memref_slice %arg22[%dma_wait3A_598, %dma_wait3A_599] : memref<16x128xi32, #tpu.memory_space<vmem>> -> memref<1x128xi32, #tpu.memory_space<vmem>>
    %dma_wait3A_601 = tpu.memref_squeeze %dma_wait3A_600 : memref<1x128xi32, #tpu.memory_space<vmem>> -> memref<128xi32, #tpu.memory_space<vmem>>
    %dma_wait3A_602 = arith.constant 0 : i32
    %dma_wait3A_603 = tpu.memref_slice %arg21[%dma_wait3A_597, %dma_wait3A_602] : memref<16x128xi32, #tpu.memory_space<vmem>> -> memref<1x128xi32, #tpu.memory_space<vmem>>
    %dma_wait3A_604 = tpu.memref_squeeze %dma_wait3A_603 : memref<1x128xi32, #tpu.memory_space<vmem>> -> memref<128xi32, #tpu.memory_space<vmem>>
    %dma_wait3A_605 = arith.constant 0 : i32
    %dma_wait3A_606 = tpu.memref_slice %arg3[%dma_wait3A_605] : memref<65536xi32, #tpu.memory_space<hbm>> -> memref<65536xi32, #tpu.memory_space<hbm>>
    tpu.wait_indirect_dma semaphore(%arg28 : memref<!tpu.dma_semaphore, #tpu.memory_space<semaphore_mem>>) src(%dma_wait3A_606 : memref<65536xi32, #tpu.memory_space<hbm>>) dst(%dma_wait3A_601 : memref<128xi32, #tpu.memory_space<vmem>>)
    %dma_wait3A_607 = arith.constant 12 : i32
    %dma_wait3A_608 = arith.constant 12 : i32
    %dma_wait3A_609 = arith.constant 0 : i32
    %dma_wait3A_610 = tpu.memref_slice %arg22[%dma_wait3A_608, %dma_wait3A_609] : memref<16x128xi32, #tpu.memory_space<vmem>> -> memref<1x128xi32, #tpu.memory_space<vmem>>
    %dma_wait3A_611 = tpu.memref_squeeze %dma_wait3A_610 : memref<1x128xi32, #tpu.memory_space<vmem>> -> memref<128xi32, #tpu.memory_space<vmem>>
    %dma_wait3A_612 = arith.constant 0 : i32
    %dma_wait3A_613 = tpu.memref_slice %arg21[%dma_wait3A_607, %dma_wait3A_612] : memref<16x128xi32, #tpu.memory_space<vmem>> -> memref<1x128xi32, #tpu.memory_space<vmem>>
    %dma_wait3A_614 = tpu.memref_squeeze %dma_wait3A_613 : memref<1x128xi32, #tpu.memory_space<vmem>> -> memref<128xi32, #tpu.memory_space<vmem>>
    %dma_wait3A_615 = arith.constant 0 : i32
    %dma_wait3A_616 = tpu.memref_slice %arg3[%dma_wait3A_615] : memref<65536xi32, #tpu.memory_space<hbm>> -> memref<65536xi32, #tpu.memory_space<hbm>>
    tpu.wait_indirect_dma semaphore(%arg28 : memref<!tpu.dma_semaphore, #tpu.memory_space<semaphore_mem>>) src(%dma_wait3A_616 : memref<65536xi32, #tpu.memory_space<hbm>>) dst(%dma_wait3A_611 : memref<128xi32, #tpu.memory_space<vmem>>)
    %dma_wait3A_617 = arith.constant 13 : i32
    %dma_wait3A_618 = arith.constant 13 : i32
    %dma_wait3A_619 = arith.constant 0 : i32
    %dma_wait3A_620 = tpu.memref_slice %arg22[%dma_wait3A_618, %dma_wait3A_619] : memref<16x128xi32, #tpu.memory_space<vmem>> -> memref<1x128xi32, #tpu.memory_space<vmem>>
    %dma_wait3A_621 = tpu.memref_squeeze %dma_wait3A_620 : memref<1x128xi32, #tpu.memory_space<vmem>> -> memref<128xi32, #tpu.memory_space<vmem>>
    %dma_wait3A_622 = arith.constant 0 : i32
    %dma_wait3A_623 = tpu.memref_slice %arg21[%dma_wait3A_617, %dma_wait3A_622] : memref<16x128xi32, #tpu.memory_space<vmem>> -> memref<1x128xi32, #tpu.memory_space<vmem>>
    %dma_wait3A_624 = tpu.memref_squeeze %dma_wait3A_623 : memref<1x128xi32, #tpu.memory_space<vmem>> -> memref<128xi32, #tpu.memory_space<vmem>>
    %dma_wait3A_625 = arith.constant 0 : i32
    %dma_wait3A_626 = tpu.memref_slice %arg3[%dma_wait3A_625] : memref<65536xi32, #tpu.memory_space<hbm>> -> memref<65536xi32, #tpu.memory_space<hbm>>
    tpu.wait_indirect_dma semaphore(%arg28 : memref<!tpu.dma_semaphore, #tpu.memory_space<semaphore_mem>>) src(%dma_wait3A_626 : memref<65536xi32, #tpu.memory_space<hbm>>) dst(%dma_wait3A_621 : memref<128xi32, #tpu.memory_space<vmem>>)
    %dma_wait3A_627 = arith.constant 14 : i32
    %dma_wait3A_628 = arith.constant 14 : i32
    %dma_wait3A_629 = arith.constant 0 : i32
    %dma_wait3A_630 = tpu.memref_slice %arg22[%dma_wait3A_628, %dma_wait3A_629] : memref<16x128xi32, #tpu.memory_space<vmem>> -> memref<1x128xi32, #tpu.memory_space<vmem>>
    %dma_wait3A_631 = tpu.memref_squeeze %dma_wait3A_630 : memref<1x128xi32, #tpu.memory_space<vmem>> -> memref<128xi32, #tpu.memory_space<vmem>>
    %dma_wait3A_632 = arith.constant 0 : i32
    %dma_wait3A_633 = tpu.memref_slice %arg21[%dma_wait3A_627, %dma_wait3A_632] : memref<16x128xi32, #tpu.memory_space<vmem>> -> memref<1x128xi32, #tpu.memory_space<vmem>>
    %dma_wait3A_634 = tpu.memref_squeeze %dma_wait3A_633 : memref<1x128xi32, #tpu.memory_space<vmem>> -> memref<128xi32, #tpu.memory_space<vmem>>
    %dma_wait3A_635 = arith.constant 0 : i32
    %dma_wait3A_636 = tpu.memref_slice %arg3[%dma_wait3A_635] : memref<65536xi32, #tpu.memory_space<hbm>> -> memref<65536xi32, #tpu.memory_space<hbm>>
    tpu.wait_indirect_dma semaphore(%arg28 : memref<!tpu.dma_semaphore, #tpu.memory_space<semaphore_mem>>) src(%dma_wait3A_636 : memref<65536xi32, #tpu.memory_space<hbm>>) dst(%dma_wait3A_631 : memref<128xi32, #tpu.memory_space<vmem>>)
    %dma_wait3A_637 = arith.constant 15 : i32
    %dma_wait3A_638 = arith.constant 15 : i32
    %dma_wait3A_639 = arith.constant 0 : i32
    %dma_wait3A_640 = tpu.memref_slice %arg22[%dma_wait3A_638, %dma_wait3A_639] : memref<16x128xi32, #tpu.memory_space<vmem>> -> memref<1x128xi32, #tpu.memory_space<vmem>>
    %dma_wait3A_641 = tpu.memref_squeeze %dma_wait3A_640 : memref<1x128xi32, #tpu.memory_space<vmem>> -> memref<128xi32, #tpu.memory_space<vmem>>
    %dma_wait3A_642 = arith.constant 0 : i32
    %dma_wait3A_643 = tpu.memref_slice %arg21[%dma_wait3A_637, %dma_wait3A_642] : memref<16x128xi32, #tpu.memory_space<vmem>> -> memref<1x128xi32, #tpu.memory_space<vmem>>
    %dma_wait3A_644 = tpu.memref_squeeze %dma_wait3A_643 : memref<1x128xi32, #tpu.memory_space<vmem>> -> memref<128xi32, #tpu.memory_space<vmem>>
    %dma_wait3A_645 = arith.constant 0 : i32
    %dma_wait3A_646 = tpu.memref_slice %arg3[%dma_wait3A_645] : memref<65536xi32, #tpu.memory_space<hbm>> -> memref<65536xi32, #tpu.memory_space<hbm>>
    tpu.wait_indirect_dma semaphore(%arg28 : memref<!tpu.dma_semaphore, #tpu.memory_space<semaphore_mem>>) src(%dma_wait3A_646 : memref<65536xi32, #tpu.memory_space<hbm>>) dst(%dma_wait3A_641 : memref<128xi32, #tpu.memory_space<vmem>>)
    %scan3A_647 = arith.constant 0 : i32
    %scan3A_648 = arith.constant 0 : i32
    %scan3A_649 = arith.constant 128 : i32
    %scan3A_650 = arith.addi %scan3A_648, %scan3A_649 : i32
    %scan3A_651 = arith.constant 1 : i32
    %scan3A_652 = scf.for %scan3A_1390 = %scan3A_648 to %scan3A_650 step %scan3A_651 iter_args(%scan3A_1391 = %scan3A_647) -> (i32)  : i32 {
      %mul3A_1392 = arith.constant 16 : i32
      %mul3A_1393 = arith.muli %scan3A_1390, %mul3A_1392 : i32
      %get3A = arith.index_cast %mul3A_1393 : i32 to index
      %get3A_1394 = tpu.vector_load %arg13[%get3A] {strides = array<i32>} : memref<2048xi32, #tpu.memory_space<vmem>>, vector<16xi32>,
      %jit3A = arith.constant 8 : i32
      %div3A = arith.divsi %scan3A_1390, %jit3A : i32
      %sign3A = arith.constant 0 : i32
      %sign3A_1395 = arith.cmpi sgt, %scan3A_1390, %sign3A : i32
      %sign3A_1396 = arith.extui %sign3A_1395 : i1 to i32
      %sign3A_1397 = arith.constant 0 : i32
      %sign3A_1398 = arith.cmpi slt, %scan3A_1390, %sign3A_1397 : i32
      %sign3A_1399 = arith.extui %sign3A_1398 : i1 to i32
      %sign3A_1400 = arith.subi %sign3A_1396, %sign3A_1399 : i32
      %sign3A_1401 = arith.constant 0 : i32
      %sign3A_1402 = arith.cmpi sgt, %jit3A, %sign3A_1401 : i32
      %sign3A_1403 = arith.extui %sign3A_1402 : i1 to i32
      %sign3A_1404 = arith.constant 0 : i32
      %sign3A_1405 = arith.cmpi slt, %jit3A, %sign3A_1404 : i32
      %sign3A_1406 = arith.extui %sign3A_1405 : i1 to i32
      %sign3A_1407 = arith.subi %sign3A_1403, %sign3A_1406 : i32
      %ne3A = arith.cmpi ne, %sign3A_1400, %sign3A_1407 : i32
      %rem3A = arith.remsi %scan3A_1390, %jit3A : i32
      %ne3A_1408 = arith.constant 0 : i32
      %ne3A_1409 = arith.cmpi ne, %rem3A, %ne3A_1408 : i32
      %and3A = arith.andi %ne3A, %ne3A_1409 : i1
      %sub3A = arith.constant 1 : i32
      %sub3A_1410 = arith.subi %div3A, %sub3A : i32
      %select_n3A = arith.select %and3A, %sub3A_1410, %div3A : i32
      %jit3A_1411 = arith.constant 8 : i32
      %eq3A = arith.constant 0 : i32
      %eq3A_1412 = arith.cmpi eq, %jit3A_1411, %eq3A : i32
      %jit3A_1413 = arith.constant 1 : i32
      %select_n3A_1414 = arith.select %eq3A_1412, %jit3A_1413, %jit3A_1411 : i32
      %rem3A_1415 = arith.remsi %scan3A_1390, %select_n3A_1414 : i32
      %ne3A_1416 = arith.constant 0 : i32
      %ne3A_1417 = arith.cmpi ne, %rem3A_1415, %ne3A_1416 : i32
      %lt3A = arith.constant 0 : i32
      %lt3A_1418 = arith.cmpi slt, %rem3A_1415, %lt3A : i32
      %lt3A_1419 = arith.constant 0 : i32
      %lt3A_1420 = arith.cmpi slt, %select_n3A_1414, %lt3A_1419 : i32
      %ne3A_1421 = arith.xori %lt3A_1418, %lt3A_1420 : i1
      %and3A_1422 = arith.andi %ne3A_1421, %ne3A_1417 : i1
      %add3A_1423 = arith.addi %rem3A_1415, %select_n3A_1414 : i32
      %select_n3A_1424 = arith.select %and3A_1422, %add3A_1423, %rem3A_1415 : i32
      %mul3A_1425 = arith.constant 16 : i32
      %mul3A_1426 = arith.muli %select_n3A_1424, %mul3A_1425 : i32
      %get3A_1427 = arith.index_cast %select_n3A : i32 to index
      %get3A_1428 = arith.index_cast %mul3A_1426 : i32 to index
      %get3A_1429 = tpu.vector_load %arg22[%get3A_1427, %get3A_1428] {strides = array<i32>} : memref<16x128xi32, #tpu.memory_space<vmem>>, vector<16xi32>,
      %gather3A = tpu.vector_load_idx %arg18[%get3A_1394] : memref<1024xi32, #tpu.memory_space<vmem>>[vector<16xi32>], vector<16xi32>,
      %ge3A = arith.constant 2 : i32
      %ge3A_1430 = vector.broadcast %ge3A : i32 to vector<16xi32>
      %ge3A_1431 = arith.cmpi sge, %gather3A, %ge3A_1430 : vector<16xi32>
      %ne3A_1432 = arith.cmpi ne, %get3A_1429, %get3A_1394 : vector<16xi32>
      %and3A_1433 = arith.andi %ge3A_1431, %ne3A_1432 : vector<16xi1>
      %convert_element_type3A = arith.extui %and3A_1433 : vector<16xi1> to vector<16xi32>
      %convert_element_type3A_1434 = arith.sitofp %convert_element_type3A : vector<16xi32> to vector<16xf32>
      %swap3A = arith.index_cast %mul3A_1393 : i32 to index
      %swap3A_1435 = tpu.vector_load %arg23[%swap3A] {strides = array<i32>} : memref<2048xf32, #tpu.memory_space<vmem>>, vector<16xf32>,
      tpu.vector_store %arg23[%swap3A], %convert_element_type3A_1434 {strides = array<i32>} : memref<2048xf32, #tpu.memory_space<vmem>>, vector<16xf32>,
      %scan3A_1436 = arith.constant 0 : i32
      scf.yield %scan3A_1436 : i32
    }
    %scan3A_653 = arith.constant 128 : i32
    "tpu.region"() ({
      %run_scoped3A_1390 = tpu.sem_alloc : memref<!tpu.dma_semaphore, #tpu.memory_space<semaphore_mem>>
      %dma_start3A_1391 = tpu.memref_slice %arg12[%mul3A_2] : memref<65536xf32, #tpu.memory_space<hbm>> -> memref<2048xf32, #tpu.memory_space<hbm>>
      %dma_start3A_1392 = tpu.memref_slice %arg12[%mul3A_2] : memref<65536xf32, #tpu.memory_space<hbm>> -> memref<2048xf32, #tpu.memory_space<hbm>>
      tpu.enqueue_dma source(%arg23 : memref<2048xf32, #tpu.memory_space<vmem>>) target(%dma_start3A_1392 : memref<2048xf32, #tpu.memory_space<hbm>>) target_semaphore(%run_scoped3A_1390 : memref<!tpu.dma_semaphore, #tpu.memory_space<semaphore_mem>>)
      %dma_wait3A_1393 = tpu.memref_slice %arg12[%mul3A_2] : memref<65536xf32, #tpu.memory_space<hbm>> -> memref<2048xf32, #tpu.memory_space<hbm>>
      %dma_wait3A_1394 = tpu.memref_slice %arg12[%mul3A_2] : memref<65536xf32, #tpu.memory_space<hbm>> -> memref<2048xf32, #tpu.memory_space<hbm>>
      tpu.wait_dma2 semaphore(%run_scoped3A_1390 : memref<!tpu.dma_semaphore, #tpu.memory_space<semaphore_mem>>) src(%arg23 : memref<2048xf32, #tpu.memory_space<vmem>>) dst(%dma_wait3A_1394 : memref<2048xf32, #tpu.memory_space<hbm>>)
      tpu.yield
    }) : () -> ()
    %dma_start3A_654 = arith.constant 0 : i32
    %dma_start3A_655 = arith.constant 0 : i32
    %dma_start3A_656 = tpu.memref_slice %arg20[%dma_start3A_654, %dma_start3A_655] : memref<16x128xi32, #tpu.memory_space<vmem>> -> memref<1x128xi32, #tpu.memory_space<vmem>>
    %dma_start3A_657 = tpu.memref_squeeze %dma_start3A_656 : memref<1x128xi32, #tpu.memory_space<vmem>> -> memref<128xi32, #tpu.memory_space<vmem>>
    %dma_start3A_658 = arith.constant 0 : i32
    %dma_start3A_659 = arith.constant 0 : i32
    %dma_start3A_660 = tpu.memref_slice %arg2[%dma_start3A_658, %dma_start3A_659] : memref<65536x128xf32, #tpu.memory_space<hbm>> -> memref<65536x128xf32, #tpu.memory_space<hbm>>
    tpu.enqueue_indirect_dma source(%dma_start3A_660 : memref<65536x128xf32, #tpu.memory_space<hbm>>) target(%arg24 : memref<128x128xf32, #tpu.memory_space<vmem>>) offsets(%dma_start3A_657 : memref<128xi32, #tpu.memory_space<vmem>>) semaphore(%arg28 : memref<!tpu.dma_semaphore, #tpu.memory_space<semaphore_mem>>)
    %dma_start3A_661 = arith.constant 0 : i32
    %dma_start3A_662 = arith.constant 0 : i32
    %dma_start3A_663 = tpu.memref_slice %arg21[%dma_start3A_661, %dma_start3A_662] : memref<16x128xi32, #tpu.memory_space<vmem>> -> memref<1x128xi32, #tpu.memory_space<vmem>>
    %dma_start3A_664 = tpu.memref_squeeze %dma_start3A_663 : memref<1x128xi32, #tpu.memory_space<vmem>> -> memref<128xi32, #tpu.memory_space<vmem>>
    %dma_start3A_665 = arith.constant 0 : i32
    %dma_start3A_666 = arith.constant 0 : i32
    %dma_start3A_667 = tpu.memref_slice %arg2[%dma_start3A_665, %dma_start3A_666] : memref<65536x128xf32, #tpu.memory_space<hbm>> -> memref<65536x128xf32, #tpu.memory_space<hbm>>
    tpu.enqueue_indirect_dma source(%dma_start3A_667 : memref<65536x128xf32, #tpu.memory_space<hbm>>) target(%arg25 : memref<128x128xf32, #tpu.memory_space<vmem>>) offsets(%dma_start3A_664 : memref<128xi32, #tpu.memory_space<vmem>>) semaphore(%arg28 : memref<!tpu.dma_semaphore, #tpu.memory_space<semaphore_mem>>)
    %dma_wait3A_668 = arith.constant 0 : i32
    %dma_wait3A_669 = arith.constant 0 : i32
    %dma_wait3A_670 = tpu.memref_slice %arg20[%dma_wait3A_668, %dma_wait3A_669] : memref<16x128xi32, #tpu.memory_space<vmem>> -> memref<1x128xi32, #tpu.memory_space<vmem>>
    %dma_wait3A_671 = tpu.memref_squeeze %dma_wait3A_670 : memref<1x128xi32, #tpu.memory_space<vmem>> -> memref<128xi32, #tpu.memory_space<vmem>>
    %dma_wait3A_672 = arith.constant 0 : i32
    %dma_wait3A_673 = arith.constant 0 : i32
    %dma_wait3A_674 = tpu.memref_slice %arg2[%dma_wait3A_672, %dma_wait3A_673] : memref<65536x128xf32, #tpu.memory_space<hbm>> -> memref<65536x128xf32, #tpu.memory_space<hbm>>
    tpu.wait_indirect_dma semaphore(%arg28 : memref<!tpu.dma_semaphore, #tpu.memory_space<semaphore_mem>>) src(%dma_wait3A_674 : memref<65536x128xf32, #tpu.memory_space<hbm>>) dst(%arg24 : memref<128x128xf32, #tpu.memory_space<vmem>>)
    %dma_wait3A_675 = arith.constant 0 : i32
    %dma_wait3A_676 = arith.constant 0 : i32
    %dma_wait3A_677 = tpu.memref_slice %arg21[%dma_wait3A_675, %dma_wait3A_676] : memref<16x128xi32, #tpu.memory_space<vmem>> -> memref<1x128xi32, #tpu.memory_space<vmem>>
    %dma_wait3A_678 = tpu.memref_squeeze %dma_wait3A_677 : memref<1x128xi32, #tpu.memory_space<vmem>> -> memref<128xi32, #tpu.memory_space<vmem>>
    %dma_wait3A_679 = arith.constant 0 : i32
    %dma_wait3A_680 = arith.constant 0 : i32
    %dma_wait3A_681 = tpu.memref_slice %arg2[%dma_wait3A_679, %dma_wait3A_680] : memref<65536x128xf32, #tpu.memory_space<hbm>> -> memref<65536x128xf32, #tpu.memory_space<hbm>>
    tpu.wait_indirect_dma semaphore(%arg28 : memref<!tpu.dma_semaphore, #tpu.memory_space<semaphore_mem>>) src(%dma_wait3A_681 : memref<65536x128xf32, #tpu.memory_space<hbm>>) dst(%arg25 : memref<128x128xf32, #tpu.memory_space<vmem>>)
    %dma_start3A_682 = arith.constant 1 : i32
    %dma_start3A_683 = arith.constant 0 : i32
    %dma_start3A_684 = tpu.memref_slice %arg20[%dma_start3A_682, %dma_start3A_683] : memref<16x128xi32, #tpu.memory_space<vmem>> -> memref<1x128xi32, #tpu.memory_space<vmem>>
    %dma_start3A_685 = tpu.memref_squeeze %dma_start3A_684 : memref<1x128xi32, #tpu.memory_space<vmem>> -> memref<128xi32, #tpu.memory_space<vmem>>
    %dma_start3A_686 = arith.constant 0 : i32
    %dma_start3A_687 = arith.constant 0 : i32
    %dma_start3A_688 = tpu.memref_slice %arg2[%dma_start3A_686, %dma_start3A_687] : memref<65536x128xf32, #tpu.memory_space<hbm>> -> memref<65536x128xf32, #tpu.memory_space<hbm>>
    tpu.enqueue_indirect_dma source(%dma_start3A_688 : memref<65536x128xf32, #tpu.memory_space<hbm>>) target(%arg26 : memref<128x128xf32, #tpu.memory_space<vmem>>) offsets(%dma_start3A_685 : memref<128xi32, #tpu.memory_space<vmem>>) semaphore(%arg28 : memref<!tpu.dma_semaphore, #tpu.memory_space<semaphore_mem>>)
    %dma_start3A_689 = arith.constant 1 : i32
    %dma_start3A_690 = arith.constant 0 : i32
    %dma_start3A_691 = tpu.memref_slice %arg21[%dma_start3A_689, %dma_start3A_690] : memref<16x128xi32, #tpu.memory_space<vmem>> -> memref<1x128xi32, #tpu.memory_space<vmem>>
    %dma_start3A_692 = tpu.memref_squeeze %dma_start3A_691 : memref<1x128xi32, #tpu.memory_space<vmem>> -> memref<128xi32, #tpu.memory_space<vmem>>
    %dma_start3A_693 = arith.constant 0 : i32
    %dma_start3A_694 = arith.constant 0 : i32
    %dma_start3A_695 = tpu.memref_slice %arg2[%dma_start3A_693, %dma_start3A_694] : memref<65536x128xf32, #tpu.memory_space<hbm>> -> memref<65536x128xf32, #tpu.memory_space<hbm>>
    tpu.enqueue_indirect_dma source(%dma_start3A_695 : memref<65536x128xf32, #tpu.memory_space<hbm>>) target(%arg27 : memref<128x128xf32, #tpu.memory_space<vmem>>) offsets(%dma_start3A_692 : memref<128xi32, #tpu.memory_space<vmem>>) semaphore(%arg28 : memref<!tpu.dma_semaphore, #tpu.memory_space<semaphore_mem>>)
    %add3A_696 = arith.constant 0 : i32
    %add3A_697 = arith.addi %mul3A_2, %add3A_696 : i32
    %dma_start3A_698 = arith.constant 0 : i32
    %dma_start3A_699 = tpu.memref_slice %arg10[%add3A_697, %dma_start3A_698] : memref<65536x128xf32, #tpu.memory_space<hbm>> -> memref<128x128xf32, #tpu.memory_space<hbm>>
    %dma_start3A_700 = arith.constant 0 : i32
    %dma_start3A_701 = tpu.memref_slice %arg10[%add3A_697, %dma_start3A_700] : memref<65536x128xf32, #tpu.memory_space<hbm>> -> memref<128x128xf32, #tpu.memory_space<hbm>>
    tpu.enqueue_dma source(%arg24 : memref<128x128xf32, #tpu.memory_space<vmem>>) target(%dma_start3A_701 : memref<128x128xf32, #tpu.memory_space<hbm>>) target_semaphore(%arg29 : memref<!tpu.dma_semaphore, #tpu.memory_space<semaphore_mem>>)
    %dma_start3A_702 = arith.constant 0 : i32
    %dma_start3A_703 = tpu.memref_slice %arg11[%add3A_697, %dma_start3A_702] : memref<65536x128xf32, #tpu.memory_space<hbm>> -> memref<128x128xf32, #tpu.memory_space<hbm>>
    %dma_start3A_704 = arith.constant 0 : i32
    %dma_start3A_705 = tpu.memref_slice %arg11[%add3A_697, %dma_start3A_704] : memref<65536x128xf32, #tpu.memory_space<hbm>> -> memref<128x128xf32, #tpu.memory_space<hbm>>
    tpu.enqueue_dma source(%arg25 : memref<128x128xf32, #tpu.memory_space<vmem>>) target(%dma_start3A_705 : memref<128x128xf32, #tpu.memory_space<hbm>>) target_semaphore(%arg29 : memref<!tpu.dma_semaphore, #tpu.memory_space<semaphore_mem>>)
    %dma_wait3A_706 = arith.constant 1 : i32
    %dma_wait3A_707 = arith.constant 0 : i32
    %dma_wait3A_708 = tpu.memref_slice %arg20[%dma_wait3A_706, %dma_wait3A_707] : memref<16x128xi32, #tpu.memory_space<vmem>> -> memref<1x128xi32, #tpu.memory_space<vmem>>
    %dma_wait3A_709 = tpu.memref_squeeze %dma_wait3A_708 : memref<1x128xi32, #tpu.memory_space<vmem>> -> memref<128xi32, #tpu.memory_space<vmem>>
    %dma_wait3A_710 = arith.constant 0 : i32
    %dma_wait3A_711 = arith.constant 0 : i32
    %dma_wait3A_712 = tpu.memref_slice %arg2[%dma_wait3A_710, %dma_wait3A_711] : memref<65536x128xf32, #tpu.memory_space<hbm>> -> memref<65536x128xf32, #tpu.memory_space<hbm>>
    tpu.wait_indirect_dma semaphore(%arg28 : memref<!tpu.dma_semaphore, #tpu.memory_space<semaphore_mem>>) src(%dma_wait3A_712 : memref<65536x128xf32, #tpu.memory_space<hbm>>) dst(%arg26 : memref<128x128xf32, #tpu.memory_space<vmem>>)
    %dma_wait3A_713 = arith.constant 1 : i32
    %dma_wait3A_714 = arith.constant 0 : i32
    %dma_wait3A_715 = tpu.memref_slice %arg21[%dma_wait3A_713, %dma_wait3A_714] : memref<16x128xi32, #tpu.memory_space<vmem>> -> memref<1x128xi32, #tpu.memory_space<vmem>>
    %dma_wait3A_716 = tpu.memref_squeeze %dma_wait3A_715 : memref<1x128xi32, #tpu.memory_space<vmem>> -> memref<128xi32, #tpu.memory_space<vmem>>
    %dma_wait3A_717 = arith.constant 0 : i32
    %dma_wait3A_718 = arith.constant 0 : i32
    %dma_wait3A_719 = tpu.memref_slice %arg2[%dma_wait3A_717, %dma_wait3A_718] : memref<65536x128xf32, #tpu.memory_space<hbm>> -> memref<65536x128xf32, #tpu.memory_space<hbm>>
    tpu.wait_indirect_dma semaphore(%arg28 : memref<!tpu.dma_semaphore, #tpu.memory_space<semaphore_mem>>) src(%dma_wait3A_719 : memref<65536x128xf32, #tpu.memory_space<hbm>>) dst(%arg27 : memref<128x128xf32, #tpu.memory_space<vmem>>)
    %dma_wait3A_720 = arith.constant 0 : i32
    %dma_wait3A_721 = tpu.memref_slice %arg10[%add3A_697, %dma_wait3A_720] : memref<65536x128xf32, #tpu.memory_space<hbm>> -> memref<128x128xf32, #tpu.memory_space<hbm>>
    %dma_wait3A_722 = arith.constant 0 : i32
    %dma_wait3A_723 = tpu.memref_slice %arg10[%add3A_697, %dma_wait3A_722] : memref<65536x128xf32, #tpu.memory_space<hbm>> -> memref<128x128xf32, #tpu.memory_space<hbm>>
    tpu.wait_dma2 semaphore(%arg29 : memref<!tpu.dma_semaphore, #tpu.memory_space<semaphore_mem>>) src(%arg24 : memref<128x128xf32, #tpu.memory_space<vmem>>) dst(%dma_wait3A_723 : memref<128x128xf32, #tpu.memory_space<hbm>>)
    %dma_wait3A_724 = arith.constant 0 : i32
    %dma_wait3A_725 = tpu.memref_slice %arg11[%add3A_697, %dma_wait3A_724] : memref<65536x128xf32, #tpu.memory_space<hbm>> -> memref<128x128xf32, #tpu.memory_space<hbm>>
    %dma_wait3A_726 = arith.constant 0 : i32
    %dma_wait3A_727 = tpu.memref_slice %arg11[%add3A_697, %dma_wait3A_726] : memref<65536x128xf32, #tpu.memory_space<hbm>> -> memref<128x128xf32, #tpu.memory_space<hbm>>
    tpu.wait_dma2 semaphore(%arg29 : memref<!tpu.dma_semaphore, #tpu.memory_space<semaphore_mem>>) src(%arg25 : memref<128x128xf32, #tpu.memory_space<vmem>>) dst(%dma_wait3A_727 : memref<128x128xf32, #tpu.memory_space<hbm>>)
    %dma_start3A_728 = arith.constant 2 : i32
    %dma_start3A_729 = arith.constant 0 : i32
    %dma_start3A_730 = tpu.memref_slice %arg20[%dma_start3A_728, %dma_start3A_729] : memref<16x128xi32, #tpu.memory_space<vmem>> -> memref<1x128xi32, #tpu.memory_space<vmem>>
    %dma_start3A_731 = tpu.memref_squeeze %dma_start3A_730 : memref<1x128xi32, #tpu.memory_space<vmem>> -> memref<128xi32, #tpu.memory_space<vmem>>
    %dma_start3A_732 = arith.constant 0 : i32
    %dma_start3A_733 = arith.constant 0 : i32
    %dma_start3A_734 = tpu.memref_slice %arg2[%dma_start3A_732, %dma_start3A_733] : memref<65536x128xf32, #tpu.memory_space<hbm>> -> memref<65536x128xf32, #tpu.memory_space<hbm>>
    tpu.enqueue_indirect_dma source(%dma_start3A_734 : memref<65536x128xf32, #tpu.memory_space<hbm>>) target(%arg24 : memref<128x128xf32, #tpu.memory_space<vmem>>) offsets(%dma_start3A_731 : memref<128xi32, #tpu.memory_space<vmem>>) semaphore(%arg28 : memref<!tpu.dma_semaphore, #tpu.memory_space<semaphore_mem>>)
    %dma_start3A_735 = arith.constant 2 : i32
    %dma_start3A_736 = arith.constant 0 : i32
    %dma_start3A_737 = tpu.memref_slice %arg21[%dma_start3A_735, %dma_start3A_736] : memref<16x128xi32, #tpu.memory_space<vmem>> -> memref<1x128xi32, #tpu.memory_space<vmem>>
    %dma_start3A_738 = tpu.memref_squeeze %dma_start3A_737 : memref<1x128xi32, #tpu.memory_space<vmem>> -> memref<128xi32, #tpu.memory_space<vmem>>
    %dma_start3A_739 = arith.constant 0 : i32
    %dma_start3A_740 = arith.constant 0 : i32
    %dma_start3A_741 = tpu.memref_slice %arg2[%dma_start3A_739, %dma_start3A_740] : memref<65536x128xf32, #tpu.memory_space<hbm>> -> memref<65536x128xf32, #tpu.memory_space<hbm>>
    tpu.enqueue_indirect_dma source(%dma_start3A_741 : memref<65536x128xf32, #tpu.memory_space<hbm>>) target(%arg25 : memref<128x128xf32, #tpu.memory_space<vmem>>) offsets(%dma_start3A_738 : memref<128xi32, #tpu.memory_space<vmem>>) semaphore(%arg28 : memref<!tpu.dma_semaphore, #tpu.memory_space<semaphore_mem>>)
    %add3A_742 = arith.constant 128 : i32
    %add3A_743 = arith.addi %mul3A_2, %add3A_742 : i32
    %dma_start3A_744 = arith.constant 0 : i32
    %dma_start3A_745 = tpu.memref_slice %arg10[%add3A_743, %dma_start3A_744] : memref<65536x128xf32, #tpu.memory_space<hbm>> -> memref<128x128xf32, #tpu.memory_space<hbm>>
    %dma_start3A_746 = arith.constant 0 : i32
    %dma_start3A_747 = tpu.memref_slice %arg10[%add3A_743, %dma_start3A_746] : memref<65536x128xf32, #tpu.memory_space<hbm>> -> memref<128x128xf32, #tpu.memory_space<hbm>>
    tpu.enqueue_dma source(%arg26 : memref<128x128xf32, #tpu.memory_space<vmem>>) target(%dma_start3A_747 : memref<128x128xf32, #tpu.memory_space<hbm>>) target_semaphore(%arg29 : memref<!tpu.dma_semaphore, #tpu.memory_space<semaphore_mem>>)
    %dma_start3A_748 = arith.constant 0 : i32
    %dma_start3A_749 = tpu.memref_slice %arg11[%add3A_743, %dma_start3A_748] : memref<65536x128xf32, #tpu.memory_space<hbm>> -> memref<128x128xf32, #tpu.memory_space<hbm>>
    %dma_start3A_750 = arith.constant 0 : i32
    %dma_start3A_751 = tpu.memref_slice %arg11[%add3A_743, %dma_start3A_750] : memref<65536x128xf32, #tpu.memory_space<hbm>> -> memref<128x128xf32, #tpu.memory_space<hbm>>
    tpu.enqueue_dma source(%arg27 : memref<128x128xf32, #tpu.memory_space<vmem>>) target(%dma_start3A_751 : memref<128x128xf32, #tpu.memory_space<hbm>>) target_semaphore(%arg29 : memref<!tpu.dma_semaphore, #tpu.memory_space<semaphore_mem>>)
    %dma_wait3A_752 = arith.constant 2 : i32
    %dma_wait3A_753 = arith.constant 0 : i32
    %dma_wait3A_754 = tpu.memref_slice %arg20[%dma_wait3A_752, %dma_wait3A_753] : memref<16x128xi32, #tpu.memory_space<vmem>> -> memref<1x128xi32, #tpu.memory_space<vmem>>
    %dma_wait3A_755 = tpu.memref_squeeze %dma_wait3A_754 : memref<1x128xi32, #tpu.memory_space<vmem>> -> memref<128xi32, #tpu.memory_space<vmem>>
    %dma_wait3A_756 = arith.constant 0 : i32
    %dma_wait3A_757 = arith.constant 0 : i32
    %dma_wait3A_758 = tpu.memref_slice %arg2[%dma_wait3A_756, %dma_wait3A_757] : memref<65536x128xf32, #tpu.memory_space<hbm>> -> memref<65536x128xf32, #tpu.memory_space<hbm>>
    tpu.wait_indirect_dma semaphore(%arg28 : memref<!tpu.dma_semaphore, #tpu.memory_space<semaphore_mem>>) src(%dma_wait3A_758 : memref<65536x128xf32, #tpu.memory_space<hbm>>) dst(%arg24 : memref<128x128xf32, #tpu.memory_space<vmem>>)
    %dma_wait3A_759 = arith.constant 2 : i32
    %dma_wait3A_760 = arith.constant 0 : i32
    %dma_wait3A_761 = tpu.memref_slice %arg21[%dma_wait3A_759, %dma_wait3A_760] : memref<16x128xi32, #tpu.memory_space<vmem>> -> memref<1x128xi32, #tpu.memory_space<vmem>>
    %dma_wait3A_762 = tpu.memref_squeeze %dma_wait3A_761 : memref<1x128xi32, #tpu.memory_space<vmem>> -> memref<128xi32, #tpu.memory_space<vmem>>
    %dma_wait3A_763 = arith.constant 0 : i32
    %dma_wait3A_764 = arith.constant 0 : i32
    %dma_wait3A_765 = tpu.memref_slice %arg2[%dma_wait3A_763, %dma_wait3A_764] : memref<65536x128xf32, #tpu.memory_space<hbm>> -> memref<65536x128xf32, #tpu.memory_space<hbm>>
    tpu.wait_indirect_dma semaphore(%arg28 : memref<!tpu.dma_semaphore, #tpu.memory_space<semaphore_mem>>) src(%dma_wait3A_765 : memref<65536x128xf32, #tpu.memory_space<hbm>>) dst(%arg25 : memref<128x128xf32, #tpu.memory_space<vmem>>)
    %dma_wait3A_766 = arith.constant 0 : i32
    %dma_wait3A_767 = tpu.memref_slice %arg10[%add3A_743, %dma_wait3A_766] : memref<65536x128xf32, #tpu.memory_space<hbm>> -> memref<128x128xf32, #tpu.memory_space<hbm>>
    %dma_wait3A_768 = arith.constant 0 : i32
    %dma_wait3A_769 = tpu.memref_slice %arg10[%add3A_743, %dma_wait3A_768] : memref<65536x128xf32, #tpu.memory_space<hbm>> -> memref<128x128xf32, #tpu.memory_space<hbm>>
    tpu.wait_dma2 semaphore(%arg29 : memref<!tpu.dma_semaphore, #tpu.memory_space<semaphore_mem>>) src(%arg26 : memref<128x128xf32, #tpu.memory_space<vmem>>) dst(%dma_wait3A_769 : memref<128x128xf32, #tpu.memory_space<hbm>>)
    %dma_wait3A_770 = arith.constant 0 : i32
    %dma_wait3A_771 = tpu.memref_slice %arg11[%add3A_743, %dma_wait3A_770] : memref<65536x128xf32, #tpu.memory_space<hbm>> -> memref<128x128xf32, #tpu.memory_space<hbm>>
    %dma_wait3A_772 = arith.constant 0 : i32
    %dma_wait3A_773 = tpu.memref_slice %arg11[%add3A_743, %dma_wait3A_772] : memref<65536x128xf32, #tpu.memory_space<hbm>> -> memref<128x128xf32, #tpu.memory_space<hbm>>
    tpu.wait_dma2 semaphore(%arg29 : memref<!tpu.dma_semaphore, #tpu.memory_space<semaphore_mem>>) src(%arg27 : memref<128x128xf32, #tpu.memory_space<vmem>>) dst(%dma_wait3A_773 : memref<128x128xf32, #tpu.memory_space<hbm>>)
    %dma_start3A_774 = arith.constant 3 : i32
    %dma_start3A_775 = arith.constant 0 : i32
    %dma_start3A_776 = tpu.memref_slice %arg20[%dma_start3A_774, %dma_start3A_775] : memref<16x128xi32, #tpu.memory_space<vmem>> -> memref<1x128xi32, #tpu.memory_space<vmem>>
    %dma_start3A_777 = tpu.memref_squeeze %dma_start3A_776 : memref<1x128xi32, #tpu.memory_space<vmem>> -> memref<128xi32, #tpu.memory_space<vmem>>
    %dma_start3A_778 = arith.constant 0 : i32
    %dma_start3A_779 = arith.constant 0 : i32
    %dma_start3A_780 = tpu.memref_slice %arg2[%dma_start3A_778, %dma_start3A_779] : memref<65536x128xf32, #tpu.memory_space<hbm>> -> memref<65536x128xf32, #tpu.memory_space<hbm>>
    tpu.enqueue_indirect_dma source(%dma_start3A_780 : memref<65536x128xf32, #tpu.memory_space<hbm>>) target(%arg26 : memref<128x128xf32, #tpu.memory_space<vmem>>) offsets(%dma_start3A_777 : memref<128xi32, #tpu.memory_space<vmem>>) semaphore(%arg28 : memref<!tpu.dma_semaphore, #tpu.memory_space<semaphore_mem>>)
    %dma_start3A_781 = arith.constant 3 : i32
    %dma_start3A_782 = arith.constant 0 : i32
    %dma_start3A_783 = tpu.memref_slice %arg21[%dma_start3A_781, %dma_start3A_782] : memref<16x128xi32, #tpu.memory_space<vmem>> -> memref<1x128xi32, #tpu.memory_space<vmem>>
    %dma_start3A_784 = tpu.memref_squeeze %dma_start3A_783 : memref<1x128xi32, #tpu.memory_space<vmem>> -> memref<128xi32, #tpu.memory_space<vmem>>
    %dma_start3A_785 = arith.constant 0 : i32
    %dma_start3A_786 = arith.constant 0 : i32
    %dma_start3A_787 = tpu.memref_slice %arg2[%dma_start3A_785, %dma_start3A_786] : memref<65536x128xf32, #tpu.memory_space<hbm>> -> memref<65536x128xf32, #tpu.memory_space<hbm>>
    tpu.enqueue_indirect_dma source(%dma_start3A_787 : memref<65536x128xf32, #tpu.memory_space<hbm>>) target(%arg27 : memref<128x128xf32, #tpu.memory_space<vmem>>) offsets(%dma_start3A_784 : memref<128xi32, #tpu.memory_space<vmem>>) semaphore(%arg28 : memref<!tpu.dma_semaphore, #tpu.memory_space<semaphore_mem>>)
    %add3A_788 = arith.constant 256 : i32
    %add3A_789 = arith.addi %mul3A_2, %add3A_788 : i32
    %dma_start3A_790 = arith.constant 0 : i32
    %dma_start3A_791 = tpu.memref_slice %arg10[%add3A_789, %dma_start3A_790] : memref<65536x128xf32, #tpu.memory_space<hbm>> -> memref<128x128xf32, #tpu.memory_space<hbm>>
    %dma_start3A_792 = arith.constant 0 : i32
    %dma_start3A_793 = tpu.memref_slice %arg10[%add3A_789, %dma_start3A_792] : memref<65536x128xf32, #tpu.memory_space<hbm>> -> memref<128x128xf32, #tpu.memory_space<hbm>>
    tpu.enqueue_dma source(%arg24 : memref<128x128xf32, #tpu.memory_space<vmem>>) target(%dma_start3A_793 : memref<128x128xf32, #tpu.memory_space<hbm>>) target_semaphore(%arg29 : memref<!tpu.dma_semaphore, #tpu.memory_space<semaphore_mem>>)
    %dma_start3A_794 = arith.constant 0 : i32
    %dma_start3A_795 = tpu.memref_slice %arg11[%add3A_789, %dma_start3A_794] : memref<65536x128xf32, #tpu.memory_space<hbm>> -> memref<128x128xf32, #tpu.memory_space<hbm>>
    %dma_start3A_796 = arith.constant 0 : i32
    %dma_start3A_797 = tpu.memref_slice %arg11[%add3A_789, %dma_start3A_796] : memref<65536x128xf32, #tpu.memory_space<hbm>> -> memref<128x128xf32, #tpu.memory_space<hbm>>
    tpu.enqueue_dma source(%arg25 : memref<128x128xf32, #tpu.memory_space<vmem>>) target(%dma_start3A_797 : memref<128x128xf32, #tpu.memory_space<hbm>>) target_semaphore(%arg29 : memref<!tpu.dma_semaphore, #tpu.memory_space<semaphore_mem>>)
    %dma_wait3A_798 = arith.constant 3 : i32
    %dma_wait3A_799 = arith.constant 0 : i32
    %dma_wait3A_800 = tpu.memref_slice %arg20[%dma_wait3A_798, %dma_wait3A_799] : memref<16x128xi32, #tpu.memory_space<vmem>> -> memref<1x128xi32, #tpu.memory_space<vmem>>
    %dma_wait3A_801 = tpu.memref_squeeze %dma_wait3A_800 : memref<1x128xi32, #tpu.memory_space<vmem>> -> memref<128xi32, #tpu.memory_space<vmem>>
    %dma_wait3A_802 = arith.constant 0 : i32
    %dma_wait3A_803 = arith.constant 0 : i32
    %dma_wait3A_804 = tpu.memref_slice %arg2[%dma_wait3A_802, %dma_wait3A_803] : memref<65536x128xf32, #tpu.memory_space<hbm>> -> memref<65536x128xf32, #tpu.memory_space<hbm>>
    tpu.wait_indirect_dma semaphore(%arg28 : memref<!tpu.dma_semaphore, #tpu.memory_space<semaphore_mem>>) src(%dma_wait3A_804 : memref<65536x128xf32, #tpu.memory_space<hbm>>) dst(%arg26 : memref<128x128xf32, #tpu.memory_space<vmem>>)
    %dma_wait3A_805 = arith.constant 3 : i32
    %dma_wait3A_806 = arith.constant 0 : i32
    %dma_wait3A_807 = tpu.memref_slice %arg21[%dma_wait3A_805, %dma_wait3A_806] : memref<16x128xi32, #tpu.memory_space<vmem>> -> memref<1x128xi32, #tpu.memory_space<vmem>>
    %dma_wait3A_808 = tpu.memref_squeeze %dma_wait3A_807 : memref<1x128xi32, #tpu.memory_space<vmem>> -> memref<128xi32, #tpu.memory_space<vmem>>
    %dma_wait3A_809 = arith.constant 0 : i32
    %dma_wait3A_810 = arith.constant 0 : i32
    %dma_wait3A_811 = tpu.memref_slice %arg2[%dma_wait3A_809, %dma_wait3A_810] : memref<65536x128xf32, #tpu.memory_space<hbm>> -> memref<65536x128xf32, #tpu.memory_space<hbm>>
    tpu.wait_indirect_dma semaphore(%arg28 : memref<!tpu.dma_semaphore, #tpu.memory_space<semaphore_mem>>) src(%dma_wait3A_811 : memref<65536x128xf32, #tpu.memory_space<hbm>>) dst(%arg27 : memref<128x128xf32, #tpu.memory_space<vmem>>)
    %dma_wait3A_812 = arith.constant 0 : i32
    %dma_wait3A_813 = tpu.memref_slice %arg10[%add3A_789, %dma_wait3A_812] : memref<65536x128xf32, #tpu.memory_space<hbm>> -> memref<128x128xf32, #tpu.memory_space<hbm>>
    %dma_wait3A_814 = arith.constant 0 : i32
    %dma_wait3A_815 = tpu.memref_slice %arg10[%add3A_789, %dma_wait3A_814] : memref<65536x128xf32, #tpu.memory_space<hbm>> -> memref<128x128xf32, #tpu.memory_space<hbm>>
    tpu.wait_dma2 semaphore(%arg29 : memref<!tpu.dma_semaphore, #tpu.memory_space<semaphore_mem>>) src(%arg24 : memref<128x128xf32, #tpu.memory_space<vmem>>) dst(%dma_wait3A_815 : memref<128x128xf32, #tpu.memory_space<hbm>>)
    %dma_wait3A_816 = arith.constant 0 : i32
    %dma_wait3A_817 = tpu.memref_slice %arg11[%add3A_789, %dma_wait3A_816] : memref<65536x128xf32, #tpu.memory_space<hbm>> -> memref<128x128xf32, #tpu.memory_space<hbm>>
    %dma_wait3A_818 = arith.constant 0 : i32
    %dma_wait3A_819 = tpu.memref_slice %arg11[%add3A_789, %dma_wait3A_818] : memref<65536x128xf32, #tpu.memory_space<hbm>> -> memref<128x128xf32, #tpu.memory_space<hbm>>
    tpu.wait_dma2 semaphore(%arg29 : memref<!tpu.dma_semaphore, #tpu.memory_space<semaphore_mem>>) src(%arg25 : memref<128x128xf32, #tpu.memory_space<vmem>>) dst(%dma_wait3A_819 : memref<128x128xf32, #tpu.memory_space<hbm>>)
    %dma_start3A_820 = arith.constant 4 : i32
    %dma_start3A_821 = arith.constant 0 : i32
    %dma_start3A_822 = tpu.memref_slice %arg20[%dma_start3A_820, %dma_start3A_821] : memref<16x128xi32, #tpu.memory_space<vmem>> -> memref<1x128xi32, #tpu.memory_space<vmem>>
    %dma_start3A_823 = tpu.memref_squeeze %dma_start3A_822 : memref<1x128xi32, #tpu.memory_space<vmem>> -> memref<128xi32, #tpu.memory_space<vmem>>
    %dma_start3A_824 = arith.constant 0 : i32
    %dma_start3A_825 = arith.constant 0 : i32
    %dma_start3A_826 = tpu.memref_slice %arg2[%dma_start3A_824, %dma_start3A_825] : memref<65536x128xf32, #tpu.memory_space<hbm>> -> memref<65536x128xf32, #tpu.memory_space<hbm>>
    tpu.enqueue_indirect_dma source(%dma_start3A_826 : memref<65536x128xf32, #tpu.memory_space<hbm>>) target(%arg24 : memref<128x128xf32, #tpu.memory_space<vmem>>) offsets(%dma_start3A_823 : memref<128xi32, #tpu.memory_space<vmem>>) semaphore(%arg28 : memref<!tpu.dma_semaphore, #tpu.memory_space<semaphore_mem>>)
    %dma_start3A_827 = arith.constant 4 : i32
    %dma_start3A_828 = arith.constant 0 : i32
    %dma_start3A_829 = tpu.memref_slice %arg21[%dma_start3A_827, %dma_start3A_828] : memref<16x128xi32, #tpu.memory_space<vmem>> -> memref<1x128xi32, #tpu.memory_space<vmem>>
    %dma_start3A_830 = tpu.memref_squeeze %dma_start3A_829 : memref<1x128xi32, #tpu.memory_space<vmem>> -> memref<128xi32, #tpu.memory_space<vmem>>
    %dma_start3A_831 = arith.constant 0 : i32
    %dma_start3A_832 = arith.constant 0 : i32
    %dma_start3A_833 = tpu.memref_slice %arg2[%dma_start3A_831, %dma_start3A_832] : memref<65536x128xf32, #tpu.memory_space<hbm>> -> memref<65536x128xf32, #tpu.memory_space<hbm>>
    tpu.enqueue_indirect_dma source(%dma_start3A_833 : memref<65536x128xf32, #tpu.memory_space<hbm>>) target(%arg25 : memref<128x128xf32, #tpu.memory_space<vmem>>) offsets(%dma_start3A_830 : memref<128xi32, #tpu.memory_space<vmem>>) semaphore(%arg28 : memref<!tpu.dma_semaphore, #tpu.memory_space<semaphore_mem>>)
    %add3A_834 = arith.constant 384 : i32
    %add3A_835 = arith.addi %mul3A_2, %add3A_834 : i32
    %dma_start3A_836 = arith.constant 0 : i32
    %dma_start3A_837 = tpu.memref_slice %arg10[%add3A_835, %dma_start3A_836] : memref<65536x128xf32, #tpu.memory_space<hbm>> -> memref<128x128xf32, #tpu.memory_space<hbm>>
    %dma_start3A_838 = arith.constant 0 : i32
    %dma_start3A_839 = tpu.memref_slice %arg10[%add3A_835, %dma_start3A_838] : memref<65536x128xf32, #tpu.memory_space<hbm>> -> memref<128x128xf32, #tpu.memory_space<hbm>>
    tpu.enqueue_dma source(%arg26 : memref<128x128xf32, #tpu.memory_space<vmem>>) target(%dma_start3A_839 : memref<128x128xf32, #tpu.memory_space<hbm>>) target_semaphore(%arg29 : memref<!tpu.dma_semaphore, #tpu.memory_space<semaphore_mem>>)
    %dma_start3A_840 = arith.constant 0 : i32
    %dma_start3A_841 = tpu.memref_slice %arg11[%add3A_835, %dma_start3A_840] : memref<65536x128xf32, #tpu.memory_space<hbm>> -> memref<128x128xf32, #tpu.memory_space<hbm>>
    %dma_start3A_842 = arith.constant 0 : i32
    %dma_start3A_843 = tpu.memref_slice %arg11[%add3A_835, %dma_start3A_842] : memref<65536x128xf32, #tpu.memory_space<hbm>> -> memref<128x128xf32, #tpu.memory_space<hbm>>
    tpu.enqueue_dma source(%arg27 : memref<128x128xf32, #tpu.memory_space<vmem>>) target(%dma_start3A_843 : memref<128x128xf32, #tpu.memory_space<hbm>>) target_semaphore(%arg29 : memref<!tpu.dma_semaphore, #tpu.memory_space<semaphore_mem>>)
    %dma_wait3A_844 = arith.constant 4 : i32
    %dma_wait3A_845 = arith.constant 0 : i32
    %dma_wait3A_846 = tpu.memref_slice %arg20[%dma_wait3A_844, %dma_wait3A_845] : memref<16x128xi32, #tpu.memory_space<vmem>> -> memref<1x128xi32, #tpu.memory_space<vmem>>
    %dma_wait3A_847 = tpu.memref_squeeze %dma_wait3A_846 : memref<1x128xi32, #tpu.memory_space<vmem>> -> memref<128xi32, #tpu.memory_space<vmem>>
    %dma_wait3A_848 = arith.constant 0 : i32
    %dma_wait3A_849 = arith.constant 0 : i32
    %dma_wait3A_850 = tpu.memref_slice %arg2[%dma_wait3A_848, %dma_wait3A_849] : memref<65536x128xf32, #tpu.memory_space<hbm>> -> memref<65536x128xf32, #tpu.memory_space<hbm>>
    tpu.wait_indirect_dma semaphore(%arg28 : memref<!tpu.dma_semaphore, #tpu.memory_space<semaphore_mem>>) src(%dma_wait3A_850 : memref<65536x128xf32, #tpu.memory_space<hbm>>) dst(%arg24 : memref<128x128xf32, #tpu.memory_space<vmem>>)
    %dma_wait3A_851 = arith.constant 4 : i32
    %dma_wait3A_852 = arith.constant 0 : i32
    %dma_wait3A_853 = tpu.memref_slice %arg21[%dma_wait3A_851, %dma_wait3A_852] : memref<16x128xi32, #tpu.memory_space<vmem>> -> memref<1x128xi32, #tpu.memory_space<vmem>>
    %dma_wait3A_854 = tpu.memref_squeeze %dma_wait3A_853 : memref<1x128xi32, #tpu.memory_space<vmem>> -> memref<128xi32, #tpu.memory_space<vmem>>
    %dma_wait3A_855 = arith.constant 0 : i32
    %dma_wait3A_856 = arith.constant 0 : i32
    %dma_wait3A_857 = tpu.memref_slice %arg2[%dma_wait3A_855, %dma_wait3A_856] : memref<65536x128xf32, #tpu.memory_space<hbm>> -> memref<65536x128xf32, #tpu.memory_space<hbm>>
    tpu.wait_indirect_dma semaphore(%arg28 : memref<!tpu.dma_semaphore, #tpu.memory_space<semaphore_mem>>) src(%dma_wait3A_857 : memref<65536x128xf32, #tpu.memory_space<hbm>>) dst(%arg25 : memref<128x128xf32, #tpu.memory_space<vmem>>)
    %dma_wait3A_858 = arith.constant 0 : i32
    %dma_wait3A_859 = tpu.memref_slice %arg10[%add3A_835, %dma_wait3A_858] : memref<65536x128xf32, #tpu.memory_space<hbm>> -> memref<128x128xf32, #tpu.memory_space<hbm>>
    %dma_wait3A_860 = arith.constant 0 : i32
    %dma_wait3A_861 = tpu.memref_slice %arg10[%add3A_835, %dma_wait3A_860] : memref<65536x128xf32, #tpu.memory_space<hbm>> -> memref<128x128xf32, #tpu.memory_space<hbm>>
    tpu.wait_dma2 semaphore(%arg29 : memref<!tpu.dma_semaphore, #tpu.memory_space<semaphore_mem>>) src(%arg26 : memref<128x128xf32, #tpu.memory_space<vmem>>) dst(%dma_wait3A_861 : memref<128x128xf32, #tpu.memory_space<hbm>>)
    %dma_wait3A_862 = arith.constant 0 : i32
    %dma_wait3A_863 = tpu.memref_slice %arg11[%add3A_835, %dma_wait3A_862] : memref<65536x128xf32, #tpu.memory_space<hbm>> -> memref<128x128xf32, #tpu.memory_space<hbm>>
    %dma_wait3A_864 = arith.constant 0 : i32
    %dma_wait3A_865 = tpu.memref_slice %arg11[%add3A_835, %dma_wait3A_864] : memref<65536x128xf32, #tpu.memory_space<hbm>> -> memref<128x128xf32, #tpu.memory_space<hbm>>
    tpu.wait_dma2 semaphore(%arg29 : memref<!tpu.dma_semaphore, #tpu.memory_space<semaphore_mem>>) src(%arg27 : memref<128x128xf32, #tpu.memory_space<vmem>>) dst(%dma_wait3A_865 : memref<128x128xf32, #tpu.memory_space<hbm>>)
    %dma_start3A_866 = arith.constant 5 : i32
    %dma_start3A_867 = arith.constant 0 : i32
    %dma_start3A_868 = tpu.memref_slice %arg20[%dma_start3A_866, %dma_start3A_867] : memref<16x128xi32, #tpu.memory_space<vmem>> -> memref<1x128xi32, #tpu.memory_space<vmem>>
    %dma_start3A_869 = tpu.memref_squeeze %dma_start3A_868 : memref<1x128xi32, #tpu.memory_space<vmem>> -> memref<128xi32, #tpu.memory_space<vmem>>
    %dma_start3A_870 = arith.constant 0 : i32
    %dma_start3A_871 = arith.constant 0 : i32
    %dma_start3A_872 = tpu.memref_slice %arg2[%dma_start3A_870, %dma_start3A_871] : memref<65536x128xf32, #tpu.memory_space<hbm>> -> memref<65536x128xf32, #tpu.memory_space<hbm>>
    tpu.enqueue_indirect_dma source(%dma_start3A_872 : memref<65536x128xf32, #tpu.memory_space<hbm>>) target(%arg26 : memref<128x128xf32, #tpu.memory_space<vmem>>) offsets(%dma_start3A_869 : memref<128xi32, #tpu.memory_space<vmem>>) semaphore(%arg28 : memref<!tpu.dma_semaphore, #tpu.memory_space<semaphore_mem>>)
    %dma_start3A_873 = arith.constant 5 : i32
    %dma_start3A_874 = arith.constant 0 : i32
    %dma_start3A_875 = tpu.memref_slice %arg21[%dma_start3A_873, %dma_start3A_874] : memref<16x128xi32, #tpu.memory_space<vmem>> -> memref<1x128xi32, #tpu.memory_space<vmem>>
    %dma_start3A_876 = tpu.memref_squeeze %dma_start3A_875 : memref<1x128xi32, #tpu.memory_space<vmem>> -> memref<128xi32, #tpu.memory_space<vmem>>
    %dma_start3A_877 = arith.constant 0 : i32
    %dma_start3A_878 = arith.constant 0 : i32
    %dma_start3A_879 = tpu.memref_slice %arg2[%dma_start3A_877, %dma_start3A_878] : memref<65536x128xf32, #tpu.memory_space<hbm>> -> memref<65536x128xf32, #tpu.memory_space<hbm>>
    tpu.enqueue_indirect_dma source(%dma_start3A_879 : memref<65536x128xf32, #tpu.memory_space<hbm>>) target(%arg27 : memref<128x128xf32, #tpu.memory_space<vmem>>) offsets(%dma_start3A_876 : memref<128xi32, #tpu.memory_space<vmem>>) semaphore(%arg28 : memref<!tpu.dma_semaphore, #tpu.memory_space<semaphore_mem>>)
    %add3A_880 = arith.constant 512 : i32
    %add3A_881 = arith.addi %mul3A_2, %add3A_880 : i32
    %dma_start3A_882 = arith.constant 0 : i32
    %dma_start3A_883 = tpu.memref_slice %arg10[%add3A_881, %dma_start3A_882] : memref<65536x128xf32, #tpu.memory_space<hbm>> -> memref<128x128xf32, #tpu.memory_space<hbm>>
    %dma_start3A_884 = arith.constant 0 : i32
    %dma_start3A_885 = tpu.memref_slice %arg10[%add3A_881, %dma_start3A_884] : memref<65536x128xf32, #tpu.memory_space<hbm>> -> memref<128x128xf32, #tpu.memory_space<hbm>>
    tpu.enqueue_dma source(%arg24 : memref<128x128xf32, #tpu.memory_space<vmem>>) target(%dma_start3A_885 : memref<128x128xf32, #tpu.memory_space<hbm>>) target_semaphore(%arg29 : memref<!tpu.dma_semaphore, #tpu.memory_space<semaphore_mem>>)
    %dma_start3A_886 = arith.constant 0 : i32
    %dma_start3A_887 = tpu.memref_slice %arg11[%add3A_881, %dma_start3A_886] : memref<65536x128xf32, #tpu.memory_space<hbm>> -> memref<128x128xf32, #tpu.memory_space<hbm>>
    %dma_start3A_888 = arith.constant 0 : i32
    %dma_start3A_889 = tpu.memref_slice %arg11[%add3A_881, %dma_start3A_888] : memref<65536x128xf32, #tpu.memory_space<hbm>> -> memref<128x128xf32, #tpu.memory_space<hbm>>
    tpu.enqueue_dma source(%arg25 : memref<128x128xf32, #tpu.memory_space<vmem>>) target(%dma_start3A_889 : memref<128x128xf32, #tpu.memory_space<hbm>>) target_semaphore(%arg29 : memref<!tpu.dma_semaphore, #tpu.memory_space<semaphore_mem>>)
    %dma_wait3A_890 = arith.constant 5 : i32
    %dma_wait3A_891 = arith.constant 0 : i32
    %dma_wait3A_892 = tpu.memref_slice %arg20[%dma_wait3A_890, %dma_wait3A_891] : memref<16x128xi32, #tpu.memory_space<vmem>> -> memref<1x128xi32, #tpu.memory_space<vmem>>
    %dma_wait3A_893 = tpu.memref_squeeze %dma_wait3A_892 : memref<1x128xi32, #tpu.memory_space<vmem>> -> memref<128xi32, #tpu.memory_space<vmem>>
    %dma_wait3A_894 = arith.constant 0 : i32
    %dma_wait3A_895 = arith.constant 0 : i32
    %dma_wait3A_896 = tpu.memref_slice %arg2[%dma_wait3A_894, %dma_wait3A_895] : memref<65536x128xf32, #tpu.memory_space<hbm>> -> memref<65536x128xf32, #tpu.memory_space<hbm>>
    tpu.wait_indirect_dma semaphore(%arg28 : memref<!tpu.dma_semaphore, #tpu.memory_space<semaphore_mem>>) src(%dma_wait3A_896 : memref<65536x128xf32, #tpu.memory_space<hbm>>) dst(%arg26 : memref<128x128xf32, #tpu.memory_space<vmem>>)
    %dma_wait3A_897 = arith.constant 5 : i32
    %dma_wait3A_898 = arith.constant 0 : i32
    %dma_wait3A_899 = tpu.memref_slice %arg21[%dma_wait3A_897, %dma_wait3A_898] : memref<16x128xi32, #tpu.memory_space<vmem>> -> memref<1x128xi32, #tpu.memory_space<vmem>>
    %dma_wait3A_900 = tpu.memref_squeeze %dma_wait3A_899 : memref<1x128xi32, #tpu.memory_space<vmem>> -> memref<128xi32, #tpu.memory_space<vmem>>
    %dma_wait3A_901 = arith.constant 0 : i32
    %dma_wait3A_902 = arith.constant 0 : i32
    %dma_wait3A_903 = tpu.memref_slice %arg2[%dma_wait3A_901, %dma_wait3A_902] : memref<65536x128xf32, #tpu.memory_space<hbm>> -> memref<65536x128xf32, #tpu.memory_space<hbm>>
    tpu.wait_indirect_dma semaphore(%arg28 : memref<!tpu.dma_semaphore, #tpu.memory_space<semaphore_mem>>) src(%dma_wait3A_903 : memref<65536x128xf32, #tpu.memory_space<hbm>>) dst(%arg27 : memref<128x128xf32, #tpu.memory_space<vmem>>)
    %dma_wait3A_904 = arith.constant 0 : i32
    %dma_wait3A_905 = tpu.memref_slice %arg10[%add3A_881, %dma_wait3A_904] : memref<65536x128xf32, #tpu.memory_space<hbm>> -> memref<128x128xf32, #tpu.memory_space<hbm>>
    %dma_wait3A_906 = arith.constant 0 : i32
    %dma_wait3A_907 = tpu.memref_slice %arg10[%add3A_881, %dma_wait3A_906] : memref<65536x128xf32, #tpu.memory_space<hbm>> -> memref<128x128xf32, #tpu.memory_space<hbm>>
    tpu.wait_dma2 semaphore(%arg29 : memref<!tpu.dma_semaphore, #tpu.memory_space<semaphore_mem>>) src(%arg24 : memref<128x128xf32, #tpu.memory_space<vmem>>) dst(%dma_wait3A_907 : memref<128x128xf32, #tpu.memory_space<hbm>>)
    %dma_wait3A_908 = arith.constant 0 : i32
    %dma_wait3A_909 = tpu.memref_slice %arg11[%add3A_881, %dma_wait3A_908] : memref<65536x128xf32, #tpu.memory_space<hbm>> -> memref<128x128xf32, #tpu.memory_space<hbm>>
    %dma_wait3A_910 = arith.constant 0 : i32
    %dma_wait3A_911 = tpu.memref_slice %arg11[%add3A_881, %dma_wait3A_910] : memref<65536x128xf32, #tpu.memory_space<hbm>> -> memref<128x128xf32, #tpu.memory_space<hbm>>
    tpu.wait_dma2 semaphore(%arg29 : memref<!tpu.dma_semaphore, #tpu.memory_space<semaphore_mem>>) src(%arg25 : memref<128x128xf32, #tpu.memory_space<vmem>>) dst(%dma_wait3A_911 : memref<128x128xf32, #tpu.memory_space<hbm>>)
    %dma_start3A_912 = arith.constant 6 : i32
    %dma_start3A_913 = arith.constant 0 : i32
    %dma_start3A_914 = tpu.memref_slice %arg20[%dma_start3A_912, %dma_start3A_913] : memref<16x128xi32, #tpu.memory_space<vmem>> -> memref<1x128xi32, #tpu.memory_space<vmem>>
    %dma_start3A_915 = tpu.memref_squeeze %dma_start3A_914 : memref<1x128xi32, #tpu.memory_space<vmem>> -> memref<128xi32, #tpu.memory_space<vmem>>
    %dma_start3A_916 = arith.constant 0 : i32
    %dma_start3A_917 = arith.constant 0 : i32
    %dma_start3A_918 = tpu.memref_slice %arg2[%dma_start3A_916, %dma_start3A_917] : memref<65536x128xf32, #tpu.memory_space<hbm>> -> memref<65536x128xf32, #tpu.memory_space<hbm>>
    tpu.enqueue_indirect_dma source(%dma_start3A_918 : memref<65536x128xf32, #tpu.memory_space<hbm>>) target(%arg24 : memref<128x128xf32, #tpu.memory_space<vmem>>) offsets(%dma_start3A_915 : memref<128xi32, #tpu.memory_space<vmem>>) semaphore(%arg28 : memref<!tpu.dma_semaphore, #tpu.memory_space<semaphore_mem>>)
    %dma_start3A_919 = arith.constant 6 : i32
    %dma_start3A_920 = arith.constant 0 : i32
    %dma_start3A_921 = tpu.memref_slice %arg21[%dma_start3A_919, %dma_start3A_920] : memref<16x128xi32, #tpu.memory_space<vmem>> -> memref<1x128xi32, #tpu.memory_space<vmem>>
    %dma_start3A_922 = tpu.memref_squeeze %dma_start3A_921 : memref<1x128xi32, #tpu.memory_space<vmem>> -> memref<128xi32, #tpu.memory_space<vmem>>
    %dma_start3A_923 = arith.constant 0 : i32
    %dma_start3A_924 = arith.constant 0 : i32
    %dma_start3A_925 = tpu.memref_slice %arg2[%dma_start3A_923, %dma_start3A_924] : memref<65536x128xf32, #tpu.memory_space<hbm>> -> memref<65536x128xf32, #tpu.memory_space<hbm>>
    tpu.enqueue_indirect_dma source(%dma_start3A_925 : memref<65536x128xf32, #tpu.memory_space<hbm>>) target(%arg25 : memref<128x128xf32, #tpu.memory_space<vmem>>) offsets(%dma_start3A_922 : memref<128xi32, #tpu.memory_space<vmem>>) semaphore(%arg28 : memref<!tpu.dma_semaphore, #tpu.memory_space<semaphore_mem>>)
    %add3A_926 = arith.constant 640 : i32
    %add3A_927 = arith.addi %mul3A_2, %add3A_926 : i32
    %dma_start3A_928 = arith.constant 0 : i32
    %dma_start3A_929 = tpu.memref_slice %arg10[%add3A_927, %dma_start3A_928] : memref<65536x128xf32, #tpu.memory_space<hbm>> -> memref<128x128xf32, #tpu.memory_space<hbm>>
    %dma_start3A_930 = arith.constant 0 : i32
    %dma_start3A_931 = tpu.memref_slice %arg10[%add3A_927, %dma_start3A_930] : memref<65536x128xf32, #tpu.memory_space<hbm>> -> memref<128x128xf32, #tpu.memory_space<hbm>>
    tpu.enqueue_dma source(%arg26 : memref<128x128xf32, #tpu.memory_space<vmem>>) target(%dma_start3A_931 : memref<128x128xf32, #tpu.memory_space<hbm>>) target_semaphore(%arg29 : memref<!tpu.dma_semaphore, #tpu.memory_space<semaphore_mem>>)
    %dma_start3A_932 = arith.constant 0 : i32
    %dma_start3A_933 = tpu.memref_slice %arg11[%add3A_927, %dma_start3A_932] : memref<65536x128xf32, #tpu.memory_space<hbm>> -> memref<128x128xf32, #tpu.memory_space<hbm>>
    %dma_start3A_934 = arith.constant 0 : i32
    %dma_start3A_935 = tpu.memref_slice %arg11[%add3A_927, %dma_start3A_934] : memref<65536x128xf32, #tpu.memory_space<hbm>> -> memref<128x128xf32, #tpu.memory_space<hbm>>
    tpu.enqueue_dma source(%arg27 : memref<128x128xf32, #tpu.memory_space<vmem>>) target(%dma_start3A_935 : memref<128x128xf32, #tpu.memory_space<hbm>>) target_semaphore(%arg29 : memref<!tpu.dma_semaphore, #tpu.memory_space<semaphore_mem>>)
    %dma_wait3A_936 = arith.constant 6 : i32
    %dma_wait3A_937 = arith.constant 0 : i32
    %dma_wait3A_938 = tpu.memref_slice %arg20[%dma_wait3A_936, %dma_wait3A_937] : memref<16x128xi32, #tpu.memory_space<vmem>> -> memref<1x128xi32, #tpu.memory_space<vmem>>
    %dma_wait3A_939 = tpu.memref_squeeze %dma_wait3A_938 : memref<1x128xi32, #tpu.memory_space<vmem>> -> memref<128xi32, #tpu.memory_space<vmem>>
    %dma_wait3A_940 = arith.constant 0 : i32
    %dma_wait3A_941 = arith.constant 0 : i32
    %dma_wait3A_942 = tpu.memref_slice %arg2[%dma_wait3A_940, %dma_wait3A_941] : memref<65536x128xf32, #tpu.memory_space<hbm>> -> memref<65536x128xf32, #tpu.memory_space<hbm>>
    tpu.wait_indirect_dma semaphore(%arg28 : memref<!tpu.dma_semaphore, #tpu.memory_space<semaphore_mem>>) src(%dma_wait3A_942 : memref<65536x128xf32, #tpu.memory_space<hbm>>) dst(%arg24 : memref<128x128xf32, #tpu.memory_space<vmem>>)
    %dma_wait3A_943 = arith.constant 6 : i32
    %dma_wait3A_944 = arith.constant 0 : i32
    %dma_wait3A_945 = tpu.memref_slice %arg21[%dma_wait3A_943, %dma_wait3A_944] : memref<16x128xi32, #tpu.memory_space<vmem>> -> memref<1x128xi32, #tpu.memory_space<vmem>>
    %dma_wait3A_946 = tpu.memref_squeeze %dma_wait3A_945 : memref<1x128xi32, #tpu.memory_space<vmem>> -> memref<128xi32, #tpu.memory_space<vmem>>
    %dma_wait3A_947 = arith.constant 0 : i32
    %dma_wait3A_948 = arith.constant 0 : i32
    %dma_wait3A_949 = tpu.memref_slice %arg2[%dma_wait3A_947, %dma_wait3A_948] : memref<65536x128xf32, #tpu.memory_space<hbm>> -> memref<65536x128xf32, #tpu.memory_space<hbm>>
    tpu.wait_indirect_dma semaphore(%arg28 : memref<!tpu.dma_semaphore, #tpu.memory_space<semaphore_mem>>) src(%dma_wait3A_949 : memref<65536x128xf32, #tpu.memory_space<hbm>>) dst(%arg25 : memref<128x128xf32, #tpu.memory_space<vmem>>)
    %dma_wait3A_950 = arith.constant 0 : i32
    %dma_wait3A_951 = tpu.memref_slice %arg10[%add3A_927, %dma_wait3A_950] : memref<65536x128xf32, #tpu.memory_space<hbm>> -> memref<128x128xf32, #tpu.memory_space<hbm>>
    %dma_wait3A_952 = arith.constant 0 : i32
    %dma_wait3A_953 = tpu.memref_slice %arg10[%add3A_927, %dma_wait3A_952] : memref<65536x128xf32, #tpu.memory_space<hbm>> -> memref<128x128xf32, #tpu.memory_space<hbm>>
    tpu.wait_dma2 semaphore(%arg29 : memref<!tpu.dma_semaphore, #tpu.memory_space<semaphore_mem>>) src(%arg26 : memref<128x128xf32, #tpu.memory_space<vmem>>) dst(%dma_wait3A_953 : memref<128x128xf32, #tpu.memory_space<hbm>>)
    %dma_wait3A_954 = arith.constant 0 : i32
    %dma_wait3A_955 = tpu.memref_slice %arg11[%add3A_927, %dma_wait3A_954] : memref<65536x128xf32, #tpu.memory_space<hbm>> -> memref<128x128xf32, #tpu.memory_space<hbm>>
    %dma_wait3A_956 = arith.constant 0 : i32
    %dma_wait3A_957 = tpu.memref_slice %arg11[%add3A_927, %dma_wait3A_956] : memref<65536x128xf32, #tpu.memory_space<hbm>> -> memref<128x128xf32, #tpu.memory_space<hbm>>
    tpu.wait_dma2 semaphore(%arg29 : memref<!tpu.dma_semaphore, #tpu.memory_space<semaphore_mem>>) src(%arg27 : memref<128x128xf32, #tpu.memory_space<vmem>>) dst(%dma_wait3A_957 : memref<128x128xf32, #tpu.memory_space<hbm>>)
    %dma_start3A_958 = arith.constant 7 : i32
    %dma_start3A_959 = arith.constant 0 : i32
    %dma_start3A_960 = tpu.memref_slice %arg20[%dma_start3A_958, %dma_start3A_959] : memref<16x128xi32, #tpu.memory_space<vmem>> -> memref<1x128xi32, #tpu.memory_space<vmem>>
    %dma_start3A_961 = tpu.memref_squeeze %dma_start3A_960 : memref<1x128xi32, #tpu.memory_space<vmem>> -> memref<128xi32, #tpu.memory_space<vmem>>
    %dma_start3A_962 = arith.constant 0 : i32
    %dma_start3A_963 = arith.constant 0 : i32
    %dma_start3A_964 = tpu.memref_slice %arg2[%dma_start3A_962, %dma_start3A_963] : memref<65536x128xf32, #tpu.memory_space<hbm>> -> memref<65536x128xf32, #tpu.memory_space<hbm>>
    tpu.enqueue_indirect_dma source(%dma_start3A_964 : memref<65536x128xf32, #tpu.memory_space<hbm>>) target(%arg26 : memref<128x128xf32, #tpu.memory_space<vmem>>) offsets(%dma_start3A_961 : memref<128xi32, #tpu.memory_space<vmem>>) semaphore(%arg28 : memref<!tpu.dma_semaphore, #tpu.memory_space<semaphore_mem>>)
    %dma_start3A_965 = arith.constant 7 : i32
    %dma_start3A_966 = arith.constant 0 : i32
    %dma_start3A_967 = tpu.memref_slice %arg21[%dma_start3A_965, %dma_start3A_966] : memref<16x128xi32, #tpu.memory_space<vmem>> -> memref<1x128xi32, #tpu.memory_space<vmem>>
    %dma_start3A_968 = tpu.memref_squeeze %dma_start3A_967 : memref<1x128xi32, #tpu.memory_space<vmem>> -> memref<128xi32, #tpu.memory_space<vmem>>
    %dma_start3A_969 = arith.constant 0 : i32
    %dma_start3A_970 = arith.constant 0 : i32
    %dma_start3A_971 = tpu.memref_slice %arg2[%dma_start3A_969, %dma_start3A_970] : memref<65536x128xf32, #tpu.memory_space<hbm>> -> memref<65536x128xf32, #tpu.memory_space<hbm>>
    tpu.enqueue_indirect_dma source(%dma_start3A_971 : memref<65536x128xf32, #tpu.memory_space<hbm>>) target(%arg27 : memref<128x128xf32, #tpu.memory_space<vmem>>) offsets(%dma_start3A_968 : memref<128xi32, #tpu.memory_space<vmem>>) semaphore(%arg28 : memref<!tpu.dma_semaphore, #tpu.memory_space<semaphore_mem>>)
    %add3A_972 = arith.constant 768 : i32
    %add3A_973 = arith.addi %mul3A_2, %add3A_972 : i32
    %dma_start3A_974 = arith.constant 0 : i32
    %dma_start3A_975 = tpu.memref_slice %arg10[%add3A_973, %dma_start3A_974] : memref<65536x128xf32, #tpu.memory_space<hbm>> -> memref<128x128xf32, #tpu.memory_space<hbm>>
    %dma_start3A_976 = arith.constant 0 : i32
    %dma_start3A_977 = tpu.memref_slice %arg10[%add3A_973, %dma_start3A_976] : memref<65536x128xf32, #tpu.memory_space<hbm>> -> memref<128x128xf32, #tpu.memory_space<hbm>>
    tpu.enqueue_dma source(%arg24 : memref<128x128xf32, #tpu.memory_space<vmem>>) target(%dma_start3A_977 : memref<128x128xf32, #tpu.memory_space<hbm>>) target_semaphore(%arg29 : memref<!tpu.dma_semaphore, #tpu.memory_space<semaphore_mem>>)
    %dma_start3A_978 = arith.constant 0 : i32
    %dma_start3A_979 = tpu.memref_slice %arg11[%add3A_973, %dma_start3A_978] : memref<65536x128xf32, #tpu.memory_space<hbm>> -> memref<128x128xf32, #tpu.memory_space<hbm>>
    %dma_start3A_980 = arith.constant 0 : i32
    %dma_start3A_981 = tpu.memref_slice %arg11[%add3A_973, %dma_start3A_980] : memref<65536x128xf32, #tpu.memory_space<hbm>> -> memref<128x128xf32, #tpu.memory_space<hbm>>
    tpu.enqueue_dma source(%arg25 : memref<128x128xf32, #tpu.memory_space<vmem>>) target(%dma_start3A_981 : memref<128x128xf32, #tpu.memory_space<hbm>>) target_semaphore(%arg29 : memref<!tpu.dma_semaphore, #tpu.memory_space<semaphore_mem>>)
    %dma_wait3A_982 = arith.constant 7 : i32
    %dma_wait3A_983 = arith.constant 0 : i32
    %dma_wait3A_984 = tpu.memref_slice %arg20[%dma_wait3A_982, %dma_wait3A_983] : memref<16x128xi32, #tpu.memory_space<vmem>> -> memref<1x128xi32, #tpu.memory_space<vmem>>
    %dma_wait3A_985 = tpu.memref_squeeze %dma_wait3A_984 : memref<1x128xi32, #tpu.memory_space<vmem>> -> memref<128xi32, #tpu.memory_space<vmem>>
    %dma_wait3A_986 = arith.constant 0 : i32
    %dma_wait3A_987 = arith.constant 0 : i32
    %dma_wait3A_988 = tpu.memref_slice %arg2[%dma_wait3A_986, %dma_wait3A_987] : memref<65536x128xf32, #tpu.memory_space<hbm>> -> memref<65536x128xf32, #tpu.memory_space<hbm>>
    tpu.wait_indirect_dma semaphore(%arg28 : memref<!tpu.dma_semaphore, #tpu.memory_space<semaphore_mem>>) src(%dma_wait3A_988 : memref<65536x128xf32, #tpu.memory_space<hbm>>) dst(%arg26 : memref<128x128xf32, #tpu.memory_space<vmem>>)
    %dma_wait3A_989 = arith.constant 7 : i32
    %dma_wait3A_990 = arith.constant 0 : i32
    %dma_wait3A_991 = tpu.memref_slice %arg21[%dma_wait3A_989, %dma_wait3A_990] : memref<16x128xi32, #tpu.memory_space<vmem>> -> memref<1x128xi32, #tpu.memory_space<vmem>>
    %dma_wait3A_992 = tpu.memref_squeeze %dma_wait3A_991 : memref<1x128xi32, #tpu.memory_space<vmem>> -> memref<128xi32, #tpu.memory_space<vmem>>
    %dma_wait3A_993 = arith.constant 0 : i32
    %dma_wait3A_994 = arith.constant 0 : i32
    %dma_wait3A_995 = tpu.memref_slice %arg2[%dma_wait3A_993, %dma_wait3A_994] : memref<65536x128xf32, #tpu.memory_space<hbm>> -> memref<65536x128xf32, #tpu.memory_space<hbm>>
    tpu.wait_indirect_dma semaphore(%arg28 : memref<!tpu.dma_semaphore, #tpu.memory_space<semaphore_mem>>) src(%dma_wait3A_995 : memref<65536x128xf32, #tpu.memory_space<hbm>>) dst(%arg27 : memref<128x128xf32, #tpu.memory_space<vmem>>)
    %dma_wait3A_996 = arith.constant 0 : i32
    %dma_wait3A_997 = tpu.memref_slice %arg10[%add3A_973, %dma_wait3A_996] : memref<65536x128xf32, #tpu.memory_space<hbm>> -> memref<128x128xf32, #tpu.memory_space<hbm>>
    %dma_wait3A_998 = arith.constant 0 : i32
    %dma_wait3A_999 = tpu.memref_slice %arg10[%add3A_973, %dma_wait3A_998] : memref<65536x128xf32, #tpu.memory_space<hbm>> -> memref<128x128xf32, #tpu.memory_space<hbm>>
    tpu.wait_dma2 semaphore(%arg29 : memref<!tpu.dma_semaphore, #tpu.memory_space<semaphore_mem>>) src(%arg24 : memref<128x128xf32, #tpu.memory_space<vmem>>) dst(%dma_wait3A_999 : memref<128x128xf32, #tpu.memory_space<hbm>>)
    %dma_wait3A_1000 = arith.constant 0 : i32
    %dma_wait3A_1001 = tpu.memref_slice %arg11[%add3A_973, %dma_wait3A_1000] : memref<65536x128xf32, #tpu.memory_space<hbm>> -> memref<128x128xf32, #tpu.memory_space<hbm>>
    %dma_wait3A_1002 = arith.constant 0 : i32
    %dma_wait3A_1003 = tpu.memref_slice %arg11[%add3A_973, %dma_wait3A_1002] : memref<65536x128xf32, #tpu.memory_space<hbm>> -> memref<128x128xf32, #tpu.memory_space<hbm>>
    tpu.wait_dma2 semaphore(%arg29 : memref<!tpu.dma_semaphore, #tpu.memory_space<semaphore_mem>>) src(%arg25 : memref<128x128xf32, #tpu.memory_space<vmem>>) dst(%dma_wait3A_1003 : memref<128x128xf32, #tpu.memory_space<hbm>>)
    %dma_start3A_1004 = arith.constant 8 : i32
    %dma_start3A_1005 = arith.constant 0 : i32
    %dma_start3A_1006 = tpu.memref_slice %arg20[%dma_start3A_1004, %dma_start3A_1005] : memref<16x128xi32, #tpu.memory_space<vmem>> -> memref<1x128xi32, #tpu.memory_space<vmem>>
    %dma_start3A_1007 = tpu.memref_squeeze %dma_start3A_1006 : memref<1x128xi32, #tpu.memory_space<vmem>> -> memref<128xi32, #tpu.memory_space<vmem>>
    %dma_start3A_1008 = arith.constant 0 : i32
    %dma_start3A_1009 = arith.constant 0 : i32
    %dma_start3A_1010 = tpu.memref_slice %arg2[%dma_start3A_1008, %dma_start3A_1009] : memref<65536x128xf32, #tpu.memory_space<hbm>> -> memref<65536x128xf32, #tpu.memory_space<hbm>>
    tpu.enqueue_indirect_dma source(%dma_start3A_1010 : memref<65536x128xf32, #tpu.memory_space<hbm>>) target(%arg24 : memref<128x128xf32, #tpu.memory_space<vmem>>) offsets(%dma_start3A_1007 : memref<128xi32, #tpu.memory_space<vmem>>) semaphore(%arg28 : memref<!tpu.dma_semaphore, #tpu.memory_space<semaphore_mem>>)
    %dma_start3A_1011 = arith.constant 8 : i32
    %dma_start3A_1012 = arith.constant 0 : i32
    %dma_start3A_1013 = tpu.memref_slice %arg21[%dma_start3A_1011, %dma_start3A_1012] : memref<16x128xi32, #tpu.memory_space<vmem>> -> memref<1x128xi32, #tpu.memory_space<vmem>>
    %dma_start3A_1014 = tpu.memref_squeeze %dma_start3A_1013 : memref<1x128xi32, #tpu.memory_space<vmem>> -> memref<128xi32, #tpu.memory_space<vmem>>
    %dma_start3A_1015 = arith.constant 0 : i32
    %dma_start3A_1016 = arith.constant 0 : i32
    %dma_start3A_1017 = tpu.memref_slice %arg2[%dma_start3A_1015, %dma_start3A_1016] : memref<65536x128xf32, #tpu.memory_space<hbm>> -> memref<65536x128xf32, #tpu.memory_space<hbm>>
    tpu.enqueue_indirect_dma source(%dma_start3A_1017 : memref<65536x128xf32, #tpu.memory_space<hbm>>) target(%arg25 : memref<128x128xf32, #tpu.memory_space<vmem>>) offsets(%dma_start3A_1014 : memref<128xi32, #tpu.memory_space<vmem>>) semaphore(%arg28 : memref<!tpu.dma_semaphore, #tpu.memory_space<semaphore_mem>>)
    %add3A_1018 = arith.constant 896 : i32
    %add3A_1019 = arith.addi %mul3A_2, %add3A_1018 : i32
    %dma_start3A_1020 = arith.constant 0 : i32
    %dma_start3A_1021 = tpu.memref_slice %arg10[%add3A_1019, %dma_start3A_1020] : memref<65536x128xf32, #tpu.memory_space<hbm>> -> memref<128x128xf32, #tpu.memory_space<hbm>>
    %dma_start3A_1022 = arith.constant 0 : i32
    %dma_start3A_1023 = tpu.memref_slice %arg10[%add3A_1019, %dma_start3A_1022] : memref<65536x128xf32, #tpu.memory_space<hbm>> -> memref<128x128xf32, #tpu.memory_space<hbm>>
    tpu.enqueue_dma source(%arg26 : memref<128x128xf32, #tpu.memory_space<vmem>>) target(%dma_start3A_1023 : memref<128x128xf32, #tpu.memory_space<hbm>>) target_semaphore(%arg29 : memref<!tpu.dma_semaphore, #tpu.memory_space<semaphore_mem>>)
    %dma_start3A_1024 = arith.constant 0 : i32
    %dma_start3A_1025 = tpu.memref_slice %arg11[%add3A_1019, %dma_start3A_1024] : memref<65536x128xf32, #tpu.memory_space<hbm>> -> memref<128x128xf32, #tpu.memory_space<hbm>>
    %dma_start3A_1026 = arith.constant 0 : i32
    %dma_start3A_1027 = tpu.memref_slice %arg11[%add3A_1019, %dma_start3A_1026] : memref<65536x128xf32, #tpu.memory_space<hbm>> -> memref<128x128xf32, #tpu.memory_space<hbm>>
    tpu.enqueue_dma source(%arg27 : memref<128x128xf32, #tpu.memory_space<vmem>>) target(%dma_start3A_1027 : memref<128x128xf32, #tpu.memory_space<hbm>>) target_semaphore(%arg29 : memref<!tpu.dma_semaphore, #tpu.memory_space<semaphore_mem>>)
    %dma_wait3A_1028 = arith.constant 8 : i32
    %dma_wait3A_1029 = arith.constant 0 : i32
    %dma_wait3A_1030 = tpu.memref_slice %arg20[%dma_wait3A_1028, %dma_wait3A_1029] : memref<16x128xi32, #tpu.memory_space<vmem>> -> memref<1x128xi32, #tpu.memory_space<vmem>>
    %dma_wait3A_1031 = tpu.memref_squeeze %dma_wait3A_1030 : memref<1x128xi32, #tpu.memory_space<vmem>> -> memref<128xi32, #tpu.memory_space<vmem>>
    %dma_wait3A_1032 = arith.constant 0 : i32
    %dma_wait3A_1033 = arith.constant 0 : i32
    %dma_wait3A_1034 = tpu.memref_slice %arg2[%dma_wait3A_1032, %dma_wait3A_1033] : memref<65536x128xf32, #tpu.memory_space<hbm>> -> memref<65536x128xf32, #tpu.memory_space<hbm>>
    tpu.wait_indirect_dma semaphore(%arg28 : memref<!tpu.dma_semaphore, #tpu.memory_space<semaphore_mem>>) src(%dma_wait3A_1034 : memref<65536x128xf32, #tpu.memory_space<hbm>>) dst(%arg24 : memref<128x128xf32, #tpu.memory_space<vmem>>)
    %dma_wait3A_1035 = arith.constant 8 : i32
    %dma_wait3A_1036 = arith.constant 0 : i32
    %dma_wait3A_1037 = tpu.memref_slice %arg21[%dma_wait3A_1035, %dma_wait3A_1036] : memref<16x128xi32, #tpu.memory_space<vmem>> -> memref<1x128xi32, #tpu.memory_space<vmem>>
    %dma_wait3A_1038 = tpu.memref_squeeze %dma_wait3A_1037 : memref<1x128xi32, #tpu.memory_space<vmem>> -> memref<128xi32, #tpu.memory_space<vmem>>
    %dma_wait3A_1039 = arith.constant 0 : i32
    %dma_wait3A_1040 = arith.constant 0 : i32
    %dma_wait3A_1041 = tpu.memref_slice %arg2[%dma_wait3A_1039, %dma_wait3A_1040] : memref<65536x128xf32, #tpu.memory_space<hbm>> -> memref<65536x128xf32, #tpu.memory_space<hbm>>
    tpu.wait_indirect_dma semaphore(%arg28 : memref<!tpu.dma_semaphore, #tpu.memory_space<semaphore_mem>>) src(%dma_wait3A_1041 : memref<65536x128xf32, #tpu.memory_space<hbm>>) dst(%arg25 : memref<128x128xf32, #tpu.memory_space<vmem>>)
    %dma_wait3A_1042 = arith.constant 0 : i32
    %dma_wait3A_1043 = tpu.memref_slice %arg10[%add3A_1019, %dma_wait3A_1042] : memref<65536x128xf32, #tpu.memory_space<hbm>> -> memref<128x128xf32, #tpu.memory_space<hbm>>
    %dma_wait3A_1044 = arith.constant 0 : i32
    %dma_wait3A_1045 = tpu.memref_slice %arg10[%add3A_1019, %dma_wait3A_1044] : memref<65536x128xf32, #tpu.memory_space<hbm>> -> memref<128x128xf32, #tpu.memory_space<hbm>>
    tpu.wait_dma2 semaphore(%arg29 : memref<!tpu.dma_semaphore, #tpu.memory_space<semaphore_mem>>) src(%arg26 : memref<128x128xf32, #tpu.memory_space<vmem>>) dst(%dma_wait3A_1045 : memref<128x128xf32, #tpu.memory_space<hbm>>)
    %dma_wait3A_1046 = arith.constant 0 : i32
    %dma_wait3A_1047 = tpu.memref_slice %arg11[%add3A_1019, %dma_wait3A_1046] : memref<65536x128xf32, #tpu.memory_space<hbm>> -> memref<128x128xf32, #tpu.memory_space<hbm>>
    %dma_wait3A_1048 = arith.constant 0 : i32
    %dma_wait3A_1049 = tpu.memref_slice %arg11[%add3A_1019, %dma_wait3A_1048] : memref<65536x128xf32, #tpu.memory_space<hbm>> -> memref<128x128xf32, #tpu.memory_space<hbm>>
    tpu.wait_dma2 semaphore(%arg29 : memref<!tpu.dma_semaphore, #tpu.memory_space<semaphore_mem>>) src(%arg27 : memref<128x128xf32, #tpu.memory_space<vmem>>) dst(%dma_wait3A_1049 : memref<128x128xf32, #tpu.memory_space<hbm>>)
    %dma_start3A_1050 = arith.constant 9 : i32
    %dma_start3A_1051 = arith.constant 0 : i32
    %dma_start3A_1052 = tpu.memref_slice %arg20[%dma_start3A_1050, %dma_start3A_1051] : memref<16x128xi32, #tpu.memory_space<vmem>> -> memref<1x128xi32, #tpu.memory_space<vmem>>
    %dma_start3A_1053 = tpu.memref_squeeze %dma_start3A_1052 : memref<1x128xi32, #tpu.memory_space<vmem>> -> memref<128xi32, #tpu.memory_space<vmem>>
    %dma_start3A_1054 = arith.constant 0 : i32
    %dma_start3A_1055 = arith.constant 0 : i32
    %dma_start3A_1056 = tpu.memref_slice %arg2[%dma_start3A_1054, %dma_start3A_1055] : memref<65536x128xf32, #tpu.memory_space<hbm>> -> memref<65536x128xf32, #tpu.memory_space<hbm>>
    tpu.enqueue_indirect_dma source(%dma_start3A_1056 : memref<65536x128xf32, #tpu.memory_space<hbm>>) target(%arg26 : memref<128x128xf32, #tpu.memory_space<vmem>>) offsets(%dma_start3A_1053 : memref<128xi32, #tpu.memory_space<vmem>>) semaphore(%arg28 : memref<!tpu.dma_semaphore, #tpu.memory_space<semaphore_mem>>)
    %dma_start3A_1057 = arith.constant 9 : i32
    %dma_start3A_1058 = arith.constant 0 : i32
    %dma_start3A_1059 = tpu.memref_slice %arg21[%dma_start3A_1057, %dma_start3A_1058] : memref<16x128xi32, #tpu.memory_space<vmem>> -> memref<1x128xi32, #tpu.memory_space<vmem>>
    %dma_start3A_1060 = tpu.memref_squeeze %dma_start3A_1059 : memref<1x128xi32, #tpu.memory_space<vmem>> -> memref<128xi32, #tpu.memory_space<vmem>>
    %dma_start3A_1061 = arith.constant 0 : i32
    %dma_start3A_1062 = arith.constant 0 : i32
    %dma_start3A_1063 = tpu.memref_slice %arg2[%dma_start3A_1061, %dma_start3A_1062] : memref<65536x128xf32, #tpu.memory_space<hbm>> -> memref<65536x128xf32, #tpu.memory_space<hbm>>
    tpu.enqueue_indirect_dma source(%dma_start3A_1063 : memref<65536x128xf32, #tpu.memory_space<hbm>>) target(%arg27 : memref<128x128xf32, #tpu.memory_space<vmem>>) offsets(%dma_start3A_1060 : memref<128xi32, #tpu.memory_space<vmem>>) semaphore(%arg28 : memref<!tpu.dma_semaphore, #tpu.memory_space<semaphore_mem>>)
    %add3A_1064 = arith.constant 1024 : i32
    %add3A_1065 = arith.addi %mul3A_2, %add3A_1064 : i32
    %dma_start3A_1066 = arith.constant 0 : i32
    %dma_start3A_1067 = tpu.memref_slice %arg10[%add3A_1065, %dma_start3A_1066] : memref<65536x128xf32, #tpu.memory_space<hbm>> -> memref<128x128xf32, #tpu.memory_space<hbm>>
    %dma_start3A_1068 = arith.constant 0 : i32
    %dma_start3A_1069 = tpu.memref_slice %arg10[%add3A_1065, %dma_start3A_1068] : memref<65536x128xf32, #tpu.memory_space<hbm>> -> memref<128x128xf32, #tpu.memory_space<hbm>>
    tpu.enqueue_dma source(%arg24 : memref<128x128xf32, #tpu.memory_space<vmem>>) target(%dma_start3A_1069 : memref<128x128xf32, #tpu.memory_space<hbm>>) target_semaphore(%arg29 : memref<!tpu.dma_semaphore, #tpu.memory_space<semaphore_mem>>)
    %dma_start3A_1070 = arith.constant 0 : i32
    %dma_start3A_1071 = tpu.memref_slice %arg11[%add3A_1065, %dma_start3A_1070] : memref<65536x128xf32, #tpu.memory_space<hbm>> -> memref<128x128xf32, #tpu.memory_space<hbm>>
    %dma_start3A_1072 = arith.constant 0 : i32
    %dma_start3A_1073 = tpu.memref_slice %arg11[%add3A_1065, %dma_start3A_1072] : memref<65536x128xf32, #tpu.memory_space<hbm>> -> memref<128x128xf32, #tpu.memory_space<hbm>>
    tpu.enqueue_dma source(%arg25 : memref<128x128xf32, #tpu.memory_space<vmem>>) target(%dma_start3A_1073 : memref<128x128xf32, #tpu.memory_space<hbm>>) target_semaphore(%arg29 : memref<!tpu.dma_semaphore, #tpu.memory_space<semaphore_mem>>)
    %dma_wait3A_1074 = arith.constant 9 : i32
    %dma_wait3A_1075 = arith.constant 0 : i32
    %dma_wait3A_1076 = tpu.memref_slice %arg20[%dma_wait3A_1074, %dma_wait3A_1075] : memref<16x128xi32, #tpu.memory_space<vmem>> -> memref<1x128xi32, #tpu.memory_space<vmem>>
    %dma_wait3A_1077 = tpu.memref_squeeze %dma_wait3A_1076 : memref<1x128xi32, #tpu.memory_space<vmem>> -> memref<128xi32, #tpu.memory_space<vmem>>
    %dma_wait3A_1078 = arith.constant 0 : i32
    %dma_wait3A_1079 = arith.constant 0 : i32
    %dma_wait3A_1080 = tpu.memref_slice %arg2[%dma_wait3A_1078, %dma_wait3A_1079] : memref<65536x128xf32, #tpu.memory_space<hbm>> -> memref<65536x128xf32, #tpu.memory_space<hbm>>
    tpu.wait_indirect_dma semaphore(%arg28 : memref<!tpu.dma_semaphore, #tpu.memory_space<semaphore_mem>>) src(%dma_wait3A_1080 : memref<65536x128xf32, #tpu.memory_space<hbm>>) dst(%arg26 : memref<128x128xf32, #tpu.memory_space<vmem>>)
    %dma_wait3A_1081 = arith.constant 9 : i32
    %dma_wait3A_1082 = arith.constant 0 : i32
    %dma_wait3A_1083 = tpu.memref_slice %arg21[%dma_wait3A_1081, %dma_wait3A_1082] : memref<16x128xi32, #tpu.memory_space<vmem>> -> memref<1x128xi32, #tpu.memory_space<vmem>>
    %dma_wait3A_1084 = tpu.memref_squeeze %dma_wait3A_1083 : memref<1x128xi32, #tpu.memory_space<vmem>> -> memref<128xi32, #tpu.memory_space<vmem>>
    %dma_wait3A_1085 = arith.constant 0 : i32
    %dma_wait3A_1086 = arith.constant 0 : i32
    %dma_wait3A_1087 = tpu.memref_slice %arg2[%dma_wait3A_1085, %dma_wait3A_1086] : memref<65536x128xf32, #tpu.memory_space<hbm>> -> memref<65536x128xf32, #tpu.memory_space<hbm>>
    tpu.wait_indirect_dma semaphore(%arg28 : memref<!tpu.dma_semaphore, #tpu.memory_space<semaphore_mem>>) src(%dma_wait3A_1087 : memref<65536x128xf32, #tpu.memory_space<hbm>>) dst(%arg27 : memref<128x128xf32, #tpu.memory_space<vmem>>)
    %dma_wait3A_1088 = arith.constant 0 : i32
    %dma_wait3A_1089 = tpu.memref_slice %arg10[%add3A_1065, %dma_wait3A_1088] : memref<65536x128xf32, #tpu.memory_space<hbm>> -> memref<128x128xf32, #tpu.memory_space<hbm>>
    %dma_wait3A_1090 = arith.constant 0 : i32
    %dma_wait3A_1091 = tpu.memref_slice %arg10[%add3A_1065, %dma_wait3A_1090] : memref<65536x128xf32, #tpu.memory_space<hbm>> -> memref<128x128xf32, #tpu.memory_space<hbm>>
    tpu.wait_dma2 semaphore(%arg29 : memref<!tpu.dma_semaphore, #tpu.memory_space<semaphore_mem>>) src(%arg24 : memref<128x128xf32, #tpu.memory_space<vmem>>) dst(%dma_wait3A_1091 : memref<128x128xf32, #tpu.memory_space<hbm>>)
    %dma_wait3A_1092 = arith.constant 0 : i32
    %dma_wait3A_1093 = tpu.memref_slice %arg11[%add3A_1065, %dma_wait3A_1092] : memref<65536x128xf32, #tpu.memory_space<hbm>> -> memref<128x128xf32, #tpu.memory_space<hbm>>
    %dma_wait3A_1094 = arith.constant 0 : i32
    %dma_wait3A_1095 = tpu.memref_slice %arg11[%add3A_1065, %dma_wait3A_1094] : memref<65536x128xf32, #tpu.memory_space<hbm>> -> memref<128x128xf32, #tpu.memory_space<hbm>>
    tpu.wait_dma2 semaphore(%arg29 : memref<!tpu.dma_semaphore, #tpu.memory_space<semaphore_mem>>) src(%arg25 : memref<128x128xf32, #tpu.memory_space<vmem>>) dst(%dma_wait3A_1095 : memref<128x128xf32, #tpu.memory_space<hbm>>)
    %dma_start3A_1096 = arith.constant 10 : i32
    %dma_start3A_1097 = arith.constant 0 : i32
    %dma_start3A_1098 = tpu.memref_slice %arg20[%dma_start3A_1096, %dma_start3A_1097] : memref<16x128xi32, #tpu.memory_space<vmem>> -> memref<1x128xi32, #tpu.memory_space<vmem>>
    %dma_start3A_1099 = tpu.memref_squeeze %dma_start3A_1098 : memref<1x128xi32, #tpu.memory_space<vmem>> -> memref<128xi32, #tpu.memory_space<vmem>>
    %dma_start3A_1100 = arith.constant 0 : i32
    %dma_start3A_1101 = arith.constant 0 : i32
    %dma_start3A_1102 = tpu.memref_slice %arg2[%dma_start3A_1100, %dma_start3A_1101] : memref<65536x128xf32, #tpu.memory_space<hbm>> -> memref<65536x128xf32, #tpu.memory_space<hbm>>
    tpu.enqueue_indirect_dma source(%dma_start3A_1102 : memref<65536x128xf32, #tpu.memory_space<hbm>>) target(%arg24 : memref<128x128xf32, #tpu.memory_space<vmem>>) offsets(%dma_start3A_1099 : memref<128xi32, #tpu.memory_space<vmem>>) semaphore(%arg28 : memref<!tpu.dma_semaphore, #tpu.memory_space<semaphore_mem>>)
    %dma_start3A_1103 = arith.constant 10 : i32
    %dma_start3A_1104 = arith.constant 0 : i32
    %dma_start3A_1105 = tpu.memref_slice %arg21[%dma_start3A_1103, %dma_start3A_1104] : memref<16x128xi32, #tpu.memory_space<vmem>> -> memref<1x128xi32, #tpu.memory_space<vmem>>
    %dma_start3A_1106 = tpu.memref_squeeze %dma_start3A_1105 : memref<1x128xi32, #tpu.memory_space<vmem>> -> memref<128xi32, #tpu.memory_space<vmem>>
    %dma_start3A_1107 = arith.constant 0 : i32
    %dma_start3A_1108 = arith.constant 0 : i32
    %dma_start3A_1109 = tpu.memref_slice %arg2[%dma_start3A_1107, %dma_start3A_1108] : memref<65536x128xf32, #tpu.memory_space<hbm>> -> memref<65536x128xf32, #tpu.memory_space<hbm>>
    tpu.enqueue_indirect_dma source(%dma_start3A_1109 : memref<65536x128xf32, #tpu.memory_space<hbm>>) target(%arg25 : memref<128x128xf32, #tpu.memory_space<vmem>>) offsets(%dma_start3A_1106 : memref<128xi32, #tpu.memory_space<vmem>>) semaphore(%arg28 : memref<!tpu.dma_semaphore, #tpu.memory_space<semaphore_mem>>)
    %add3A_1110 = arith.constant 1152 : i32
    %add3A_1111 = arith.addi %mul3A_2, %add3A_1110 : i32
    %dma_start3A_1112 = arith.constant 0 : i32
    %dma_start3A_1113 = tpu.memref_slice %arg10[%add3A_1111, %dma_start3A_1112] : memref<65536x128xf32, #tpu.memory_space<hbm>> -> memref<128x128xf32, #tpu.memory_space<hbm>>
    %dma_start3A_1114 = arith.constant 0 : i32
    %dma_start3A_1115 = tpu.memref_slice %arg10[%add3A_1111, %dma_start3A_1114] : memref<65536x128xf32, #tpu.memory_space<hbm>> -> memref<128x128xf32, #tpu.memory_space<hbm>>
    tpu.enqueue_dma source(%arg26 : memref<128x128xf32, #tpu.memory_space<vmem>>) target(%dma_start3A_1115 : memref<128x128xf32, #tpu.memory_space<hbm>>) target_semaphore(%arg29 : memref<!tpu.dma_semaphore, #tpu.memory_space<semaphore_mem>>)
    %dma_start3A_1116 = arith.constant 0 : i32
    %dma_start3A_1117 = tpu.memref_slice %arg11[%add3A_1111, %dma_start3A_1116] : memref<65536x128xf32, #tpu.memory_space<hbm>> -> memref<128x128xf32, #tpu.memory_space<hbm>>
    %dma_start3A_1118 = arith.constant 0 : i32
    %dma_start3A_1119 = tpu.memref_slice %arg11[%add3A_1111, %dma_start3A_1118] : memref<65536x128xf32, #tpu.memory_space<hbm>> -> memref<128x128xf32, #tpu.memory_space<hbm>>
    tpu.enqueue_dma source(%arg27 : memref<128x128xf32, #tpu.memory_space<vmem>>) target(%dma_start3A_1119 : memref<128x128xf32, #tpu.memory_space<hbm>>) target_semaphore(%arg29 : memref<!tpu.dma_semaphore, #tpu.memory_space<semaphore_mem>>)
    %dma_wait3A_1120 = arith.constant 10 : i32
    %dma_wait3A_1121 = arith.constant 0 : i32
    %dma_wait3A_1122 = tpu.memref_slice %arg20[%dma_wait3A_1120, %dma_wait3A_1121] : memref<16x128xi32, #tpu.memory_space<vmem>> -> memref<1x128xi32, #tpu.memory_space<vmem>>
    %dma_wait3A_1123 = tpu.memref_squeeze %dma_wait3A_1122 : memref<1x128xi32, #tpu.memory_space<vmem>> -> memref<128xi32, #tpu.memory_space<vmem>>
    %dma_wait3A_1124 = arith.constant 0 : i32
    %dma_wait3A_1125 = arith.constant 0 : i32
    %dma_wait3A_1126 = tpu.memref_slice %arg2[%dma_wait3A_1124, %dma_wait3A_1125] : memref<65536x128xf32, #tpu.memory_space<hbm>> -> memref<65536x128xf32, #tpu.memory_space<hbm>>
    tpu.wait_indirect_dma semaphore(%arg28 : memref<!tpu.dma_semaphore, #tpu.memory_space<semaphore_mem>>) src(%dma_wait3A_1126 : memref<65536x128xf32, #tpu.memory_space<hbm>>) dst(%arg24 : memref<128x128xf32, #tpu.memory_space<vmem>>)
    %dma_wait3A_1127 = arith.constant 10 : i32
    %dma_wait3A_1128 = arith.constant 0 : i32
    %dma_wait3A_1129 = tpu.memref_slice %arg21[%dma_wait3A_1127, %dma_wait3A_1128] : memref<16x128xi32, #tpu.memory_space<vmem>> -> memref<1x128xi32, #tpu.memory_space<vmem>>
    %dma_wait3A_1130 = tpu.memref_squeeze %dma_wait3A_1129 : memref<1x128xi32, #tpu.memory_space<vmem>> -> memref<128xi32, #tpu.memory_space<vmem>>
    %dma_wait3A_1131 = arith.constant 0 : i32
    %dma_wait3A_1132 = arith.constant 0 : i32
    %dma_wait3A_1133 = tpu.memref_slice %arg2[%dma_wait3A_1131, %dma_wait3A_1132] : memref<65536x128xf32, #tpu.memory_space<hbm>> -> memref<65536x128xf32, #tpu.memory_space<hbm>>
    tpu.wait_indirect_dma semaphore(%arg28 : memref<!tpu.dma_semaphore, #tpu.memory_space<semaphore_mem>>) src(%dma_wait3A_1133 : memref<65536x128xf32, #tpu.memory_space<hbm>>) dst(%arg25 : memref<128x128xf32, #tpu.memory_space<vmem>>)
    %dma_wait3A_1134 = arith.constant 0 : i32
    %dma_wait3A_1135 = tpu.memref_slice %arg10[%add3A_1111, %dma_wait3A_1134] : memref<65536x128xf32, #tpu.memory_space<hbm>> -> memref<128x128xf32, #tpu.memory_space<hbm>>
    %dma_wait3A_1136 = arith.constant 0 : i32
    %dma_wait3A_1137 = tpu.memref_slice %arg10[%add3A_1111, %dma_wait3A_1136] : memref<65536x128xf32, #tpu.memory_space<hbm>> -> memref<128x128xf32, #tpu.memory_space<hbm>>
    tpu.wait_dma2 semaphore(%arg29 : memref<!tpu.dma_semaphore, #tpu.memory_space<semaphore_mem>>) src(%arg26 : memref<128x128xf32, #tpu.memory_space<vmem>>) dst(%dma_wait3A_1137 : memref<128x128xf32, #tpu.memory_space<hbm>>)
    %dma_wait3A_1138 = arith.constant 0 : i32
    %dma_wait3A_1139 = tpu.memref_slice %arg11[%add3A_1111, %dma_wait3A_1138] : memref<65536x128xf32, #tpu.memory_space<hbm>> -> memref<128x128xf32, #tpu.memory_space<hbm>>
    %dma_wait3A_1140 = arith.constant 0 : i32
    %dma_wait3A_1141 = tpu.memref_slice %arg11[%add3A_1111, %dma_wait3A_1140] : memref<65536x128xf32, #tpu.memory_space<hbm>> -> memref<128x128xf32, #tpu.memory_space<hbm>>
    tpu.wait_dma2 semaphore(%arg29 : memref<!tpu.dma_semaphore, #tpu.memory_space<semaphore_mem>>) src(%arg27 : memref<128x128xf32, #tpu.memory_space<vmem>>) dst(%dma_wait3A_1141 : memref<128x128xf32, #tpu.memory_space<hbm>>)
    %dma_start3A_1142 = arith.constant 11 : i32
    %dma_start3A_1143 = arith.constant 0 : i32
    %dma_start3A_1144 = tpu.memref_slice %arg20[%dma_start3A_1142, %dma_start3A_1143] : memref<16x128xi32, #tpu.memory_space<vmem>> -> memref<1x128xi32, #tpu.memory_space<vmem>>
    %dma_start3A_1145 = tpu.memref_squeeze %dma_start3A_1144 : memref<1x128xi32, #tpu.memory_space<vmem>> -> memref<128xi32, #tpu.memory_space<vmem>>
    %dma_start3A_1146 = arith.constant 0 : i32
    %dma_start3A_1147 = arith.constant 0 : i32
    %dma_start3A_1148 = tpu.memref_slice %arg2[%dma_start3A_1146, %dma_start3A_1147] : memref<65536x128xf32, #tpu.memory_space<hbm>> -> memref<65536x128xf32, #tpu.memory_space<hbm>>
    tpu.enqueue_indirect_dma source(%dma_start3A_1148 : memref<65536x128xf32, #tpu.memory_space<hbm>>) target(%arg26 : memref<128x128xf32, #tpu.memory_space<vmem>>) offsets(%dma_start3A_1145 : memref<128xi32, #tpu.memory_space<vmem>>) semaphore(%arg28 : memref<!tpu.dma_semaphore, #tpu.memory_space<semaphore_mem>>)
    %dma_start3A_1149 = arith.constant 11 : i32
    %dma_start3A_1150 = arith.constant 0 : i32
    %dma_start3A_1151 = tpu.memref_slice %arg21[%dma_start3A_1149, %dma_start3A_1150] : memref<16x128xi32, #tpu.memory_space<vmem>> -> memref<1x128xi32, #tpu.memory_space<vmem>>
    %dma_start3A_1152 = tpu.memref_squeeze %dma_start3A_1151 : memref<1x128xi32, #tpu.memory_space<vmem>> -> memref<128xi32, #tpu.memory_space<vmem>>
    %dma_start3A_1153 = arith.constant 0 : i32
    %dma_start3A_1154 = arith.constant 0 : i32
    %dma_start3A_1155 = tpu.memref_slice %arg2[%dma_start3A_1153, %dma_start3A_1154] : memref<65536x128xf32, #tpu.memory_space<hbm>> -> memref<65536x128xf32, #tpu.memory_space<hbm>>
    tpu.enqueue_indirect_dma source(%dma_start3A_1155 : memref<65536x128xf32, #tpu.memory_space<hbm>>) target(%arg27 : memref<128x128xf32, #tpu.memory_space<vmem>>) offsets(%dma_start3A_1152 : memref<128xi32, #tpu.memory_space<vmem>>) semaphore(%arg28 : memref<!tpu.dma_semaphore, #tpu.memory_space<semaphore_mem>>)
    %add3A_1156 = arith.constant 1280 : i32
    %add3A_1157 = arith.addi %mul3A_2, %add3A_1156 : i32
    %dma_start3A_1158 = arith.constant 0 : i32
    %dma_start3A_1159 = tpu.memref_slice %arg10[%add3A_1157, %dma_start3A_1158] : memref<65536x128xf32, #tpu.memory_space<hbm>> -> memref<128x128xf32, #tpu.memory_space<hbm>>
    %dma_start3A_1160 = arith.constant 0 : i32
    %dma_start3A_1161 = tpu.memref_slice %arg10[%add3A_1157, %dma_start3A_1160] : memref<65536x128xf32, #tpu.memory_space<hbm>> -> memref<128x128xf32, #tpu.memory_space<hbm>>
    tpu.enqueue_dma source(%arg24 : memref<128x128xf32, #tpu.memory_space<vmem>>) target(%dma_start3A_1161 : memref<128x128xf32, #tpu.memory_space<hbm>>) target_semaphore(%arg29 : memref<!tpu.dma_semaphore, #tpu.memory_space<semaphore_mem>>)
    %dma_start3A_1162 = arith.constant 0 : i32
    %dma_start3A_1163 = tpu.memref_slice %arg11[%add3A_1157, %dma_start3A_1162] : memref<65536x128xf32, #tpu.memory_space<hbm>> -> memref<128x128xf32, #tpu.memory_space<hbm>>
    %dma_start3A_1164 = arith.constant 0 : i32
    %dma_start3A_1165 = tpu.memref_slice %arg11[%add3A_1157, %dma_start3A_1164] : memref<65536x128xf32, #tpu.memory_space<hbm>> -> memref<128x128xf32, #tpu.memory_space<hbm>>
    tpu.enqueue_dma source(%arg25 : memref<128x128xf32, #tpu.memory_space<vmem>>) target(%dma_start3A_1165 : memref<128x128xf32, #tpu.memory_space<hbm>>) target_semaphore(%arg29 : memref<!tpu.dma_semaphore, #tpu.memory_space<semaphore_mem>>)
    %dma_wait3A_1166 = arith.constant 11 : i32
    %dma_wait3A_1167 = arith.constant 0 : i32
    %dma_wait3A_1168 = tpu.memref_slice %arg20[%dma_wait3A_1166, %dma_wait3A_1167] : memref<16x128xi32, #tpu.memory_space<vmem>> -> memref<1x128xi32, #tpu.memory_space<vmem>>
    %dma_wait3A_1169 = tpu.memref_squeeze %dma_wait3A_1168 : memref<1x128xi32, #tpu.memory_space<vmem>> -> memref<128xi32, #tpu.memory_space<vmem>>
    %dma_wait3A_1170 = arith.constant 0 : i32
    %dma_wait3A_1171 = arith.constant 0 : i32
    %dma_wait3A_1172 = tpu.memref_slice %arg2[%dma_wait3A_1170, %dma_wait3A_1171] : memref<65536x128xf32, #tpu.memory_space<hbm>> -> memref<65536x128xf32, #tpu.memory_space<hbm>>
    tpu.wait_indirect_dma semaphore(%arg28 : memref<!tpu.dma_semaphore, #tpu.memory_space<semaphore_mem>>) src(%dma_wait3A_1172 : memref<65536x128xf32, #tpu.memory_space<hbm>>) dst(%arg26 : memref<128x128xf32, #tpu.memory_space<vmem>>)
    %dma_wait3A_1173 = arith.constant 11 : i32
    %dma_wait3A_1174 = arith.constant 0 : i32
    %dma_wait3A_1175 = tpu.memref_slice %arg21[%dma_wait3A_1173, %dma_wait3A_1174] : memref<16x128xi32, #tpu.memory_space<vmem>> -> memref<1x128xi32, #tpu.memory_space<vmem>>
    %dma_wait3A_1176 = tpu.memref_squeeze %dma_wait3A_1175 : memref<1x128xi32, #tpu.memory_space<vmem>> -> memref<128xi32, #tpu.memory_space<vmem>>
    %dma_wait3A_1177 = arith.constant 0 : i32
    %dma_wait3A_1178 = arith.constant 0 : i32
    %dma_wait3A_1179 = tpu.memref_slice %arg2[%dma_wait3A_1177, %dma_wait3A_1178] : memref<65536x128xf32, #tpu.memory_space<hbm>> -> memref<65536x128xf32, #tpu.memory_space<hbm>>
    tpu.wait_indirect_dma semaphore(%arg28 : memref<!tpu.dma_semaphore, #tpu.memory_space<semaphore_mem>>) src(%dma_wait3A_1179 : memref<65536x128xf32, #tpu.memory_space<hbm>>) dst(%arg27 : memref<128x128xf32, #tpu.memory_space<vmem>>)
    %dma_wait3A_1180 = arith.constant 0 : i32
    %dma_wait3A_1181 = tpu.memref_slice %arg10[%add3A_1157, %dma_wait3A_1180] : memref<65536x128xf32, #tpu.memory_space<hbm>> -> memref<128x128xf32, #tpu.memory_space<hbm>>
    %dma_wait3A_1182 = arith.constant 0 : i32
    %dma_wait3A_1183 = tpu.memref_slice %arg10[%add3A_1157, %dma_wait3A_1182] : memref<65536x128xf32, #tpu.memory_space<hbm>> -> memref<128x128xf32, #tpu.memory_space<hbm>>
    tpu.wait_dma2 semaphore(%arg29 : memref<!tpu.dma_semaphore, #tpu.memory_space<semaphore_mem>>) src(%arg24 : memref<128x128xf32, #tpu.memory_space<vmem>>) dst(%dma_wait3A_1183 : memref<128x128xf32, #tpu.memory_space<hbm>>)
    %dma_wait3A_1184 = arith.constant 0 : i32
    %dma_wait3A_1185 = tpu.memref_slice %arg11[%add3A_1157, %dma_wait3A_1184] : memref<65536x128xf32, #tpu.memory_space<hbm>> -> memref<128x128xf32, #tpu.memory_space<hbm>>
    %dma_wait3A_1186 = arith.constant 0 : i32
    %dma_wait3A_1187 = tpu.memref_slice %arg11[%add3A_1157, %dma_wait3A_1186] : memref<65536x128xf32, #tpu.memory_space<hbm>> -> memref<128x128xf32, #tpu.memory_space<hbm>>
    tpu.wait_dma2 semaphore(%arg29 : memref<!tpu.dma_semaphore, #tpu.memory_space<semaphore_mem>>) src(%arg25 : memref<128x128xf32, #tpu.memory_space<vmem>>) dst(%dma_wait3A_1187 : memref<128x128xf32, #tpu.memory_space<hbm>>)
    %dma_start3A_1188 = arith.constant 12 : i32
    %dma_start3A_1189 = arith.constant 0 : i32
    %dma_start3A_1190 = tpu.memref_slice %arg20[%dma_start3A_1188, %dma_start3A_1189] : memref<16x128xi32, #tpu.memory_space<vmem>> -> memref<1x128xi32, #tpu.memory_space<vmem>>
    %dma_start3A_1191 = tpu.memref_squeeze %dma_start3A_1190 : memref<1x128xi32, #tpu.memory_space<vmem>> -> memref<128xi32, #tpu.memory_space<vmem>>
    %dma_start3A_1192 = arith.constant 0 : i32
    %dma_start3A_1193 = arith.constant 0 : i32
    %dma_start3A_1194 = tpu.memref_slice %arg2[%dma_start3A_1192, %dma_start3A_1193] : memref<65536x128xf32, #tpu.memory_space<hbm>> -> memref<65536x128xf32, #tpu.memory_space<hbm>>
    tpu.enqueue_indirect_dma source(%dma_start3A_1194 : memref<65536x128xf32, #tpu.memory_space<hbm>>) target(%arg24 : memref<128x128xf32, #tpu.memory_space<vmem>>) offsets(%dma_start3A_1191 : memref<128xi32, #tpu.memory_space<vmem>>) semaphore(%arg28 : memref<!tpu.dma_semaphore, #tpu.memory_space<semaphore_mem>>)
    %dma_start3A_1195 = arith.constant 12 : i32
    %dma_start3A_1196 = arith.constant 0 : i32
    %dma_start3A_1197 = tpu.memref_slice %arg21[%dma_start3A_1195, %dma_start3A_1196] : memref<16x128xi32, #tpu.memory_space<vmem>> -> memref<1x128xi32, #tpu.memory_space<vmem>>
    %dma_start3A_1198 = tpu.memref_squeeze %dma_start3A_1197 : memref<1x128xi32, #tpu.memory_space<vmem>> -> memref<128xi32, #tpu.memory_space<vmem>>
    %dma_start3A_1199 = arith.constant 0 : i32
    %dma_start3A_1200 = arith.constant 0 : i32
    %dma_start3A_1201 = tpu.memref_slice %arg2[%dma_start3A_1199, %dma_start3A_1200] : memref<65536x128xf32, #tpu.memory_space<hbm>> -> memref<65536x128xf32, #tpu.memory_space<hbm>>
    tpu.enqueue_indirect_dma source(%dma_start3A_1201 : memref<65536x128xf32, #tpu.memory_space<hbm>>) target(%arg25 : memref<128x128xf32, #tpu.memory_space<vmem>>) offsets(%dma_start3A_1198 : memref<128xi32, #tpu.memory_space<vmem>>) semaphore(%arg28 : memref<!tpu.dma_semaphore, #tpu.memory_space<semaphore_mem>>)
    %add3A_1202 = arith.constant 1408 : i32
    %add3A_1203 = arith.addi %mul3A_2, %add3A_1202 : i32
    %dma_start3A_1204 = arith.constant 0 : i32
    %dma_start3A_1205 = tpu.memref_slice %arg10[%add3A_1203, %dma_start3A_1204] : memref<65536x128xf32, #tpu.memory_space<hbm>> -> memref<128x128xf32, #tpu.memory_space<hbm>>
    %dma_start3A_1206 = arith.constant 0 : i32
    %dma_start3A_1207 = tpu.memref_slice %arg10[%add3A_1203, %dma_start3A_1206] : memref<65536x128xf32, #tpu.memory_space<hbm>> -> memref<128x128xf32, #tpu.memory_space<hbm>>
    tpu.enqueue_dma source(%arg26 : memref<128x128xf32, #tpu.memory_space<vmem>>) target(%dma_start3A_1207 : memref<128x128xf32, #tpu.memory_space<hbm>>) target_semaphore(%arg29 : memref<!tpu.dma_semaphore, #tpu.memory_space<semaphore_mem>>)
    %dma_start3A_1208 = arith.constant 0 : i32
    %dma_start3A_1209 = tpu.memref_slice %arg11[%add3A_1203, %dma_start3A_1208] : memref<65536x128xf32, #tpu.memory_space<hbm>> -> memref<128x128xf32, #tpu.memory_space<hbm>>
    %dma_start3A_1210 = arith.constant 0 : i32
    %dma_start3A_1211 = tpu.memref_slice %arg11[%add3A_1203, %dma_start3A_1210] : memref<65536x128xf32, #tpu.memory_space<hbm>> -> memref<128x128xf32, #tpu.memory_space<hbm>>
    tpu.enqueue_dma source(%arg27 : memref<128x128xf32, #tpu.memory_space<vmem>>) target(%dma_start3A_1211 : memref<128x128xf32, #tpu.memory_space<hbm>>) target_semaphore(%arg29 : memref<!tpu.dma_semaphore, #tpu.memory_space<semaphore_mem>>)
    %dma_wait3A_1212 = arith.constant 12 : i32
    %dma_wait3A_1213 = arith.constant 0 : i32
    %dma_wait3A_1214 = tpu.memref_slice %arg20[%dma_wait3A_1212, %dma_wait3A_1213] : memref<16x128xi32, #tpu.memory_space<vmem>> -> memref<1x128xi32, #tpu.memory_space<vmem>>
    %dma_wait3A_1215 = tpu.memref_squeeze %dma_wait3A_1214 : memref<1x128xi32, #tpu.memory_space<vmem>> -> memref<128xi32, #tpu.memory_space<vmem>>
    %dma_wait3A_1216 = arith.constant 0 : i32
    %dma_wait3A_1217 = arith.constant 0 : i32
    %dma_wait3A_1218 = tpu.memref_slice %arg2[%dma_wait3A_1216, %dma_wait3A_1217] : memref<65536x128xf32, #tpu.memory_space<hbm>> -> memref<65536x128xf32, #tpu.memory_space<hbm>>
    tpu.wait_indirect_dma semaphore(%arg28 : memref<!tpu.dma_semaphore, #tpu.memory_space<semaphore_mem>>) src(%dma_wait3A_1218 : memref<65536x128xf32, #tpu.memory_space<hbm>>) dst(%arg24 : memref<128x128xf32, #tpu.memory_space<vmem>>)
    %dma_wait3A_1219 = arith.constant 12 : i32
    %dma_wait3A_1220 = arith.constant 0 : i32
    %dma_wait3A_1221 = tpu.memref_slice %arg21[%dma_wait3A_1219, %dma_wait3A_1220] : memref<16x128xi32, #tpu.memory_space<vmem>> -> memref<1x128xi32, #tpu.memory_space<vmem>>
    %dma_wait3A_1222 = tpu.memref_squeeze %dma_wait3A_1221 : memref<1x128xi32, #tpu.memory_space<vmem>> -> memref<128xi32, #tpu.memory_space<vmem>>
    %dma_wait3A_1223 = arith.constant 0 : i32
    %dma_wait3A_1224 = arith.constant 0 : i32
    %dma_wait3A_1225 = tpu.memref_slice %arg2[%dma_wait3A_1223, %dma_wait3A_1224] : memref<65536x128xf32, #tpu.memory_space<hbm>> -> memref<65536x128xf32, #tpu.memory_space<hbm>>
    tpu.wait_indirect_dma semaphore(%arg28 : memref<!tpu.dma_semaphore, #tpu.memory_space<semaphore_mem>>) src(%dma_wait3A_1225 : memref<65536x128xf32, #tpu.memory_space<hbm>>) dst(%arg25 : memref<128x128xf32, #tpu.memory_space<vmem>>)
    %dma_wait3A_1226 = arith.constant 0 : i32
    %dma_wait3A_1227 = tpu.memref_slice %arg10[%add3A_1203, %dma_wait3A_1226] : memref<65536x128xf32, #tpu.memory_space<hbm>> -> memref<128x128xf32, #tpu.memory_space<hbm>>
    %dma_wait3A_1228 = arith.constant 0 : i32
    %dma_wait3A_1229 = tpu.memref_slice %arg10[%add3A_1203, %dma_wait3A_1228] : memref<65536x128xf32, #tpu.memory_space<hbm>> -> memref<128x128xf32, #tpu.memory_space<hbm>>
    tpu.wait_dma2 semaphore(%arg29 : memref<!tpu.dma_semaphore, #tpu.memory_space<semaphore_mem>>) src(%arg26 : memref<128x128xf32, #tpu.memory_space<vmem>>) dst(%dma_wait3A_1229 : memref<128x128xf32, #tpu.memory_space<hbm>>)
    %dma_wait3A_1230 = arith.constant 0 : i32
    %dma_wait3A_1231 = tpu.memref_slice %arg11[%add3A_1203, %dma_wait3A_1230] : memref<65536x128xf32, #tpu.memory_space<hbm>> -> memref<128x128xf32, #tpu.memory_space<hbm>>
    %dma_wait3A_1232 = arith.constant 0 : i32
    %dma_wait3A_1233 = tpu.memref_slice %arg11[%add3A_1203, %dma_wait3A_1232] : memref<65536x128xf32, #tpu.memory_space<hbm>> -> memref<128x128xf32, #tpu.memory_space<hbm>>
    tpu.wait_dma2 semaphore(%arg29 : memref<!tpu.dma_semaphore, #tpu.memory_space<semaphore_mem>>) src(%arg27 : memref<128x128xf32, #tpu.memory_space<vmem>>) dst(%dma_wait3A_1233 : memref<128x128xf32, #tpu.memory_space<hbm>>)
    %dma_start3A_1234 = arith.constant 13 : i32
    %dma_start3A_1235 = arith.constant 0 : i32
    %dma_start3A_1236 = tpu.memref_slice %arg20[%dma_start3A_1234, %dma_start3A_1235] : memref<16x128xi32, #tpu.memory_space<vmem>> -> memref<1x128xi32, #tpu.memory_space<vmem>>
    %dma_start3A_1237 = tpu.memref_squeeze %dma_start3A_1236 : memref<1x128xi32, #tpu.memory_space<vmem>> -> memref<128xi32, #tpu.memory_space<vmem>>
    %dma_start3A_1238 = arith.constant 0 : i32
    %dma_start3A_1239 = arith.constant 0 : i32
    %dma_start3A_1240 = tpu.memref_slice %arg2[%dma_start3A_1238, %dma_start3A_1239] : memref<65536x128xf32, #tpu.memory_space<hbm>> -> memref<65536x128xf32, #tpu.memory_space<hbm>>
    tpu.enqueue_indirect_dma source(%dma_start3A_1240 : memref<65536x128xf32, #tpu.memory_space<hbm>>) target(%arg26 : memref<128x128xf32, #tpu.memory_space<vmem>>) offsets(%dma_start3A_1237 : memref<128xi32, #tpu.memory_space<vmem>>) semaphore(%arg28 : memref<!tpu.dma_semaphore, #tpu.memory_space<semaphore_mem>>)
    %dma_start3A_1241 = arith.constant 13 : i32
    %dma_start3A_1242 = arith.constant 0 : i32
    %dma_start3A_1243 = tpu.memref_slice %arg21[%dma_start3A_1241, %dma_start3A_1242] : memref<16x128xi32, #tpu.memory_space<vmem>> -> memref<1x128xi32, #tpu.memory_space<vmem>>
    %dma_start3A_1244 = tpu.memref_squeeze %dma_start3A_1243 : memref<1x128xi32, #tpu.memory_space<vmem>> -> memref<128xi32, #tpu.memory_space<vmem>>
    %dma_start3A_1245 = arith.constant 0 : i32
    %dma_start3A_1246 = arith.constant 0 : i32
    %dma_start3A_1247 = tpu.memref_slice %arg2[%dma_start3A_1245, %dma_start3A_1246] : memref<65536x128xf32, #tpu.memory_space<hbm>> -> memref<65536x128xf32, #tpu.memory_space<hbm>>
    tpu.enqueue_indirect_dma source(%dma_start3A_1247 : memref<65536x128xf32, #tpu.memory_space<hbm>>) target(%arg27 : memref<128x128xf32, #tpu.memory_space<vmem>>) offsets(%dma_start3A_1244 : memref<128xi32, #tpu.memory_space<vmem>>) semaphore(%arg28 : memref<!tpu.dma_semaphore, #tpu.memory_space<semaphore_mem>>)
    %add3A_1248 = arith.constant 1536 : i32
    %add3A_1249 = arith.addi %mul3A_2, %add3A_1248 : i32
    %dma_start3A_1250 = arith.constant 0 : i32
    %dma_start3A_1251 = tpu.memref_slice %arg10[%add3A_1249, %dma_start3A_1250] : memref<65536x128xf32, #tpu.memory_space<hbm>> -> memref<128x128xf32, #tpu.memory_space<hbm>>
    %dma_start3A_1252 = arith.constant 0 : i32
    %dma_start3A_1253 = tpu.memref_slice %arg10[%add3A_1249, %dma_start3A_1252] : memref<65536x128xf32, #tpu.memory_space<hbm>> -> memref<128x128xf32, #tpu.memory_space<hbm>>
    tpu.enqueue_dma source(%arg24 : memref<128x128xf32, #tpu.memory_space<vmem>>) target(%dma_start3A_1253 : memref<128x128xf32, #tpu.memory_space<hbm>>) target_semaphore(%arg29 : memref<!tpu.dma_semaphore, #tpu.memory_space<semaphore_mem>>)
    %dma_start3A_1254 = arith.constant 0 : i32
    %dma_start3A_1255 = tpu.memref_slice %arg11[%add3A_1249, %dma_start3A_1254] : memref<65536x128xf32, #tpu.memory_space<hbm>> -> memref<128x128xf32, #tpu.memory_space<hbm>>
    %dma_start3A_1256 = arith.constant 0 : i32
    %dma_start3A_1257 = tpu.memref_slice %arg11[%add3A_1249, %dma_start3A_1256] : memref<65536x128xf32, #tpu.memory_space<hbm>> -> memref<128x128xf32, #tpu.memory_space<hbm>>
    tpu.enqueue_dma source(%arg25 : memref<128x128xf32, #tpu.memory_space<vmem>>) target(%dma_start3A_1257 : memref<128x128xf32, #tpu.memory_space<hbm>>) target_semaphore(%arg29 : memref<!tpu.dma_semaphore, #tpu.memory_space<semaphore_mem>>)
    %dma_wait3A_1258 = arith.constant 13 : i32
    %dma_wait3A_1259 = arith.constant 0 : i32
    %dma_wait3A_1260 = tpu.memref_slice %arg20[%dma_wait3A_1258, %dma_wait3A_1259] : memref<16x128xi32, #tpu.memory_space<vmem>> -> memref<1x128xi32, #tpu.memory_space<vmem>>
    %dma_wait3A_1261 = tpu.memref_squeeze %dma_wait3A_1260 : memref<1x128xi32, #tpu.memory_space<vmem>> -> memref<128xi32, #tpu.memory_space<vmem>>
    %dma_wait3A_1262 = arith.constant 0 : i32
    %dma_wait3A_1263 = arith.constant 0 : i32
    %dma_wait3A_1264 = tpu.memref_slice %arg2[%dma_wait3A_1262, %dma_wait3A_1263] : memref<65536x128xf32, #tpu.memory_space<hbm>> -> memref<65536x128xf32, #tpu.memory_space<hbm>>
    tpu.wait_indirect_dma semaphore(%arg28 : memref<!tpu.dma_semaphore, #tpu.memory_space<semaphore_mem>>) src(%dma_wait3A_1264 : memref<65536x128xf32, #tpu.memory_space<hbm>>) dst(%arg26 : memref<128x128xf32, #tpu.memory_space<vmem>>)
    %dma_wait3A_1265 = arith.constant 13 : i32
    %dma_wait3A_1266 = arith.constant 0 : i32
    %dma_wait3A_1267 = tpu.memref_slice %arg21[%dma_wait3A_1265, %dma_wait3A_1266] : memref<16x128xi32, #tpu.memory_space<vmem>> -> memref<1x128xi32, #tpu.memory_space<vmem>>
    %dma_wait3A_1268 = tpu.memref_squeeze %dma_wait3A_1267 : memref<1x128xi32, #tpu.memory_space<vmem>> -> memref<128xi32, #tpu.memory_space<vmem>>
    %dma_wait3A_1269 = arith.constant 0 : i32
    %dma_wait3A_1270 = arith.constant 0 : i32
    %dma_wait3A_1271 = tpu.memref_slice %arg2[%dma_wait3A_1269, %dma_wait3A_1270] : memref<65536x128xf32, #tpu.memory_space<hbm>> -> memref<65536x128xf32, #tpu.memory_space<hbm>>
    tpu.wait_indirect_dma semaphore(%arg28 : memref<!tpu.dma_semaphore, #tpu.memory_space<semaphore_mem>>) src(%dma_wait3A_1271 : memref<65536x128xf32, #tpu.memory_space<hbm>>) dst(%arg27 : memref<128x128xf32, #tpu.memory_space<vmem>>)
    %dma_wait3A_1272 = arith.constant 0 : i32
    %dma_wait3A_1273 = tpu.memref_slice %arg10[%add3A_1249, %dma_wait3A_1272] : memref<65536x128xf32, #tpu.memory_space<hbm>> -> memref<128x128xf32, #tpu.memory_space<hbm>>
    %dma_wait3A_1274 = arith.constant 0 : i32
    %dma_wait3A_1275 = tpu.memref_slice %arg10[%add3A_1249, %dma_wait3A_1274] : memref<65536x128xf32, #tpu.memory_space<hbm>> -> memref<128x128xf32, #tpu.memory_space<hbm>>
    tpu.wait_dma2 semaphore(%arg29 : memref<!tpu.dma_semaphore, #tpu.memory_space<semaphore_mem>>) src(%arg24 : memref<128x128xf32, #tpu.memory_space<vmem>>) dst(%dma_wait3A_1275 : memref<128x128xf32, #tpu.memory_space<hbm>>)
    %dma_wait3A_1276 = arith.constant 0 : i32
    %dma_wait3A_1277 = tpu.memref_slice %arg11[%add3A_1249, %dma_wait3A_1276] : memref<65536x128xf32, #tpu.memory_space<hbm>> -> memref<128x128xf32, #tpu.memory_space<hbm>>
    %dma_wait3A_1278 = arith.constant 0 : i32
    %dma_wait3A_1279 = tpu.memref_slice %arg11[%add3A_1249, %dma_wait3A_1278] : memref<65536x128xf32, #tpu.memory_space<hbm>> -> memref<128x128xf32, #tpu.memory_space<hbm>>
    tpu.wait_dma2 semaphore(%arg29 : memref<!tpu.dma_semaphore, #tpu.memory_space<semaphore_mem>>) src(%arg25 : memref<128x128xf32, #tpu.memory_space<vmem>>) dst(%dma_wait3A_1279 : memref<128x128xf32, #tpu.memory_space<hbm>>)
    %dma_start3A_1280 = arith.constant 14 : i32
    %dma_start3A_1281 = arith.constant 0 : i32
    %dma_start3A_1282 = tpu.memref_slice %arg20[%dma_start3A_1280, %dma_start3A_1281] : memref<16x128xi32, #tpu.memory_space<vmem>> -> memref<1x128xi32, #tpu.memory_space<vmem>>
    %dma_start3A_1283 = tpu.memref_squeeze %dma_start3A_1282 : memref<1x128xi32, #tpu.memory_space<vmem>> -> memref<128xi32, #tpu.memory_space<vmem>>
    %dma_start3A_1284 = arith.constant 0 : i32
    %dma_start3A_1285 = arith.constant 0 : i32
    %dma_start3A_1286 = tpu.memref_slice %arg2[%dma_start3A_1284, %dma_start3A_1285] : memref<65536x128xf32, #tpu.memory_space<hbm>> -> memref<65536x128xf32, #tpu.memory_space<hbm>>
    tpu.enqueue_indirect_dma source(%dma_start3A_1286 : memref<65536x128xf32, #tpu.memory_space<hbm>>) target(%arg24 : memref<128x128xf32, #tpu.memory_space<vmem>>) offsets(%dma_start3A_1283 : memref<128xi32, #tpu.memory_space<vmem>>) semaphore(%arg28 : memref<!tpu.dma_semaphore, #tpu.memory_space<semaphore_mem>>)
    %dma_start3A_1287 = arith.constant 14 : i32
    %dma_start3A_1288 = arith.constant 0 : i32
    %dma_start3A_1289 = tpu.memref_slice %arg21[%dma_start3A_1287, %dma_start3A_1288] : memref<16x128xi32, #tpu.memory_space<vmem>> -> memref<1x128xi32, #tpu.memory_space<vmem>>
    %dma_start3A_1290 = tpu.memref_squeeze %dma_start3A_1289 : memref<1x128xi32, #tpu.memory_space<vmem>> -> memref<128xi32, #tpu.memory_space<vmem>>
    %dma_start3A_1291 = arith.constant 0 : i32
    %dma_start3A_1292 = arith.constant 0 : i32
    %dma_start3A_1293 = tpu.memref_slice %arg2[%dma_start3A_1291, %dma_start3A_1292] : memref<65536x128xf32, #tpu.memory_space<hbm>> -> memref<65536x128xf32, #tpu.memory_space<hbm>>
    tpu.enqueue_indirect_dma source(%dma_start3A_1293 : memref<65536x128xf32, #tpu.memory_space<hbm>>) target(%arg25 : memref<128x128xf32, #tpu.memory_space<vmem>>) offsets(%dma_start3A_1290 : memref<128xi32, #tpu.memory_space<vmem>>) semaphore(%arg28 : memref<!tpu.dma_semaphore, #tpu.memory_space<semaphore_mem>>)
    %add3A_1294 = arith.constant 1664 : i32
    %add3A_1295 = arith.addi %mul3A_2, %add3A_1294 : i32
    %dma_start3A_1296 = arith.constant 0 : i32
    %dma_start3A_1297 = tpu.memref_slice %arg10[%add3A_1295, %dma_start3A_1296] : memref<65536x128xf32, #tpu.memory_space<hbm>> -> memref<128x128xf32, #tpu.memory_space<hbm>>
    %dma_start3A_1298 = arith.constant 0 : i32
    %dma_start3A_1299 = tpu.memref_slice %arg10[%add3A_1295, %dma_start3A_1298] : memref<65536x128xf32, #tpu.memory_space<hbm>> -> memref<128x128xf32, #tpu.memory_space<hbm>>
    tpu.enqueue_dma source(%arg26 : memref<128x128xf32, #tpu.memory_space<vmem>>) target(%dma_start3A_1299 : memref<128x128xf32, #tpu.memory_space<hbm>>) target_semaphore(%arg29 : memref<!tpu.dma_semaphore, #tpu.memory_space<semaphore_mem>>)
    %dma_start3A_1300 = arith.constant 0 : i32
    %dma_start3A_1301 = tpu.memref_slice %arg11[%add3A_1295, %dma_start3A_1300] : memref<65536x128xf32, #tpu.memory_space<hbm>> -> memref<128x128xf32, #tpu.memory_space<hbm>>
    %dma_start3A_1302 = arith.constant 0 : i32
    %dma_start3A_1303 = tpu.memref_slice %arg11[%add3A_1295, %dma_start3A_1302] : memref<65536x128xf32, #tpu.memory_space<hbm>> -> memref<128x128xf32, #tpu.memory_space<hbm>>
    tpu.enqueue_dma source(%arg27 : memref<128x128xf32, #tpu.memory_space<vmem>>) target(%dma_start3A_1303 : memref<128x128xf32, #tpu.memory_space<hbm>>) target_semaphore(%arg29 : memref<!tpu.dma_semaphore, #tpu.memory_space<semaphore_mem>>)
    %dma_wait3A_1304 = arith.constant 14 : i32
    %dma_wait3A_1305 = arith.constant 0 : i32
    %dma_wait3A_1306 = tpu.memref_slice %arg20[%dma_wait3A_1304, %dma_wait3A_1305] : memref<16x128xi32, #tpu.memory_space<vmem>> -> memref<1x128xi32, #tpu.memory_space<vmem>>
    %dma_wait3A_1307 = tpu.memref_squeeze %dma_wait3A_1306 : memref<1x128xi32, #tpu.memory_space<vmem>> -> memref<128xi32, #tpu.memory_space<vmem>>
    %dma_wait3A_1308 = arith.constant 0 : i32
    %dma_wait3A_1309 = arith.constant 0 : i32
    %dma_wait3A_1310 = tpu.memref_slice %arg2[%dma_wait3A_1308, %dma_wait3A_1309] : memref<65536x128xf32, #tpu.memory_space<hbm>> -> memref<65536x128xf32, #tpu.memory_space<hbm>>
    tpu.wait_indirect_dma semaphore(%arg28 : memref<!tpu.dma_semaphore, #tpu.memory_space<semaphore_mem>>) src(%dma_wait3A_1310 : memref<65536x128xf32, #tpu.memory_space<hbm>>) dst(%arg24 : memref<128x128xf32, #tpu.memory_space<vmem>>)
    %dma_wait3A_1311 = arith.constant 14 : i32
    %dma_wait3A_1312 = arith.constant 0 : i32
    %dma_wait3A_1313 = tpu.memref_slice %arg21[%dma_wait3A_1311, %dma_wait3A_1312] : memref<16x128xi32, #tpu.memory_space<vmem>> -> memref<1x128xi32, #tpu.memory_space<vmem>>
    %dma_wait3A_1314 = tpu.memref_squeeze %dma_wait3A_1313 : memref<1x128xi32, #tpu.memory_space<vmem>> -> memref<128xi32, #tpu.memory_space<vmem>>
    %dma_wait3A_1315 = arith.constant 0 : i32
    %dma_wait3A_1316 = arith.constant 0 : i32
    %dma_wait3A_1317 = tpu.memref_slice %arg2[%dma_wait3A_1315, %dma_wait3A_1316] : memref<65536x128xf32, #tpu.memory_space<hbm>> -> memref<65536x128xf32, #tpu.memory_space<hbm>>
    tpu.wait_indirect_dma semaphore(%arg28 : memref<!tpu.dma_semaphore, #tpu.memory_space<semaphore_mem>>) src(%dma_wait3A_1317 : memref<65536x128xf32, #tpu.memory_space<hbm>>) dst(%arg25 : memref<128x128xf32, #tpu.memory_space<vmem>>)
    %dma_wait3A_1318 = arith.constant 0 : i32
    %dma_wait3A_1319 = tpu.memref_slice %arg10[%add3A_1295, %dma_wait3A_1318] : memref<65536x128xf32, #tpu.memory_space<hbm>> -> memref<128x128xf32, #tpu.memory_space<hbm>>
    %dma_wait3A_1320 = arith.constant 0 : i32
    %dma_wait3A_1321 = tpu.memref_slice %arg10[%add3A_1295, %dma_wait3A_1320] : memref<65536x128xf32, #tpu.memory_space<hbm>> -> memref<128x128xf32, #tpu.memory_space<hbm>>
    tpu.wait_dma2 semaphore(%arg29 : memref<!tpu.dma_semaphore, #tpu.memory_space<semaphore_mem>>) src(%arg26 : memref<128x128xf32, #tpu.memory_space<vmem>>) dst(%dma_wait3A_1321 : memref<128x128xf32, #tpu.memory_space<hbm>>)
    %dma_wait3A_1322 = arith.constant 0 : i32
    %dma_wait3A_1323 = tpu.memref_slice %arg11[%add3A_1295, %dma_wait3A_1322] : memref<65536x128xf32, #tpu.memory_space<hbm>> -> memref<128x128xf32, #tpu.memory_space<hbm>>
    %dma_wait3A_1324 = arith.constant 0 : i32
    %dma_wait3A_1325 = tpu.memref_slice %arg11[%add3A_1295, %dma_wait3A_1324] : memref<65536x128xf32, #tpu.memory_space<hbm>> -> memref<128x128xf32, #tpu.memory_space<hbm>>
    tpu.wait_dma2 semaphore(%arg29 : memref<!tpu.dma_semaphore, #tpu.memory_space<semaphore_mem>>) src(%arg27 : memref<128x128xf32, #tpu.memory_space<vmem>>) dst(%dma_wait3A_1325 : memref<128x128xf32, #tpu.memory_space<hbm>>)
    %dma_start3A_1326 = arith.constant 15 : i32
    %dma_start3A_1327 = arith.constant 0 : i32
    %dma_start3A_1328 = tpu.memref_slice %arg20[%dma_start3A_1326, %dma_start3A_1327] : memref<16x128xi32, #tpu.memory_space<vmem>> -> memref<1x128xi32, #tpu.memory_space<vmem>>
    %dma_start3A_1329 = tpu.memref_squeeze %dma_start3A_1328 : memref<1x128xi32, #tpu.memory_space<vmem>> -> memref<128xi32, #tpu.memory_space<vmem>>
    %dma_start3A_1330 = arith.constant 0 : i32
    %dma_start3A_1331 = arith.constant 0 : i32
    %dma_start3A_1332 = tpu.memref_slice %arg2[%dma_start3A_1330, %dma_start3A_1331] : memref<65536x128xf32, #tpu.memory_space<hbm>> -> memref<65536x128xf32, #tpu.memory_space<hbm>>
    tpu.enqueue_indirect_dma source(%dma_start3A_1332 : memref<65536x128xf32, #tpu.memory_space<hbm>>) target(%arg26 : memref<128x128xf32, #tpu.memory_space<vmem>>) offsets(%dma_start3A_1329 : memref<128xi32, #tpu.memory_space<vmem>>) semaphore(%arg28 : memref<!tpu.dma_semaphore, #tpu.memory_space<semaphore_mem>>)
    %dma_start3A_1333 = arith.constant 15 : i32
    %dma_start3A_1334 = arith.constant 0 : i32
    %dma_start3A_1335 = tpu.memref_slice %arg21[%dma_start3A_1333, %dma_start3A_1334] : memref<16x128xi32, #tpu.memory_space<vmem>> -> memref<1x128xi32, #tpu.memory_space<vmem>>
    %dma_start3A_1336 = tpu.memref_squeeze %dma_start3A_1335 : memref<1x128xi32, #tpu.memory_space<vmem>> -> memref<128xi32, #tpu.memory_space<vmem>>
    %dma_start3A_1337 = arith.constant 0 : i32
    %dma_start3A_1338 = arith.constant 0 : i32
    %dma_start3A_1339 = tpu.memref_slice %arg2[%dma_start3A_1337, %dma_start3A_1338] : memref<65536x128xf32, #tpu.memory_space<hbm>> -> memref<65536x128xf32, #tpu.memory_space<hbm>>
    tpu.enqueue_indirect_dma source(%dma_start3A_1339 : memref<65536x128xf32, #tpu.memory_space<hbm>>) target(%arg27 : memref<128x128xf32, #tpu.memory_space<vmem>>) offsets(%dma_start3A_1336 : memref<128xi32, #tpu.memory_space<vmem>>) semaphore(%arg28 : memref<!tpu.dma_semaphore, #tpu.memory_space<semaphore_mem>>)
    %add3A_1340 = arith.constant 1792 : i32
    %add3A_1341 = arith.addi %mul3A_2, %add3A_1340 : i32
    %dma_start3A_1342 = arith.constant 0 : i32
    %dma_start3A_1343 = tpu.memref_slice %arg10[%add3A_1341, %dma_start3A_1342] : memref<65536x128xf32, #tpu.memory_space<hbm>> -> memref<128x128xf32, #tpu.memory_space<hbm>>
    %dma_start3A_1344 = arith.constant 0 : i32
    %dma_start3A_1345 = tpu.memref_slice %arg10[%add3A_1341, %dma_start3A_1344] : memref<65536x128xf32, #tpu.memory_space<hbm>> -> memref<128x128xf32, #tpu.memory_space<hbm>>
    tpu.enqueue_dma source(%arg24 : memref<128x128xf32, #tpu.memory_space<vmem>>) target(%dma_start3A_1345 : memref<128x128xf32, #tpu.memory_space<hbm>>) target_semaphore(%arg29 : memref<!tpu.dma_semaphore, #tpu.memory_space<semaphore_mem>>)
    %dma_start3A_1346 = arith.constant 0 : i32
    %dma_start3A_1347 = tpu.memref_slice %arg11[%add3A_1341, %dma_start3A_1346] : memref<65536x128xf32, #tpu.memory_space<hbm>> -> memref<128x128xf32, #tpu.memory_space<hbm>>
    %dma_start3A_1348 = arith.constant 0 : i32
    %dma_start3A_1349 = tpu.memref_slice %arg11[%add3A_1341, %dma_start3A_1348] : memref<65536x128xf32, #tpu.memory_space<hbm>> -> memref<128x128xf32, #tpu.memory_space<hbm>>
    tpu.enqueue_dma source(%arg25 : memref<128x128xf32, #tpu.memory_space<vmem>>) target(%dma_start3A_1349 : memref<128x128xf32, #tpu.memory_space<hbm>>) target_semaphore(%arg29 : memref<!tpu.dma_semaphore, #tpu.memory_space<semaphore_mem>>)
    %dma_wait3A_1350 = arith.constant 15 : i32
    %dma_wait3A_1351 = arith.constant 0 : i32
    %dma_wait3A_1352 = tpu.memref_slice %arg20[%dma_wait3A_1350, %dma_wait3A_1351] : memref<16x128xi32, #tpu.memory_space<vmem>> -> memref<1x128xi32, #tpu.memory_space<vmem>>
    %dma_wait3A_1353 = tpu.memref_squeeze %dma_wait3A_1352 : memref<1x128xi32, #tpu.memory_space<vmem>> -> memref<128xi32, #tpu.memory_space<vmem>>
    %dma_wait3A_1354 = arith.constant 0 : i32
    %dma_wait3A_1355 = arith.constant 0 : i32
    %dma_wait3A_1356 = tpu.memref_slice %arg2[%dma_wait3A_1354, %dma_wait3A_1355] : memref<65536x128xf32, #tpu.memory_space<hbm>> -> memref<65536x128xf32, #tpu.memory_space<hbm>>
    tpu.wait_indirect_dma semaphore(%arg28 : memref<!tpu.dma_semaphore, #tpu.memory_space<semaphore_mem>>) src(%dma_wait3A_1356 : memref<65536x128xf32, #tpu.memory_space<hbm>>) dst(%arg26 : memref<128x128xf32, #tpu.memory_space<vmem>>)
    %dma_wait3A_1357 = arith.constant 15 : i32
    %dma_wait3A_1358 = arith.constant 0 : i32
    %dma_wait3A_1359 = tpu.memref_slice %arg21[%dma_wait3A_1357, %dma_wait3A_1358] : memref<16x128xi32, #tpu.memory_space<vmem>> -> memref<1x128xi32, #tpu.memory_space<vmem>>
    %dma_wait3A_1360 = tpu.memref_squeeze %dma_wait3A_1359 : memref<1x128xi32, #tpu.memory_space<vmem>> -> memref<128xi32, #tpu.memory_space<vmem>>
    %dma_wait3A_1361 = arith.constant 0 : i32
    %dma_wait3A_1362 = arith.constant 0 : i32
    %dma_wait3A_1363 = tpu.memref_slice %arg2[%dma_wait3A_1361, %dma_wait3A_1362] : memref<65536x128xf32, #tpu.memory_space<hbm>> -> memref<65536x128xf32, #tpu.memory_space<hbm>>
    tpu.wait_indirect_dma semaphore(%arg28 : memref<!tpu.dma_semaphore, #tpu.memory_space<semaphore_mem>>) src(%dma_wait3A_1363 : memref<65536x128xf32, #tpu.memory_space<hbm>>) dst(%arg27 : memref<128x128xf32, #tpu.memory_space<vmem>>)
    %dma_wait3A_1364 = arith.constant 0 : i32
    %dma_wait3A_1365 = tpu.memref_slice %arg10[%add3A_1341, %dma_wait3A_1364] : memref<65536x128xf32, #tpu.memory_space<hbm>> -> memref<128x128xf32, #tpu.memory_space<hbm>>
    %dma_wait3A_1366 = arith.constant 0 : i32
    %dma_wait3A_1367 = tpu.memref_slice %arg10[%add3A_1341, %dma_wait3A_1366] : memref<65536x128xf32, #tpu.memory_space<hbm>> -> memref<128x128xf32, #tpu.memory_space<hbm>>
    tpu.wait_dma2 semaphore(%arg29 : memref<!tpu.dma_semaphore, #tpu.memory_space<semaphore_mem>>) src(%arg24 : memref<128x128xf32, #tpu.memory_space<vmem>>) dst(%dma_wait3A_1367 : memref<128x128xf32, #tpu.memory_space<hbm>>)
    %dma_wait3A_1368 = arith.constant 0 : i32
    %dma_wait3A_1369 = tpu.memref_slice %arg11[%add3A_1341, %dma_wait3A_1368] : memref<65536x128xf32, #tpu.memory_space<hbm>> -> memref<128x128xf32, #tpu.memory_space<hbm>>
    %dma_wait3A_1370 = arith.constant 0 : i32
    %dma_wait3A_1371 = tpu.memref_slice %arg11[%add3A_1341, %dma_wait3A_1370] : memref<65536x128xf32, #tpu.memory_space<hbm>> -> memref<128x128xf32, #tpu.memory_space<hbm>>
    tpu.wait_dma2 semaphore(%arg29 : memref<!tpu.dma_semaphore, #tpu.memory_space<semaphore_mem>>) src(%arg25 : memref<128x128xf32, #tpu.memory_space<vmem>>) dst(%dma_wait3A_1371 : memref<128x128xf32, #tpu.memory_space<hbm>>)
    %add3A_1372 = arith.constant 1920 : i32
    %add3A_1373 = arith.addi %mul3A_2, %add3A_1372 : i32
    %dma_start3A_1374 = arith.constant 0 : i32
    %dma_start3A_1375 = tpu.memref_slice %arg10[%add3A_1373, %dma_start3A_1374] : memref<65536x128xf32, #tpu.memory_space<hbm>> -> memref<128x128xf32, #tpu.memory_space<hbm>>
    %dma_start3A_1376 = arith.constant 0 : i32
    %dma_start3A_1377 = tpu.memref_slice %arg10[%add3A_1373, %dma_start3A_1376] : memref<65536x128xf32, #tpu.memory_space<hbm>> -> memref<128x128xf32, #tpu.memory_space<hbm>>
    tpu.enqueue_dma source(%arg26 : memref<128x128xf32, #tpu.memory_space<vmem>>) target(%dma_start3A_1377 : memref<128x128xf32, #tpu.memory_space<hbm>>) target_semaphore(%arg29 : memref<!tpu.dma_semaphore, #tpu.memory_space<semaphore_mem>>)
    %dma_start3A_1378 = arith.constant 0 : i32
    %dma_start3A_1379 = tpu.memref_slice %arg11[%add3A_1373, %dma_start3A_1378] : memref<65536x128xf32, #tpu.memory_space<hbm>> -> memref<128x128xf32, #tpu.memory_space<hbm>>
    %dma_start3A_1380 = arith.constant 0 : i32
    %dma_start3A_1381 = tpu.memref_slice %arg11[%add3A_1373, %dma_start3A_1380] : memref<65536x128xf32, #tpu.memory_space<hbm>> -> memref<128x128xf32, #tpu.memory_space<hbm>>
    tpu.enqueue_dma source(%arg27 : memref<128x128xf32, #tpu.memory_space<vmem>>) target(%dma_start3A_1381 : memref<128x128xf32, #tpu.memory_space<hbm>>) target_semaphore(%arg29 : memref<!tpu.dma_semaphore, #tpu.memory_space<semaphore_mem>>)
    %dma_wait3A_1382 = arith.constant 0 : i32
    %dma_wait3A_1383 = tpu.memref_slice %arg10[%add3A_1373, %dma_wait3A_1382] : memref<65536x128xf32, #tpu.memory_space<hbm>> -> memref<128x128xf32, #tpu.memory_space<hbm>>
    %dma_wait3A_1384 = arith.constant 0 : i32
    %dma_wait3A_1385 = tpu.memref_slice %arg10[%add3A_1373, %dma_wait3A_1384] : memref<65536x128xf32, #tpu.memory_space<hbm>> -> memref<128x128xf32, #tpu.memory_space<hbm>>
    tpu.wait_dma2 semaphore(%arg29 : memref<!tpu.dma_semaphore, #tpu.memory_space<semaphore_mem>>) src(%arg26 : memref<128x128xf32, #tpu.memory_space<vmem>>) dst(%dma_wait3A_1385 : memref<128x128xf32, #tpu.memory_space<hbm>>)
    %dma_wait3A_1386 = arith.constant 0 : i32
    %dma_wait3A_1387 = tpu.memref_slice %arg11[%add3A_1373, %dma_wait3A_1386] : memref<65536x128xf32, #tpu.memory_space<hbm>> -> memref<128x128xf32, #tpu.memory_space<hbm>>
    %dma_wait3A_1388 = arith.constant 0 : i32
    %dma_wait3A_1389 = tpu.memref_slice %arg11[%add3A_1373, %dma_wait3A_1388] : memref<65536x128xf32, #tpu.memory_space<hbm>> -> memref<128x128xf32, #tpu.memory_space<hbm>>
    tpu.wait_dma2 semaphore(%arg29 : memref<!tpu.dma_semaphore, #tpu.memory_space<semaphore_mem>>) src(%arg27 : memref<128x128xf32, #tpu.memory_space<vmem>>) dst(%dma_wait3A_1389 : memref<128x128xf32, #tpu.memory_space<hbm>>)
    return
  }
}

module attributes {stable_mosaic.version = 14 : i64} {
  func.func @_k2_body(%arg0: memref<32x1024xi32, #tpu.memory_space<vmem>>, %arg1: memref<32x1024xi32, #tpu.memory_space<vmem>>, %arg2: memref<32x1024xi32, #tpu.memory_space<vmem>>, %arg3: memref<32x1024xi32, #tpu.memory_space<vmem>>, %arg4: memref<8x1024xi32, #tpu.memory_space<vmem>>) attributes {dimension_semantics = [], scalar_prefetch = 0 : i64, scratch_operands = 0 : i64, tpu.core_type = #tpu.core_type<tc>} {
    %get3A = arith.constant 0 : index
    %get3A_0 = arith.constant 0 : index
    %get3A_1 = vector.load %arg0[%get3A, %get3A_0] : memref<32x1024xi32, #tpu.memory_space<vmem>>, vector<32x1024xi32>
    %convert_element_type3A = arith.sitofp %get3A_1 : vector<32x1024xi32> to vector<32x1024xf32>
    %get3A_2 = arith.constant 0 : index
    %get3A_3 = arith.constant 0 : index
    %get3A_4 = vector.load %arg1[%get3A_2, %get3A_3] : memref<32x1024xi32, #tpu.memory_space<vmem>>, vector<32x1024xi32>
    %iota3A = tpu.iota {dimensions = array<i32: 0>} : vector<32x32xi32>
    %iota3A_5 = tpu.iota {dimensions = array<i32: 1>} : vector<32x32xi32>
    %lt3A = arith.cmpi slt, %iota3A_5, %iota3A : vector<32x32xi32>
    %convert_element_type3A_6 = arith.extui %lt3A : vector<32x32xi1> to vector<32x32xi32>
    %convert_element_type3A_7 = arith.sitofp %convert_element_type3A_6 : vector<32x32xi32> to vector<32x32xf32>
    %dot_general3A = arith.constant dense<0.000000e+00> : vector<32x1024xf32>
    %dot_general3A_8 = tpu.matmul %convert_element_type3A_7, %convert_element_type3A, %dot_general3A {dimension_numbers = #tpu.dot_dimension_numbers<[1], [0], [0], [1], [0, 0, 1, 1], [], []>, transpose_lhs_hint = false} : vector<32x32xf32>, vector<32x1024xf32>, vector<32x1024xf32> -> vector<32x1024xf32>
    %reduce_sum3A = arith.constant dense<0.000000e+00> : vector<1024xf32>
    %reduce_sum3A_9 = vector.multi_reduction <add>, %convert_element_type3A, %reduce_sum3A [0] : vector<32x1024xf32> to vector<1024xf32>
    %broadcast_in_dim3A = vector.shape_cast %reduce_sum3A_9 : vector<1024xf32> to vector<1x1024xf32>
    %iota3A_10 = tpu.iota {dimensions = array<i32: 0>} : vector<1024x1024xi32>
    %iota3A_11 = tpu.iota {dimensions = array<i32: 1>} : vector<1024x1024xi32>
    %lt3A_12 = arith.cmpi slt, %iota3A_10, %iota3A_11 : vector<1024x1024xi32>
    %convert_element_type3A_13 = arith.extui %lt3A_12 : vector<1024x1024xi1> to vector<1024x1024xi32>
    %convert_element_type3A_14 = arith.sitofp %convert_element_type3A_13 : vector<1024x1024xi32> to vector<1024x1024xf32>
    %dot_general3A_15 = arith.constant dense<0.000000e+00> : vector<1x1024xf32>
    %dot_general3A_16 = tpu.matmul %broadcast_in_dim3A, %convert_element_type3A_14, %dot_general3A_15 {dimension_numbers = #tpu.dot_dimension_numbers<[1], [0], [0], [1], [0, 0, 1, 1], [], []>, transpose_lhs_hint = false} : vector<1x1024xf32>, vector<1024x1024xf32>, vector<1x1024xf32> -> vector<1x1024xf32>
    %add3A = vector.broadcast %dot_general3A_16 : vector<1x1024xf32> to vector<32x1024xf32>
    %add3A_17 = arith.addf %add3A, %dot_general3A_8 : vector<32x1024xf32>
    %convert_element_type3A_18 = arith.fptosi %add3A_17 : vector<32x1024xf32> to vector<32x1024xi32>
    %swap3A = arith.constant 0 : index
    %swap3A_19 = arith.constant 0 : index
    %swap3A_20 = vector.load %arg2[%swap3A, %swap3A_19] : memref<32x1024xi32, #tpu.memory_space<vmem>>, vector<32x1024xi32>
    tpu.vector_store %arg2[%swap3A, %swap3A_19], %convert_element_type3A_18 {strides = array<i32>} : memref<32x1024xi32, #tpu.memory_space<vmem>>, vector<32x1024xi32>,
    %broadcast_in_dim3A_21 = arith.constant -1 : i32
    %broadcast_in_dim3A_22 = vector.broadcast %broadcast_in_dim3A_21 : i32 to vector<1x1024xi32>
    %slice3A = vector.extract_strided_slice %get3A_4 {offsets = [0, 0], sizes = [31, 1024], strides = [1, 1]} : vector<32x1024xi32> to vector<31x1024xi32>
    %concatenate3A = tpu.concatenate %broadcast_in_dim3A_22, %slice3A in 0 : vector<1x1024xi32>, vector<31x1024xi32> -> vector<32x1024xi32>
    %max3A = arith.maxsi %get3A_4, %concatenate3A : vector<32x1024xi32>
    %broadcast_in_dim3A_23 = arith.constant -1 : i32
    %broadcast_in_dim3A_24 = vector.broadcast %broadcast_in_dim3A_23 : i32 to vector<2x1024xi32>
    %slice3A_25 = vector.extract_strided_slice %max3A {offsets = [0, 0], sizes = [30, 1024], strides = [1, 1]} : vector<32x1024xi32> to vector<30x1024xi32>
    %concatenate3A_26 = tpu.concatenate %broadcast_in_dim3A_24, %slice3A_25 in 0 : vector<2x1024xi32>, vector<30x1024xi32> -> vector<32x1024xi32>
    %max3A_27 = arith.maxsi %max3A, %concatenate3A_26 : vector<32x1024xi32>
    %broadcast_in_dim3A_28 = arith.constant -1 : i32
    %broadcast_in_dim3A_29 = vector.broadcast %broadcast_in_dim3A_28 : i32 to vector<4x1024xi32>
    %slice3A_30 = vector.extract_strided_slice %max3A_27 {offsets = [0, 0], sizes = [28, 1024], strides = [1, 1]} : vector<32x1024xi32> to vector<28x1024xi32>
    %concatenate3A_31 = tpu.concatenate %broadcast_in_dim3A_29, %slice3A_30 in 0 : vector<4x1024xi32>, vector<28x1024xi32> -> vector<32x1024xi32>
    %max3A_32 = arith.maxsi %max3A_27, %concatenate3A_31 : vector<32x1024xi32>
    %broadcast_in_dim3A_33 = arith.constant -1 : i32
    %broadcast_in_dim3A_34 = vector.broadcast %broadcast_in_dim3A_33 : i32 to vector<8x1024xi32>
    %slice3A_35 = vector.extract_strided_slice %max3A_32 {offsets = [0, 0], sizes = [24, 1024], strides = [1, 1]} : vector<32x1024xi32> to vector<24x1024xi32>
    %concatenate3A_36 = tpu.concatenate %broadcast_in_dim3A_34, %slice3A_35 in 0 : vector<8x1024xi32>, vector<24x1024xi32> -> vector<32x1024xi32>
    %max3A_37 = arith.maxsi %max3A_32, %concatenate3A_36 : vector<32x1024xi32>
    %broadcast_in_dim3A_38 = arith.constant -1 : i32
    %broadcast_in_dim3A_39 = vector.broadcast %broadcast_in_dim3A_38 : i32 to vector<16x1024xi32>
    %slice3A_40 = vector.extract_strided_slice %max3A_37 {offsets = [0, 0], sizes = [16, 1024], strides = [1, 1]} : vector<32x1024xi32> to vector<16x1024xi32>
    %concatenate3A_41 = tpu.concatenate %broadcast_in_dim3A_39, %slice3A_40 in 0 : vector<16x1024xi32>, vector<16x1024xi32> -> vector<32x1024xi32>
    %max3A_42 = arith.maxsi %max3A_37, %concatenate3A_41 : vector<32x1024xi32>
    %broadcast_in_dim3A_43 = arith.constant -1 : i32
    %broadcast_in_dim3A_44 = vector.broadcast %broadcast_in_dim3A_43 : i32 to vector<1x1024xi32>
    %slice3A_45 = vector.extract_strided_slice %max3A_42 {offsets = [0, 0], sizes = [31, 1024], strides = [1, 1]} : vector<32x1024xi32> to vector<31x1024xi32>
    %concatenate3A_46 = tpu.concatenate %broadcast_in_dim3A_44, %slice3A_45 in 0 : vector<1x1024xi32>, vector<31x1024xi32> -> vector<32x1024xi32>
    %slice3A_47 = vector.extract_strided_slice %max3A_42 {offsets = [31, 0], sizes = [1, 1024], strides = [1, 1]} : vector<32x1024xi32> to vector<1x1024xi32>
    %ge3A = arith.constant 0 : i32
    %ge3A_48 = vector.broadcast %ge3A : i32 to vector<32x1024xi32>
    %ge3A_49 = arith.cmpi sge, %concatenate3A_46, %ge3A_48 : vector<32x1024xi32>
    %broadcast_in_dim3A_50 = vector.shape_cast %slice3A_47 : vector<1x1024xi32> to vector<1x1024xi32>
    %broadcast_in_dim3A_51 = vector.broadcast %broadcast_in_dim3A_50 : vector<1x1024xi32> to vector<32x1024xi32>
    %select_n3A = arith.select %ge3A_49, %concatenate3A_46, %broadcast_in_dim3A_51 : vector<32x1024xi1>, vector<32x1024xi32>
    %swap3A_52 = arith.constant 0 : index
    %swap3A_53 = arith.constant 0 : index
    %swap3A_54 = vector.load %arg3[%swap3A_52, %swap3A_53] : memref<32x1024xi32, #tpu.memory_space<vmem>>, vector<32x1024xi32>
    tpu.vector_store %arg3[%swap3A_52, %swap3A_53], %select_n3A {strides = array<i32>} : memref<32x1024xi32, #tpu.memory_space<vmem>>, vector<32x1024xi32>,
    %convert_element_type3A_55 = arith.fptosi %broadcast_in_dim3A : vector<1x1024xf32> to vector<1x1024xi32>
    %broadcast_in_dim3A_56 = vector.shape_cast %convert_element_type3A_55 : vector<1x1024xi32> to vector<1x1024xi32>
    %broadcast_in_dim3A_57 = vector.broadcast %broadcast_in_dim3A_56 : vector<1x1024xi32> to vector<8x1024xi32>
    %swap3A_58 = arith.constant 0 : index
    %swap3A_59 = arith.constant 0 : index
    %swap3A_60 = vector.load %arg4[%swap3A_58, %swap3A_59] : memref<8x1024xi32, #tpu.memory_space<vmem>>, vector<8x1024xi32>
    tpu.vector_store %arg4[%swap3A_58, %swap3A_59], %broadcast_in_dim3A_57 {strides = array<i32>} : memref<8x1024xi32, #tpu.memory_space<vmem>>, vector<8x1024xi32>,
    return
  }
}

module attributes {stable_mosaic.version = 14 : i64} {
  func.func @_k4_body(%arg0: i32, %arg1: memref<1024x64xf32, #tpu.memory_space<vmem>>, %arg2: memref<1024x128xf32, #tpu.memory_space<vmem>>, %arg3: memref<1024x128xf32, #tpu.memory_space<vmem>>, %arg4: memref<8x128xf32, #tpu.memory_space<vmem>>, %arg5: memref<8x128xf32, #tpu.memory_space<vmem>>, %arg6: memref<8x128xf32, #tpu.memory_space<vmem>>, %arg7: memref<8x128xf32, #tpu.memory_space<vmem>>) attributes {dimension_semantics = [#tpu.dimension_semantics<arbitrary>], iteration_bounds = array<i64: 64>, scalar_prefetch = 0 : i64, scratch_operands = 2 : i64, tpu.core_type = #tpu.core_type<tc>, window_params = [{transform_indices = @transform_0, window_bounds = array<i64: 1024, 64>}, {transform_indices = @transform_1, window_bounds = array<i64: 1024, 128>}, {transform_indices = @transform_2, window_bounds = array<i64: 1024, 128>}, {transform_indices = @transform_3, window_bounds = array<i64: 8, 128>}, {pipeline_mode = #tpu.pipeline_mode<synchronous>, transform_indices = @transform_4, window_bounds = array<i64: 8, 128>}]} {
    %eq3A = arith.constant 0 : i32
    %eq3A_0 = arith.cmpi eq, %arg0, %eq3A : i32
    %convert_element_type3A = arith.extui %eq3A_0 : i1 to i32
    %cond3A = arith.constant 0 : i32
    %cond3A_1 = arith.cmpi ne, %convert_element_type3A, %cond3A : i32
    scf.if %cond3A_1 {
      %broadcast_in_dim3A_53 = arith.constant 0.000000e+00 : f32
      %broadcast_in_dim3A_54 = vector.broadcast %broadcast_in_dim3A_53 : f32 to vector<8x128xf32>
      %swap3A_55 = arith.constant 0 : index
      %swap3A_56 = arith.constant 0 : index
      %swap3A_57 = vector.load %arg6[%swap3A_55, %swap3A_56] : memref<8x128xf32, #tpu.memory_space<vmem>>, vector<8x128xf32>
      tpu.vector_store %arg6[%swap3A_55, %swap3A_56], %broadcast_in_dim3A_54 {strides = array<i32>} : memref<8x128xf32, #tpu.memory_space<vmem>>, vector<8x128xf32>,
      %broadcast_in_dim3A_58 = arith.constant 0.000000e+00 : f32
      %broadcast_in_dim3A_59 = vector.broadcast %broadcast_in_dim3A_58 : f32 to vector<8x128xf32>
      %swap3A_60 = arith.constant 0 : index
      %swap3A_61 = arith.constant 0 : index
      %swap3A_62 = vector.load %arg7[%swap3A_60, %swap3A_61] : memref<8x128xf32, #tpu.memory_space<vmem>>, vector<8x128xf32>
      tpu.vector_store %arg7[%swap3A_60, %swap3A_61], %broadcast_in_dim3A_59 {strides = array<i32>} : memref<8x128xf32, #tpu.memory_space<vmem>>, vector<8x128xf32>,
    } else {
    }
    %get3A = arith.constant 0 : index
    %get3A_2 = arith.constant 0 : index
    %get3A_3 = vector.load %arg1[%get3A, %get3A_2] : memref<1024x64xf32, #tpu.memory_space<vmem>>, vector<1024x64xf32>
    %get3A_4 = arith.constant 0 : index
    %get3A_5 = arith.constant 0 : index
    %get3A_6 = vector.load %arg2[%get3A_4, %get3A_5] : memref<1024x128xf32, #tpu.memory_space<vmem>>, vector<1024x128xf32>
    %slice3A = vector.extract_strided_slice %get3A_6 {offsets = [0, 0], sizes = [1024, 64], strides = [1, 1]} : vector<1024x128xf32> to vector<1024x64xf32>
    %get3A_7 = arith.constant 0 : index
    %get3A_8 = arith.constant 0 : index
    %get3A_9 = vector.load %arg3[%get3A_7, %get3A_8] : memref<1024x128xf32, #tpu.memory_space<vmem>>, vector<1024x128xf32>
    %slice3A_10 = vector.extract_strided_slice %get3A_9 {offsets = [0, 0], sizes = [1024, 64], strides = [1, 1]} : vector<1024x128xf32> to vector<1024x64xf32>
    %get3A_11 = arith.constant 0 : index
    %get3A_12 = arith.constant 0 : index
    %get3A_13 = vector.load %arg4[%get3A_11, %get3A_12] : memref<8x128xf32, #tpu.memory_space<vmem>>, vector<8x128xf32>
    %sub3A = arith.subf %slice3A_10, %slice3A : vector<1024x64xf32>
    %mul3A = arith.mulf %sub3A, %get3A_3 : vector<1024x64xf32>
    %broadcast_in_dim3A = arith.constant 1.000000e+00 : f32
    %broadcast_in_dim3A_14 = vector.broadcast %broadcast_in_dim3A : f32 to vector<8x64xf32>
    %dot_general3A = arith.constant dense<0.000000e+00> : vector<8x1024xf32>
    %dot_general3A_15 = tpu.matmul %broadcast_in_dim3A_14, %mul3A, %dot_general3A {dimension_numbers = #tpu.dot_dimension_numbers<[1], [1], [0], [0], [0, 0, 1, 0], [], []>, transpose_lhs_hint = false} : vector<8x64xf32>, vector<1024x64xf32>, vector<8x1024xf32> -> vector<8x1024xf32>
    %slice3A_16 = vector.extract_strided_slice %dot_general3A_15 {offsets = [0, 0], sizes = [1, 1024], strides = [1, 1]} : vector<8x1024xf32> to vector<1x1024xf32>
    %div3A = arith.constant 1.000000e-01 : f32
    %div3A_17 = vector.broadcast %div3A : f32 to vector<1x1024xf32>
    %div3A_18 = arith.divf %slice3A_16, %div3A_17 : vector<1x1024xf32>
    %max3A = arith.constant 0.000000e+00 : f32
    %max3A_19 = vector.broadcast %max3A : f32 to vector<1x1024xf32>
    %max3A_20 = arith.maximumf %div3A_18, %max3A_19 : vector<1x1024xf32>
    %abs3A = math.absf %div3A_18 : vector<1x1024xf32>
    %neg3A = arith.constant 0.000000e+00 : f32
    %neg3A_21 = vector.broadcast %neg3A : f32 to vector<1x1024xf32>
    %neg3A_22 = arith.subf %neg3A_21, %abs3A : vector<1x1024xf32>
    %exp3A = math.exp %neg3A_22 : vector<1x1024xf32>
    %add3A = arith.constant 1.000000e+00 : f32
    %add3A_23 = vector.broadcast %add3A : f32 to vector<1x1024xf32>
    %add3A_24 = arith.addf %add3A_23, %exp3A : vector<1x1024xf32>
    %log3A = math.log %add3A_24 : vector<1x1024xf32>
    %add3A_25 = arith.addf %max3A_20, %log3A : vector<1x1024xf32>
    %slice3A_26 = vector.extract_strided_slice %add3A_25 {offsets = [0, 0], sizes = [1, 128], strides = [1, 1]} : vector<1x1024xf32> to vector<1x128xf32>
    %slice3A_27 = vector.extract_strided_slice %add3A_25 {offsets = [0, 128], sizes = [1, 128], strides = [1, 1]} : vector<1x1024xf32> to vector<1x128xf32>
    %slice3A_28 = vector.extract_strided_slice %add3A_25 {offsets = [0, 256], sizes = [1, 128], strides = [1, 1]} : vector<1x1024xf32> to vector<1x128xf32>
    %slice3A_29 = vector.extract_strided_slice %add3A_25 {offsets = [0, 384], sizes = [1, 128], strides = [1, 1]} : vector<1x1024xf32> to vector<1x128xf32>
    %slice3A_30 = vector.extract_strided_slice %add3A_25 {offsets = [0, 512], sizes = [1, 128], strides = [1, 1]} : vector<1x1024xf32> to vector<1x128xf32>
    %slice3A_31 = vector.extract_strided_slice %add3A_25 {offsets = [0, 640], sizes = [1, 128], strides = [1, 1]} : vector<1x1024xf32> to vector<1x128xf32>
    %slice3A_32 = vector.extract_strided_slice %add3A_25 {offsets = [0, 768], sizes = [1, 128], strides = [1, 1]} : vector<1x1024xf32> to vector<1x128xf32>
    %slice3A_33 = vector.extract_strided_slice %add3A_25 {offsets = [0, 896], sizes = [1, 128], strides = [1, 1]} : vector<1x1024xf32> to vector<1x128xf32>
    %concatenate3A = tpu.concatenate %slice3A_26, %slice3A_27, %slice3A_28, %slice3A_29, %slice3A_30, %slice3A_31, %slice3A_32, %slice3A_33 in 0 : vector<1x128xf32>, vector<1x128xf32>, vector<1x128xf32>, vector<1x128xf32>, vector<1x128xf32>, vector<1x128xf32>, vector<1x128xf32>, vector<1x128xf32> -> vector<8x128xf32>
    %get3A_34 = arith.constant 0 : index
    %get3A_35 = arith.constant 0 : index
    %get3A_36 = vector.load %arg6[%get3A_34, %get3A_35] : memref<8x128xf32, #tpu.memory_space<vmem>>, vector<8x128xf32>
    %mul3A_37 = arith.mulf %concatenate3A, %get3A_13 : vector<8x128xf32>
    %add3A_38 = arith.addf %get3A_36, %mul3A_37 : vector<8x128xf32>
    %swap3A = arith.constant 0 : index
    %swap3A_39 = arith.constant 0 : index
    %swap3A_40 = vector.load %arg6[%swap3A, %swap3A_39] : memref<8x128xf32, #tpu.memory_space<vmem>>, vector<8x128xf32>
    tpu.vector_store %arg6[%swap3A, %swap3A_39], %add3A_38 {strides = array<i32>} : memref<8x128xf32, #tpu.memory_space<vmem>>, vector<8x128xf32>,
    %get3A_41 = arith.constant 0 : index
    %get3A_42 = arith.constant 0 : index
    %get3A_43 = vector.load %arg7[%get3A_41, %get3A_42] : memref<8x128xf32, #tpu.memory_space<vmem>>, vector<8x128xf32>
    %add3A_44 = arith.addf %get3A_43, %get3A_13 : vector<8x128xf32>
    %swap3A_45 = arith.constant 0 : index
    %swap3A_46 = arith.constant 0 : index
    %swap3A_47 = vector.load %arg7[%swap3A_45, %swap3A_46] : memref<8x128xf32, #tpu.memory_space<vmem>>, vector<8x128xf32>
    tpu.vector_store %arg7[%swap3A_45, %swap3A_46], %add3A_44 {strides = array<i32>} : memref<8x128xf32, #tpu.memory_space<vmem>>, vector<8x128xf32>,
    %eq3A_48 = arith.constant 63 : i32
    %eq3A_49 = arith.cmpi eq, %arg0, %eq3A_48 : i32
    %convert_element_type3A_50 = arith.extui %eq3A_49 : i1 to i32
    %cond3A_51 = arith.constant 0 : i32
    %cond3A_52 = arith.cmpi ne, %convert_element_type3A_50, %cond3A_51 : i32
    scf.if %cond3A_52 {
      %get3A_53 = arith.constant 0 : index
      %get3A_54 = arith.constant 0 : index
      %get3A_55 = vector.load %arg6[%get3A_53, %get3A_54] : memref<8x128xf32, #tpu.memory_space<vmem>>, vector<8x128xf32>
      %reduce_sum3A = vector.shape_cast %get3A_55 : vector<8x128xf32> to vector<1x8x128xf32>
      %reduce_sum3A_56 = arith.constant dense<0.000000e+00> : vector<1xf32>
      %reduce_sum3A_57 = vector.multi_reduction <add>, %reduce_sum3A, %reduce_sum3A_56 [1, 2] : vector<1x8x128xf32> to vector<1xf32>
      %reduce_sum3A_58 = vector.shape_cast %reduce_sum3A_57 : vector<1xf32> to vector<1x1x1xf32>
      %reduce_sum3A_59 = vector.extract %reduce_sum3A_58[0, 0, 0] : f32 from vector<1x1x1xf32>
      %get3A_60 = arith.constant 0 : index
      %get3A_61 = arith.constant 0 : index
      %get3A_62 = vector.load %arg7[%get3A_60, %get3A_61] : memref<8x128xf32, #tpu.memory_space<vmem>>, vector<8x128xf32>
      %reduce_sum3A_63 = vector.shape_cast %get3A_62 : vector<8x128xf32> to vector<1x8x128xf32>
      %reduce_sum3A_64 = arith.constant dense<0.000000e+00> : vector<1xf32>
      %reduce_sum3A_65 = vector.multi_reduction <add>, %reduce_sum3A_63, %reduce_sum3A_64 [1, 2] : vector<1x8x128xf32> to vector<1xf32>
      %reduce_sum3A_66 = vector.shape_cast %reduce_sum3A_65 : vector<1xf32> to vector<1x1x1xf32>
      %reduce_sum3A_67 = vector.extract %reduce_sum3A_66[0, 0, 0] : f32 from vector<1x1x1xf32>
      %max3A_68 = arith.constant 1.000000e+00 : f32
      %max3A_69 = arith.maximumf %reduce_sum3A_67, %max3A_68 : f32
      %div3A_70 = arith.divf %reduce_sum3A_59, %max3A_69 : f32
      %broadcast_in_dim3A_71 = vector.broadcast %div3A_70 : f32 to vector<8x128xf32>
      %swap3A_72 = arith.constant 0 : index
      %swap3A_73 = arith.constant 0 : index
      %swap3A_74 = vector.load %arg5[%swap3A_72, %swap3A_73] : memref<8x128xf32, #tpu.memory_space<vmem>>, vector<8x128xf32>
      tpu.vector_store %arg5[%swap3A_72, %swap3A_73], %broadcast_in_dim3A_71 {strides = array<i32>} : memref<8x128xf32, #tpu.memory_space<vmem>>, vector<8x128xf32>,
    } else {
    }
    return
  }
  func.func @transform_0(%arg0: i32) -> (i32, i32) {
    %c0_i32 = arith.constant 0 : i32
    %c0_i32_0 = arith.constant 0 : i32
    return %arg0, %c0_i32 : i32, i32
  }
  func.func @transform_1(%arg0: i32) -> (i32, i32) {
    %c0_i32 = arith.constant 0 : i32
    %c0_i32_0 = arith.constant 0 : i32
    return %arg0, %c0_i32 : i32, i32
  }
  func.func @transform_2(%arg0: i32) -> (i32, i32) {
    %c0_i32 = arith.constant 0 : i32
    %c0_i32_0 = arith.constant 0 : i32
    return %arg0, %c0_i32 : i32, i32
  }
  func.func @transform_3(%arg0: i32) -> (i32, i32) {
    %c0_i32 = arith.constant 0 : i32
    %c0_i32_0 = arith.constant 0 : i32
    return %arg0, %c0_i32 : i32, i32
  }
  func.func @transform_4(%arg0: i32) -> (i32, i32) {
    %c0_i32 = arith.constant 0 : i32
    %c0_i32_0 = arith.constant 0 : i32
    %c0_i32_1 = arith.constant 0 : i32
    return %c0_i32, %c0_i32_0 : i32, i32
  }
}

</mosaic_0001>

<sc_bundles>
// kernel: kernel.6.cloned.1.call-start
scs
__scs_entry_jumppad:
0x0: {  	(pc) =	sbr.rel $0x88, $3  }
0x1: {  	(tag) =	ssettag $0x0;
	lr =	simm.s32 $0x1  }
0x2: {  	[smem:$0x3F9F] =	sst lr;
	_ =	strace $0xD0000000  }
0x3: {  	_ = 	snop  }
0x4: {  	_ = 	snop  }
0x5: {  	_ = 	snop  }
0x6: {  	_ = 	snop  }
0x7: {  	_ = 	snop  }
__scs_overlays_trampoline_lowered:
0x8: {  	[smem:$0x3FAE] =	sst s0  }
0x9: {  	[smem:$0x3FAF] =	sst s1  }
0xa: {  	[smem:$0x3FB0] =	sst s2  }
0xb: {  	[smem:$0x3FB1] =	sst s3  }
0xc: {  	[smem:$0x3FB2] =	sst s4  }
0xd: {  	[smem:$0x3FB3] =	sst s5  }
0xe: {  	[smem:$0x3FB4] =	sst s6  }
0xf: {  	[smem:$0x3FB5] =	sst s7  }
0x10: {  	[smem:$0x3FB6] =	sst s8  }
0x11: {  	[smem:$0x3FB7] =	sst s9;
	s0 =	simm.s32 @!p0 $0x0  }
0x12: {  	s1 =	sld [smem:$0x3F9D];
	s0 =	simm.s32 @p0 $0x1  }
0x13: {  	[smem:$0x3FB8] =	sst s0;
	s0 =	simm.s32 @!p1 $0x0  }
0x14: {  	s2 =	sld [smem:$0x3F9C];
	s0 =	simm.s32 @p1 $0x1  }
0x15: {  	[smem:$0x3FB9] =	sst s0;
	s0 =	simm.s32 @!p2 $0x0  }
0x16: {  	s3 =	sld [smem:$0x3FDB];
	s0 =	simm.s32 @p2 $0x1  }
0x17: {  	s4 =	simm.s32 $0x1BF5;
	[smem:$0x3FBB] =	sst s0  }
0x18: {  	s0 =	sld [smem:$0x3F9E];
	_ =	swait.ge [sflag:s4], $0x0  }
0x19: {  	s7 =	sld [smem:$0x3F9F]  }
0x1a: {  	s8 =	sadd.s32 $0xFFFFE003, lr  }
0x1b: {  	s9 =	sadd.s32 $0xFFFFFEF7, lr;
	s5 =	simm.s32 $0xFFFFFFFF;
	p2 =	slt.u32 s8, $0xFFFFF086  }
0x1c: {  	p1 =	slt.u32 s9, $0xF7A;
	s5 =	simm.s32 @!p2 $0x0  }
0x1d: {  	s5 =	simm.s32 @p1 $0x1;
	p0 =	seq.s32 s7, s2  }
0x1e: {  	s7 =	smul.u32 @!p0 $0xF7A, s2;
	p2 =	seq.s32 @!p0 s5, $0x0  }
0x1f: {  	s9 =	smul.u32 $0xF7A, s1;
	s8 =	simm.s32 @!p0 $0x1BF5;
	p2 =	por !p2, p0  }
0x20: {  	[sflag:s8] =	ssyncset.s32 @!p0 $0xFFFFF086;
	s6 =	sadd.s32 @!p0 s3, s7;
	s7 =	simm.s32 @!p0 $0x108  }
0x21: {  	s3 =	sadd.s32 s3, s9;
	s6 =	sadd.s32 @!p0 $0x88, s6;
	s7 =	simm.s32 @p2 $0x1082  }
0x22: {  	[simem:s7], [sflag:s8] =	dma.local @!p0 [hbm:s6], $0xF7A  }
0x23: {  	s9 =	sor.u32 $0xD0000000, s2;
	s6 =	simm.s32 $0x108;
	_ =	swait.ge @!p0 [sflag:s8], $0x0  }
0x24: {  	s3 =	sadd.s32 $0x88, s3;
	s6 =	simm.s32 @!p1 $0x1082;
	[sflag:s4] =	ssyncset.s32 $0xFFFFF086  }
0x25: {  	[simem:s6], [sflag:s4] =	dma.local [hbm:s3], $0xF7A  }
0x26: {  	[smem:$0x3F9F] =	sst s1;
	(tag) =	ssettag s2;
	_ =	strace s9  }
0x27: {  	s1 =	sld [smem:$0x3FAF]  }
0x28: {  	s2 =	sld [smem:$0x3FB0]  }
0x29: {  	s4 =	sld [smem:$0x3FB2]  }
0x2a: {  	p0 =	seq.s32 s5, $0x0;
	s5 =	sld [smem:$0x3FB3]  }
0x2b: {  	s6 =	sld [smem:$0x3FB4]  }
0x2c: {  	s7 =	sld [smem:$0x3FB5]  }
0x2d: {  	s3 =	simm.s32 $0x108;
	s8 =	sld [smem:$0x3FB6]  }
0x2e: {  	s3 =	simm.s32 @!p0 $0x1082;
	s9 =	sld [smem:$0x3FB7]  }
0x2f: {  	lr =	sadd.s32 s0, s3;
	s0 =	sld [smem:$0x3FAE]  }
0x30: {  	s3 =	sld [smem:$0x3FB1]  }
0x31: {  	[smem:$0x3FBA] =	sst s10  }
0x32: {  	s10 =	sld [smem:$0x3FB8];
	_ =	sdelay $0x3  }
0x33: {  	p0 =	seq.s32 s10, $0x1;
	s10 =	sld [smem:$0x3FBA];
	_ =	sdelay $0x3  }
0x34: {  	[smem:$0x3FBA] =	sst s10  }
0x35: {  	s10 =	sld [smem:$0x3FB9];
	_ =	sdelay $0x3  }
0x36: {  	p1 =	seq.s32 s10, $0x1;
	s10 =	sld [smem:$0x3FBA];
	_ =	sdelay $0x3  }
0x37: {  	[smem:$0x3FBA] =	sst s10  }
0x38: {  	s10 =	sld [smem:$0x3FBB]  }
0x39: {  	_ = 	snop;
	(pc) =	sbr.ind lr, $3  }
0x3a: {  	_ = 	snop  }
0x3b: {  	_ = 	snop  }
0x3c: {  	p2 =	seq.s32 s10, $0x1;
	s10 =	sld [smem:$0x3FBA]  }
0x3d: {  	_ =	shalt  }
0x3e: {  	_ =	shalt  }
0x3f: {  	_ =	shalt  }
0x40: {  	_ =	shalt  }
0x41: {  	_ =	shalt  }
0x42: {  	_ =	shalt  }
0x43: {  	_ =	shalt  }
0x44: {  	_ =	shalt  }
0x45: {  	_ =	shalt  }
0x46: {  	_ =	shalt  }
0x47: {  	_ =	shalt  }
0x48: {  	_ =	shalt  }
0x49: {  	_ =	shalt  }
0x4a: {  	_ =	shalt  }
0x4b: {  	_ =	shalt  }
0x4c: {  	_ =	shalt  }
0x4d: {  	_ =	shalt  }
0x4e: {  	_ =	shalt  }
0x4f: {  	_ =	shalt  }
0x50: {  	_ =	shalt  }
0x51: {  	_ =	shalt  }
0x52: {  	_ =	shalt  }
0x53: {  	_ =	shalt  }
0x54: {  	_ =	shalt  }
0x55: {  	_ =	shalt  }
0x56: {  	_ =	shalt  }
0x57: {  	_ =	shalt  }
0x58: {  	_ =	shalt  }
0x59: {  	_ =	shalt  }
0x5a: {  	_ =	shalt  }
0x5b: {  	_ =	shalt  }
0x5c: {  	_ =	shalt  }
0x5d: {  	_ =	shalt  }
0x5e: {  	_ =	shalt  }
0x5f: {  	_ =	shalt  }
0x60: {  	_ =	shalt  }
0x61: {  	_ =	shalt  }
0x62: {  	_ =	shalt  }
0x63: {  	_ =	shalt  }
0x64: {  	_ =	shalt  }
0x65: {  	_ =	shalt  }
0x66: {  	_ =	shalt  }
0x67: {  	_ =	shalt  }
0x68: {  	_ =	shalt  }
0x69: {  	_ =	shalt  }
0x6a: {  	_ =	shalt  }
0x6b: {  	_ =	shalt  }
0x6c: {  	_ =	shalt  }
0x6d: {  	_ =	shalt  }
0x6e: {  	_ =	shalt  }
0x6f: {  	_ =	shalt  }
0x70: {  	_ =	shalt  }
0x71: {  	_ =	shalt  }
0x72: {  	_ =	shalt  }
0x73: {  	_ =	shalt  }
0x74: {  	_ =	shalt  }
0x75: {  	_ =	shalt  }
0x76: {  	_ =	shalt  }
0x77: {  	_ =	shalt  }
0x78: {  	_ =	shalt  }
0x79: {  	_ =	shalt  }
0x7a: {  	_ =	shalt  }
0x7b: {  	_ =	shalt  }
0x7c: {  	_ =	shalt  }
0x7d: {  	_ =	shalt  }
0x7e: {  	_ =	shalt  }
0x7f: {  	_ =	shalt  }
0x80: {  	_ =	shalt  }
0x81: {  	_ =	shalt  }
0x82: {  	_ =	shalt  }
0x83: {  	_ =	shalt  }
0x84: {  	_ =	shalt  }
0x85: {  	_ =	shalt  }
0x86: {  	_ =	shalt  }
0x87: {  	_ =	shalt  }
.Lfunc_end0:
.L_simem_size_0:
called_computation_lowered:
.L_overlay_start_0:
0x88: {  	s2 =	sld [smem:$0x3FD9]  }
0x89: {  	s3 =	sld [smem:$0x3FFE];
	_ =	sdelay $0x1  }
0x8a: {  	s1 =	srdreg.scid  }
0x8b: {  	s0 =	sand.u32 $0x1, s1  }
0x8c: {  	s16 =	sshll.u32 s0, $0xA;
	s2 =	sadd.s32 s3, s2  }
0x8d: {  	s2 =	sadd.s32 s2, s16  }
0x8e: {  	[smem:$0x3FC6] =	sst s2  }
0x8f: {  	_ = 	snop  }
0x90: {  	(tm) =	ssettm $0x1  }
0x91: {  	s17 =	sld [smem:$0x3FFB];
	_ =	sdelay $0x3  }
0x92: {  	_ =	strace s17  }
0x93: {  	s2 =	sld [smem:$0x3FFC];
	_ =	sdelay $0x3  }
0x94: {  	_ =	strace s2  }
0x95: {  	s2 =	sld [smem:$0x3FFD];
	_ =	sdelay $0x3  }
0x96: {  	_ =	strace s2  }
0x97: {  	_ =	strace $0x8FFFFFFF  }
0x98: {  	s18 =	sld [smem:$0x3FDB];
	_ =	sdelay $0x1  }
0x99: {  	s19 =	simm.s32 $_scs_section_size  }
0x9a: {  	s4 =	simm.s32 $_size__tile_overlayer_lowered;
	s5 =	simm.s32 $_tile_overlayer_lowered  }
0x9b: {  	s22 =	simm.s32 $0x1BFF;
	s21 =	sshll.u32 s5, $0x1;
	s2 =	sadd.s32 s19, s18  }
0x9c: {  	s6 =	simm.s32 $0x0;
	s20 =	sshll.u32 s4, $0x1;
	s4 =	sadd.s32 s21, s2  }
0x9d: {  	[timem:s6], [sflag:s22] =	dma.local [hbm:s4], s20  }
0x9e: {  	_ =	swait.ge [sflag:s22], s20  }
0x9f: {  	s3 =	ssub.s32 $0x0, s20;
	[sflag:s22] =	ssyncset.done $0x0  }
0xa0: {  	[sflag:s22] =	ssyncadd.s32 s3;
	_ =	sdelay $0x1  }
0xa1: {  	s23 =	simm.s32 $0x1B8B  }
0xa2: {  	_ =	swait.ge [sflag:s23], $0x1  }
0xa3: {  	[sflag:s23] =	ssyncset.done $0x0  }
0xa4: {  	s25 =	simm.s32 $0x1B8E;
	s24 =	sld [smem:$0x3FFE];
	[sflag:s23] =	ssyncadd.s32 $0xFFFFFFFF  }
0xa5: {  	s26 =	simm.s32 $execute0_lowered;
	[smem:$0x3FD2] =	sst s25  }
0xa6: {  	s4 =	sshll.u32 s26, $0x1;
	_ =	strace $0x80000046;
	[dreg:$0x1] =	wrdreg $0xFFFFFFFF  }
0xa7: {  	s28 =	simm.s32 $_size_execute0_lowered;
	s2 =	sadd.s32 s2, s4;
	[dreg:$0x0] =	wrdreg $0x0  }
0xa8: {  	s4 =	sshll.u32 s28, $0x1;
	[dreg:$0x2] =	wrdreg s2  }
0xa9: {  	[dreg:$0x3] =	wrdreg s4  }
0xaa: {  	[dreg:$0x4] =	wrdreg $0xC0  }
0xab: {  	_ =	task [dreg:s6], $0x5FFFF  }
0xac: {  	[dreg:$0x1] =	wrdreg $0xFFFFFFFF  }
0xad: {  	[dreg:$0x0] =	wrdreg $0x60  }
0xae: {  	[dreg:$0x2] =	wrdreg s24  }
0xaf: {  	[dreg:$0x3] =	wrdreg $0x9  }
0xb0: {  	_ =	task.clear_ibuf [dreg:s6], $0x4FFFF;
	_ =	strace $0x90000046  }
0xb1: {  	s29 =	simm.s32 $0x9;
	_ =	strace $0x80000048  }
0xb2: {  	_ =	swait.ge [sflag:s29], $0x1  }
0xb3: {  	[sflag:s29] =	ssyncadd.s32 $0xFFFFFFFF  }
0xb4: {  	_ =	strace $0x90000048  }
0xb5: {  	_ =	sfence  }
0xb6: {  	s30 =	sld [smem:$0x0];
	_ =	sdelay $0x2  }
0xb7: {  	s31 =	sshll.u32 s1, $0xD;
	s1 =	sshrl.u32 s1, $0x2  }
0xb8: {  	s3 =	sand.u32 $0x4000, s31;
	s1 =	sadd.s32 s1, s30  }
0xb9: {  	s0 =	sor.u32 s3, s0;
	s1 =	sshll.u32 s1, $0x11  }
0xba: {  	s0 =	sor.u32 s1, s0  }
0xbb: {  	s0 =	sadd.s32 $0x8F2B, s0  }
0xbc: {  	[sflag:s0] =	ssyncadd.remote.s32 $0x1  }
0xbd: {  	_ =	sfence.sel $0xFFFF  }
0xbe: {  	[dreg:$0x0] =	wrdreg $0xFFFFFFFF;
	(pc) =	sbr.abs _section_cstart, $3  }
0xbf: {  	[dreg:$0x1] =	wrdreg $0xFFFFFFFF  }
0xc0: {  	_ =	task.clear_ibuf [dreg:s6], $0x2FFFF;
	_ =	strace $0x9FFFFFFF  }
0xc1: {  	(tm) =	ssettm $0x7FFFFFFF  }
tec
execute0_lowered:
.L_overlay_start_1:
0x0: {  	(tag) =	ssettag $0x1  }
0x1: {  	v1 =	vimm.s32 $0xEDCBA987  }
0x2: {  	v0 =	vimm.s32 $0x65432100;
	v1 =	vunpack.c.l.s4.s8 v1  }
0x3: {  	v4 =	vunpack.c.l.s4.s8 v0  }
0x4: {  	v1 =	vunpack.c.0.s8.s32 v1  }
0x5: {  	v2 =	vimm.s32 $0x87654321;
	v4 =	vunpack.c.0.s8.s32 v4  }
0x6: {  	v3 =	vimm.s32 $0xFFEDCBA9;
	v6 =	vimm.s32 $0x54321000;
	v1 =	vand.u32 $0xF, v1  }
0x7: {  	v8 =	vimm.s32 $0x98765432;
	v63 =	vcombine.low v4, v1;
	v4 =	vimm.s32 $0xDCBA9876  }
0x8: {  	v9 =	vimm.s32 $0xFFFEDCBA;
	v10 =	vimm.s32 $0x43210000;
	v7 =	vunpack.c.l.s4.s8 v4  }
0x9: {  	vm0 =	vcmask $0x1F00;
	v12 =	vimm.s32 $0xE0D0C0B;
	vm1 =	vcmask $0x2F20  }
0xa: {  	v15 =	vimm.s32 $0xF0E0D0C;
	v16 =	vimm.s32 $0xA9876540;
	v7 =	vunpack.c.0.s8.s32 v7  }
0xb: {  	vm3 =	vmmov $0xfff;
	v20 =	vimm.s32 $0x98765400;
	v8 =	vunpack.c.l.s4.s8 v8  }
0xc: {  	v19 =	vand.u32 $0xF, v7;
	v7 =	vunpack.c.l.s4.s8 v9;
	v9 =	vimm.s32 $0xCBA98765  }
0xd: {  	v21 =	vimm.s32 $0x390000;
	v22 =	vimm.s32 $0xF0F0E0D;
	v9 =	vunpack.c.l.s4.s8 v9  }
0xe: {  	v8 =	vunpack.c.0.s8.s32 v8;
	v28 =	vunpack.c.0.s8.s32 v7;
	v7 =	vunpack.c.l.s4.s8 v10  }
0xf: {  	v24 =	vimm.s32 $0x0;
	v25 =	vimm.s32 $0x7060504;
	v9 =	vunpack.c.0.s8.s32 v9  }
0x10: {  	v10 =	vimm.s32 $0xA9876543;
	v8 =	vcombine.low v8, v28;
	v11 =	vunpack.c.0.s8.s32 v7  }
0x11: {  	v62 =	vimm.s32 $0x39000000;
	v10 =	vunpack.c.l.s4.s8 v10;
	v17 =	vand.u32 $0xF, v9  }
0x12: {  	v7 =	vand.u32 $0xF, v8;
	v8 =	vcombine.low v11, v17;
	v11 =	vimm.s32 $0xBA987654  }
0x13: {  	v2 =	vunpack.c.l.s4.s8 v2;
	v10 =	vunpack.c.0.s8.s32 v10;
	v11 =	vunpack.c.l.s4.s8 v11  }
0x14: {  	v3 =	vunpack.c.l.s4.s8 v3;
	v6 =	vunpack.c.l.s4.s8 v6;
	v31 =	vunpack.c.0.s8.s32 v12  }
0x15: {  	v32 =	vunpack.c.0.s8.s32 v15;
	v10 =	vand.u32 $0xF, v10;
	v14 =	vunpack.c.0.s8.s32 v11  }
0x16: {  	v15 =	vunpack.c.l.s4.s8 v16;
	v20 =	vunpack.c.l.s4.s8 v20;
	v13 =	vnsel vm0, $0xF, v10  }
0x17: {  	v11 =	vsel vm1, v31, v13;
	v13 =	vand.u32 $0xF, v14;
	v14 =	vimm.s32 $0x39000  }
0x18: {  	v21 =	vunpack.c.l.s2.s4 v21;
	v33 =	vunpack.c.0.s8.s32 v22;
	v14 =	vunpack.c.l.s2.s4 v14  }
0x19: {  	v22 =	vimm.s32 $0x0;
	v25 =	vunpack.c.0.s8.s32 v25;
	v16 =	vnsel vm0, $0xF, v13  }
0x1a: {  	v18 =	vunpack.c.l.s4.s8 v14;
	v14 =	vsel vm1, v32, v16;
	v16 =	vimm.s32 $0x0  }
0x1b: {  	v5 =	vunpack.c.0.s8.s32 v2;
	v27 =	vunpack.c.0.s8.s32 v3;
	v16 =	vsel vm3, $0xFFFFFFFF, v16  }
0x1c: {  	v21 =	vunpack.c.l.s4.s8 v21;
	[tilespmem:$0x1FE80] =	vst v16;
	v16 =	vunpack.c.0.s8.s32 v18;
	v18 =	vimm.s32 $0xE4000  }
0x1d: {  	v15 =	vunpack.c.0.s8.s32 v15;
	v20 =	vunpack.c.0.s8.s32 v20;
	v18 =	vunpack.c.l.s2.s4 v18  }
0x1e: {  	v6 =	vunpack.c.0.s8.s32 v6;
	v5 =	vcombine.low v5, v27;
	v21 =	vunpack.c.0.s8.s32 v21  }
0x1f: {  	v15 =	vand.u32 $0xF, v15;
	v20 =	vand.u32 $0xF, v20;
	v18 =	vunpack.c.l.s4.s8 v18  }
0x20: {  	v27 =	vand.u32 $0xF, v27;
	v21 =	vand.u32 $0x3, v21;
	v6 =	vcombine.low v6, v19  }
0x21: {  	v9 =	vlaneseq.u32;
	v17 =	vnsel vm0, $0xF, v17;
	v18 =	vunpack.c.0.s8.s32 v18  }
0x22: {  	v17 =	vsel vm1, v33, v17;
	vm3 =	vcmask $0x3F24;
	v16 =	vand.u32 $0x3, v16  }
0x23: {  	v15 =	vsel vm3, v15, v16;
	vm3 =	vcmask $0x3F28;
	v18 =	vand.u32 $0x3, v18  }
0x24: {  	vm1 =	vmmov $0x7ff;
	v18 =	vsel vm3, v20, v18;
	v20 =	vimm.s32 $0xE40000  }
0x25: {  	v22 =	vsel vm1, $0xFFFFFFFF, v22;
	vm3 =	vmmov $0x3ff;
	v23 =	vunpack.c.l.s2.s4 v20  }
0x26: {  	vm1 =	vcmask $0x2320;
	[tilespmem:$0x1FE90] =	vst v22;
	v22 =	vnsel vm0, $0xF, v19;
	v24 =	vsel vm3, $0xFFFFFFFF, v24  }
0x27: {  	v19 =	vadd.s32 $0xFFFFFFFA, v9;
	[tilespmem:$0x1FEA0] =	vst v24;
	v24 =	vimm.s32 $0xFEDCBA98;
	v23 =	vunpack.c.l.s4.s8 v23  }
0x28: {  	v20 =	vsel vm1, $0xE, v22;
	vm1 =	vcmask $0x2B00;
	v24 =	vunpack.c.l.s4.s8 v24  }
0x29: {  	v22 =	vimm.s32 $0x4070605;
	v21 =	vnsel vm1, $0x8, v21;
	v23 =	vunpack.c.0.s8.s32 v23  }
0x2a: {  	v22 =	vunpack.c.0.s8.s32 v22;
	vm1 =	vcmask $0x3B2C;
	v29 =	vunpack.c.0.s8.s32 v24  }
0x2b: {  	v24 =	vimm.s32 $0xE400000;
	v26 =	vand.u32 $0x3, v23;
	v23 =	vimm.s32 $0x3900000  }
0x2c: {  	v22 =	vsel vm1, v22, v21;
	v34 =	vunpack.c.l.s2.s4 v24;
	v30 =	vunpack.c.l.s2.s4 v23  }
0x2d: {  	vm1 =	vcmask $0x3F30;
	v21 =	vmovc v19;
	v19 =	vadd.s32 $0xFFFFFFF9, v9;
	v24 =	vnsel vm0, $0xF, v1  }
0x2e: {  	v1 =	vand.u32 $0xF, v29;
	v34 =	vunpack.c.l.s4.s8 v34;
	v30 =	vunpack.c.l.s4.s8 v30  }
0x2f: {  	v29 =	vimm.s32 $0x6050400;
	v23 =	vmovc v19;
	v19 =	vsel vm1, v25, v26;
	v26 =	vnsel vm0, $0xF, v1  }
0x30: {  	v1 =	vunpack.c.0.s8.s32 v29;
	v29 =	vunpack.c.0.s8.s32 v30;
	v30 =	vunpack.c.0.s8.s32 v34  }
0x31: {  	v36 =	vimm.s32 $0xF;
	v35 =	vnsel vm0, $0xF, v27;
	v28 =	vand.u32 $0xF, v28  }
0x32: {  	v45 =	vnsel vm0, $0xF, v28;
	vm0 =	vcmask $0x3700;
	v30 =	vand.u32 $0x3, v30  }
0x33: {  	v27 =	vimm.s32 $0x2;
	v34 =	vunpack.c.l.s2.s4 v62;
	v30 =	vnsel vm0, $0x5, v30  }
0x34: {  	v25 =	vadd.s32 $0xFFFFFFF8, v9;
	v27 =	vsel vm0, $0x0, v27;
	vm0 =	vcmask $0x3B38  }
0x35: {  	v34 =	vunpack.c.l.s4.s8 v34;
	v37 =	vand.u32 $0x3, v29;
	v29 =	vsel vm0, $0x4, v30  }
0x36: {  	v28 =	vsel vm0, $0x1, v27;
	vm0 =	vcmask $0xF00;
	v30 =	vmovc v25;
	v25 =	vimm.s32 $0xE4000000  }
0x37: {  	v34 =	vunpack.c.0.s8.s32 v34;
	v42 =	vnsel vm0, $0xF, v31;
	v25 =	vunpack.c.l.s2.s4 v25  }
0x38: {  	v31 =	vnsel vm0, $0xF, v32;
	v32 =	vnsel vm0, $0xF, v33;
	vm0 =	vcmask $0x3B00  }
0x39: {  	v34 =	vand.u32 $0x3, v34;
	v38 =	vunpack.c.l.s4.s8 v25;
	v25 =	vimm.s32 $0x1  }
0x3a: {  	s3 =	rddreg [dreg:$0x0];
	s2 =	simm.s32 $0x0;
	v33 =	vnsel vm0, $0x4, v34;
	v34 =	vsel vm0, $0x0, v25;
	vm0 =	vcmask $0x300  }
0x3b: {  	s1 =	srdreg.scid;
	[smem:$0x7FF] =	sst s2;
	v25 =	vsel vm0, $0xE, v36;
	vm0 =	vcmask $0x3F34  }
0x3c: {  	s9 =	sand.u32 $0x1, s1;
	s1 =	rddreg [dreg:$0x1];
	_ =	strace $0x80000047;
	[tilespmem:$0x1FF20] =	vst v14;
	vm1 =	vmmov $0xff;
	v36 =	vsel vm0, v1, v37;
	v1 =	vimm.s32 $0x0  }
0x3d: {  	[tilespmem:$0x1FF30] =	vst v63;
	v1 =	vsel vm1, $0xFFFFFFFF, v1  }
0x3e: {  	vm1 =	vmmov $0x7f;
	[tilespmem:$0x1FEB0] =	vst v1;
	v1 =	vimm.s32 $0x0  }
0x3f: {  	[tilespmem:$0x1FF90] =	vst v35;
	v1 =	vsel vm1, $0xFFFFFFFF, v1  }
0x40: {  	vm1 =	vmmov $0x3f;
	[tilespmem:$0x1FEC0] =	vst v1;
	v1 =	vimm.s32 $0x0  }
0x41: {  	[tilespmem:$0x1FFA0] =	vst v45;
	v1 =	vsel vm1, $0xFFFFFFFF, v1  }
0x42: {  	vm1 =	vmmov $0x1f;
	[tilespmem:$0x1FED0] =	vst v1;
	v1 =	vimm.s32 $0x0  }
0x43: {  	vm2 =	vmmov $0x7fff;
	vm13 =	vcmask $0x3F08;
	[tilespmem:$0x1FFE0] =	vst v15;
	v1 =	vsel vm1, $0xFFFFFFFF, v1  }
0x44: {  	v16 =	vadd.s32 $0xFFFFFFFB, v9;
	vm1 =	vmmov $0xf;
	[tilespmem:$0x1FEE0] =	vst v1;
	v1 =	vimm.s32 $0x0  }
0x45: {  	vm14 =	vmmov $0x3fff;
	vm15 =	vmmov $0x1fff;
	[tilespmem:$0x1FFF0] =	vst v16;
	v1 =	vsel vm1, $0xFFFFFFFF, v1  }
0x46: {  	v0 =	vimm.s32 $0x0;
	vm1 =	vmmov $0x7;
	[tilespmem:$0x1FEF0] =	vst v1;
	v1 =	vimm.s32 $0x0  }
0x47: {  	s0 =	stileid.u32;
	s11 =	simm.s32 $0x1800;
	s12 =	simm.s32 $0x1C00;
	v2 =	vimm.s32 $0xFFFFFFFF;
	v3 =	vlaneseq.u32;
	[tilespmem:$0x1FF80] =	vst v26;
	v1 =	vsel vm1, $0xFFFFFFFF, v1  }
0x48: {  	s13 =	simm.s32 $0x800;
	s14 =	simm.s32 $0x1000;
	s15 =	simm.s32 $0x80;
	v4 =	vadd.s32 $0xFFFFFFFF, v3;
	vm0 =	vmmov $0x1ff;
	[tilespmem:$0x1FF00] =	vst v1;
	v1 =	vimm.s32 $0x0  }
0x49: {  	s16 =	simm.s32 $0x400;
	s17 =	simm.s32 $0x0;
	s4 =	sshll.u32 s0, $0x1;
	v5 =	vand.u32 $0xF, v5;
	v10 =	vimm.s32 $0x32100000;
	[tilespmem:$0x1FFB0] =	vst v28;
	v1 =	vsel vm0, $0xFFFFFFFF, v1  }
0x4a: {  	s5 =	sshll.u32 s0, $0x8;
	s31 =	sshll.u32 s0, $0xC;
	s4 =	sor.u32 s9, s4;
	v3 =	vadd.s32 $0xFFFFFFFE, v3;
	v12 =	vunpack.c.l.s4.s8 v10;
	[tilespmem:$0x1FF40] =	vst v1;
	v1 =	vimm.s32 $0x0  }
0x4b: {  	s29 =	ssub.s32 $0x2, s9;
	s9 =	sshll.u32 s9, $0xB;
	s6 =	sshll.u32 s4, $0x4;
	v44 =	vadd.s32 $0xFFFFFFF7, v9;
	v39 =	vadd.s32 $0xFFFFFFF4, v9;
	[tilespmem:$0x1FFC0] =	vst v29;
	v1 =	vsel vm2, $0xFFFFFFFF, v1  }
0x4c: {  	s4 =	sshll.u32 s4, $0x8;
	s30 =	sshrl.u32 s29, $0x1;
	s5 =	sor.u32 s5, s6;
	v40 =	vadd.s32 $0xFFFFFFF3, v9;
	v12 =	vunpack.c.0.s8.s32 v12;
	[tilespmem:$0x1FF50] =	vst v1;
	v1 =	vimm.s32 $0x0  }
0x4d: {  	s9 =	sor.u32 s9, s31;
	s7 =	sadd.s32 s4, s3;
	s5 =	sand.u32 $0xC70, s5;
	v43 =	vadd.s32 $0xFFFFFFF2, v9;
	v10 =	vadd.s32 $0xFFFFFFFD, v9;
	[tilespmem:$0x1FF10] =	vst v42;
	v1 =	vsel vm14, $0xFFFFFFFF, v1  }
0x4e: {  	s10 =	ssub.s32 s29, s30;
	s4 =	sadd.s32 $0x6000, s7;
	s8 =	sadd.s32 s5, s3;
	v12 =	vcombine.low v12, v13;
	v41 =	vunpack.c.0.s8.s32 v38;
	[tilespmem:$0x1FF60] =	vst v1;
	v1 =	vimm.s32 $0x0  }
0x4f: {  	s3 =	sadd.s32 $0x2000, s7;
	s5 =	sadd.s32 $0x8000, s7;
	s6 =	sadd.s32 $0x4000, s8;
	v13 =	vadd.s32 $0xFFFFFFFC, v9;
	v27 =	vadd.s32 $0xFFFFFFF1, v9;
	[tilespmem:$0x1FFD0] =	vst v31;
	v1 =	vsel vm15, $0xFFFFFFFF, v1  }
0x50: {  	s7 =	sadd.s32 $0x5000, s8;
	s8 =	smax.u32 s10, $0x1;
	s10 =	simm.s32 $0x1;
	v38 =	vadd.s32 $0xFFFFFFF5, v9;
	v37 =	vadd.s32 $0xFFFFFFF6, v9;
	v41 =	vand.u32 $0x3, v41;
	[tilespmem:$0x1FF70] =	vst v1  }
.LBB2_1:
0x51: {  	[tilespmem:s2], [sflag:$0x1] =	stream.linear.gather [hbm4b:s3+s2], $0x800, $0x38;
	[tilespmem:$0x2000] =	vst v63  }
0x52: {  	_ =	swait.ge [sflag:s10], $0x800  }
0x53: {  	[sflag:s10] =	ssyncset.done $0x0  }
0x54: {  	s18 =	simm.s32 $0x0;
	[sflag:s10] =	ssyncadd.s32 $0xFFFFF800  }
.LBB2_2:
0x55: {  	p0 =	sne.s32 s18, $0xFC0  }
.Ltmp0:
0x56: {  	_ = 	snop;
	(pc) =	sbr.rel @p0 .LBB2_2-.Ltmp0, $4  }
0x57: {  	_ = 	snop  }
0x58: {  	s19 =	sshra.s32 s18, $0x2  }
0x59: {  	[tilespmem:s19+$0x1800] =	vst v0  }
0x5a: {  	s18 =	sadd.s32 $0x40, s18;
	[tilespmem:s19+$0x1C00] =	vst v2  }
0x5b: {  	s18 =	simm.s32 $0x0  }
0x5c: {  	v1 =	vor.u32 s18, v25  }
0x5d: {  	v46 =	vor.u32 s18, v42;
	_ =	sdelay $0x3  }
0x5e: {  	v1 =	vld.idx.msk [tilespmem:v1+s2+$0x0], $0xffff  }
0x5f: {  	v56 =	vld.idx.msk [tilespmem:v46+s2+$0x0], $0xffff  }
0x60: {  	v57 =	vor.u32 s18, v19;
	v46 =	vld [tilespmem:s18+$0x0];
	_ =	sdelay $0x2  }
0x61: {  	v47 =	vor.u32 s18, v24  }
0x62: {  	v53 =	vor.u32 s18, v36  }
0x63: {  	v52 =	vor.u32 s18, v5;
	vm1 =	veq.s32 v1, v46;
	v1 =	vld.idx.msk [tilespmem:v57+s2+$0x0], $0xffff  }
0x64: {  	v54 =	vor.u32 s18, v11  }
0x65: {  	v55 =	vor.u32 s18, v7  }
0x66: {  	v61 =	vor.u32 s18, v15;
	v50 =	vld.idx.msk [tilespmem:v47+s2+$0x0], $0xffff  }
0x67: {  	v62 =	vor.u32 s18, v18;
	v15 =	vimm.s32 $0x0;
	v53 =	vld.idx.msk [tilespmem:v53+s2+$0x0], $0xffff;
	vm6 =	veq.s32 v56, v46  }
0x68: {  	v52 =	vld.idx.msk [tilespmem:v52+s2+$0x0], $0xffff;
	v15 =	vsel vm6, $0xFFFFFFFF, v15;
	vm6 =	veq.s32 v1, v46;
	v1 =	vimm.s32 $0x0  }
0x69: {  	v54 =	vld.idx.msk [tilespmem:v54+s2+$0x0], $0xffff;
	[tilespmem:$0x1FE60] =	vst v15;
	v15 =	vimm.s32 $0x0;
	v1 =	vsel vm6, $0xFFFFFFFF, v1;
	vm6 =	vmmov $0x3  }
0x6a: {  	v55 =	vld.idx.msk [tilespmem:v55+s2+$0x0], $0xffff;
	v15 =	vsel vm6, $0xFFFFFFFF, v15  }
0x6b: {  	vm1 =	vmand vm1, vm6;
	[tilespmem:$0x1FE00] =	vst v15;
	v15 =	vimm.s32 $0x0  }
0x6c: {  	v48 =	vor.u32 s18, v17;
	vm8 =	veq.s32 v53, v46;
	v53 =	vld.idx.msk [tilespmem:v62+s2+$0x0], $0xffff;
	v15 =	vsel vm1, $0xFFFFFFFF, v15  }
0x6d: {  	v51 =	vor.u32 s18, v12;
	v58 =	vor.u32 s18, v14;
	[tilespmem:$0x1FE10] =	vst v15;
	v15 =	vld [tilespmem:$0x1FE80]  }
0x6e: {  	v47 =	vor.u32 s18, v6;
	vm3 =	veq.s32 v50, v46;
	vm9 =	veq.s32 v52, v46  }
0x6f: {  	vm10 =	veq.s32 v54, v46;
	vm11 =	veq.s32 v55, v46;
	vm6 =	vmand vm3, vm0  }
0x70: {  	vm3 =	vmand vm11, vm14;
	vm0 =	vcmask $0x3F18;
	vm1 =	vmand vm9, vm2  }
0x71: {  	v48 =	vld.idx.msk [tilespmem:v48+s2+$0x0], $0xffff;
	vm9 =	vmand vm10, vm15;
	vm10 =	veq.s32 v53, v46;
	vm1 =	vmor vm1, vm3  }
0x72: {  	v51 =	vld.idx.msk [tilespmem:v51+s2+$0x0], $0xffff;
	vm0 =	vmand vm10, vm0;
	vm3 =	vnez.u8 v15;
	v15 =	vimm.s32 $0x0  }
0x73: {  	v50 =	vld.idx.msk [tilespmem:v58+s2+$0x0], $0xffff;
	v15 =	vsel vm0, $0xFFFFFFFF, v15  }
0x74: {  	v52 =	vor.u32 s18, v20;
	[tilespmem:$0x1FE20] =	vst v15;
	v15 =	vld [tilespmem:$0x1FE90]  }
0x75: {  	v47 =	vld.idx.msk [tilespmem:v47+s2+$0x0], $0xffff  }
0x76: {  	v49 =	vor.u32 s18, v22  }
0x77: {  	v63 =	vor.u32 s18, v63;
	vm4 =	veq.s32 v48, v46;
	vm7 =	veq.s32 v51, v46  }
0x78: {  	v54 =	vor.u32 s18, v35;
	v35 =	vor.u32 s18, v45;
	vm12 =	veq.s32 v50, v46  }
0x79: {  	v45 =	vld.idx.msk [tilespmem:v52+s2+$0x0], $0xffff;
	v52 =	vsel vm0, $0x1, v0;
	vm11 =	vmand vm12, vm3;
	vm0 =	vnez.u8 v15  }
0x7a: {  	vm12 =	veq.s32 v47, v46;
	vm14 =	vmand vm4, vm0;
	vm0 =	vcmask $0x3F10  }
0x7b: {  	vm12 =	vmand vm12, vm13;
	vm13 =	vmand vm7, vm0;
	vm0 =	vcmask $0x3F24  }
0x7c: {  	v56 =	vld.idx.msk [tilespmem:v63+s2+$0x0], $0xffff;
	v15 =	vimm.s32 $0x0;
	vm3 =	vmand vm8, vm0  }
0x7d: {  	v60 =	vor.u32 s18, v8;
	v49 =	vld.idx.msk [tilespmem:v49+s2+$0x0], $0xffff;
	v15 =	vsel vm3, $0xFFFFFFFF, v15  }
0x7e: {  	[tilespmem:$0x1FE30] =	vst v15;
	v15 =	vld [tilespmem:$0x1FEA0];
	_ =	sdelay $0x2  }
0x7f: {  	vm10 =	veq.s32 v56, v46;
	vm0 =	vcmask $0x3F04  }
0x80: {  	vm5 =	veq.s32 v49, v46;
	v51 =	vld.idx.msk [tilespmem:v60+s2+$0x0], $0xffff;
	vm7 =	vmand vm10, vm0;
	vm0 =	vcmask $0x3F1C  }
0x81: {  	vm5 =	vmand vm5, vm0;
	vm0 =	vnez.u8 v15;
	v15 =	vld [tilespmem:$0x1FEB0]  }
0x82: {  	v55 =	vor.u32 s18, v26;
	_ =	sdelay $0x1  }
0x83: {  	vm1 =	vmor vm1, vm9  }
0x84: {  	[tilespmem:$0x1FE40] =	vst v1;
	vm1 =	vmor vm1, vm11  }
0x85: {  	vm11 =	veq.s32 v51, v46;
	v51 =	vsel vm3, $0x1, v0;
	vm3 =	vnez.u8 v15;
	v15 =	vld [tilespmem:$0x1FE40]  }
0x86: {  	v63 =	vld.idx.msk [tilespmem:v55+s2+$0x0], $0xffff;
	_ =	sdelay $0x1  }
0x87: {  	s21 =	sadd.s32 $0x0, s9  }
0x88: {  	v1 =	vor.u32 s18, v31;
	v53 =	vadd.s32 s21, v3;
	vm15 =	veq.s32 v45, v46;
	v56 =	vld.idx.msk [tilespmem:v35+s2+$0x0], $0xffff  }
0x89: {  	v35 =	vsel vm12, $0x1, v0;
	v53 =	vnsel vm12, $0x0, v53;
	vm4 =	vnez.u8 v15;
	v15 =	vld [tilespmem:$0x1FED0]  }
0x8a: {  	vm1 =	vmor vm1, vm14;
	vm8 =	veq.s32 v63, v46;
	v45 =	vsel vm7, $0x1, v0  }
0x8b: {  	v62 =	vld.idx.msk [tilespmem:v54+s2+$0x0], $0xffff;
	v54 =	vadd.s32 v45, v35;
	v35 =	vadd.s32 s21, v4;
	vm10 =	vmand vm15, vm0  }
0x8c: {  	v58 =	vld.idx.msk [tilespmem:v61+s2+$0x0], $0xffff;
	vm14 =	vmor vm7, vm12;
	v61 =	vsel vm7, v35, v53;
	vm1 =	vmor vm1, vm10  }
0x8d: {  	vm1 =	vmor vm1, vm6;
	vm7 =	vmand vm8, vm3;
	vm3 =	vcmask $0x3F20  }
0x8e: {  	vm1 =	vmor vm1, vm7;
	vm7 =	vmand vm4, vm3;
	vm3 =	vnez.u8 v15;
	v15 =	vld [tilespmem:$0x1FEC0]  }
0x8f: {  	v57 =	vor.u32 s18, v29  }
0x90: {  	v2 =	vmov s18;
	_ =	sdelay $0x1  }
0x91: {  	v60 =	vor.u32 s18, v41;
	v1 =	vld.idx.msk [tilespmem:v1+s2+$0x0], $0xffff;
	vm10 =	veq.s32 v56, v46  }
0x92: {  	vm12 =	vmand vm10, vm3;
	vm3 =	vnez.u8 v15;
	v15 =	vld [tilespmem:$0x1FEF0]  }
0x93: {  	v57 =	vld.idx.msk [tilespmem:v57+s2+$0x0], $0xffff  }
0x94: {  	v59 =	vor.u32 $0xF, v2;
	vm0 =	vcmask $0x3F0C;
	v56 =	vld.idx.msk [tilespmem:v2+s2+$0x0], $0xffff  }
0x95: {  	vm2 =	veq.s32 v58, v46;
	vm9 =	vmneg vm14;
	vm0 =	vmand vm11, vm0;
	v2 =	vld [tilespmem:$0x1FEE0]  }
0x96: {  	v63 =	vld.idx.msk [tilespmem:v60+s2+$0x0], $0xffff;
	vm11 =	veq.s32 v1, v46;
	v1 =	vsel vm0, $0x1, v0;
	vm6 =	veq.s32 v62, v46  }
0x97: {  	vm14 =	vmor vm14, vm0;
	vm6 =	vmand vm6, vm3;
	vm3 =	vnez.u8 v15  }
0x98: {  	vm15 =	vmor vm1, vm6;
	vm8 =	vmand vm11, vm3;
	vm3 =	vcmask $0x3F14  }
0x99: {  	vm1 =	veq.s32 v57, v46;
	vm2 =	vmand vm2, vm3;
	vm3 =	vcmask $0x3F28  }
0x9a: {  	vm11 =	vmand vm1, vm3;
	vm1 =	vmand vm0, vm9;
	vm0 =	vnez.u8 v2;
	v2 =	vld [tilespmem:$0x1FE60]  }
0x9b: {  	v45 =	vsel vm13, $0x1, v0;
	[tilespmem:$0x1FE50] =	vst v63;
	v1 =	vadd.s32 v1, v54  }
0x9c: {  	v42 =	vor.u32 s18, v32;
	v62 =	vadd.s32 v45, v1;
	v1 =	vld [tilespmem:$0x1FE50]  }
0x9d: {  	v14 =	vor.u32 s18, v33;
	v49 =	vor.u32 s18, v28;
	v48 =	vor.u32 s18, v34  }
0x9e: {  	v28 =	vmovc v17;
	v17 =	vmovc v6;
	v50 =	vadd.s32 s21, v44;
	v58 =	vadd.s32 s21, v13;
	v47 =	vadd.s32 s21, v40  }
0x9f: {  	v29 =	vmovc v18;
	v18 =	vmovc v3;
	v55 =	vsel vm5, $0x1, v0;
	v54 =	vadd.s32 s21, v16;
	vm3 =	vnez.u8 v2  }
0xa0: {  	v31 =	vmovc v20;
	v20 =	vmovc v8;
	v53 =	vld.idx.msk [tilespmem:v59+s2+$0x0], $0xffff;
	v2 =	vimm.s32 $0x0;
	vm10 =	vmand vm3, vm0;
	vm0 =	vmmov $0x1  }
0xa1: {  	s22 =	simm.s32 $0x800;
	s23 =	simm.s32 $0x1000;
	v63 =	vld.idx.msk [tilespmem:v42+s2+$0x0], $0xffff;
	v35 =	vmovc v19;
	v19 =	vmovc v7;
	v59 =	vsel vm7, $0x1, v0;
	vm6 =	veq.s32 v1, v46;
	v2 =	vsel vm0, $0xFFFFFFFF, v2  }
0xa2: {  	s24 =	simm.s32 $0x10;
	s19 =	simm.s32 $0x800;
	s20 =	simm.s32 $0x1000;
	v16 =	vmovc v5;
	v1 =	vadd.s32 s21, v10;
	v57 =	vld.idx.msk [tilespmem:v14+s2+$0x0], $0xffff;
	v15 =	vmovc v4;
	v60 =	vsel vm2, $0x1, v0;
	vm9 =	vmor vm14, vm13;
	[tilespmem:$0x1FE70] =	vst v2  }
.LBB2_4:
0xa3: {  	v2 =	vld [tilespmem:$0x1FF00];
	_ =	sdelay $0x4  }
0xa4: {  	v1 =	vsel vm1, v1, v61;
	vm1 =	veq.s32 v63, v46;
	vm3 =	vnez.u8 v2  }
0xa5: {  	v2 =	vimm.s32 $0x0;
	vm1 =	vmand vm1, vm3;
	vm3 =	veq.s32 v56, v46  }
0xa6: {  	v2 =	vsel vm3, $0xFFFFFFFF, v2  }
0xa7: {  	vm0 =	vmor vm15, vm12;
	[tilespmem:$0x1FDF0] =	vst v2;
	v2 =	vld [tilespmem:$0x1FE10]  }
0xa8: {  	vm0 =	vmor vm0, vm10;
	vm10 =	vmneg vm14  }
0xa9: {  	v60 =	vadd.s32 v60, v62;
	vm10 =	vmand vm13, vm10  }
0xaa: {  	v1 =	vsel vm10, v58, v1;
	vm10 =	veq.s32 v57, v46;
	vm3 =	vcmask $0x3F2C  }
0xab: {  	v49 =	vld.idx.msk [tilespmem:v49+s2+$0x0], $0xffff;
	v5 =	vsel vm11, $0x1, v0;
	vm13 =	vmand vm10, vm3;
	vm3 =	vcmask $0x3F30  }
0xac: {  	v52 =	vadd.s32 v52, v60;
	vm12 =	vmand vm6, vm3;
	vm3 =	vnez.u8 v2;
	v2 =	vld [tilespmem:$0x1FE20]  }
0xad: {  	v48 =	vld.idx.msk [tilespmem:v48+s2+$0x0], $0xffff;
	v61 =	vadd.s32 s21, v21;
	v62 =	vadd.s32 s21, v38;
	v52 =	vadd.s32 v55, v52  }
0xae: {  	v4 =	vadd.s32 s21, v37;
	vm14 =	vmor vm9, vm2;
	v52 =	vadd.s32 v59, v52  }
0xaf: {  	s25 =	smov.u32 s24;
	vm0 =	vmor vm0, vm8;
	v51 =	vadd.s32 v51, v52;
	v63 =	vadd.s32 s21, v23  }
0xb0: {  	v57 =	vor.u32 s25, v25;
	vm15 =	veq.s32 v49, v46;
	v56 =	vadd.s32 s21, v39  }
0xb1: {  	vm6 =	vmmov vm7;
	vm7 =	vmmov vm5;
	vm5 =	vnez.u8 v2;
	v2 =	vld [tilespmem:$0x1FE70]  }
0xb2: {  	vm0 =	vmor vm0, vm1;
	vm1 =	veq.s32 v48, v46;
	v48 =	vadd.s32 v5, v51  }
0xb3: {  	v5 =	vadd.s32 s21, v30;
	vm10 =	veq.s32 v53, v46;
	v7 =	vsel vm13, $0x1, v0  }
0xb4: {  	v6 =	vsel vm12, $0x1, v0;
	v48 =	vadd.s32 v7, v48;
	v7 =	vadd.s32 s21, v43  }
0xb5: {  	vm4 =	vmor vm0, vm3;
	vm0 =	vmneg vm14;
	vm3 =	vcmask $0x3F38  }
0xb6: {  	vm1 =	vmand vm1, vm3;
	vm8 =	vmor vm14, vm5;
	vm14 =	vnez.u8 v2;
	v2 =	vld [tilespmem:$0x1FDF0]  }
0xb7: {  	v48 =	vadd.s32 v6, v48;
	v6 =	vor.u32 s21, v9;
	v45 =	vsel vm1, $0x1, v0  }
0xb8: {  	vm0 =	vmand vm5, vm0;
	vm5 =	vmneg vm9;
	vm3 =	vmneg vm8  }
0xb9: {  	vm8 =	vmor vm8, vm7;
	vm2 =	vmand vm2, vm5;
	vm10 =	vmand vm10, vm14  }
0xba: {  	v52 =	vld.idx.msk [tilespmem:v46+s11+$0x0], $0xffff;
	vm14 =	vmand vm7, vm3;
	vm3 =	vcmask $0x3F34;
	vm4 =	vmor vm4, vm10  }
0xbb: {  	vm3 =	vmand vm15, vm3;
	vm5 =	vmneg vm4;
	vm4 =	vnez.u8 v2;
	v2 =	vld [tilespmem:$0x1FE30]  }
0xbc: {  	v1 =	vsel vm2, v54, v1;
	vm2 =	vcmask $0x3F3C;
	v42 =	vsel vm3, $0x1, v0  }
0xbd: {  	v1 =	vsel vm0, v61, v1;
	vm0 =	vmor vm8, vm6;
	v48 =	vadd.s32 v42, v48  }
0xbe: {  	v48 =	vadd.s32 v45, v48;
	vm2 =	vmand vm4, vm2;
	vm4 =	vmneg vm8  }
0xbf: {  	v1 =	vsel vm14, v63, v1;
	v48 =	vadd.s32 v52, v48;
	vm4 =	vmand vm6, vm4  }
0xc0: {  	v60 =	vsel vm2, $0x1, v0;
	v1 =	vsel vm4, v5, v1;
	vm7 =	vnez.u8 v2  }
0xc1: {  	vm4 =	vmneg vm0;
	v48 =	vadd.s32 v60, v48;
	v2 =	vld [tilespmem:$0x1FF10];
	vm0 =	vmor vm0, vm7  }
0xc2: {  	vm4 =	vmand vm7, vm4;
	vm7 =	vmneg vm0;
	vm0 =	vmor vm0, vm11  }
0xc3: {  	v1 =	vsel vm4, v50, v1;
	vm4 =	vmand vm11, vm7;
	vm7 =	vmneg vm0  }
0xc4: {  	vm0 =	vmor vm0, vm13;
	v1 =	vsel vm4, v4, v1;
	vm4 =	vmand vm13, vm7  }
0xc5: {  	v45 =	vadd.s32 $0x1, v48;
	v1 =	vsel vm4, v62, v1;
	vm4 =	vmneg vm0  }
0xc6: {  	v42 =	vld.idx.msk [tilespmem:v46+s12+$0x0], $0xffff;
	[tilespmem:v46+s11+$0x0] =	vst.idx.msk vm5, v45;
	vm0 =	vmor vm0, vm12;
	v59 =	vor.u32 s25, v2;
	vm4 =	vmand vm12, vm4  }
0xc7: {  	[tilespmem:v46+s12+$0x0] =	vst.idx.msk vm5, v6;
	v2 =	vld [tilespmem:$0x1FFE0];
	vm5 =	vmneg vm0;
	vm0 =	vmor vm0, vm3;
	v1 =	vsel vm4, v56, v1  }
0xc8: {  	vm3 =	vmand vm3, vm5;
	vm4 =	vmneg vm0;
	vm0 =	vmor vm0, vm1  }
0xc9: {  	v1 =	vsel vm3, v47, v1;
	vm3 =	vmand vm1, vm4;
	vm1 =	vmneg vm0  }
0xca: {  	v58 =	vadd.s32 s21, v27;
	v1 =	vsel vm3, v7, v1;
	vm1 =	vmand vm2, vm1  }
0xcb: {  	v60 =	vor.u32 s25, v20;
	v45 =	vld [tilespmem:$0x1FFC0];
	vm0 =	vmor vm0, vm2;
	v1 =	vsel vm1, v58, v1  }
0xcc: {  	[tilespmem:s19+$0x0] =	vst v48;
	v61 =	vor.u32 s25, v2;
	v2 =	vld [tilespmem:$0x1FF20];
	v1 =	vsel vm0, v1, v42  }
0xcd: {  	v26 =	vmovc v22;
	v6 =	vor.u32 s25, v22;
	v22 =	vmov v11;
	v42 =	vor.u32 s25, v11;
	v11 =	vld [tilespmem:$0x1FFD0];
	[tilespmem:s20+$0x0] =	vst v1  }
0xce: {  	v4 =	vor.u32 s25, v12;
	v53 =	vld.idx.msk [tilespmem:v57+s2+$0x0], $0xffff  }
0xcf: {  	v62 =	vor.u32 s25, v35;
	v54 =	vld.idx.msk [tilespmem:v59+s2+$0x0], $0xffff  }
0xd0: {  	s18 =	sadd.s32 $0x10, s18;
	v63 =	vor.u32 s25, v24;
	v47 =	vld.idx.msk [tilespmem:v60+s2+$0x0], $0xffff  }
0xd1: {  	v5 =	vor.u32 s25, v36;
	v46 =	vld [tilespmem:s18+$0x0]  }
0xd2: {  	v55 =	vld.idx.msk [tilespmem:v61+s2+$0x0], $0xffff  }
0xd3: {  	v61 =	vld.idx.msk [tilespmem:v4+s2+$0x0], $0xffff  }
0xd4: {  	v51 =	vld.idx.msk [tilespmem:v62+s2+$0x0], $0xffff  }
0xd5: {  	v7 =	vor.u32 s25, v28;
	v58 =	vld.idx.msk [tilespmem:v63+s2+$0x0], $0xffff  }
0xd6: {  	v59 =	vor.u32 s25, v16;
	v63 =	vld.idx.msk [tilespmem:v5+s2+$0x0], $0xffff  }
0xd7: {  	v60 =	vor.u32 s25, v19;
	v56 =	vld.idx.msk [tilespmem:v6+s2+$0x0], $0xffff  }
0xd8: {  	vm7 =	veq.s32 v61, v46;
	v61 =	vld [tilespmem:$0x1FE00]  }
0xd9: {  	v6 =	vld [tilespmem:$0x1FFB0];
	v2 =	vor.u32 s25, v2  }
0xda: {  	v3 =	vld.idx.msk [tilespmem:v7+s2+$0x0], $0xffff  }
0xdb: {  	v5 =	vor.u32 s25, v17;
	v59 =	vld.idx.msk [tilespmem:v59+s2+$0x0], $0xffff  }
0xdc: {  	v60 =	vld.idx.msk [tilespmem:v60+s2+$0x0], $0xffff  }
0xdd: {  	vm2 =	vnez.u8 v61;
	v61 =	vld [tilespmem:$0x1FF60]  }
0xde: {  	v2 =	vld.idx.msk [tilespmem:v2+s2+$0x0], $0xffff  }
0xdf: {  	v1 =	vor.u32 s25, v29;
	vm5 =	veq.s32 v56, v46;
	v56 =	vld [tilespmem:$0x1FF40]  }
0xe0: {  	v9 =	vor.u32 s25, v31;
	v50 =	vmov s25;
	vm4 =	veq.s32 v3, v46;
	v3 =	vld.idx.msk [tilespmem:v5+s2+$0x0], $0xffff  }
0xe1: {  	v52 =	vor.u32 $0xF, v50;
	v57 =	vor.u32 s25, v33;
	vm1 =	veq.s32 v58, v46;
	v58 =	vld [tilespmem:$0x1FF50]  }
0xe2: {  	v4 =	vld [tilespmem:$0x1FF30];
	v11 =	vor.u32 s25, v11;
	vm3 =	veq.s32 v60, v46;
	vm9 =	vnez.u8 v61  }
0xe3: {  	vm0 =	veq.s32 v53, v46;
	vm3 =	vmand vm3, vm9;
	vm9 =	veq.s32 v2, v46;
	v2 =	vld [tilespmem:$0x1FE80]  }
0xe4: {  	v1 =	vld.idx.msk [tilespmem:v1+s2+$0x0], $0xffff;
	v49 =	vor.u32 s25, v6;
	v53 =	vimm.s32 $0x0;
	vm0 =	vmand vm0, vm2  }
0xe5: {  	v62 =	vld.idx.msk [tilespmem:v42+s2+$0x0], $0xffff;
	vm12 =	veq.s32 v3, v46;
	v5 =	vsel vm0, $0xFFFFFFFF, v53;
	vm0 =	vnez.u8 v56  }
0xe6: {  	v3 =	vld [tilespmem:$0x1FE90];
	vm2 =	veq.s32 v59, v46;
	vm11 =	vmand vm1, vm0;
	vm1 =	vnez.u8 v58  }
0xe7: {  	v6 =	vor.u32 s25, v45;
	v45 =	vmovc v33;
	v33 =	vmovc v23;
	v23 =	vmov v12;
	v12 =	vld [tilespmem:$0x1FF80];
	vm1 =	vmand vm2, vm1  }
0xe8: {  	v59 =	vld.idx.msk [tilespmem:v9+s2+$0x0], $0xffff;
	vm1 =	vmor vm1, vm3;
	vm3 =	vnez.u8 v2  }
0xe9: {  	vm10 =	veq.s32 v1, v46;
	v9 =	vld [tilespmem:$0x1FF70];
	vm9 =	vmand vm9, vm3;
	vm3 =	vcmask $0x3F18  }
0xea: {  	v4 =	vor.u32 s25, v4;
	v53 =	vld.idx.msk [tilespmem:v52+s2+$0x0], $0xffff;
	v2 =	vimm.s32 $0x0;
	vm3 =	vmand vm10, vm3  }
0xeb: {  	v2 =	vsel vm3, $0xFFFFFFFF, v2;
	v52 =	vsel vm3, $0x1, v0;
	vm3 =	vnez.u8 v3;
	v3 =	vld.idx.msk [tilespmem:v11+s2+$0x0], $0xffff  }
0xec: {  	v11 =	vmov v22;
	v22 =	vmov v26;
	v26 =	vld [tilespmem:$0x1FFF0];
	_ =	sdelay $0x1  }
0xed: {  	vm13 =	vcmask $0x3F08  }
0xee: {  	v4 =	vld.idx.msk [tilespmem:v4+s2+$0x0], $0xffff;
	vm12 =	vmand vm12, vm13;
	vm13 =	vcmask $0x3F10  }
0xef: {  	s21 =	sadd.s32 s25, s9;
	vm6 =	veq.s32 v54, v46;
	v12 =	vor.u32 s25, v12;
	vm13 =	vmand vm7, vm13  }
0xf0: {  	vm2 =	veq.s32 v62, v46;
	vm8 =	vnez.u8 v9;
	v54 =	vadd.s32 s21, v26;
	v26 =	vld [tilespmem:$0x1FEA0]  }
0xf1: {  	v42 =	vmovc v24;
	v24 =	vmovc v13;
	v13 =	vld [tilespmem:$0x1FFA0];
	vm7 =	vcmask $0x3F24;
	vm0 =	veq.s32 v63, v46;
	vm8 =	vmand vm2, vm8  }
0xf2: {  	vm7 =	vmand vm0, vm7;
	vm1 =	vmor vm1, vm8  }
0xf3: {  	vm0 =	vcmask $0x3F04;
	vm10 =	veq.s32 v4, v46;
	vm1 =	vmor vm1, vm9  }
0xf4: {  	v14 =	vmovc v36;
	v36 =	vmovc v30;
	vm15 =	vmand vm10, vm0;
	vm0 =	vcmask $0x3F1C;
	vm4 =	vmand vm4, vm3  }
0xf5: {  	v30 =	vmovc v21;
	v21 =	vmovc v10;
	v10 =	vld [tilespmem:$0x1FF90];
	vm3 =	veq.s32 v59, v46;
	vm5 =	vmand vm5, vm0;
	vm0 =	vnez.u8 v26  }
0xf6: {  	v13 =	vor.u32 s25, v13;
	v1 =	vld.idx.msk [tilespmem:v12+s2+$0x0], $0xffff;
	vm1 =	vmor vm1, vm4;
	vm3 =	vmand vm3, vm0  }
0xf7: {  	vm8 =	veq.s32 v47, v46;
	vm3 =	vmor vm1, vm3;
	vm1 =	vcmask $0x3F0C  }
0xf8: {  	vm1 =	vmand vm8, vm1;
	vm8 =	veq.s32 v3, v46;
	v3 =	vld [tilespmem:$0x1FED0];
	_ =	sdelay $0x1  }
0xf9: {  	v10 =	vor.u32 s25, v10  }
0xfa: {  	vm2 =	veq.s32 v51, v46;
	vm14 =	veq.s32 v1, v46;
	v1 =	vimm.s32 $0x0  }
0xfb: {  	v9 =	vld.idx.msk [tilespmem:v13+s2+$0x0], $0xffff;
	v51 =	vsel vm7, $0x1, v0;
	v1 =	vsel vm7, $0xFFFFFFFF, v1;
	vm7 =	vcmask $0x3F20  }
0xfc: {  	vm7 =	vmand vm2, vm7;
	vm2 =	vnez.u8 v3;
	v3 =	vld [tilespmem:$0x1FEF0];
	_ =	sdelay $0x1  }
0xfd: {  	v62 =	vadd.s32 s21, v18;
	[tilespmem:$0x1FE20] =	vst v2;
	v2 =	vld.idx.msk [tilespmem:v10+s2+$0x0], $0xffff  }
0xfe: {  	[tilespmem:$0x1FE30] =	vst v1;
	v1 =	vsel vm12, $0x1, v0;
	v4 =	vnsel vm12, $0x0, v62  }
0xff: {  	v63 =	vsel vm15, $0x1, v0;
	vm10 =	vmor vm15, vm12;
	vm4 =	veq.s32 v9, v46  }
0x100: {  	v1 =	vadd.s32 v63, v1;
	v63 =	vld [tilespmem:$0x1FEB0];
	vm12 =	vmand vm4, vm2;
	vm2 =	vnez.u8 v3  }
0x101: {  	vm9 =	veq.s32 v55, v46;
	vm8 =	vmand vm8, vm2;
	vm2 =	vcmask $0x3F14  }
0x102: {  	v8 =	vor.u32 s25, v32;
	vm2 =	vmand vm9, vm2;
	vm9 =	veq.s32 v2, v46;
	v2 =	vld [tilespmem:$0x1FEC0]  }
0x103: {  	v48 =	vor.u32 s25, v34;
	v7 =	vor.u32 s25, v41;
	v56 =	vld.idx.msk [tilespmem:v50+s2+$0x0], $0xffff;
	v50 =	vadd.s32 s21, v44;
	v13 =	vmovc v24  }
0x104: {  	v24 =	vmovc v42;
	v42 =	vadd.s32 s21, v15;
	v58 =	vadd.s32 s21, v13;
	v47 =	vadd.s32 s21, v40  }
0x105: {  	v12 =	vmovc v23;
	v10 =	vsel vm13, $0x1, v0;
	v61 =	vsel vm15, v42, v4;
	vm4 =	vnez.u8 v63  }
0x106: {  	v6 =	vld.idx.msk [tilespmem:v6+s2+$0x0], $0xffff;
	v23 =	vmovc v33;
	v33 =	vmovc v45;
	vm3 =	vmor vm3, vm11;
	v45 =	vsel vm1, $0x1, v0;
	vm4 =	vmand vm14, vm4  }
0x107: {  	v1 =	vadd.s32 v45, v1;
	vm3 =	vmor vm3, vm4;
	vm4 =	vnez.u8 v2;
	v2 =	vld [tilespmem:$0x1FEE0]  }
0x108: {  	p0 =	sne.s32 s24, $0x7F0;
	v59 =	vsel vm7, $0x1, v0;
	v55 =	vsel vm5, $0x1, v0;
	v62 =	vadd.s32 v10, v1;
	v10 =	vmovc v21;
	v3 =	vld.idx.msk [tilespmem:v7+s2+$0x0], $0xffff  }
.Ltmp1:
0x109: {  	v9 =	vlaneseq.u32;
	vm0 =	vmneg vm10;
	v1 =	vadd.s32 s21, v10;
	(pc) =	sbr.rel @p0 .LBB2_4-.Ltmp1, $4  }
0x10a: {  	vm14 =	vmor vm10, vm1;
	vm1 =	vmand vm1, vm0;
	vm4 =	vmand vm9, vm4  }
0x10b: {  	vm9 =	veq.s32 v6, v46;
	vm15 =	vmor vm3, vm4;
	vm3 =	vcmask $0x3F28  }
0x10c: {  	s22 =	sadd.s32 $0x10, s22;
	s23 =	sadd.s32 $0x10, s23;
	v57 =	vld.idx.msk [tilespmem:v57+s2+$0x0], $0xffff;
	[tilespmem:$0x1FE10] =	vst v5;
	v21 =	vmovc v30;
	v60 =	vsel vm2, $0x1, v0;
	vm11 =	vmand vm9, vm3;
	vm3 =	vnez.u8 v2  }
0x10d: {  	s24 =	sadd.s32 $0x10, s24;
	s19 =	smov.u32 s22;
	s20 =	smov.u32 s23;
	v30 =	vmovc v36;
	v36 =	vmovc v14;
	v63 =	vld.idx.msk [tilespmem:v8+s2+$0x0], $0xffff;
	vm9 =	vmor vm14, vm13;
	vm10 =	vmand vm6, vm3;
	vm6 =	veq.s32 v3, v46  }
0x10e: {  	v2 =	vld [tilespmem:$0x1FF00];
	_ =	sdelay $0x4  }
0x10f: {  	vm4 =	vnez.u8 v2;
	v2 =	vld [tilespmem:$0x1FE10];
	_ =	sdelay $0x2  }
0x110: {  	vm3 =	vmneg vm14  }
0x111: {  	v1 =	vsel vm1, v1, v61;
	vm3 =	vmand vm13, vm3  }
0x112: {  	v1 =	vsel vm3, v58, v1;
	vm3 =	vnez.u8 v2;
	v2 =	vld [tilespmem:$0x1FE20];
	_ =	sdelay $0x3  }
0x113: {  	vm0 =	vmor vm15, vm12;
	vm1 =	veq.s32 v63, v46  }
0x114: {  	vm0 =	vmor vm0, vm10;
	vm1 =	vmand vm1, vm4;
	vm4 =	vnez.u8 v2;
	v2 =	vld [tilespmem:$0x1FE70]  }
0x115: {  	vm0 =	vmor vm0, vm8  }
0x116: {  	vm0 =	vmor vm0, vm1;
	vm1 =	vmor vm9, vm2;
	vm9 =	vmneg vm9  }
0x117: {  	vm2 =	vmand vm2, vm9  }
0x118: {  	vm0 =	vmor vm0, vm3;
	vm3 =	vmneg vm1;
	vm1 =	vmor vm1, vm4  }
0x119: {  	vm3 =	vmand vm4, vm3;
	vm4 =	veq.s32 v53, v46;
	vm8 =	vnez.u8 v2  }
0x11a: {  	v1 =	vsel vm2, v54, v1;
	v2 =	vadd.s32 s21, v21;
	vm4 =	vmand vm4, vm8  }
0x11b: {  	vm8 =	vmneg vm1;
	vm1 =	vmor vm1, vm5;
	v1 =	vsel vm3, v2, v1  }
0x11c: {  	v2 =	vadd.s32 s21, v23;
	vm8 =	vmand vm5, vm8;
	vm2 =	vmneg vm1  }
0x11d: {  	v3 =	vadd.s32 s21, v30;
	v1 =	vsel vm8, v2, v1;
	vm2 =	vmand vm7, vm2  }
0x11e: {  	v1 =	vsel vm2, v3, v1;
	v3 =	vld [tilespmem:$0x1FE30]  }
0x11f: {  	v4 =	vsel vm11, $0x1, v0;
	v5 =	vadd.s32 s21, v37;
	v2 =	vadd.s32 v60, v62  }
0x120: {  	vm10 =	vcmask $0x3F2C;
	vm9 =	vcmask $0x3F34;
	v2 =	vadd.s32 v52, v2  }
0x121: {  	vm0 =	vmor vm0, vm4;
	vm1 =	vmor vm1, vm7;
	v2 =	vadd.s32 v55, v2  }
0x122: {  	vm8 =	veq.s32 v56, v46;
	vm0 =	vmneg vm0;
	v2 =	vadd.s32 v59, v2  }
0x123: {  	vm2 =	vmneg vm1;
	v2 =	vadd.s32 v51, v2;
	vm3 =	vnez.u8 v3  }
0x124: {  	v2 =	vadd.s32 v4, v2;
	v4 =	vadd.s32 s21, v39;
	vm2 =	vmand vm3, vm2  }
0x125: {  	v3 =	vld.idx.msk [tilespmem:v49+s2+$0x0], $0xffff;
	vm1 =	vmor vm1, vm3;
	vm3 =	veq.s32 v57, v46;
	v1 =	vsel vm2, v50, v1  }
0x126: {  	vm2 =	vmneg vm1;
	vm1 =	vmor vm1, vm11;
	vm3 =	vmand vm3, vm10  }
0x127: {  	vm10 =	vcmask $0x3F38;
	vm2 =	vmand vm11, vm2;
	vm11 =	vcmask $0x3F30  }
0x128: {  	v6 =	vsel vm3, $0x1, v0;
	vm4 =	vmand vm6, vm11;
	v1 =	vsel vm2, v5, v1  }
0x129: {  	v7 =	vld.idx.msk [tilespmem:v48+s2+$0x0], $0xffff;
	vm2 =	vmneg vm1;
	v5 =	vadd.s32 s21, v38;
	vm1 =	vmor vm1, vm3  }
0x12a: {  	v2 =	vadd.s32 v6, v2;
	vm2 =	vmand vm3, vm2;
	vm3 =	veq.s32 v3, v46  }
0x12b: {  	v3 =	vsel vm4, $0x1, v0;
	v1 =	vsel vm2, v5, v1;
	vm2 =	vmneg vm1  }
0x12c: {  	vm1 =	vmor vm1, vm4;
	vm3 =	vmand vm3, vm9;
	vm2 =	vmand vm4, vm2  }
0x12d: {  	v8 =	vld.idx.msk [tilespmem:v46+s11+$0x0], $0xffff;
	v5 =	vsel vm3, $0x1, v0;
	v1 =	vsel vm2, v4, v1;
	vm2 =	vmneg vm1  }
0x12e: {  	vm1 =	vmor vm1, vm3;
	vm2 =	vmand vm3, vm2;
	vm3 =	veq.s32 v7, v46  }
0x12f: {  	vm11 =	vcmask $0x3F3C;
	v2 =	vadd.s32 v3, v2;
	vm3 =	vmand vm3, vm10  }
0x130: {  	vm4 =	vmand vm8, vm11;
	v2 =	vadd.s32 v5, v2;
	v3 =	vsel vm3, $0x1, v0  }
0x131: {  	v5 =	vadd.s32 s21, v43;
	v1 =	vsel vm2, v47, v1;
	v2 =	vadd.s32 v3, v2  }
0x132: {  	v4 =	vld.idx.msk [tilespmem:v46+s12+$0x0], $0xffff;
	vm2 =	vmneg vm1;
	v3 =	vsel vm4, $0x1, v0;
	v2 =	vadd.s32 v8, v2  }
0x133: {  	vm2 =	vmand vm3, vm2;
	vm1 =	vmor vm1, vm3;
	v2 =	vadd.s32 v3, v2  }
0x134: {  	v1 =	vsel vm2, v5, v1;
	vm2 =	vmneg vm1;
	v3 =	vadd.s32 $0x1, v2  }
0x135: {  	v5 =	vor.u32 s21, v9;
	vm2 =	vmand vm4, vm2;
	[tilespmem:v46+s11+$0x0] =	vst.idx.msk vm0, v3;
	v3 =	vadd.s32 s21, v27  }
0x136: {  	[tilespmem:v46+s12+$0x0] =	vst.idx.msk vm0, v5;
	vm0 =	vmor vm1, vm4;
	v1 =	vsel vm2, v3, v1  }
0x137: {  	v1 =	vsel vm0, v1, v4;
	[tilespmem:s19+$0x0] =	vst v2  }
0x138: {  	[tilespmem:s20+$0x0] =	vst v1  }
0x139: {  	[hbm4b:s4+s2] =	stream.linear.scatter [tilespmem:s13], [sflag:$0x1], $0x800, $0x38;
	[tilespmem:$0x2000] =	vst v63  }
0x13a: {  	_ =	swait.ge [sflag:s10], $0x800  }
0x13b: {  	[sflag:s10] =	ssyncset.done $0x0  }
0x13c: {  	[sflag:s10] =	ssyncadd.s32 $0xFFFFF800  }
0x13d: {  	[hbm4b:s5+s2] =	stream.linear.scatter [tilespmem:s14], [sflag:$0x1], $0x800, $0x38;
	[tilespmem:$0x2000] =	vst v63  }
0x13e: {  	_ =	swait.ge [sflag:s10], $0x800  }
0x13f: {  	[sflag:s10] =	ssyncset.done $0x0  }
0x140: {  	[sflag:s10] =	ssyncadd.s32 $0xFFFFF800  }
0x141: {  	[hbm4b:s6+s15] =	stream.strided.scatter [tilespmem:s11], [sflag:$0x1], $0x400, s16, s15, $0x38;
	[tilespmem:$0x2000] =	vst v63  }
0x142: {  	_ =	swait.ge [sflag:s10], $0x400  }
0x143: {  	[sflag:s10] =	ssyncset.done $0x0  }
0x144: {  	[sflag:s10] =	ssyncadd.s32 $0xFFFFFC00  }
0x145: {  	[hbm4b:s7+s15] =	stream.strided.scatter [tilespmem:s12], [sflag:$0x1], $0x400, s16, s15, $0x38;
	[tilespmem:$0x2000] =	vst v63  }
0x146: {  	_ =	swait.ge [sflag:s10], $0x400  }
0x147: {  	v1 =	vld [tilespmem:$0x1FF50];
	_ =	sdelay $0x4  }
0x148: {  	vm2 =	vnez.u8 v1;
	v1 =	vld [tilespmem:$0x1FF60];
	_ =	sdelay $0x2  }
0x149: {  	v63 =	vld [tilespmem:$0x1FF30]  }
0x14a: {  	v14 =	vld [tilespmem:$0x1FF20]  }
0x14b: {  	vm14 =	vnez.u8 v1;
	v1 =	vld [tilespmem:$0x1FF70]  }
0x14c: {  	v4 =	vmov v15;
	v15 =	vld [tilespmem:$0x1FFE0]  }
0x14d: {  	v5 =	vmov v16;
	v16 =	vld [tilespmem:$0x1FFF0]  }
0x14e: {  	v26 =	vld [tilespmem:$0x1FF80]  }
0x14f: {  	s17 =	sadd.s32 $0x1, s17;
	v7 =	vmov v19;
	v19 =	vmov v35;
	v35 =	vld [tilespmem:$0x1FF90]  }
0x150: {  	p0 =	sne.s32 s17, s8;
	vm15 =	vnez.u8 v1;
	v1 =	vld [tilespmem:$0x1FF40]  }
.Ltmp2:
0x151: {  	v45 =	vld [tilespmem:$0x1FFA0];
	(pc) =	sbr.rel @p0 .LBB2_1-.Ltmp2, $4  }
0x152: {  	v3 =	vmov v18;
	v18 =	vmov v29;
	v29 =	vld [tilespmem:$0x1FFC0]  }
0x153: {  	v6 =	vmov v17;
	v17 =	vmov v28;
	v28 =	vld [tilespmem:$0x1FFB0]  }
0x154: {  	[sflag:s10] =	ssyncset.done $0x0;
	v42 =	vld [tilespmem:$0x1FF10]  }
0x155: {  	vm13 =	vcmask $0x3F08;
	v8 =	vmovc v20;
	v20 =	vmovc v31;
	v2 =	vimm.s32 $0xFFFFFFFF;
	v31 =	vld [tilespmem:$0x1FFD0];
	[sflag:s10] =	ssyncadd.s32 $0xFFFFFC00;
	vm0 =	vnez.u8 v1  }
0x156: {  	_ =	sfence.sel $0x180000  }
0x157: {  	[bflag:$0x0] =	sbarrier.arrive $0xFFFF  }
0x158: {  	p0 =	sne.s32 s0, $0x0;
	_ =	strace $0x90000047  }
0x159: {  	s0 =	sadd.s32 @!p0 $0x100000, s1;
	[bflag:$0x2] =	sbarrier.arrive $0xFFFF  }
0x15a: {  	[sflag:s0] =	ssyncadd.tile.s32 @!p0 $0x1;
	_ =	shalt  }
.Lfunc_end2:
_tile_overlayer_lowered:
.L_overlay_start_2:
0x15b: {  	(tag) =	ssettag $0x2  }
0x15c: {  	s0 =	rddreg [dreg:$0x0];
	s2 =	stileid.u32  }
0x15d: {  	s1 =	rddreg [dreg:$0x1];
	p0 =	sne.s32 s2, $0x0  }
0x15e: {  	s3 =	rddreg [dreg:$0x2];
	[bflag:$0x3] =	sbarrier.arrive $0xFFFF;
	s2 =	simm.s32 @!p0 $0x1C01  }
0x15f: {  	[timem:s3], [sflag:s2] =	dma.local @!p0 [hbm:s0], s1  }
0x160: {  	s0 =	simm.s32 @!p0 $0x1  }
0x161: {  	_ =	swait.ge @!p0 [sflag:s0], s1  }
0x162: {  	s1 =	ssub.s32 @!p0 $0x0, s1;
	[sflag:s0] =	ssyncset.done @!p0 $0x0  }
0x163: {  	[sflag:s0] =	ssyncadd.s32 @!p0 s1  }
0x164: {  	[bflag:$0x3] =	sbarrier.arrive $0xFFFF  }
0x165: {  	_ =	shalt  }

// kernel: kernel.9.cloned.1.call-start
scs
__scs_entry_jumppad:
0x0: {  	(pc) =	sbr.rel $0x88, $3  }
0x1: {  	(tag) =	ssettag $0x0;
	lr =	simm.s32 $0x1  }
0x2: {  	[smem:$0x3F9F] =	sst lr;
	_ =	strace $0xD0000000  }
0x3: {  	_ = 	snop  }
0x4: {  	_ = 	snop  }
0x5: {  	_ = 	snop  }
0x6: {  	_ = 	snop  }
0x7: {  	_ = 	snop  }
__scs_overlays_trampoline_lowered:
0x8: {  	[smem:$0x3FAE] =	sst s0  }
0x9: {  	[smem:$0x3FAF] =	sst s1  }
0xa: {  	[smem:$0x3FB0] =	sst s2  }
0xb: {  	[smem:$0x3FB1] =	sst s3  }
0xc: {  	[smem:$0x3FB2] =	sst s4  }
0xd: {  	[smem:$0x3FB3] =	sst s5  }
0xe: {  	[smem:$0x3FB4] =	sst s6  }
0xf: {  	[smem:$0x3FB5] =	sst s7  }
0x10: {  	[smem:$0x3FB6] =	sst s8  }
0x11: {  	[smem:$0x3FB7] =	sst s9;
	s0 =	simm.s32 @!p0 $0x0  }
0x12: {  	s1 =	sld [smem:$0x3F9D];
	s0 =	simm.s32 @p0 $0x1  }
0x13: {  	[smem:$0x3FB8] =	sst s0;
	s0 =	simm.s32 @!p1 $0x0  }
0x14: {  	s2 =	sld [smem:$0x3F9C];
	s0 =	simm.s32 @p1 $0x1  }
0x15: {  	[smem:$0x3FB9] =	sst s0;
	s0 =	simm.s32 @!p2 $0x0  }
0x16: {  	s3 =	sld [smem:$0x3FDB];
	s0 =	simm.s32 @p2 $0x1  }
0x17: {  	s4 =	simm.s32 $0x1BF5;
	[smem:$0x3FBB] =	sst s0  }
0x18: {  	s0 =	sld [smem:$0x3F9E];
	_ =	swait.ge [sflag:s4], $0x0  }
0x19: {  	s7 =	sld [smem:$0x3F9F]  }
0x1a: {  	s8 =	sadd.s32 $0xFFFFE003, lr  }
0x1b: {  	s9 =	sadd.s32 $0xFFFFFEF7, lr;
	s5 =	simm.s32 $0xFFFFFFFF;
	p2 =	slt.u32 s8, $0xFFFFF086  }
0x1c: {  	p1 =	slt.u32 s9, $0xF7A;
	s5 =	simm.s32 @!p2 $0x0  }
0x1d: {  	s5 =	simm.s32 @p1 $0x1;
	p0 =	seq.s32 s7, s2  }
0x1e: {  	s7 =	smul.u32 @!p0 $0xF7A, s2;
	p2 =	seq.s32 @!p0 s5, $0x0  }
0x1f: {  	s9 =	smul.u32 $0xF7A, s1;
	s8 =	simm.s32 @!p0 $0x1BF5;
	p2 =	por !p2, p0  }
0x20: {  	[sflag:s8] =	ssyncset.s32 @!p0 $0xFFFFF086;
	s6 =	sadd.s32 @!p0 s3, s7;
	s7 =	simm.s32 @!p0 $0x108  }
0x21: {  	s3 =	sadd.s32 s3, s9;
	s6 =	sadd.s32 @!p0 $0x88, s6;
	s7 =	simm.s32 @p2 $0x1082  }
0x22: {  	[simem:s7], [sflag:s8] =	dma.local @!p0 [hbm:s6], $0xF7A  }
0x23: {  	s9 =	sor.u32 $0xD0000000, s2;
	s6 =	simm.s32 $0x108;
	_ =	swait.ge @!p0 [sflag:s8], $0x0  }
0x24: {  	s3 =	sadd.s32 $0x88, s3;
	s6 =	simm.s32 @!p1 $0x1082;
	[sflag:s4] =	ssyncset.s32 $0xFFFFF086  }
0x25: {  	[simem:s6], [sflag:s4] =	dma.local [hbm:s3], $0xF7A  }
0x26: {  	[smem:$0x3F9F] =	sst s1;
	(tag) =	ssettag s2;
	_ =	strace s9  }
0x27: {  	s1 =	sld [smem:$0x3FAF]  }
0x28: {  	s2 =	sld [smem:$0x3FB0]  }
0x29: {  	s4 =	sld [smem:$0x3FB2]  }
0x2a: {  	p0 =	seq.s32 s5, $0x0;
	s5 =	sld [smem:$0x3FB3]  }
0x2b: {  	s6 =	sld [smem:$0x3FB4]  }
0x2c: {  	s7 =	sld [smem:$0x3FB5]  }
0x2d: {  	s3 =	simm.s32 $0x108;
	s8 =	sld [smem:$0x3FB6]  }
0x2e: {  	s3 =	simm.s32 @!p0 $0x1082;
	s9 =	sld [smem:$0x3FB7]  }
0x2f: {  	lr =	sadd.s32 s0, s3;
	s0 =	sld [smem:$0x3FAE]  }
0x30: {  	s3 =	sld [smem:$0x3FB1]  }
0x31: {  	[smem:$0x3FBA] =	sst s10  }
0x32: {  	s10 =	sld [smem:$0x3FB8];
	_ =	sdelay $0x3  }
0x33: {  	p0 =	seq.s32 s10, $0x1;
	s10 =	sld [smem:$0x3FBA];
	_ =	sdelay $0x3  }
0x34: {  	[smem:$0x3FBA] =	sst s10  }
0x35: {  	s10 =	sld [smem:$0x3FB9];
	_ =	sdelay $0x3  }
0x36: {  	p1 =	seq.s32 s10, $0x1;
	s10 =	sld [smem:$0x3FBA];
	_ =	sdelay $0x3  }
0x37: {  	[smem:$0x3FBA] =	sst s10  }
0x38: {  	s10 =	sld [smem:$0x3FBB]  }
0x39: {  	_ = 	snop;
	(pc) =	sbr.ind lr, $3  }
0x3a: {  	_ = 	snop  }
0x3b: {  	_ = 	snop  }
0x3c: {  	p2 =	seq.s32 s10, $0x1;
	s10 =	sld [smem:$0x3FBA]  }
0x3d: {  	_ =	shalt  }
0x3e: {  	_ =	shalt  }
0x3f: {  	_ =	shalt  }
0x40: {  	_ =	shalt  }
0x41: {  	_ =	shalt  }
0x42: {  	_ =	shalt  }
0x43: {  	_ =	shalt  }
0x44: {  	_ =	shalt  }
0x45: {  	_ =	shalt  }
0x46: {  	_ =	shalt  }
0x47: {  	_ =	shalt  }
0x48: {  	_ =	shalt  }
0x49: {  	_ =	shalt  }
0x4a: {  	_ =	shalt  }
0x4b: {  	_ =	shalt  }
0x4c: {  	_ =	shalt  }
0x4d: {  	_ =	shalt  }
0x4e: {  	_ =	shalt  }
0x4f: {  	_ =	shalt  }
0x50: {  	_ =	shalt  }
0x51: {  	_ =	shalt  }
0x52: {  	_ =	shalt  }
0x53: {  	_ =	shalt  }
0x54: {  	_ =	shalt  }
0x55: {  	_ =	shalt  }
0x56: {  	_ =	shalt  }
0x57: {  	_ =	shalt  }
0x58: {  	_ =	shalt  }
0x59: {  	_ =	shalt  }
0x5a: {  	_ =	shalt  }
0x5b: {  	_ =	shalt  }
0x5c: {  	_ =	shalt  }
0x5d: {  	_ =	shalt  }
0x5e: {  	_ =	shalt  }
0x5f: {  	_ =	shalt  }
0x60: {  	_ =	shalt  }
0x61: {  	_ =	shalt  }
0x62: {  	_ =	shalt  }
0x63: {  	_ =	shalt  }
0x64: {  	_ =	shalt  }
0x65: {  	_ =	shalt  }
0x66: {  	_ =	shalt  }
0x67: {  	_ =	shalt  }
0x68: {  	_ =	shalt  }
0x69: {  	_ =	shalt  }
0x6a: {  	_ =	shalt  }
0x6b: {  	_ =	shalt  }
0x6c: {  	_ =	shalt  }
0x6d: {  	_ =	shalt  }
0x6e: {  	_ =	shalt  }
0x6f: {  	_ =	shalt  }
0x70: {  	_ =	shalt  }
0x71: {  	_ =	shalt  }
0x72: {  	_ =	shalt  }
0x73: {  	_ =	shalt  }
0x74: {  	_ =	shalt  }
0x75: {  	_ =	shalt  }
0x76: {  	_ =	shalt  }
0x77: {  	_ =	shalt  }
0x78: {  	_ =	shalt  }
0x79: {  	_ =	shalt  }
0x7a: {  	_ =	shalt  }
0x7b: {  	_ =	shalt  }
0x7c: {  	_ =	shalt  }
0x7d: {  	_ =	shalt  }
0x7e: {  	_ =	shalt  }
0x7f: {  	_ =	shalt  }
0x80: {  	_ =	shalt  }
0x81: {  	_ =	shalt  }
0x82: {  	_ =	shalt  }
0x83: {  	_ =	shalt  }
0x84: {  	_ =	shalt  }
0x85: {  	_ =	shalt  }
0x86: {  	_ =	shalt  }
0x87: {  	_ =	shalt  }
.Lfunc_end0:
.L_simem_size_0:
called_computation.1_lowered:
.L_overlay_start_0:
0x88: {  	s2 =	sld [smem:$0x3FD9]  }
0x89: {  	s3 =	sld [smem:$0x3FFE];
	_ =	sdelay $0x1  }
0x8a: {  	s1 =	srdreg.scid  }
0x8b: {  	s0 =	sand.u32 $0x1, s1  }
0x8c: {  	s16 =	sshll.u32 s0, $0xA;
	s2 =	sadd.s32 s3, s2  }
0x8d: {  	s2 =	sadd.s32 s2, s16  }
0x8e: {  	[smem:$0x3FC6] =	sst s2  }
0x8f: {  	_ = 	snop  }
0x90: {  	(tm) =	ssettm $0x1  }
0x91: {  	s17 =	sld [smem:$0x3FFB];
	_ =	sdelay $0x3  }
0x92: {  	_ =	strace s17  }
0x93: {  	s2 =	sld [smem:$0x3FFC];
	_ =	sdelay $0x3  }
0x94: {  	_ =	strace s2  }
0x95: {  	s2 =	sld [smem:$0x3FFD];
	_ =	sdelay $0x3  }
0x96: {  	_ =	strace s2  }
0x97: {  	_ =	strace $0x8FFFFFFF  }
0x98: {  	s18 =	sld [smem:$0x3FDB];
	_ =	sdelay $0x1  }
0x99: {  	s19 =	simm.s32 $_scs_section_size  }
0x9a: {  	s4 =	simm.s32 $_size__tile_overlayer_lowered;
	s5 =	simm.s32 $_tile_overlayer_lowered  }
0x9b: {  	s22 =	simm.s32 $0x1BFF;
	s21 =	sshll.u32 s5, $0x1;
	s2 =	sadd.s32 s19, s18  }
0x9c: {  	s6 =	simm.s32 $0x0;
	s20 =	sshll.u32 s4, $0x1;
	s4 =	sadd.s32 s21, s2  }
0x9d: {  	[timem:s6], [sflag:s22] =	dma.local [hbm:s4], s20  }
0x9e: {  	_ =	swait.ge [sflag:s22], s20  }
0x9f: {  	s3 =	ssub.s32 $0x0, s20;
	[sflag:s22] =	ssyncset.done $0x0  }
0xa0: {  	[sflag:s22] =	ssyncadd.s32 s3;
	_ =	sdelay $0x1  }
0xa1: {  	s23 =	simm.s32 $0x1B8B  }
0xa2: {  	_ =	swait.ge [sflag:s23], $0x1  }
0xa3: {  	[sflag:s23] =	ssyncset.done $0x0  }
0xa4: {  	s25 =	simm.s32 $0x1B8E;
	s24 =	sld [smem:$0x3FFE];
	[sflag:s23] =	ssyncadd.s32 $0xFFFFFFFF  }
0xa5: {  	s26 =	simm.s32 $execute0_lowered;
	[smem:$0x3FD2] =	sst s25  }
0xa6: {  	s4 =	sshll.u32 s26, $0x1;
	_ =	strace $0x80000049;
	[dreg:$0x1] =	wrdreg $0xFFFFFFFF  }
0xa7: {  	s28 =	simm.s32 $_size_execute0_lowered;
	s2 =	sadd.s32 s2, s4;
	[dreg:$0x0] =	wrdreg $0x0  }
0xa8: {  	s4 =	sshll.u32 s28, $0x1;
	[dreg:$0x2] =	wrdreg s2  }
0xa9: {  	[dreg:$0x3] =	wrdreg s4  }
0xaa: {  	[dreg:$0x4] =	wrdreg $0xC0  }
0xab: {  	_ =	task [dreg:s6], $0x5FFFF  }
0xac: {  	[dreg:$0x1] =	wrdreg $0xFFFFFFFF  }
0xad: {  	[dreg:$0x0] =	wrdreg $0x60  }
0xae: {  	[dreg:$0x2] =	wrdreg s24  }
0xaf: {  	[dreg:$0x3] =	wrdreg $0x9  }
0xb0: {  	_ =	task.clear_ibuf [dreg:s6], $0x4FFFF;
	_ =	strace $0x90000049  }
0xb1: {  	s29 =	simm.s32 $0x9;
	_ =	strace $0x8000004B  }
0xb2: {  	_ =	swait.ge [sflag:s29], $0x1  }
0xb3: {  	[sflag:s29] =	ssyncadd.s32 $0xFFFFFFFF  }
0xb4: {  	_ =	strace $0x9000004B  }
0xb5: {  	_ =	sfence  }
0xb6: {  	s30 =	sld [smem:$0x0];
	_ =	sdelay $0x2  }
0xb7: {  	s31 =	sshll.u32 s1, $0xD;
	s1 =	sshrl.u32 s1, $0x2  }
0xb8: {  	s3 =	sand.u32 $0x4000, s31;
	s1 =	sadd.s32 s1, s30  }
0xb9: {  	s0 =	sor.u32 s3, s0;
	s1 =	sshll.u32 s1, $0x11  }
0xba: {  	s0 =	sor.u32 s1, s0  }
0xbb: {  	s0 =	sadd.s32 $0x8F2B, s0  }
0xbc: {  	[sflag:s0] =	ssyncadd.remote.s32 $0x1  }
0xbd: {  	_ =	sfence.sel $0xFFFF  }
0xbe: {  	[dreg:$0x0] =	wrdreg $0xFFFFFFFF;
	(pc) =	sbr.abs _section_cstart, $3  }
0xbf: {  	[dreg:$0x1] =	wrdreg $0xFFFFFFFF  }
0xc0: {  	_ =	task.clear_ibuf [dreg:s6], $0x2FFFF;
	_ =	strace $0x9FFFFFFF  }
0xc1: {  	(tm) =	ssettm $0x7FFFFFFF  }
tec
execute0_lowered:
.L_overlay_start_1:
0x0: {  	(tag) =	ssettag $0x1  }
0x1: {  	s0 =	srdreg.scid;
	s4 =	stileid.u32  }
0x2: {  	s3 =	sand.u32 $0x1, s0;
	s1 =	sshll.u32 s4, $0x1  }
0x3: {  	s0 =	rddreg [dreg:$0x0];
	s2 =	sor.u32 s3, s1  }
0x4: {  	s4 =	sshll.u32 s4, $0x8;
	s1 =	simm.s32 $0x0;
	s5 =	sshll.u32 s2, $0x4  }
0x5: {  	s6 =	sadd.s32 $0x20E600, s0;
	s4 =	sor.u32 s4, s5;
	s5 =	sshll.u32 s2, $0xF  }
0x6: {  	s3 =	ssub.s32 $0x2, s3;
	s9 =	sadd.s32 $0x30E600, s0;
	s8 =	sor.u32 $0x800, s5  }
0x7: {  	[smem:$0x7FF] =	sst s1;
	s7 =	sshrl.u32 s3, $0x1;
	s26 =	sadd.s32 s6, s8  }
0x8: {  	s30 =	sor.u32 $0x1000, s5;
	s29 =	sadd.s32 s9, s8;
	[dreg:$0x2] =	wrdreg s26  }
0x9: {  	s3 =	ssub.s32 s3, s7;
	s10 =	sadd.s32 s6, s30;
	[dreg:$0x3] =	wrdreg s29  }
0xa: {  	s31 =	sor.u32 $0x1800, s5;
	s7 =	sadd.s32 s9, s30;
	[dreg:$0x4] =	wrdreg s10  }
0xb: {  	s11 =	sadd.s32 s6, s31;
	[dreg:$0x5] =	wrdreg s7  }
0xc: {  	s13 =	sor.u32 $0x2000, s5;
	s12 =	sadd.s32 s9, s31;
	[dreg:$0x6] =	wrdreg s11  }
0xd: {  	s14 =	sor.u32 $0x2800, s5;
	s15 =	sadd.s32 s6, s13;
	[dreg:$0x7] =	wrdreg s12  }
0xe: {  	s16 =	sadd.s32 s6, s14;
	[dreg:$0x8] =	wrdreg s15  }
0xf: {  	s18 =	sor.u32 $0x3000, s5;
	s17 =	sadd.s32 s9, s14;
	[dreg:$0xa] =	wrdreg s16  }
0x10: {  	s19 =	sor.u32 $0x3800, s5;
	s20 =	sadd.s32 s6, s18;
	[dreg:$0xb] =	wrdreg s17  }
0x11: {  	s21 =	sadd.s32 s6, s19;
	[dreg:$0xc] =	wrdreg s20  }
0x12: {  	s23 =	sor.u32 $0x4000, s5;
	s22 =	sadd.s32 s9, s19;
	[dreg:$0xe] =	wrdreg s21  }
0x13: {  	s28 =	simm.s32 $0x3500;
	s25 =	sadd.s32 s6, s23;
	[dreg:$0xf] =	wrdreg s22  }
0x14: {  	s2 =	sshll.u32 s2, $0x8;
	s19 =	sadd.s32 s6, s5;
	[dreg:$0x10] =	wrdreg s25  }
0x15: {  	s24 =	sor.u32 $0x4800, s5;
	s7 =	sadd.s32 s9, s13;
	[dreg:$0x1c] =	wrdreg s19  }
0x16: {  	s4 =	sand.u32 $0xC70, s4;
	s26 =	sadd.s32 s6, s24;
	[dreg:$0x9] =	wrdreg s7  }
0x17: {  	s30 =	sor.u32 $0x5000, s5;
	s29 =	sadd.s32 s9, s24;
	[dreg:$0x12] =	wrdreg s26  }
0x18: {  	s31 =	sor.u32 $0x5800, s5;
	s11 =	sadd.s32 s6, s30;
	[dreg:$0x13] =	wrdreg s29  }
0x19: {  	s14 =	sor.u32 $0x6000, s5;
	s12 =	sadd.s32 s6, s31;
	[dreg:$0x14] =	wrdreg s11  }
0x1a: {  	s13 =	sadd.s32 s9, s31;
	s15 =	sor.u32 $0x6800, s5;
	[dreg:$0x16] =	wrdreg s12  }
0x1b: {  	s16 =	sadd.s32 s6, s14;
	s20 =	sor.u32 $0x7000, s5;
	[dreg:$0x17] =	wrdreg s13  }
0x1c: {  	s21 =	sadd.s32 s9, s5;
	s5 =	sor.u32 $0x7800, s5;
	[dreg:$0x18] =	wrdreg s16  }
0x1d: {  	s24 =	sadd.s32 $0x20C200, s0;
	s7 =	sadd.s32 s9, s18;
	[dreg:$0x1d] =	wrdreg s21  }
0x1e: {  	s31 =	smax.u32 s3, $0x1;
	s17 =	sadd.s32 s6, s15;
	[dreg:$0xd] =	wrdreg s7  }
0x1f: {  	s19 =	simm.s32 $0x1C00;
	s18 =	sadd.s32 s9, s15;
	[dreg:$0x1a] =	wrdreg s17  }
0x20: {  	s10 =	simm.s32 $0x1;
	s22 =	sadd.s32 s6, s20;
	[dreg:$0x1b] =	wrdreg s18  }
0x21: {  	s6 =	sadd.s32 s6, s5;
	s5 =	sadd.s32 s9, s5;
	[dreg:$0x1e] =	wrdreg s22  }
0x22: {  	s15 =	simm.s32 $0x3;
	s16 =	simm.s32 $0x80;
	[smem:$0x7F4] =	sst s6  }
0x23: {  	s21 =	simm.s32 $0x3480;
	s7 =	sadd.s32 s9, s23;
	[smem:$0x7F5] =	sst s5  }
0x24: {  	s23 =	sadd.s32 s4, s0;
	[dreg:$0x11] =	wrdreg s7;
	s7 =	sadd.s32 s9, s30  }
0x25: {  	s4 =	sadd.s32 $0x10A200, s0;
	[dreg:$0x15] =	wrdreg s7;
	s7 =	sadd.s32 s9, s14  }
0x26: {  	s5 =	sadd.s32 $0x2000, s0;
	[dreg:$0x19] =	wrdreg s7;
	s7 =	sadd.s32 s9, s20  }
0x27: {  	s6 =	sadd.s32 $0x20A200, s0;
	s0 =	sadd.s32 s2, s0;
	[dreg:$0x1f] =	wrdreg s7  }
0x28: {  	s2 =	sadd.s32 s5, s2;
	_ =	strace $0x8000004A;
	[smem:$0x7F6] =	sst s24  }
0x29: {  	s11 =	simm.s32 $0x4C00;
	s25 =	sadd.s32 $0x4000, s23;
	[smem:$0x7F7] =	sst s2  }
0x2a: {  	s12 =	simm.s32 $0x8C00;
	s26 =	sadd.s32 $0x5000, s23;
	[smem:$0x7F8] =	sst s25  }
0x2b: {  	s13 =	simm.s32 $0xCC00;
	s29 =	sadd.s32 $0x6000, s0;
	[smem:$0x7F9] =	sst s26  }
0x2c: {  	s18 =	simm.s32 $0x1800;
	s30 =	sadd.s32 $0x8000, s0;
	[smem:$0x7FA] =	sst s29  }
0x2d: {  	s17 =	simm.s32 $0x2;
	s0 =	sadd.s32 $0x20C600, s0;
	[smem:$0x7FB] =	sst s30  }
0x2e: {  	s14 =	simm.s32 $0x10C00;
	s20 =	simm.s32 $0x2000;
	[smem:$0x7FC] =	sst s0  }
0x2f: {  	v0 =	vimm.s32 $0x0;
	[smem:$0x7FD] =	sst s31;
	s26 =	simm.s32 $0x3400;
	s0 =	simm.s32 $0x0  }
.LBB2_1:
0x30: {  	s22 =	sld [smem:$0x7F7];
	_ =	sdelay $0x1  }
0x31: {  	[smem:$0x7F3] =	sst s0  }
0x32: {  	[tilespmem:s1], [sflag:$0x3] =	stream.linear.gather [hbm4b:s22+s1], $0x800, $0x38;
	[tilespmem:$0x14C00] =	vst v63  }
0x33: {  	_ =	swait.ge [sflag:s15], $0x800  }
0x34: {  	s9 =	sld [smem:$0x7FA]  }
0x35: {  	[sflag:s15] =	ssyncset.done $0x0  }
0x36: {  	s23 =	simm.s32 $0x800;
	[sflag:s15] =	ssyncadd.s32 $0xFFFFF800  }
0x37: {  	[tilespmem:s23], [sflag:$0x3] =	stream.linear.gather [hbm4b:s9+s1], $0x800, $0x38;
	[tilespmem:$0x14C00] =	vst v63  }
0x38: {  	_ =	swait.ge [sflag:s15], $0x800  }
0x39: {  	s23 =	sld [smem:$0x7FB]  }
0x3a: {  	[sflag:s15] =	ssyncset.done $0x0  }
0x3b: {  	s24 =	simm.s32 $0x1000;
	[sflag:s15] =	ssyncadd.s32 $0xFFFFF800  }
0x3c: {  	[tilespmem:s24], [sflag:$0x3] =	stream.linear.gather [hbm4b:s23+s1], $0x800, $0x38;
	[tilespmem:$0x14C00] =	vst v63  }
0x3d: {  	_ =	swait.ge [sflag:s15], $0x800  }
0x3e: {  	s25 =	sld [smem:$0x7F8]  }
0x3f: {  	[sflag:s15] =	ssyncset.done $0x0  }
0x40: {  	s29 =	simm.s32 $0x400;
	[sflag:s15] =	ssyncadd.s32 $0xFFFFF800  }
0x41: {  	[tilespmem:s18], [sflag:$0x3] =	stream.strided.gather [hbm4b:s25+s16], $0x400, s29, s16, $0x38;
	[tilespmem:$0x14C00] =	vst v63  }
0x42: {  	_ =	swait.ge [sflag:s15], $0x400  }
0x43: {  	s30 =	sld [smem:$0x7F9]  }
0x44: {  	[sflag:s15] =	ssyncset.done $0x0  }
0x45: {  	[sflag:s15] =	ssyncadd.s32 $0xFFFFFC00  }
0x46: {  	[tilespmem:s19], [sflag:$0x3] =	stream.strided.gather [hbm4b:s30+s16], $0x400, s29, s16, $0x38;
	[tilespmem:$0x14C00] =	vst v63  }
0x47: {  	_ =	swait.ge [sflag:s15], $0x400  }
0x48: {  	s31 =	sld [smem:$0x7F6]  }
0x49: {  	[sflag:s15] =	ssyncset.done $0x0  }
0x4a: {  	[sflag:s15] =	ssyncadd.s32 $0xFFFFFC00  }
0x4b: {  	[tilespmem:s20], [sflag:$0x3] =	stream.strided.gather [hbm4b:s31+s16], $0x400, s29, s16, $0x38;
	[tilespmem:$0x14C00] =	vst v63  }
0x4c: {  	_ =	swait.ge [sflag:s15], $0x400  }
0x4d: {  	[sflag:s15] =	ssyncset.done $0x0  }
0x4e: {  	s23 =	simm.s32 $0x0;
	[sflag:s15] =	ssyncadd.s32 $0xFFFFFC00  }
0x4f: {  	v4 =	vld [tilespmem:s23+$0x0];
	_ =	sdelay $0x4  }
0x50: {  	v1 =	vld [tilespmem:s23+$0x1000]  }
0x51: {  	s22 =	simm.s32 $0x10;
	v3 =	vld [tilespmem:s23+$0x800]  }
0x52: {  	v2 =	vld [tilespmem:s22+$0x0]  }
0x53: {  	v5 =	vld.idx.msk [tilespmem:v4+s18+$0x0], $0xffff  }
0x54: {  	v4 =	vld.idx.msk [tilespmem:v4+s19+$0x0], $0xffff;
	_ =	sdelay $0x1  }
0x55: {  	s24 =	simm.s32 $0x80;
	vm0 =	vlt.s32 v1, $0x0  }
.LBB2_2:
0x56: {  	p0 =	sne.s32 s24, $0x1FC0;
	s25 =	smov.u32 s24;
	s24 =	sadd.s32 $0x40, s24  }
0x57: {  	v5 =	vadd.s32 v3, v5;
	v3 =	vld [tilespmem:s22+$0x800]  }
0x58: {  	s25 =	sshra.s32 s25, $0x2;
	v4 =	vsel vm0, v4, v1;
	v1 =	vld [tilespmem:s22+$0x1000];
	[tilespmem:s23+$0x2400] =	vst v5  }
0x59: {  	v6 =	vld [tilespmem:s25+$0x0];
	[tilespmem:s23+$0x2C00] =	vst v4;
	s23 =	smov.u32 s22;
	s22 =	smov.u32 s25  }
.Ltmp0:
0x5a: {  	v5 =	vld.idx.msk [tilespmem:v2+s18+$0x0], $0xffff;
	(pc) =	sbr.rel @p0 .LBB2_2-.Ltmp0, $3  }
0x5b: {  	v4 =	vld.idx.msk [tilespmem:v2+s19+$0x0], $0xffff;
	_ =	sdelay $0x1  }
0x5c: {  	vm0 =	vlt.s32 v1, $0x0  }
0x5d: {  	v2 =	vmov v6  }
0x5e: {  	_ = 	snop  }
0x5f: {  	v6 =	vld [tilespmem:s22+$0x800];
	v3 =	vadd.s32 v3, v5  }
0x60: {  	v5 =	vld [tilespmem:s22+$0x1000];
	v1 =	vsel vm0, v4, v1;
	[tilespmem:s23+$0x2400] =	vst v3  }
0x61: {  	[tilespmem:s23+$0x2C00] =	vst v1  }
0x62: {  	v1 =	vld.idx.msk [tilespmem:v2+s18+$0x0], $0xffff  }
0x63: {  	v2 =	vld.idx.msk [tilespmem:v2+s19+$0x0], $0xffff;
	_ =	sdelay $0x3  }
0x64: {  	vm15 =	vlt.s32 v5, $0x0;
	v1 =	vadd.s32 v6, v1  }
0x65: {  	v2 =	vsel vm15, v2, v5;
	[tilespmem:s22+$0x2400] =	vst v1  }
0x66: {  	s2 =	simm.s32 $0x2400;
	[tilespmem:s22+$0x2C00] =	vst v2  }
0x67: {  	[tilespmem:s26], [sflag:$0x1] =	stream.indirect.gather [hbm4b:s6+s16], $0x1, s2, s16, $0xb8;
	[tilespmem:$0x14C00] =	vst v63  }
0x68: {  	s3 =	simm.s32 $0x2480  }
0x69: {  	[tilespmem:s21], [sflag:$0x1] =	stream.indirect.gather [hbm4b:s6+s16], $0x1, s3, s16, $0xb8;
	[tilespmem:$0x14C00] =	vst v63  }
0x6a: {  	s7 =	simm.s32 $0x2500  }
0x6b: {  	[tilespmem:s28], [sflag:$0x1] =	stream.indirect.gather [hbm4b:s6+s16], $0x1, s7, s16, $0xb8;
	[tilespmem:$0x14C00] =	vst v63  }
0x6c: {  	s8 =	simm.s32 $0x2580;
	s23 =	simm.s32 $0x3580  }
0x6d: {  	[tilespmem:s23], [sflag:$0x1] =	stream.indirect.gather [hbm4b:s6+s16], $0x1, s8, s16, $0xb8;
	[tilespmem:$0x14C00] =	vst v63  }
0x6e: {  	s9 =	simm.s32 $0x2600;
	s24 =	simm.s32 $0x3600  }
0x6f: {  	[tilespmem:s24], [sflag:$0x1] =	stream.indirect.gather [hbm4b:s6+s16], $0x1, s9, s16, $0xb8;
	[tilespmem:$0x14C00] =	vst v63  }
0x70: {  	s25 =	simm.s32 $0x3680;
	s21 =	simm.s32 $0x2680  }
0x71: {  	[tilespmem:s25], [sflag:$0x1] =	stream.indirect.gather [hbm4b:s6+s16], $0x1, s21, s16, $0xb8;
	[tilespmem:$0x14C00] =	vst v63  }
0x72: {  	s0 =	simm.s32 $0x2700;
	s22 =	simm.s32 $0x3700  }
0x73: {  	[tilespmem:s22], [sflag:$0x1] =	stream.indirect.gather [hbm4b:s6+s16], $0x1, s0, s16, $0xb8;
	[tilespmem:$0x14C00] =	vst v63  }
0x74: {  	s26 =	simm.s32 $0x2780;
	s7 =	simm.s32 $0x3780  }
0x75: {  	[tilespmem:s7], [sflag:$0x1] =	stream.indirect.gather [hbm4b:s6+s16], $0x1, s26, s16, $0xb8;
	[tilespmem:$0x14C00] =	vst v63  }
0x76: {  	s28 =	simm.s32 $0x2800;
	s8 =	simm.s32 $0x3800  }
0x77: {  	[tilespmem:s8], [sflag:$0x1] =	stream.indirect.gather [hbm4b:s6+s16], $0x1, s28, s16, $0xb8;
	[tilespmem:$0x14C00] =	vst v63  }
0x78: {  	s29 =	simm.s32 $0x2880;
	s9 =	simm.s32 $0x3880  }
0x79: {  	[tilespmem:s9], [sflag:$0x1] =	stream.indirect.gather [hbm4b:s6+s16], $0x1, s29, s16, $0xb8;
	[tilespmem:$0x14C00] =	vst v63  }
0x7a: {  	s2 =	simm.s32 $0x2900;
	s3 =	simm.s32 $0x3900  }
0x7b: {  	[tilespmem:s3], [sflag:$0x1] =	stream.indirect.gather [hbm4b:s6+s16], $0x1, s2, s16, $0xb8;
	[tilespmem:$0x14C00] =	vst v63  }
0x7c: {  	s21 =	simm.s32 $0x2980;
	s2 =	simm.s32 $0x3980  }
0x7d: {  	[tilespmem:s2], [sflag:$0x1] =	stream.indirect.gather [hbm4b:s6+s16], $0x1, s21, s16, $0xb8;
	[tilespmem:$0x14C00] =	vst v63  }
0x7e: {  	s30 =	simm.s32 $0x3A00;
	s26 =	simm.s32 $0x2A00  }
0x7f: {  	[tilespmem:s30], [sflag:$0x1] =	stream.indirect.gather [hbm4b:s6+s16], $0x1, s26, s16, $0xb8;
	[tilespmem:$0x14C00] =	vst v63  }
0x80: {  	s31 =	simm.s32 $0x3A80;
	s28 =	simm.s32 $0x2A80  }
0x81: {  	[tilespmem:s31], [sflag:$0x1] =	stream.indirect.gather [hbm4b:s6+s16], $0x1, s28, s16, $0xb8;
	[tilespmem:$0x14C00] =	vst v63  }
0x82: {  	s29 =	simm.s32 $0x2B00;
	s26 =	simm.s32 $0x3B00  }
0x83: {  	[tilespmem:s26], [sflag:$0x1] =	stream.indirect.gather [hbm4b:s6+s16], $0x1, s29, s16, $0xb8;
	[tilespmem:$0x14C00] =	vst v63  }
0x84: {  	s0 =	simm.s32 $0x2B80;
	s28 =	simm.s32 $0x3B80  }
0x85: {  	[tilespmem:s28], [sflag:$0x1] =	stream.indirect.gather [hbm4b:s6+s16], $0x1, s0, s16, $0xb8;
	[tilespmem:$0x14C00] =	vst v63  }
0x86: {  	_ =	swait.ge [sflag:s10], $0x80  }
0x87: {  	[sflag:s10] =	ssyncset.done $0x0  }
0x88: {  	[sflag:s10] =	ssyncadd.s32 $0xFFFFFF80  }
0x89: {  	_ =	swait.ge [sflag:s10], $0x80  }
0x8a: {  	[sflag:s10] =	ssyncset.done $0x0  }
0x8b: {  	[sflag:s10] =	ssyncadd.s32 $0xFFFFFF80  }
0x8c: {  	_ =	swait.ge [sflag:s10], $0x80  }
0x8d: {  	[sflag:s10] =	ssyncset.done $0x0  }
0x8e: {  	[sflag:s10] =	ssyncadd.s32 $0xFFFFFF80  }
0x8f: {  	_ =	swait.ge [sflag:s10], $0x80  }
0x90: {  	[sflag:s10] =	ssyncset.done $0x0  }
0x91: {  	[sflag:s10] =	ssyncadd.s32 $0xFFFFFF80  }
0x92: {  	_ =	swait.ge [sflag:s10], $0x80  }
0x93: {  	[sflag:s10] =	ssyncset.done $0x0  }
0x94: {  	[sflag:s10] =	ssyncadd.s32 $0xFFFFFF80  }
0x95: {  	_ =	swait.ge [sflag:s10], $0x80  }
0x96: {  	[sflag:s10] =	ssyncset.done $0x0  }
0x97: {  	[sflag:s10] =	ssyncadd.s32 $0xFFFFFF80  }
0x98: {  	_ =	swait.ge [sflag:s10], $0x80  }
0x99: {  	[sflag:s10] =	ssyncset.done $0x0  }
0x9a: {  	[sflag:s10] =	ssyncadd.s32 $0xFFFFFF80  }
0x9b: {  	_ =	swait.ge [sflag:s10], $0x80  }
0x9c: {  	[sflag:s10] =	ssyncset.done $0x0  }
0x9d: {  	[sflag:s10] =	ssyncadd.s32 $0xFFFFFF80  }
0x9e: {  	_ =	swait.ge [sflag:s10], $0x80  }
0x9f: {  	[sflag:s10] =	ssyncset.done $0x0  }
0xa0: {  	[sflag:s10] =	ssyncadd.s32 $0xFFFFFF80  }
0xa1: {  	_ =	swait.ge [sflag:s10], $0x80  }
0xa2: {  	[sflag:s10] =	ssyncset.done $0x0  }
0xa3: {  	[sflag:s10] =	ssyncadd.s32 $0xFFFFFF80  }
0xa4: {  	_ =	swait.ge [sflag:s10], $0x80  }
0xa5: {  	[sflag:s10] =	ssyncset.done $0x0  }
0xa6: {  	[sflag:s10] =	ssyncadd.s32 $0xFFFFFF80  }
0xa7: {  	_ =	swait.ge [sflag:s10], $0x80  }
0xa8: {  	[sflag:s10] =	ssyncset.done $0x0  }
0xa9: {  	[sflag:s10] =	ssyncadd.s32 $0xFFFFFF80  }
0xaa: {  	_ =	swait.ge [sflag:s10], $0x80  }
0xab: {  	[sflag:s10] =	ssyncset.done $0x0  }
0xac: {  	[sflag:s10] =	ssyncadd.s32 $0xFFFFFF80  }
0xad: {  	_ =	swait.ge [sflag:s10], $0x80  }
0xae: {  	[sflag:s10] =	ssyncset.done $0x0  }
0xaf: {  	[sflag:s10] =	ssyncadd.s32 $0xFFFFFF80  }
0xb0: {  	_ =	swait.ge [sflag:s10], $0x80  }
0xb1: {  	[sflag:s10] =	ssyncset.done $0x0  }
0xb2: {  	[sflag:s10] =	ssyncadd.s32 $0xFFFFFF80  }
0xb3: {  	_ =	swait.ge [sflag:s10], $0x80  }
0xb4: {  	[sflag:s10] =	ssyncset.done $0x0  }
0xb5: {  	s21 =	simm.s32 $0x3400;
	s0 =	simm.s32 $0x3C00;
	[sflag:s10] =	ssyncadd.s32 $0xFFFFFF80  }
0xb6: {  	[tilespmem:s0], [sflag:$0x1] =	stream.indirect.gather [hbm4b:s5+s16], $0x1, s21, s16, $0xb8;
	[tilespmem:$0x14C00] =	vst v63  }
0xb7: {  	s0 =	simm.s32 $0x3C80;
	s21 =	simm.s32 $0x3480  }
0xb8: {  	[tilespmem:s0], [sflag:$0x1] =	stream.indirect.gather [hbm4b:s5+s16], $0x1, s21, s16, $0xb8;
	[tilespmem:$0x14C00] =	vst v63  }
0xb9: {  	s29 =	simm.s32 $0x3500;
	s21 =	simm.s32 $0x3D00  }
0xba: {  	[tilespmem:s21], [sflag:$0x1] =	stream.indirect.gather [hbm4b:s5+s16], $0x1, s29, s16, $0xb8;
	[tilespmem:$0x14C00] =	vst v63  }
0xbb: {  	s21 =	simm.s32 $0x3D80  }
0xbc: {  	[tilespmem:s21], [sflag:$0x1] =	stream.indirect.gather [hbm4b:s5+s16], $0x1, s23, s16, $0xb8;
	[tilespmem:$0x14C00] =	vst v63  }
0xbd: {  	s21 =	simm.s32 $0x3E00  }
0xbe: {  	[tilespmem:s21], [sflag:$0x1] =	stream.indirect.gather [hbm4b:s5+s16], $0x1, s24, s16, $0xb8;
	[tilespmem:$0x14C00] =	vst v63  }
0xbf: {  	s24 =	simm.s32 $0x3E80  }
0xc0: {  	[tilespmem:s24], [sflag:$0x1] =	stream.indirect.gather [hbm4b:s5+s16], $0x1, s25, s16, $0xb8;
	[tilespmem:$0x14C00] =	vst v63  }
0xc1: {  	s29 =	simm.s32 $0x3F00  }
0xc2: {  	[tilespmem:s29], [sflag:$0x1] =	stream.indirect.gather [hbm4b:s5+s16], $0x1, s22, s16, $0xb8;
	[tilespmem:$0x14C00] =	vst v63  }
0xc3: {  	s21 =	simm.s32 $0x3F80  }
0xc4: {  	[tilespmem:s21], [sflag:$0x1] =	stream.indirect.gather [hbm4b:s5+s16], $0x1, s7, s16, $0xb8;
	[tilespmem:$0x14C00] =	vst v63  }
0xc5: {  	s23 =	simm.s32 $0x4000  }
0xc6: {  	[tilespmem:s23], [sflag:$0x1] =	stream.indirect.gather [hbm4b:s5+s16], $0x1, s8, s16, $0xb8;
	[tilespmem:$0x14C00] =	vst v63  }
0xc7: {  	s24 =	simm.s32 $0x4080  }
0xc8: {  	[tilespmem:s24], [sflag:$0x1] =	stream.indirect.gather [hbm4b:s5+s16], $0x1, s9, s16, $0xb8;
	[tilespmem:$0x14C00] =	vst v63  }
0xc9: {  	s25 =	simm.s32 $0x4100  }
0xca: {  	[tilespmem:s25], [sflag:$0x1] =	stream.indirect.gather [hbm4b:s5+s16], $0x1, s3, s16, $0xb8;
	[tilespmem:$0x14C00] =	vst v63  }
0xcb: {  	s29 =	simm.s32 $0x4180  }
0xcc: {  	[tilespmem:s29], [sflag:$0x1] =	stream.indirect.gather [hbm4b:s5+s16], $0x1, s2, s16, $0xb8;
	[tilespmem:$0x14C00] =	vst v63  }
0xcd: {  	s21 =	simm.s32 $0x4200  }
0xce: {  	[tilespmem:s21], [sflag:$0x1] =	stream.indirect.gather [hbm4b:s5+s16], $0x1, s30, s16, $0xb8;
	[tilespmem:$0x14C00] =	vst v63  }
0xcf: {  	s23 =	simm.s32 $0x4280  }
0xd0: {  	[tilespmem:s23], [sflag:$0x1] =	stream.indirect.gather [hbm4b:s5+s16], $0x1, s31, s16, $0xb8;
	[tilespmem:$0x14C00] =	vst v63  }
0xd1: {  	s24 =	simm.s32 $0x4300  }
0xd2: {  	[tilespmem:s24], [sflag:$0x1] =	stream.indirect.gather [hbm4b:s5+s16], $0x1, s26, s16, $0xb8;
	[tilespmem:$0x14C00] =	vst v63  }
0xd3: {  	s25 =	simm.s32 $0x4380  }
0xd4: {  	[tilespmem:s25], [sflag:$0x1] =	stream.indirect.gather [hbm4b:s5+s16], $0x1, s28, s16, $0xb8;
	[tilespmem:$0x14C00] =	vst v63  }
0xd5: {  	_ =	swait.ge [sflag:s10], $0x80  }
0xd6: {  	[sflag:s10] =	ssyncset.done $0x0  }
0xd7: {  	[sflag:s10] =	ssyncadd.s32 $0xFFFFFF80  }
0xd8: {  	_ =	swait.ge [sflag:s10], $0x80  }
0xd9: {  	[sflag:s10] =	ssyncset.done $0x0  }
0xda: {  	[sflag:s10] =	ssyncadd.s32 $0xFFFFFF80  }
0xdb: {  	_ =	swait.ge [sflag:s10], $0x80  }
0xdc: {  	[sflag:s10] =	ssyncset.done $0x0  }
0xdd: {  	[sflag:s10] =	ssyncadd.s32 $0xFFFFFF80  }
0xde: {  	_ =	swait.ge [sflag:s10], $0x80  }
0xdf: {  	[sflag:s10] =	ssyncset.done $0x0  }
0xe0: {  	[sflag:s10] =	ssyncadd.s32 $0xFFFFFF80  }
0xe1: {  	_ =	swait.ge [sflag:s10], $0x80  }
0xe2: {  	[sflag:s10] =	ssyncset.done $0x0  }
0xe3: {  	[sflag:s10] =	ssyncadd.s32 $0xFFFFFF80  }
0xe4: {  	_ =	swait.ge [sflag:s10], $0x80  }
0xe5: {  	[sflag:s10] =	ssyncset.done $0x0  }
0xe6: {  	[sflag:s10] =	ssyncadd.s32 $0xFFFFFF80  }
0xe7: {  	_ =	swait.ge [sflag:s10], $0x80  }
0xe8: {  	[sflag:s10] =	ssyncset.done $0x0  }
0xe9: {  	[sflag:s10] =	ssyncadd.s32 $0xFFFFFF80  }
0xea: {  	_ =	swait.ge [sflag:s10], $0x80  }
0xeb: {  	[sflag:s10] =	ssyncset.done $0x0  }
0xec: {  	[sflag:s10] =	ssyncadd.s32 $0xFFFFFF80  }
0xed: {  	_ =	swait.ge [sflag:s10], $0x80  }
0xee: {  	[sflag:s10] =	ssyncset.done $0x0  }
0xef: {  	[sflag:s10] =	ssyncadd.s32 $0xFFFFFF80  }
0xf0: {  	_ =	swait.ge [sflag:s10], $0x80  }
0xf1: {  	[sflag:s10] =	ssyncset.done $0x0  }
0xf2: {  	[sflag:s10] =	ssyncadd.s32 $0xFFFFFF80  }
0xf3: {  	_ =	swait.ge [sflag:s10], $0x80  }
0xf4: {  	[sflag:s10] =	ssyncset.done $0x0  }
0xf5: {  	[sflag:s10] =	ssyncadd.s32 $0xFFFFFF80  }
0xf6: {  	_ =	swait.ge [sflag:s10], $0x80  }
0xf7: {  	[sflag:s10] =	ssyncset.done $0x0  }
0xf8: {  	[sflag:s10] =	ssyncadd.s32 $0xFFFFFF80  }
0xf9: {  	_ =	swait.ge [sflag:s10], $0x80  }
0xfa: {  	[sflag:s10] =	ssyncset.done $0x0  }
0xfb: {  	[sflag:s10] =	ssyncadd.s32 $0xFFFFFF80  }
0xfc: {  	_ =	swait.ge [sflag:s10], $0x80  }
0xfd: {  	[sflag:s10] =	ssyncset.done $0x0  }
0xfe: {  	[sflag:s10] =	ssyncadd.s32 $0xFFFFFF80  }
0xff: {  	_ =	swait.ge [sflag:s10], $0x80  }
0x100: {  	[sflag:s10] =	ssyncset.done $0x0  }
0x101: {  	[sflag:s10] =	ssyncadd.s32 $0xFFFFFF80  }
0x102: {  	_ =	swait.ge [sflag:s10], $0x80  }
0x103: {  	[sflag:s10] =	ssyncset.done $0x0  }
0x104: {  	s22 =	simm.s32 $0x0;
	[sflag:s10] =	ssyncadd.s32 $0xFFFFFF80  }
0x105: {  	v1 =	vld [tilespmem:s22+$0x0];
	_ =	sdelay $0x2  }
0x106: {  	s24 =	simm.s32 $0x0  }
0x107: {  	s0 =	simm.s32 $0x3580;
	s7 =	simm.s32 $0x3800;
	s26 =	sand.u32 $0x1E00, s24  }
0x108: {  	s8 =	simm.s32 $0x3880;
	s28 =	sand.u32 $0x70, s24;
	s23 =	sshrl.u32 s26, $0x2  }
0x109: {  	s9 =	simm.s32 $0x3900;
	s3 =	simm.s32 $0x3980;
	s29 =	sor.u32 s28, s23  }
0x10a: {  	s2 =	simm.s32 $0x3A00;
	s30 =	simm.s32 $0x3A80;
	s31 =	simm.s32 $0x3B00;
	v3 =	vld [tilespmem:s29+$0x3C00]  }
0x10b: {  	s25 =	simm.s32 $0x40;
	s26 =	simm.s32 $0x80;
	s23 =	simm.s32 $0x10;
	v2 =	vld.idx.msk [tilespmem:v1+s20+$0x0], $0xffff  }
.LBB2_4:
0x10c: {  	p0 =	sne.s32 s26, $0x1FC0;
	v4 =	vld [tilespmem:s23+$0x0];
	_ =	sdelay $0x3  }
0x10d: {  	vm0 =	vgt.s32 v2, $0x1;
	vm1 =	vne.s32 v3, v1  }
.Ltmp1:
0x10e: {  	vm0 =	vmand vm1, vm0;
	v1 =	vmov v4;
	(pc) =	sbr.rel @p0 .LBB2_4-.Ltmp1, $4  }
0x10f: {  	s28 =	sand.u32 $0x1E00, s25;
	s24 =	sadd.s32 $0x10, s24;
	s25 =	smov.u32 s26;
	v2 =	vsel vm0, $0x3F800000, v0  }
0x110: {  	s29 =	sand.u32 $0x70, s24;
	s28 =	sshrl.u32 s28, $0x2;
	[tilespmem:s22+$0x4400] =	vst v2;
	s22 =	smov.u32 s23  }
0x111: {  	s28 =	sor.u32 s29, s28;
	v2 =	vld.idx.msk [tilespmem:v4+s20+$0x0], $0xffff  }
0x112: {  	s26 =	sadd.s32 $0x40, s26;
	s23 =	sshra.s32 s25, $0x2;
	v3 =	vld [tilespmem:s28+$0x3C00]  }
0x113: {  	_ = 	snop  }
0x114: {  	v4 =	vld [tilespmem:s23+$0x0];
	_ =	sdelay $0x2  }
0x115: {  	vm0 =	vgt.s32 v2, $0x1;
	vm1 =	vne.s32 v3, v1  }
0x116: {  	s25 =	sand.u32 $0x1E00, s25;
	s24 =	sadd.s32 $0x10, s24;
	vm0 =	vmand vm1, vm0  }
0x117: {  	s24 =	sand.u32 $0x70, s24;
	s25 =	sshrl.u32 s25, $0x2;
	v1 =	vsel vm0, $0x3F800000, v0  }
0x118: {  	s26 =	sor.u32 s24, s25;
	[tilespmem:s22+$0x4400] =	vst v1  }
0x119: {  	v1 =	vld [tilespmem:s26+$0x3C00]  }
0x11a: {  	v2 =	vld.idx.msk [tilespmem:v4+s20+$0x0], $0xffff;
	_ =	sdelay $0x4  }
0x11b: {  	vm14 =	vgt.s32 v2, $0x1;
	vm15 =	vne.s32 v1, v4  }
0x11c: {  	s29 =	sld [smem:$0x7FC];
	vm0 =	vmand vm15, vm14  }
0x11d: {  	v1 =	vsel vm0, $0x3F800000, v0  }
0x11e: {  	s21 =	simm.s32 $0x4400;
	[tilespmem:s23+$0x4400] =	vst v1  }
0x11f: {  	[hbm4b:s29+s1] =	stream.linear.scatter [tilespmem:s21], [sflag:$0x3], $0x800, $0x38;
	[tilespmem:$0x14C00] =	vst v63  }
0x120: {  	_ =	swait.ge [sflag:s15], $0x800  }
0x121: {  	[sflag:s15] =	ssyncset.done $0x0  }
0x122: {  	s24 =	simm.s32 $0x2C00;
	[sflag:s15] =	ssyncadd.s32 $0xFFFFF800  }
0x123: {  	[tilespmem:s11], [sflag:$0x1] =	stream.indirect.gather [hbm4b:s4+s16], $0x80, s24, s16, $0xb8;
	[tilespmem:$0x14C00] =	vst v63  }
0x124: {  	s26 =	simm.s32 $0x3400  }
0x125: {  	[tilespmem:s12], [sflag:$0x1] =	stream.indirect.gather [hbm4b:s4+s16], $0x80, s26, s16, $0xb8;
	[tilespmem:$0x14C00] =	vst v63  }
0x126: {  	_ =	swait.ge [sflag:s10], $0x4000  }
0x127: {  	[sflag:s10] =	ssyncset.done $0x0  }
0x128: {  	[sflag:s10] =	ssyncadd.s32 $0xFFFFC000  }
0x129: {  	_ =	swait.ge [sflag:s10], $0x4000  }
0x12a: {  	[sflag:s10] =	ssyncset.done $0x0  }
0x12b: {  	s25 =	simm.s32 $0x2C80;
	[sflag:s10] =	ssyncadd.s32 $0xFFFFC000  }
0x12c: {  	[tilespmem:s13], [sflag:$0x1] =	stream.indirect.gather [hbm4b:s4+s16], $0x80, s25, s16, $0xb8;
	[tilespmem:$0x14C00] =	vst v63  }
0x12d: {  	s21 =	simm.s32 $0x3480  }
0x12e: {  	[tilespmem:s14], [sflag:$0x1] =	stream.indirect.gather [hbm4b:s4+s16], $0x80, s21, s16, $0xb8;
	[tilespmem:$0x14C00] =	vst v63  }
0x12f: {  	s29 =	rddreg [dreg:$0x1c]  }
0x130: {  	[hbm4b:s29+s1] =	stream.linear.scatter [tilespmem:s11], [sflag:$0x2], $0x4000, $0x38;
	[tilespmem:$0x14C00] =	vst v63  }
0x131: {  	s23 =	rddreg [dreg:$0x1d]  }
0x132: {  	[hbm4b:s23+s1] =	stream.linear.scatter [tilespmem:s12], [sflag:$0x2], $0x4000, $0x38;
	[tilespmem:$0x14C00] =	vst v63  }
0x133: {  	_ =	swait.ge [sflag:s10], $0x4000  }
0x134: {  	[sflag:s10] =	ssyncset.done $0x0  }
0x135: {  	[sflag:s10] =	ssyncadd.s32 $0xFFFFC000  }
0x136: {  	_ =	swait.ge [sflag:s10], $0x4000  }
0x137: {  	[sflag:s10] =	ssyncset.done $0x0  }
0x138: {  	[sflag:s10] =	ssyncadd.s32 $0xFFFFC000  }
0x139: {  	_ =	swait.ge [sflag:s17], $0x4000  }
0x13a: {  	[sflag:s17] =	ssyncset.done $0x0  }
0x13b: {  	[sflag:s17] =	ssyncadd.s32 $0xFFFFC000  }
0x13c: {  	_ =	swait.ge [sflag:s17], $0x4000  }
0x13d: {  	[sflag:s17] =	ssyncset.done $0x0  }
0x13e: {  	s24 =	simm.s32 $0x2D00;
	[sflag:s17] =	ssyncadd.s32 $0xFFFFC000  }
0x13f: {  	[tilespmem:s11], [sflag:$0x1] =	stream.indirect.gather [hbm4b:s4+s16], $0x80, s24, s16, $0xb8;
	[tilespmem:$0x14C00] =	vst v63  }
0x140: {  	s28 =	simm.s32 $0x3500  }
0x141: {  	[tilespmem:s12], [sflag:$0x1] =	stream.indirect.gather [hbm4b:s4+s16], $0x80, s28, s16, $0xb8;
	[tilespmem:$0x14C00] =	vst v63  }
0x142: {  	s25 =	rddreg [dreg:$0x2]  }
0x143: {  	[hbm4b:s25+s1] =	stream.linear.scatter [tilespmem:s13], [sflag:$0x2], $0x4000, $0x38;
	[tilespmem:$0x14C00] =	vst v63  }
0x144: {  	s29 =	rddreg [dreg:$0x3]  }
0x145: {  	[hbm4b:s29+s1] =	stream.linear.scatter [tilespmem:s14], [sflag:$0x2], $0x4000, $0x38;
	[tilespmem:$0x14C00] =	vst v63  }
0x146: {  	_ =	swait.ge [sflag:s10], $0x4000  }
0x147: {  	[sflag:s10] =	ssyncset.done $0x0  }
0x148: {  	[sflag:s10] =	ssyncadd.s32 $0xFFFFC000  }
0x149: {  	_ =	swait.ge [sflag:s10], $0x4000  }
0x14a: {  	[sflag:s10] =	ssyncset.done $0x0  }
0x14b: {  	[sflag:s10] =	ssyncadd.s32 $0xFFFFC000  }
0x14c: {  	_ =	swait.ge [sflag:s17], $0x4000  }
0x14d: {  	[sflag:s17] =	ssyncset.done $0x0  }
0x14e: {  	[sflag:s17] =	ssyncadd.s32 $0xFFFFC000  }
0x14f: {  	_ =	swait.ge [sflag:s17], $0x4000  }
0x150: {  	[sflag:s17] =	ssyncset.done $0x0  }
0x151: {  	s23 =	simm.s32 $0x2D80;
	[sflag:s17] =	ssyncadd.s32 $0xFFFFC000  }
0x152: {  	[tilespmem:s13], [sflag:$0x1] =	stream.indirect.gather [hbm4b:s4+s16], $0x80, s23, s16, $0xb8;
	[tilespmem:$0x14C00] =	vst v63  }
0x153: {  	_ = 	snop  }
0x154: {  	[tilespmem:s14], [sflag:$0x1] =	stream.indirect.gather [hbm4b:s4+s16], $0x80, s0, s16, $0xb8;
	[tilespmem:$0x14C00] =	vst v63  }
0x155: {  	s24 =	rddreg [dreg:$0x4]  }
0x156: {  	[hbm4b:s24+s1] =	stream.linear.scatter [tilespmem:s11], [sflag:$0x2], $0x4000, $0x38;
	[tilespmem:$0x14C00] =	vst v63  }
0x157: {  	s25 =	rddreg [dreg:$0x5]  }
0x158: {  	[hbm4b:s25+s1] =	stream.linear.scatter [tilespmem:s12], [sflag:$0x2], $0x4000, $0x38;
	[tilespmem:$0x14C00] =	vst v63  }
0x159: {  	_ =	swait.ge [sflag:s10], $0x4000  }
0x15a: {  	[sflag:s10] =	ssyncset.done $0x0  }
0x15b: {  	[sflag:s10] =	ssyncadd.s32 $0xFFFFC000  }
0x15c: {  	_ =	swait.ge [sflag:s10], $0x4000  }
0x15d: {  	[sflag:s10] =	ssyncset.done $0x0  }
0x15e: {  	[sflag:s10] =	ssyncadd.s32 $0xFFFFC000  }
0x15f: {  	_ =	swait.ge [sflag:s17], $0x4000  }
0x160: {  	[sflag:s17] =	ssyncset.done $0x0  }
0x161: {  	[sflag:s17] =	ssyncadd.s32 $0xFFFFC000  }
0x162: {  	_ =	swait.ge [sflag:s17], $0x4000  }
0x163: {  	[sflag:s17] =	ssyncset.done $0x0  }
0x164: {  	s29 =	simm.s32 $0x2E00;
	[sflag:s17] =	ssyncadd.s32 $0xFFFFC000  }
0x165: {  	[tilespmem:s11], [sflag:$0x1] =	stream.indirect.gather [hbm4b:s4+s16], $0x80, s29, s16, $0xb8;
	[tilespmem:$0x14C00] =	vst v63  }
0x166: {  	s22 =	simm.s32 $0x3600  }
0x167: {  	[tilespmem:s12], [sflag:$0x1] =	stream.indirect.gather [hbm4b:s4+s16], $0x80, s22, s16, $0xb8;
	[tilespmem:$0x14C00] =	vst v63  }
0x168: {  	s23 =	rddreg [dreg:$0x6]  }
0x169: {  	[hbm4b:s23+s1] =	stream.linear.scatter [tilespmem:s13], [sflag:$0x2], $0x4000, $0x38;
	[tilespmem:$0x14C00] =	vst v63  }
0x16a: {  	s24 =	rddreg [dreg:$0x7]  }
0x16b: {  	[hbm4b:s24+s1] =	stream.linear.scatter [tilespmem:s14], [sflag:$0x2], $0x4000, $0x38;
	[tilespmem:$0x14C00] =	vst v63  }
0x16c: {  	_ =	swait.ge [sflag:s10], $0x4000  }
0x16d: {  	[sflag:s10] =	ssyncset.done $0x0  }
0x16e: {  	[sflag:s10] =	ssyncadd.s32 $0xFFFFC000  }
0x16f: {  	_ =	swait.ge [sflag:s10], $0x4000  }
0x170: {  	[sflag:s10] =	ssyncset.done $0x0  }
0x171: {  	[sflag:s10] =	ssyncadd.s32 $0xFFFFC000  }
0x172: {  	_ =	swait.ge [sflag:s17], $0x4000  }
0x173: {  	[sflag:s17] =	ssyncset.done $0x0  }
0x174: {  	[sflag:s17] =	ssyncadd.s32 $0xFFFFC000  }
0x175: {  	_ =	swait.ge [sflag:s17], $0x4000  }
0x176: {  	[sflag:s17] =	ssyncset.done $0x0  }
0x177: {  	s25 =	simm.s32 $0x2E80;
	[sflag:s17] =	ssyncadd.s32 $0xFFFFC000  }
0x178: {  	[tilespmem:s13], [sflag:$0x1] =	stream.indirect.gather [hbm4b:s4+s16], $0x80, s25, s16, $0xb8;
	[tilespmem:$0x14C00] =	vst v63  }
0x179: {  	s29 =	simm.s32 $0x3680  }
0x17a: {  	[tilespmem:s14], [sflag:$0x1] =	stream.indirect.gather [hbm4b:s4+s16], $0x80, s29, s16, $0xb8;
	[tilespmem:$0x14C00] =	vst v63  }
0x17b: {  	s0 =	rddreg [dreg:$0x8]  }
0x17c: {  	[hbm4b:s0+s1] =	stream.linear.scatter [tilespmem:s11], [sflag:$0x2], $0x4000, $0x38;
	[tilespmem:$0x14C00] =	vst v63  }
0x17d: {  	s23 =	rddreg [dreg:$0x9]  }
0x17e: {  	[hbm4b:s23+s1] =	stream.linear.scatter [tilespmem:s12], [sflag:$0x2], $0x4000, $0x38;
	[tilespmem:$0x14C00] =	vst v63  }
0x17f: {  	_ =	swait.ge [sflag:s10], $0x4000  }
0x180: {  	[sflag:s10] =	ssyncset.done $0x0  }
0x181: {  	[sflag:s10] =	ssyncadd.s32 $0xFFFFC000  }
0x182: {  	_ =	swait.ge [sflag:s10], $0x4000  }
0x183: {  	[sflag:s10] =	ssyncset.done $0x0  }
0x184: {  	[sflag:s10] =	ssyncadd.s32 $0xFFFFC000  }
0x185: {  	_ =	swait.ge [sflag:s17], $0x4000  }
0x186: {  	[sflag:s17] =	ssyncset.done $0x0  }
0x187: {  	[sflag:s17] =	ssyncadd.s32 $0xFFFFC000  }
0x188: {  	_ =	swait.ge [sflag:s17], $0x4000  }
0x189: {  	[sflag:s17] =	ssyncset.done $0x0  }
0x18a: {  	s24 =	simm.s32 $0x2F00;
	[sflag:s17] =	ssyncadd.s32 $0xFFFFC000  }
0x18b: {  	[tilespmem:s11], [sflag:$0x1] =	stream.indirect.gather [hbm4b:s4+s16], $0x80, s24, s16, $0xb8;
	[tilespmem:$0x14C00] =	vst v63  }
0x18c: {  	s25 =	simm.s32 $0x3700  }
0x18d: {  	[tilespmem:s12], [sflag:$0x1] =	stream.indirect.gather [hbm4b:s4+s16], $0x80, s25, s16, $0xb8;
	[tilespmem:$0x14C00] =	vst v63  }
0x18e: {  	s29 =	rddreg [dreg:$0xa]  }
0x18f: {  	[hbm4b:s29+s1] =	stream.linear.scatter [tilespmem:s13], [sflag:$0x2], $0x4000, $0x38;
	[tilespmem:$0x14C00] =	vst v63  }
0x190: {  	s0 =	rddreg [dreg:$0xb]  }
0x191: {  	[hbm4b:s0+s1] =	stream.linear.scatter [tilespmem:s14], [sflag:$0x2], $0x4000, $0x38;
	[tilespmem:$0x14C00] =	vst v63  }
0x192: {  	_ =	swait.ge [sflag:s10], $0x4000  }
0x193: {  	[sflag:s10] =	ssyncset.done $0x0  }
0x194: {  	[sflag:s10] =	ssyncadd.s32 $0xFFFFC000  }
0x195: {  	_ =	swait.ge [sflag:s10], $0x4000  }
0x196: {  	[sflag:s10] =	ssyncset.done $0x0  }
0x197: {  	[sflag:s10] =	ssyncadd.s32 $0xFFFFC000  }
0x198: {  	_ =	swait.ge [sflag:s17], $0x4000  }
0x199: {  	[sflag:s17] =	ssyncset.done $0x0  }
0x19a: {  	[sflag:s17] =	ssyncadd.s32 $0xFFFFC000  }
0x19b: {  	_ =	swait.ge [sflag:s17], $0x4000  }
0x19c: {  	[sflag:s17] =	ssyncset.done $0x0  }
0x19d: {  	s22 =	simm.s32 $0x2F80;
	[sflag:s17] =	ssyncadd.s32 $0xFFFFC000  }
0x19e: {  	[tilespmem:s13], [sflag:$0x1] =	stream.indirect.gather [hbm4b:s4+s16], $0x80, s22, s16, $0xb8;
	[tilespmem:$0x14C00] =	vst v63  }
0x19f: {  	s23 =	simm.s32 $0x3780  }
0x1a0: {  	[tilespmem:s14], [sflag:$0x1] =	stream.indirect.gather [hbm4b:s4+s16], $0x80, s23, s16, $0xb8;
	[tilespmem:$0x14C00] =	vst v63  }
0x1a1: {  	s24 =	rddreg [dreg:$0xc]  }
0x1a2: {  	[hbm4b:s24+s1] =	stream.linear.scatter [tilespmem:s11], [sflag:$0x2], $0x4000, $0x38;
	[tilespmem:$0x14C00] =	vst v63  }
0x1a3: {  	s25 =	rddreg [dreg:$0xd]  }
0x1a4: {  	[hbm4b:s25+s1] =	stream.linear.scatter [tilespmem:s12], [sflag:$0x2], $0x4000, $0x38;
	[tilespmem:$0x14C00] =	vst v63  }
0x1a5: {  	_ =	swait.ge [sflag:s10], $0x4000  }
0x1a6: {  	[sflag:s10] =	ssyncset.done $0x0  }
0x1a7: {  	[sflag:s10] =	ssyncadd.s32 $0xFFFFC000  }
0x1a8: {  	_ =	swait.ge [sflag:s10], $0x4000  }
0x1a9: {  	[sflag:s10] =	ssyncset.done $0x0  }
0x1aa: {  	[sflag:s10] =	ssyncadd.s32 $0xFFFFC000  }
0x1ab: {  	_ =	swait.ge [sflag:s17], $0x4000  }
0x1ac: {  	[sflag:s17] =	ssyncset.done $0x0  }
0x1ad: {  	[sflag:s17] =	ssyncadd.s32 $0xFFFFC000  }
0x1ae: {  	_ =	swait.ge [sflag:s17], $0x4000  }
0x1af: {  	[sflag:s17] =	ssyncset.done $0x0  }
0x1b0: {  	s29 =	simm.s32 $0x3000;
	[sflag:s17] =	ssyncadd.s32 $0xFFFFC000  }
0x1b1: {  	[tilespmem:s11], [sflag:$0x1] =	stream.indirect.gather [hbm4b:s4+s16], $0x80, s29, s16, $0xb8;
	[tilespmem:$0x14C00] =	vst v63  }
0x1b2: {  	_ = 	snop  }
0x1b3: {  	[tilespmem:s12], [sflag:$0x1] =	stream.indirect.gather [hbm4b:s4+s16], $0x80, s7, s16, $0xb8;
	[tilespmem:$0x14C00] =	vst v63  }
0x1b4: {  	s0 =	rddreg [dreg:$0xe]  }
0x1b5: {  	[hbm4b:s0+s1] =	stream.linear.scatter [tilespmem:s13], [sflag:$0x2], $0x4000, $0x38;
	[tilespmem:$0x14C00] =	vst v63  }
0x1b6: {  	s7 =	rddreg [dreg:$0xf]  }
0x1b7: {  	[hbm4b:s7+s1] =	stream.linear.scatter [tilespmem:s14], [sflag:$0x2], $0x4000, $0x38;
	[tilespmem:$0x14C00] =	vst v63  }
0x1b8: {  	_ =	swait.ge [sflag:s10], $0x4000  }
0x1b9: {  	[sflag:s10] =	ssyncset.done $0x0  }
0x1ba: {  	[sflag:s10] =	ssyncadd.s32 $0xFFFFC000  }
0x1bb: {  	_ =	swait.ge [sflag:s10], $0x4000  }
0x1bc: {  	[sflag:s10] =	ssyncset.done $0x0  }
0x1bd: {  	[sflag:s10] =	ssyncadd.s32 $0xFFFFC000  }
0x1be: {  	_ =	swait.ge [sflag:s17], $0x4000  }
0x1bf: {  	[sflag:s17] =	ssyncset.done $0x0  }
0x1c0: {  	[sflag:s17] =	ssyncadd.s32 $0xFFFFC000  }
0x1c1: {  	_ =	swait.ge [sflag:s17], $0x4000  }
0x1c2: {  	[sflag:s17] =	ssyncset.done $0x0  }
0x1c3: {  	s22 =	simm.s32 $0x3080;
	[sflag:s17] =	ssyncadd.s32 $0xFFFFC000  }
0x1c4: {  	[tilespmem:s13], [sflag:$0x1] =	stream.indirect.gather [hbm4b:s4+s16], $0x80, s22, s16, $0xb8;
	[tilespmem:$0x14C00] =	vst v63  }
0x1c5: {  	_ = 	snop  }
0x1c6: {  	[tilespmem:s14], [sflag:$0x1] =	stream.indirect.gather [hbm4b:s4+s16], $0x80, s8, s16, $0xb8;
	[tilespmem:$0x14C00] =	vst v63  }
0x1c7: {  	s23 =	rddreg [dreg:$0x10]  }
0x1c8: {  	[hbm4b:s23+s1] =	stream.linear.scatter [tilespmem:s11], [sflag:$0x2], $0x4000, $0x38;
	[tilespmem:$0x14C00] =	vst v63  }
0x1c9: {  	s24 =	rddreg [dreg:$0x11]  }
0x1ca: {  	[hbm4b:s24+s1] =	stream.linear.scatter [tilespmem:s12], [sflag:$0x2], $0x4000, $0x38;
	[tilespmem:$0x14C00] =	vst v63  }
0x1cb: {  	_ =	swait.ge [sflag:s10], $0x4000  }
0x1cc: {  	[sflag:s10] =	ssyncset.done $0x0  }
0x1cd: {  	[sflag:s10] =	ssyncadd.s32 $0xFFFFC000  }
0x1ce: {  	_ =	swait.ge [sflag:s10], $0x4000  }
0x1cf: {  	[sflag:s10] =	ssyncset.done $0x0  }
0x1d0: {  	[sflag:s10] =	ssyncadd.s32 $0xFFFFC000  }
0x1d1: {  	_ =	swait.ge [sflag:s17], $0x4000  }
0x1d2: {  	[sflag:s17] =	ssyncset.done $0x0  }
0x1d3: {  	[sflag:s17] =	ssyncadd.s32 $0xFFFFC000  }
0x1d4: {  	_ =	swait.ge [sflag:s17], $0x4000  }
0x1d5: {  	[sflag:s17] =	ssyncset.done $0x0  }
0x1d6: {  	s25 =	simm.s32 $0x3100;
	[sflag:s17] =	ssyncadd.s32 $0xFFFFC000  }
0x1d7: {  	[tilespmem:s11], [sflag:$0x1] =	stream.indirect.gather [hbm4b:s4+s16], $0x80, s25, s16, $0xb8;
	[tilespmem:$0x14C00] =	vst v63  }
0x1d8: {  	_ = 	snop  }
0x1d9: {  	[tilespmem:s12], [sflag:$0x1] =	stream.indirect.gather [hbm4b:s4+s16], $0x80, s9, s16, $0xb8;
	[tilespmem:$0x14C00] =	vst v63  }
0x1da: {  	s29 =	rddreg [dreg:$0x12]  }
0x1db: {  	[hbm4b:s29+s1] =	stream.linear.scatter [tilespmem:s13], [sflag:$0x2], $0x4000, $0x38;
	[tilespmem:$0x14C00] =	vst v63  }
0x1dc: {  	s0 =	rddreg [dreg:$0x13]  }
0x1dd: {  	[hbm4b:s0+s1] =	stream.linear.scatter [tilespmem:s14], [sflag:$0x2], $0x4000, $0x38;
	[tilespmem:$0x14C00] =	vst v63  }
0x1de: {  	_ =	swait.ge [sflag:s10], $0x4000  }
0x1df: {  	[sflag:s10] =	ssyncset.done $0x0  }
0x1e0: {  	[sflag:s10] =	ssyncadd.s32 $0xFFFFC000  }
0x1e1: {  	_ =	swait.ge [sflag:s10], $0x4000  }
0x1e2: {  	[sflag:s10] =	ssyncset.done $0x0  }
0x1e3: {  	[sflag:s10] =	ssyncadd.s32 $0xFFFFC000  }
0x1e4: {  	_ =	swait.ge [sflag:s17], $0x4000  }
0x1e5: {  	[sflag:s17] =	ssyncset.done $0x0  }
0x1e6: {  	[sflag:s17] =	ssyncadd.s32 $0xFFFFC000  }
0x1e7: {  	_ =	swait.ge [sflag:s17], $0x4000  }
0x1e8: {  	[sflag:s17] =	ssyncset.done $0x0  }
0x1e9: {  	s7 =	simm.s32 $0x3180;
	[sflag:s17] =	ssyncadd.s32 $0xFFFFC000  }
0x1ea: {  	[tilespmem:s13], [sflag:$0x1] =	stream.indirect.gather [hbm4b:s4+s16], $0x80, s7, s16, $0xb8;
	[tilespmem:$0x14C00] =	vst v63  }
0x1eb: {  	_ = 	snop  }
0x1ec: {  	[tilespmem:s14], [sflag:$0x1] =	stream.indirect.gather [hbm4b:s4+s16], $0x80, s3, s16, $0xb8;
	[tilespmem:$0x14C00] =	vst v63  }
0x1ed: {  	s8 =	rddreg [dreg:$0x14]  }
0x1ee: {  	[hbm4b:s8+s1] =	stream.linear.scatter [tilespmem:s11], [sflag:$0x2], $0x4000, $0x38;
	[tilespmem:$0x14C00] =	vst v63  }
0x1ef: {  	s9 =	rddreg [dreg:$0x15]  }
0x1f0: {  	[hbm4b:s9+s1] =	stream.linear.scatter [tilespmem:s12], [sflag:$0x2], $0x4000, $0x38;
	[tilespmem:$0x14C00] =	vst v63  }
0x1f1: {  	_ =	swait.ge [sflag:s10], $0x4000  }
0x1f2: {  	[sflag:s10] =	ssyncset.done $0x0  }
0x1f3: {  	[sflag:s10] =	ssyncadd.s32 $0xFFFFC000  }
0x1f4: {  	_ =	swait.ge [sflag:s10], $0x4000  }
0x1f5: {  	[sflag:s10] =	ssyncset.done $0x0  }
0x1f6: {  	[sflag:s10] =	ssyncadd.s32 $0xFFFFC000  }
0x1f7: {  	_ =	swait.ge [sflag:s17], $0x4000  }
0x1f8: {  	[sflag:s17] =	ssyncset.done $0x0  }
0x1f9: {  	[sflag:s17] =	ssyncadd.s32 $0xFFFFC000  }
0x1fa: {  	_ =	swait.ge [sflag:s17], $0x4000  }
0x1fb: {  	[sflag:s17] =	ssyncset.done $0x0  }
0x1fc: {  	s23 =	simm.s32 $0x3200;
	[sflag:s17] =	ssyncadd.s32 $0xFFFFC000  }
0x1fd: {  	[tilespmem:s11], [sflag:$0x1] =	stream.indirect.gather [hbm4b:s4+s16], $0x80, s23, s16, $0xb8;
	[tilespmem:$0x14C00] =	vst v63  }
0x1fe: {  	_ = 	snop  }
0x1ff: {  	[tilespmem:s12], [sflag:$0x1] =	stream.indirect.gather [hbm4b:s4+s16], $0x80, s2, s16, $0xb8;
	[tilespmem:$0x14C00] =	vst v63  }
0x200: {  	s24 =	rddreg [dreg:$0x16]  }
0x201: {  	[hbm4b:s24+s1] =	stream.linear.scatter [tilespmem:s13], [sflag:$0x2], $0x4000, $0x38;
	[tilespmem:$0x14C00] =	vst v63  }
0x202: {  	s25 =	rddreg [dreg:$0x17]  }
0x203: {  	[hbm4b:s25+s1] =	stream.linear.scatter [tilespmem:s14], [sflag:$0x2], $0x4000, $0x38;
	[tilespmem:$0x14C00] =	vst v63  }
0x204: {  	_ =	swait.ge [sflag:s10], $0x4000  }
0x205: {  	[sflag:s10] =	ssyncset.done $0x0  }
0x206: {  	[sflag:s10] =	ssyncadd.s32 $0xFFFFC000  }
0x207: {  	_ =	swait.ge [sflag:s10], $0x4000  }
0x208: {  	[sflag:s10] =	ssyncset.done $0x0  }
0x209: {  	[sflag:s10] =	ssyncadd.s32 $0xFFFFC000  }
0x20a: {  	_ =	swait.ge [sflag:s17], $0x4000  }
0x20b: {  	[sflag:s17] =	ssyncset.done $0x0  }
0x20c: {  	[sflag:s17] =	ssyncadd.s32 $0xFFFFC000  }
0x20d: {  	_ =	swait.ge [sflag:s17], $0x4000  }
0x20e: {  	[sflag:s17] =	ssyncset.done $0x0  }
0x20f: {  	s29 =	simm.s32 $0x3280;
	[sflag:s17] =	ssyncadd.s32 $0xFFFFC000  }
0x210: {  	[tilespmem:s13], [sflag:$0x1] =	stream.indirect.gather [hbm4b:s4+s16], $0x80, s29, s16, $0xb8;
	[tilespmem:$0x14C00] =	vst v63  }
0x211: {  	_ = 	snop  }
0x212: {  	[tilespmem:s14], [sflag:$0x1] =	stream.indirect.gather [hbm4b:s4+s16], $0x80, s30, s16, $0xb8;
	[tilespmem:$0x14C00] =	vst v63  }
0x213: {  	s0 =	rddreg [dreg:$0x18]  }
0x214: {  	[hbm4b:s0+s1] =	stream.linear.scatter [tilespmem:s11], [sflag:$0x2], $0x4000, $0x38;
	[tilespmem:$0x14C00] =	vst v63  }
0x215: {  	s2 =	rddreg [dreg:$0x19]  }
0x216: {  	[hbm4b:s2+s1] =	stream.linear.scatter [tilespmem:s12], [sflag:$0x2], $0x4000, $0x38;
	[tilespmem:$0x14C00] =	vst v63  }
0x217: {  	_ =	swait.ge [sflag:s10], $0x4000  }
0x218: {  	[sflag:s10] =	ssyncset.done $0x0  }
0x219: {  	[sflag:s10] =	ssyncadd.s32 $0xFFFFC000  }
0x21a: {  	_ =	swait.ge [sflag:s10], $0x4000  }
0x21b: {  	[sflag:s10] =	ssyncset.done $0x0  }
0x21c: {  	[sflag:s10] =	ssyncadd.s32 $0xFFFFC000  }
0x21d: {  	_ =	swait.ge [sflag:s17], $0x4000  }
0x21e: {  	[sflag:s17] =	ssyncset.done $0x0  }
0x21f: {  	[sflag:s17] =	ssyncadd.s32 $0xFFFFC000  }
0x220: {  	_ =	swait.ge [sflag:s17], $0x4000  }
0x221: {  	[sflag:s17] =	ssyncset.done $0x0  }
0x222: {  	s3 =	simm.s32 $0x3300;
	[sflag:s17] =	ssyncadd.s32 $0xFFFFC000  }
0x223: {  	[tilespmem:s11], [sflag:$0x1] =	stream.indirect.gather [hbm4b:s4+s16], $0x80, s3, s16, $0xb8;
	[tilespmem:$0x14C00] =	vst v63  }
0x224: {  	_ = 	snop  }
0x225: {  	[tilespmem:s12], [sflag:$0x1] =	stream.indirect.gather [hbm4b:s4+s16], $0x80, s31, s16, $0xb8;
	[tilespmem:$0x14C00] =	vst v63  }
0x226: {  	s7 =	rddreg [dreg:$0x1a]  }
0x227: {  	[hbm4b:s7+s1] =	stream.linear.scatter [tilespmem:s13], [sflag:$0x2], $0x4000, $0x38;
	[tilespmem:$0x14C00] =	vst v63  }
0x228: {  	s8 =	rddreg [dreg:$0x1b]  }
0x229: {  	[hbm4b:s8+s1] =	stream.linear.scatter [tilespmem:s14], [sflag:$0x2], $0x4000, $0x38;
	[tilespmem:$0x14C00] =	vst v63  }
0x22a: {  	_ =	swait.ge [sflag:s10], $0x4000  }
0x22b: {  	[sflag:s10] =	ssyncset.done $0x0  }
0x22c: {  	[sflag:s10] =	ssyncadd.s32 $0xFFFFC000  }
0x22d: {  	_ =	swait.ge [sflag:s10], $0x4000  }
0x22e: {  	[sflag:s10] =	ssyncset.done $0x0  }
0x22f: {  	[sflag:s10] =	ssyncadd.s32 $0xFFFFC000  }
0x230: {  	_ =	swait.ge [sflag:s17], $0x4000  }
0x231: {  	[sflag:s17] =	ssyncset.done $0x0  }
0x232: {  	[sflag:s17] =	ssyncadd.s32 $0xFFFFC000  }
0x233: {  	_ =	swait.ge [sflag:s17], $0x4000  }
0x234: {  	[sflag:s17] =	ssyncset.done $0x0  }
0x235: {  	s9 =	simm.s32 $0x3380;
	[sflag:s17] =	ssyncadd.s32 $0xFFFFC000  }
0x236: {  	[tilespmem:s13], [sflag:$0x1] =	stream.indirect.gather [hbm4b:s4+s16], $0x80, s9, s16, $0xb8;
	[tilespmem:$0x14C00] =	vst v63  }
0x237: {  	s22 =	simm.s32 $0x3B80  }
0x238: {  	[tilespmem:s14], [sflag:$0x1] =	stream.indirect.gather [hbm4b:s4+s16], $0x80, s22, s16, $0xb8;
	[tilespmem:$0x14C00] =	vst v63  }
0x239: {  	s23 =	rddreg [dreg:$0x1e]  }
0x23a: {  	[hbm4b:s23+s1] =	stream.linear.scatter [tilespmem:s11], [sflag:$0x2], $0x4000, $0x38;
	[tilespmem:$0x14C00] =	vst v63  }
0x23b: {  	s24 =	rddreg [dreg:$0x1f]  }
0x23c: {  	[hbm4b:s24+s1] =	stream.linear.scatter [tilespmem:s12], [sflag:$0x2], $0x4000, $0x38;
	[tilespmem:$0x14C00] =	vst v63  }
0x23d: {  	_ =	swait.ge [sflag:s10], $0x4000  }
0x23e: {  	[sflag:s10] =	ssyncset.done $0x0  }
0x23f: {  	[sflag:s10] =	ssyncadd.s32 $0xFFFFC000  }
0x240: {  	_ =	swait.ge [sflag:s10], $0x4000  }
0x241: {  	[sflag:s10] =	ssyncset.done $0x0  }
0x242: {  	[sflag:s10] =	ssyncadd.s32 $0xFFFFC000  }
0x243: {  	_ =	swait.ge [sflag:s17], $0x4000  }
0x244: {  	[sflag:s17] =	ssyncset.done $0x0  }
0x245: {  	[sflag:s17] =	ssyncadd.s32 $0xFFFFC000  }
0x246: {  	_ =	swait.ge [sflag:s17], $0x4000  }
0x247: {  	s25 =	sld [smem:$0x7F4]  }
0x248: {  	[sflag:s17] =	ssyncset.done $0x0  }
0x249: {  	s29 =	sld [smem:$0x7F5];
	[sflag:s17] =	ssyncadd.s32 $0xFFFFC000  }
0x24a: {  	[hbm4b:s25+s1] =	stream.linear.scatter [tilespmem:s13], [sflag:$0x2], $0x4000, $0x38;
	[tilespmem:$0x14C00] =	vst v63  }
0x24b: {  	_ = 	snop  }
0x24c: {  	[hbm4b:s29+s1] =	stream.linear.scatter [tilespmem:s14], [sflag:$0x2], $0x4000, $0x38;
	[tilespmem:$0x14C00] =	vst v63  }
0x24d: {  	_ =	swait.ge [sflag:s17], $0x4000  }
0x24e: {  	[sflag:s17] =	ssyncset.done $0x0  }
0x24f: {  	[sflag:s17] =	ssyncadd.s32 $0xFFFFC000  }
0x250: {  	_ =	swait.ge [sflag:s17], $0x4000  }
0x251: {  	s30 =	sld [smem:$0x7F3]  }
0x252: {  	s31 =	sld [smem:$0x7FD];
	_ =	sdelay $0x1  }
0x253: {  	s0 =	sadd.s32 $0x1, s30  }
0x254: {  	p0 =	sne.s32 s0, s31  }
.Ltmp2:
0x255: {  	_ = 	snop;
	(pc) =	sbr.rel @p0 .LBB2_1-.Ltmp2, $3  }
0x256: {  	_ =	sdelay $0x1  }
0x257: {  	[sflag:s17] =	ssyncset.done $0x0  }
0x258: {  	[sflag:s17] =	ssyncadd.s32 $0xFFFFC000  }
0x259: {  	_ =	sfence.sel $0x180000  }
0x25a: {  	[bflag:$0x0] =	sbarrier.arrive $0xFFFF  }
0x25b: {  	_ =	strace $0x9000004A  }
0x25c: {  	s0 =	stileid.u32;
	[bflag:$0x2] =	sbarrier.arrive $0xFFFF  }
0x25d: {  	p0 =	sne.s32 s0, $0x0;
	s0 =	rddreg [dreg:$0x1]  }
0x25e: {  	s0 =	sadd.s32 @!p0 $0x100000, s0  }
0x25f: {  	[sflag:s0] =	ssyncadd.tile.s32 @!p0 $0x1;
	_ =	shalt  }
.Lfunc_end2:
_tile_overlayer_lowered:
.L_overlay_start_2:
0x260: {  	(tag) =	ssettag $0x2  }
0x261: {  	s0 =	rddreg [dreg:$0x0];
	s2 =	stileid.u32  }
0x262: {  	s1 =	rddreg [dreg:$0x1];
	p0 =	sne.s32 s2, $0x0  }
0x263: {  	s3 =	rddreg [dreg:$0x2];
	[bflag:$0x3] =	sbarrier.arrive $0xFFFF;
	s2 =	simm.s32 @!p0 $0x1C03  }
0x264: {  	[timem:s3], [sflag:s2] =	dma.local @!p0 [hbm:s0], s1  }
0x265: {  	s0 =	simm.s32 @!p0 $0x3  }
0x266: {  	_ =	swait.ge @!p0 [sflag:s0], s1  }
0x267: {  	s1 =	ssub.s32 @!p0 $0x0, s1;
	[sflag:s0] =	ssyncset.done @!p0 $0x0  }
0x268: {  	[sflag:s0] =	ssyncadd.s32 @!p0 s1  }
0x269: {  	[bflag:$0x3] =	sbarrier.arrive $0xFFFF  }
0x26a: {  	_ =	shalt  }

</sc_bundles>
